<compile_context>
chip_gen: v7x
topology: tpu7x:2x2x1
jax: 0.10.2.dev20260603
libtpu: 0.0.44.dev20260713+nightly
codegen_flags: <defaults>
</compile_context>

<pallas_src>
import functools

import jax
import jax.numpy as jnp
from jax import lax
from jax.experimental import pallas as pl
from jax.experimental.pallas import tpu as pltpu
from jax.experimental.pallas import tpu_sc as plsc

_VAR0 = 0.1
_VAR1 = 0.2
_K = 200
_SL1_WEIGHT = 0.75
_SL1_BETA = 0.11
_FOCAL_ALPHA = 0.5
_FOCAL_GAMMA = 2.0
_THRESHOLD = 0.5
_NUM_CLASSES = 21

_P = 8732
_PPAD = 8832
_NOBJ = 16
_CPAD = 24
_NC = 256


def _iou_rows(bx1, by1, bx2, by2, area_b, tx1, ty1, tx2, ty2, area_t):
    ix = jnp.clip(jnp.minimum(bx2, tx2) - jnp.maximum(bx1, tx1), 0.0, None)
    iy = jnp.clip(jnp.minimum(by2, ty2) - jnp.maximum(by1, ty1), 0.0, None)
    inter = ix * iy
    union = area_b + area_t - inter
    return inter / union


def _sl1(v):
    a = jnp.abs(v)
    return jnp.where(a < _SL1_BETA, (0.5 / _SL1_BETA) * v * v, a - 0.5 * _SL1_BETA)


def _stage1a_kernel(pri_ref, tr_ref, cand_ref):
    lane = jax.lax.broadcasted_iota(jnp.int32, (1, _PPAD), 1)
    lane_valid = (lane < _P)

    pcx = pri_ref[0:1, :]
    pcy = pri_ref[1:2, :]
    pw = pri_ref[2:3, :]
    ph = pri_ref[3:4, :]
    tr = tr_ref[0]
    tx1 = tr[:, 0:1]
    ty1 = tr[:, 1:2]
    tx2 = tr[:, 2:3]
    ty2 = tr[:, 3:4]
    area_t = (tx2 - tx1) * (ty2 - ty1)

    mqm = _iou_rows(pcx - pw * 0.5, pcy - ph * 0.5, pcx + pw * 0.5,
                    pcy + ph * 0.5, pw * ph, tx1, ty1, tx2, ty2, area_t)
    mqm = jnp.where(lane_valid, mqm, -1.0)

    lo = jnp.zeros((_NOBJ, 1), jnp.int32)
    hi = jnp.full((_NOBJ, 1), 0x3FC00000, jnp.int32)
    kf = jnp.float32(_NC)
    for _ in range(30):
        mid = (lo + hi) >> 1
        theta = jax.lax.bitcast_convert_type(mid, jnp.float32)
        c = jnp.sum((mqm >= theta).astype(jnp.float32), axis=1, keepdims=True)
        ge = c >= kf
        lo = jnp.where(ge, mid, lo)
        hi = jnp.where(ge, hi, mid)
    tstar = jax.lax.bitcast_convert_type(lo, jnp.float32)

    cnt_gt = jnp.sum((mqm > tstar).astype(jnp.float32), axis=1, keepdims=True)
    n_tie = kf - cnt_gt
    is_tie = (mqm == tstar)
    tie_f = is_tie.astype(jnp.float32)
    lo_j = jnp.full((_NOBJ, 1), -1, jnp.int32)
    hi_j = jnp.full((_NOBJ, 1), _PPAD - 1, jnp.int32)
    for _ in range(14):
        mid = (lo_j + hi_j) >> 1
        c = jnp.sum(jnp.where(lane <= mid, tie_f, 0.0), axis=1, keepdims=True)
        ge = c >= n_tie
        hi_j = jnp.where(ge, mid, hi_j)
        lo_j = jnp.where(ge, lo_j, mid)
    sel = (mqm > tstar) | (is_tie & (lane <= hi_j))
    cand_ref[0] = jnp.where(sel, mqm, -1.0)


def _stage1b_kernel(conf_ref, locp_ref, tr_ref, oh_ref, neg_ref):
    b = pl.program_id(0)

    lane = jax.lax.broadcasted_iota(jnp.int32, (1, _PPAD), 1)
    lane_valid = (lane < _P)

    conf = conf_ref[0]
    m = jnp.max(conf, axis=0, keepdims=True)
    e = jnp.exp(conf - m)
    cls_t = e / jnp.sum(e, axis=0, keepdims=True)

    lcx = locp_ref[0, 0:1, :]
    lcy = locp_ref[0, 1:2, :]
    lw = locp_ref[0, 2:3, :]
    lh = locp_ref[0, 3:4, :]
    pcx = locp_ref[0, 4:5, :]
    pcy = locp_ref[0, 5:6, :]
    pw = locp_ref[0, 6:7, :]
    ph = locp_ref[0, 7:8, :]

    tr = tr_ref[0]
    tx1 = tr[:, 0:1]
    ty1 = tr[:, 1:2]
    tx2 = tr[:, 2:3]
    ty2 = tr[:, 3:4]
    area_t = (tx2 - tx1) * (ty2 - ty1)

    dcx = pcx + lcx * _VAR0 * pw
    dcy = pcy + lcy * _VAR0 * ph
    dw = pw * jnp.exp(lw * _VAR1)
    dh = ph * jnp.exp(lh * _VAR1)
    iou_a = _iou_rows(dcx - dw * 0.5, dcy - dh * 0.5, dcx + dw * 0.5,
                      dcy + dh * 0.5, dw * dh, tx1, ty1, tx2, ty2, area_t)
    t2 = jnp.clip(jnp.max(iou_a, axis=1, keepdims=True), _THRESHOLD + 1e-12, None)
    iou_n = jnp.clip((iou_a - _THRESHOLD) / (t2 - _THRESHOLD), 0.0, 1.0)

    oh = oh_ref[0]
    bp = jnp.zeros((_CPAD, _PPAD), jnp.float32)
    for o in range(_NOBJ):
        bp = jnp.maximum(bp, oh[:, o:o + 1] * iou_n[o:o + 1, :])

    x = cls_t * (1.0 - bp)
    bce = -jnp.maximum(jnp.log1p(-x), -100.0)
    neg_partial = jnp.sum(jnp.where(lane_valid, x * x * bce, 0.0))

    @pl.when(b == 0)
    def _init():
        neg_ref[:, :] = jnp.zeros((1, 1), jnp.float32)

    neg_ref[:, :] += neg_partial.reshape(1, 1)


def _make_stage2(nrows):
    mesh = plsc.VectorSubcoreMesh(core_axis_name="c", subcore_axis_name="s")
    rows_per_worker = nrows // 32

    @functools.partial(
        pl.kernel,
        mesh=mesh,
        compiler_params=pltpu.CompilerParams(
            needs_layout_passes=False, use_tc_tiling_on_sc=False),
        out_type=[
            jax.ShapeDtypeStruct((nrows * _NC,), jnp.float32),
            jax.ShapeDtypeStruct((nrows * _NC,), jnp.int32),
            jax.ShapeDtypeStruct((nrows * _NC, 32), jnp.float32),
        ],
        scratch_types=[
            pltpu.VMEM((_PPAD,), jnp.float32),
            pltpu.VMEM((_NC,), jnp.float32),
            pltpu.VMEM((_NC,), jnp.int32),
            pltpu.VMEM((2, 128), jnp.int32),
            pltpu.VMEM((_NC, 32), jnp.float32),
            pltpu.SemaphoreType.DMA,
        ],
    )
    def k2(cand_hbm, packed_hbm, val_o, idx_o, raw_o,
           cand_v, val_v, idx_v, gidx_v, raw_v, sem):
        wid = lax.axis_index("s") * 2 + lax.axis_index("c")
        lane16 = jax.lax.broadcasted_iota(jnp.int32, (16,), 0)
        for t in range(rows_per_worker):
            row = wid * rows_per_worker + t
            b = row // _NOBJ
            pltpu.sync_copy(cand_hbm.at[pl.ds(row * _PPAD, _PPAD)], cand_v)

            def cbody(i, ptr):
                v = cand_v[pl.ds(i * 16, 16)]
                msk = v >= 0.0
                mi = msk.astype(jnp.int32)
                pc = lax.cumsum(mi, axis=0)
                pos = (ptr - 1) + pc
                plsc.store_scatter(val_v, [pos], v, mask=msk)
                gi = lane16 + i * 16
                plsc.store_scatter(idx_v, [pos], gi, mask=msk)
                return ptr + jnp.sum(mi)

            lax.fori_loop(0, _PPAD // 16, cbody, jnp.int32(0))

            for h in range(2):
                for q in range(8):
                    seg = idx_v[pl.ds(h * 128 + q * 16, 16)]
                    gidx_v[h, pl.ds(q * 16, 16)] = seg + b * _PPAD
            for h in range(2):
                pltpu.async_copy(packed_hbm.at[gidx_v.at[h]],
                                 raw_v.at[pl.ds(h * 128, 128)], sem).wait()

            pltpu.sync_copy(val_v, val_o.at[pl.ds(row * _NC, _NC)])
            pltpu.sync_copy(idx_v, idx_o.at[pl.ds(row * _NC, _NC)])
            pltpu.sync_copy(raw_v, raw_o.at[pl.ds(row * _NC, _NC)])

    return k2


def _stage3_kernel(val_ref, idx_ref, raw_ref, trt_ref, lab_ref, pos_ref):
    b = pl.program_id(0)
    n_all = _NOBJ * _NC

    val = val_ref[0]
    idxf = idx_ref[0].astype(jnp.float32)
    valt = jnp.transpose(val)
    idxt = jnp.transpose(idxf)

    ranks = []
    for o in range(_NOBJ):
        vrow = val[o:o + 1, :]
        irow = idxf[o:o + 1, :]
        vcol = valt[:, o:o + 1]
        icol = idxt[:, o:o + 1]
        before = (vrow > vcol) | ((vrow == vcol) & (irow < icol))
        ranks.append(jnp.sum(before.astype(jnp.float32), axis=1, keepdims=True))
    ranki = jnp.concatenate(ranks, axis=0).astype(jnp.int32)
    gate = (ranki < _K).astype(jnp.float32)
    par8 = (jax.lax.broadcasted_iota(jnp.int32, (n_all, 1), 0) >> 8) & 1
    tsel = (ranki + 8 * par8) & 15

    tT = trt_ref[0]
    lane16 = jax.lax.broadcasted_iota(jnp.int32, (1, _NOBJ), 1)
    lane32 = jax.lax.broadcasted_iota(jnp.int32, (1, 32), 1)
    colm = lane32 < _CPAD

    tm = (tsel == lane16).astype(jnp.float32)
    tx1 = jnp.sum(tm * tT[0:1, :], axis=1, keepdims=True)
    ty1 = jnp.sum(tm * tT[1:2, :], axis=1, keepdims=True)
    tx2 = jnp.sum(tm * tT[2:3, :], axis=1, keepdims=True)
    ty2 = jnp.sum(tm * tT[3:4, :], axis=1, keepdims=True)

    rawa = raw_ref[0]
    cm = jnp.max(jnp.where(colm, rawa, -1e30), axis=1, keepdims=True)
    ex = jnp.where(colm, jnp.exp(rawa - cm), 0.0)
    s = jnp.sum(ex, axis=1, keepdims=True)
    ohl = (lab_ref[0] == lane32).astype(jnp.float32)
    clsj = jnp.sum(ex * ohl, axis=1, keepdims=True) / s

    lcx = rawa[:, 24:25]
    lcy = rawa[:, 25:26]
    lw = rawa[:, 26:27]
    lh = rawa[:, 27:28]
    pcx = rawa[:, 28:29]
    pcy = rawa[:, 29:30]
    pw = rawa[:, 30:31]
    ph = rawa[:, 31:32]

    g_cx = ((tx1 + tx2) * 0.5 - pcx) / (_VAR0 * pw)
    g_cy = ((ty1 + ty2) * 0.5 - pcy) / (_VAR0 * ph)
    g_w = jnp.log((tx2 - tx1) / pw) * (1.0 / _VAR1)
    g_h = jnp.log((ty2 - ty1) / ph) * (1.0 / _VAR1)
    reg = _SL1_WEIGHT * (_sl1(g_cx - lcx) + _sl1(g_cy - lcy)
                         + _sl1(g_w - lw) + _sl1(g_h - lh))
    lgt = clsj * jnp.exp(-reg)
    w = gate / jnp.maximum(1.0 - lgt, 1e-12)
    wl = w * lgt

    pos_partial = jnp.zeros((), jnp.float32)
    for o in range(_NOBJ):
        bag = (jnp.sum(wl[o * _NC:(o + 1) * _NC, :])
               / jnp.sum(w[o * _NC:(o + 1) * _NC, :]))
        pos_partial += -jnp.maximum(jnp.log(bag), -100.0)

    @pl.when(b == 0)
    def _init():
        pos_ref[:, :] = jnp.zeros((1, 1), jnp.float32)

    pos_ref[:, :] += pos_partial.reshape(1, 1)


def _stage1a(pri8, truths, B):
    grid_spec = pl.GridSpec(
        grid=(B,),
        in_specs=[
            pl.BlockSpec((8, _PPAD), lambda b: (0, 0)),
            pl.BlockSpec((1, _NOBJ, 4), lambda b: (b, 0, 0)),
        ],
        out_specs=[pl.BlockSpec((1, _NOBJ, _PPAD), lambda b: (b, 0, 0))],
    )
    return pl.pallas_call(
        _stage1a_kernel,
        grid_spec=grid_spec,
        out_shape=[jax.ShapeDtypeStruct((B, _NOBJ, _PPAD), jnp.float32)],
    )(pri8, truths)[0]


def _stage1b(conf_t, locp, truths, oh_t, B):
    grid_spec = pl.GridSpec(
        grid=(B,),
        in_specs=[
            pl.BlockSpec((1, _CPAD, _PPAD), lambda b: (b, 0, 0)),
            pl.BlockSpec((1, 8, _PPAD), lambda b: (b, 0, 0)),
            pl.BlockSpec((1, _NOBJ, 4), lambda b: (b, 0, 0)),
            pl.BlockSpec((1, _CPAD, _NOBJ), lambda b: (b, 0, 0)),
        ],
        out_specs=[pl.BlockSpec((1, 1), lambda b: (0, 0))],
    )
    return pl.pallas_call(
        _stage1b_kernel,
        grid_spec=grid_spec,
        out_shape=[jax.ShapeDtypeStruct((1, 1), jnp.float32)],
    )(conf_t, locp, truths, oh_t)[0]


def _stage3(val, idx, raw, tr_t, ohl, B):
    grid_spec = pl.GridSpec(
        grid=(B,),
        in_specs=[
            pl.BlockSpec((1, _NOBJ, _NC), lambda b: (b, 0, 0)),
            pl.BlockSpec((1, _NOBJ, _NC), lambda b: (b, 0, 0)),
            pl.BlockSpec((1, _NOBJ * _NC, 32), lambda b: (b, 0, 0)),
            pl.BlockSpec((1, 4, _NOBJ), lambda b: (b, 0, 0)),
            pl.BlockSpec((1, _NOBJ * _NC, 1), lambda b: (b, 0, 0)),
        ],
        out_specs=[pl.BlockSpec((1, 1), lambda b: (0, 0))],
    )
    return pl.pallas_call(
        _stage3_kernel,
        grid_spec=grid_spec,
        out_shape=[jax.ShapeDtypeStruct((1, 1), jnp.float32)],
    )(val, idx, raw, tr_t, ohl)


@jax.jit
def kernel(loc_data, conf_data, priors, truths, labels):
    B = loc_data.shape[0]
    nrows = B * _NOBJ

    conf_t = jnp.transpose(conf_data, (0, 2, 1))
    conf_t = jnp.pad(conf_t, ((0, 0), (0, _CPAD - _NUM_CLASSES), (0, _PPAD - _P)),
                     constant_values=-1e30)
    loc_t = jnp.transpose(loc_data, (0, 2, 1))
    loc_t = jnp.pad(loc_t, ((0, 0), (0, 0), (0, _PPAD - _P)))
    pri_t = jnp.transpose(priors, (1, 0))
    pad_pri = jnp.tile(jnp.array([-100.0, -100.0, 1.0, 1.0], jnp.float32)[:, None],
                       (1, _PPAD - _P))
    pri_t = jnp.concatenate([pri_t, pad_pri], axis=1)
    locp = jnp.concatenate([loc_t, jnp.broadcast_to(pri_t, (B, 4, _PPAD))], axis=1)

    onehot = (labels[:, :, None] ==
              jnp.arange(_CPAD)[None, None, :]).astype(jnp.float32)
    oh_t = jnp.transpose(onehot, (0, 2, 1))

    conf_p = jnp.pad(conf_data, ((0, 0), (0, _PPAD - _P), (0, _CPAD - _NUM_CLASSES)),
                     constant_values=-1e30)
    loc_p = jnp.pad(loc_data, ((0, 0), (0, _PPAD - _P), (0, 0)))
    pri_p = jnp.pad(priors, ((0, _PPAD - _P), (0, 0)), constant_values=1.0)
    packed = jnp.concatenate(
        [conf_p, loc_p, jnp.broadcast_to(pri_p[None], (B, _PPAD, 4))],
        axis=-1).reshape(B * _PPAD, 32)

    pri8 = jnp.concatenate([pri_t, jnp.zeros((4, _PPAD), jnp.float32)], axis=0)
    cand = _stage1a(pri8, truths, B)
    val, idx, raw = _make_stage2(nrows)(cand.reshape(nrows * _PPAD), packed)
    neg_sum = _stage1b(conf_t, locp, truths, oh_t, B)

    tr_t = jnp.transpose(truths, (0, 2, 1))
    labcol = jnp.repeat(labels.astype(jnp.int32), _NC, axis=1)[:, :, None]

    pos_sum = _stage3(val.reshape(B, _NOBJ, _NC), idx.reshape(B, _NOBJ, _NC),
                      raw.reshape(B, _NOBJ * _NC, 32), tr_t, labcol, B)[0]

    denom = B * _NOBJ
    loss_p = pos_sum[0, 0] / denom * _FOCAL_ALPHA
    loss_n = neg_sum[0, 0] / (denom * _K) * (1.0 - _FOCAL_ALPHA)
    return (loss_p, loss_n)

# --- scband reference (transcript-rebuilt; emitter-appended) ---
"""Pipeline reference for scband-free-loss-51805895524956 (READ-ONLY COPY).

The authoritative reference and input builder live on the scoring server;
editing this copy changes nothing except your own understanding.
"""

import jax, jax.numpy as jnp
import numpy as np

VARIANCE = (0.1, 0.2)
PRE_ANCHOR_TOPK = 200
SL1_WEIGHT = 0.75
SL1_BETA = 0.11
FOCAL_ALPHA = 0.5
FOCAL_GAMMA = 2.0
THRESHOLD = 0.5
NUM_CLASSES = 21


def clip_st(x, a, b):
    # Clip custom Function: clamps forward, passes gradient straight through
    y = jnp.clip(x, a, b)
    return x + jax.lax.stop_gradient(y - x)


def point_form(boxes):
    # (cx, cy, w, h) -> (x1, y1, x2, y2)
    return jnp.concatenate([boxes[:, :2] - boxes[:, 2:] / 2,
                            boxes[:, :2] + boxes[:, 2:] / 2], axis=1)


def decode(loc, priors, variances):
    # returns center-form boxes (cx, cy, w, h)
    cxcy = priors[:, :2] + loc[:, :2] * variances[0] * priors[:, 2:]
    wh = priors[:, 2:] * jnp.exp(loc[:, 2:] * variances[1])
    return jnp.concatenate([cxcy, wh], axis=1)


def encode(matched, priors, variances):
    # matched: point-form gt boxes; priors: center-form
    g_cxcy = (matched[:, :2] + matched[:, 2:]) / 2 - priors[:, :2]
    g_cxcy = g_cxcy / (variances[0] * priors[:, 2:])
    g_wh = (matched[:, 2:] - matched[:, :2]) / priors[:, 2:]
    g_wh = jnp.log(g_wh) / variances[1]
    return jnp.concatenate([g_cxcy, g_wh], axis=1)


def intersect(box_a, box_b):
    max_xy = jnp.minimum(box_a[:, None, 2:], box_b[None, :, 2:])
    min_xy = jnp.maximum(box_a[:, None, :2], box_b[None, :, :2])
    inter = jnp.clip(max_xy - min_xy, 0.0, None)
    return inter[..., 0] * inter[..., 1]


def jaccard(box_a, box_b):
    inter = intersect(box_a, box_b)
    area_a = ((box_a[:, 2] - box_a[:, 0]) * (box_a[:, 3] - box_a[:, 1]))[:, None]
    area_b = ((box_b[:, 2] - box_b[:, 0]) * (box_b[:, 3] - box_b[:, 1]))[None, :]
    union = area_a + area_b - inter
    return inter / union


def smooth_l1_loss(pred, target, weight, beta):
    val = target - pred
    abs_val = jnp.abs(val)
    return weight * jnp.where(abs_val < beta, 0.5 / beta * val ** 2, abs_val - 0.5 * beta).sum(axis=-1)


def positive_bag_loss(logits):
    weight = 1.0 / clip_st(1.0 - logits, 1e-12, None)
    weight = weight / jnp.sum(weight, axis=1)[:, None]
    bag_prob = jnp.sum(weight * logits, axis=1)
    # BCE with target=1, reduction='none'; torch clamps log at -100
    return -jnp.maximum(jnp.log(bag_prob), -100.0)


def focal_loss(logits, gamma):
    # BCE with target=0: -log(1 - logits), clamped at -100
    bce = -jnp.maximum(jnp.log1p(-logits), -100.0)
    return jnp.sum(logits ** gamma * bce)


def _forward(loc_data, conf_data, priors, truths, labels):
    num = loc_data.shape[0]
    num_priors = priors.shape[0]
    num_classes = NUM_CLASSES
    cls_prob = jax.nn.softmax(conf_data, axis=-1)
    class_range = jnp.arange(num_classes)
    box_prob = []
    positive_numels = 0
    positive_losses = []
    for idx in range(num):
        cls_prob_ = cls_prob[idx]
        loc_data_ = loc_data[idx]
        truths_ = truths[idx]
        labels_ = labels[idx]
        n_obj = truths_.shape[0]
        # --- no-grad region ---
        pred_loc_enco = decode(loc_data_, priors, VARIANCE)
        anch_obj_iou = jaccard(point_form(pred_loc_enco), truths_).T  # [n_obj, P]
        t1 = THRESHOLD
        t2 = jnp.clip(jnp.max(anch_obj_iou, axis=1, keepdims=True), t1 + 1e-12, None)
        anch_obj_iou = jnp.clip((anch_obj_iou - t1) / (t2 - t1), 0.0, 1.0)
        # dense equivalent of the sparse_coo max-by-class construction
        image_box_prob = jnp.max(
            jnp.where(labels_[:, None, None] == class_range[None, None, :],
                      anch_obj_iou[:, :, None], 0.0), axis=0)  # [P, C]
        image_box_prob = jax.lax.stop_gradient(image_box_prob)
        box_prob.append(image_box_prob)
        # --- grad-enabled region ---
        mqm = jaccard(point_form(priors), truths_).T  # [n_obj, P]
        _, matched = jax.lax.top_k(mqm, PRE_ANCHOR_TOPK)  # [n_obj, K]
        gathered = cls_prob_[matched]  # [n_obj, K, C]
        matched_cls_prob = jnp.take_along_axis(
            gathered,
            jnp.broadcast_to(labels_[:, None, None], (n_obj, PRE_ANCHOR_TOPK, 1)),
            axis=2)[..., 0]  # [n_obj, K]
        # faithful reproduction of truths.repeat(1, K, 1).view(-1, 4)
        t_rep = jnp.tile(truths_[None, :, :], (1, PRE_ANCHOR_TOPK, 1)).reshape(-1, 4)
        matched_object_targets = encode(
            t_rep, priors[matched].reshape(-1, 4), VARIANCE
        ).reshape(-1, PRE_ANCHOR_TOPK, 4)
        reg_loss = smooth_l1_loss(loc_data_[matched], matched_object_targets,
                                  SL1_WEIGHT, SL1_BETA)
        matched_box_prob = jnp.exp(-reg_loss)
        positive_numels += n_obj
        positive_losses.append(positive_bag_loss(matched_cls_prob * matched_box_prob))
    positive_loss = jnp.concatenate(positive_losses).sum() / max(1, positive_numels)
    box_prob_all = jnp.stack(box_prob, axis=0)
    negative_loss = focal_loss(cls_prob * (1.0 - box_prob_all), FOCAL_GAMMA) / max(
        1, positive_numels * PRE_ANCHOR_TOPK)
    loss_p = positive_loss * FOCAL_ALPHA
    loss_n = negative_loss * (1.0 - FOCAL_ALPHA)
    return (loss_p, loss_n)


def setup_inputs(seed: int = 0):
    key = jax.random.key(seed)
    B, P, C, NOBJ = 8, 8732, 21, 16
    k1, k2, k3, k4, k5, k6, k7 = jax.random.split(key, 7)
    loc_data = jax.random.normal(k1, (B, P, 4), dtype=jnp.float32) * 0.1
    conf_data = jax.random.normal(k2, (B, P, C), dtype=jnp.float32)
    p_cxcy = jax.random.uniform(k3, (P, 2), minval=0.05, maxval=0.95)
    p_wh = jax.random.uniform(k4, (P, 2), minval=0.05, maxval=0.3)
    priors = jnp.concatenate([p_cxcy, p_wh], axis=1).astype(jnp.float32)
    t_cxcy = jax.random.uniform(k5, (B, NOBJ, 2), minval=0.2, maxval=0.8)
    t_wh = jax.random.uniform(k6, (B, NOBJ, 2), minval=0.05, maxval=0.3)
    truths = jnp.concatenate([t_cxcy - t_wh / 2, t_cxcy + t_wh / 2], axis=-1).astype(jnp.float32)
    labels = jax.random.randint(k7, (B, NOBJ), 0, C)
    return {"loc_data": loc_data, "conf_data": conf_data, "priors": priors,
            "truths": truths, "labels": labels}


def reference(loc_data, conf_data, priors, truths, labels):
    return _forward(loc_data, conf_data, priors, truths, labels)

if __name__ == "__main__":
    import jax
    _d = setup_inputs()
    print(jax.jit(kernel)(*tuple(_d.values())))

</pallas_src>

<mosaic_0001>
#map = affine_map<(d0, d1) -> (0)>
#map1 = affine_map<(d0, d1) -> (0, 0)>
module attributes {stable_mosaic.version = 14 : i64} {
  func.func @k2(%arg0: i32, %arg1: i32, %arg2: memref<1130496xf32, #tpu.memory_space<hbm>>, %arg3: memref<70656x32xf32, #tpu.memory_space<hbm>>, %arg4: memref<32768xf32, #tpu.memory_space<hbm>>, %arg5: memref<32768xi32, #tpu.memory_space<hbm>>, %arg6: memref<32768x32xf32, #tpu.memory_space<hbm>>, %arg7: memref<8832xf32, #tpu.memory_space<vmem>>, %arg8: memref<256xf32, #tpu.memory_space<vmem>>, %arg9: memref<256xi32, #tpu.memory_space<vmem>>, %arg10: memref<2x128xi32, #tpu.memory_space<vmem>>, %arg11: memref<256x32xf32, #tpu.memory_space<vmem>>, %arg12: memref<!tpu.dma_semaphore, #tpu.memory_space<semaphore_mem>>) attributes {dimension_semantics = [#tpu.dimension_semantics<core_parallel>, #tpu.dimension_semantics<subcore_parallel>], iteration_bounds = array<i64: 2, 16>, scalar_prefetch = 0 : i64, scratch_operands = 6 : i64, tpu.core_type = #tpu.core_type<sc_vector_subcore>, window_params = [{transform_indices = #map}, {transform_indices = #map1}, {transform_indices = #map}, {transform_indices = #map}, {transform_indices = #map1}]} {
    %mul3A = arith.constant 2 : i32
    %mul3A_0 = arith.muli %arg1, %mul3A : i32
    %add3A = arith.addi %mul3A_0, %arg0 : i32
    %iota3A = tpu.iota {dimensions = array<i32: 0>} : vector<16xi32>
    %mul3A_1 = arith.constant 4 : i32
    %mul3A_2 = arith.muli %add3A, %mul3A_1 : i32
    %add3A_3 = arith.constant 0 : i32
    %add3A_4 = arith.addi %mul3A_2, %add3A_3 : i32
    %jit3A = arith.constant 16 : i32
    %div3A = arith.divsi %add3A_4, %jit3A : i32
    %sign3A = arith.constant 0 : i32
    %sign3A_5 = arith.cmpi sgt, %add3A_4, %sign3A : i32
    %sign3A_6 = arith.extui %sign3A_5 : i1 to i32
    %sign3A_7 = arith.constant 0 : i32
    %sign3A_8 = arith.cmpi slt, %add3A_4, %sign3A_7 : i32
    %sign3A_9 = arith.extui %sign3A_8 : i1 to i32
    %sign3A_10 = arith.subi %sign3A_6, %sign3A_9 : i32
    %sign3A_11 = arith.constant 0 : i32
    %sign3A_12 = arith.cmpi sgt, %jit3A, %sign3A_11 : i32
    %sign3A_13 = arith.extui %sign3A_12 : i1 to i32
    %sign3A_14 = arith.constant 0 : i32
    %sign3A_15 = arith.cmpi slt, %jit3A, %sign3A_14 : i32
    %sign3A_16 = arith.extui %sign3A_15 : i1 to i32
    %sign3A_17 = arith.subi %sign3A_13, %sign3A_16 : i32
    %ne3A = arith.cmpi ne, %sign3A_10, %sign3A_17 : i32
    %rem3A = arith.remsi %add3A_4, %jit3A : i32
    %ne3A_18 = arith.constant 0 : i32
    %ne3A_19 = arith.cmpi ne, %rem3A, %ne3A_18 : i32
    %and3A = arith.andi %ne3A, %ne3A_19 : i1
    %sub3A = arith.constant 1 : i32
    %sub3A_20 = arith.subi %div3A, %sub3A : i32
    %select_n3A = arith.select %and3A, %sub3A_20, %div3A : i32
    %mul3A_21 = arith.constant 8832 : i32
    %mul3A_22 = arith.muli %add3A_4, %mul3A_21 : i32
    "tpu.region"() ({
      %run_scoped3A = tpu.sem_alloc : memref<!tpu.dma_semaphore, #tpu.memory_space<semaphore_mem>>
      %dma_start3A_960 = tpu.memref_slice %arg2[%mul3A_22] : memref<1130496xf32, #tpu.memory_space<hbm>> -> memref<8832xf32, #tpu.memory_space<hbm>>
      %dma_start3A_961 = tpu.memref_slice %arg2[%mul3A_22] : memref<1130496xf32, #tpu.memory_space<hbm>> -> memref<8832xf32, #tpu.memory_space<hbm>>
      tpu.enqueue_dma source(%dma_start3A_961 : memref<8832xf32, #tpu.memory_space<hbm>>) target(%arg7 : memref<8832xf32, #tpu.memory_space<vmem>>) target_semaphore(%run_scoped3A : memref<!tpu.dma_semaphore, #tpu.memory_space<semaphore_mem>>)
      %dma_wait3A_962 = tpu.memref_slice %arg2[%mul3A_22] : memref<1130496xf32, #tpu.memory_space<hbm>> -> memref<8832xf32, #tpu.memory_space<hbm>>
      %dma_wait3A_963 = tpu.memref_slice %arg2[%mul3A_22] : memref<1130496xf32, #tpu.memory_space<hbm>> -> memref<8832xf32, #tpu.memory_space<hbm>>
      tpu.wait_dma2 semaphore(%run_scoped3A : memref<!tpu.dma_semaphore, #tpu.memory_space<semaphore_mem>>) src(%dma_wait3A_963 : memref<8832xf32, #tpu.memory_space<hbm>>) dst(%arg7 : memref<8832xf32, #tpu.memory_space<vmem>>)
      tpu.yield
    }) : () -> ()
    %scan3A = arith.constant 0 : i32
    %scan3A_23 = arith.constant 0 : i32
    %scan3A_24 = arith.constant 552 : i32
    %scan3A_25 = arith.addi %scan3A_23, %scan3A_24 : i32
    %scan3A_26 = arith.constant 1 : i32
    %scan3A_27 = scf.for %scan3A_960 = %scan3A_23 to %scan3A_25 step %scan3A_26 iter_args(%scan3A_961 = %scan3A) -> (i32)  : i32 {
      %mul3A_962 = arith.constant 16 : i32
      %mul3A_963 = arith.muli %scan3A_960, %mul3A_962 : i32
      %get3A_964 = arith.index_cast %mul3A_963 : i32 to index
      %get3A_965 = tpu.vector_load %arg7[%get3A_964] {strides = array<i32>} : memref<8832xf32, #tpu.memory_space<vmem>>, vector<16xf32>,
      %ge3A = arith.constant 0.000000e+00 : f32
      %ge3A_966 = vector.broadcast %ge3A : f32 to vector<16xf32>
      %ge3A_967 = arith.cmpf oge, %get3A_965, %ge3A_966 : vector<16xf32>
      %convert_element_type3A = arith.extui %ge3A_967 : vector<16xi1> to vector<16xi32>
      %cumsum3A = arith.constant true
      %cumsum3A_968 = vector.broadcast %cumsum3A : i1 to vector<16xi1>
      %cumsum3A_969 = tpu.scan <sum>, %convert_element_type3A masked %cumsum3A_968 : vector<16xi32>, vector<16xi1> -> vector<16xi32>
      %sub3A_970 = arith.constant 1 : i32
      %sub3A_971 = arith.subi %scan3A_961, %sub3A_970 : i32
      %add3A_972 = vector.broadcast %sub3A_971 : i32 to vector<16xi32>
      %add3A_973 = arith.addi %add3A_972, %cumsum3A_969 : vector<16xi32>
      tpu.vector_store_idx %arg8[%add3A_973], %get3A_965 masked %ge3A_967 : memref<256xf32, #tpu.memory_space<vmem>>[vector<16xi32>], vector<16xf32>, vector<16xi1>
      %mul3A_974 = arith.constant 16 : i32
      %mul3A_975 = arith.muli %scan3A_960, %mul3A_974 : i32
      %add3A_976 = vector.broadcast %mul3A_975 : i32 to vector<16xi32>
      %add3A_977 = arith.addi %iota3A, %add3A_976 : vector<16xi32>
      tpu.vector_store_idx %arg9[%add3A_973], %add3A_977 masked %ge3A_967 : memref<256xi32, #tpu.memory_space<vmem>>[vector<16xi32>], vector<16xi32>, vector<16xi1>
      %reduce_sum3A = arith.constant true
      %reduce_sum3A_978 = vector.broadcast %reduce_sum3A : i1 to vector<16xi1>
      %reduce_sum3A_979 = tpu.scan <sum>, %convert_element_type3A masked %reduce_sum3A_978 : vector<16xi32>, vector<16xi1> -> vector<16xi32>
      %reduce_sum3A_980 = vector.extract %reduce_sum3A_979[15] : i32 from vector<16xi32>
      %add3A_981 = arith.addi %scan3A_961, %reduce_sum3A_980 : i32
      scf.yield %add3A_981 : i32
    }
    %scan3A_28 = arith.constant 552 : i32
    %get3A = arith.constant 0 : index
    %get3A_29 = tpu.vector_load %arg9[%get3A] {strides = array<i32>} : memref<256xi32, #tpu.memory_space<vmem>>, vector<16xi32>,
    %mul3A_30 = arith.constant 8832 : i32
    %mul3A_31 = arith.muli %select_n3A, %mul3A_30 : i32
    %add3A_32 = vector.broadcast %mul3A_31 : i32 to vector<16xi32>
    %add3A_33 = arith.addi %get3A_29, %add3A_32 : vector<16xi32>
    %swap3A = arith.constant 0 : i32
    %swap3A_34 = arith.index_cast %swap3A : i32 to index
    %swap3A_35 = arith.constant 0 : index
    %swap3A_36 = tpu.vector_load %arg10[%swap3A_34, %swap3A_35] {strides = array<i32>} : memref<2x128xi32, #tpu.memory_space<vmem>>, vector<16xi32>,
    tpu.vector_store %arg10[%swap3A_34, %swap3A_35], %add3A_33 {strides = array<i32>} : memref<2x128xi32, #tpu.memory_space<vmem>>, vector<16xi32>,
    %get3A_37 = arith.constant 16 : index
    %get3A_38 = tpu.vector_load %arg9[%get3A_37] {strides = array<i32>} : memref<256xi32, #tpu.memory_space<vmem>>, vector<16xi32>,
    %mul3A_39 = arith.constant 8832 : i32
    %mul3A_40 = arith.muli %select_n3A, %mul3A_39 : i32
    %add3A_41 = vector.broadcast %mul3A_40 : i32 to vector<16xi32>
    %add3A_42 = arith.addi %get3A_38, %add3A_41 : vector<16xi32>
    %swap3A_43 = arith.constant 0 : i32
    %swap3A_44 = arith.index_cast %swap3A_43 : i32 to index
    %swap3A_45 = arith.constant 16 : index
    %swap3A_46 = tpu.vector_load %arg10[%swap3A_44, %swap3A_45] {strides = array<i32>} : memref<2x128xi32, #tpu.memory_space<vmem>>, vector<16xi32>,
    tpu.vector_store %arg10[%swap3A_44, %swap3A_45], %add3A_42 {strides = array<i32>} : memref<2x128xi32, #tpu.memory_space<vmem>>, vector<16xi32>,
    %get3A_47 = arith.constant 32 : index
    %get3A_48 = tpu.vector_load %arg9[%get3A_47] {strides = array<i32>} : memref<256xi32, #tpu.memory_space<vmem>>, vector<16xi32>,
    %mul3A_49 = arith.constant 8832 : i32
    %mul3A_50 = arith.muli %select_n3A, %mul3A_49 : i32
    %add3A_51 = vector.broadcast %mul3A_50 : i32 to vector<16xi32>
    %add3A_52 = arith.addi %get3A_48, %add3A_51 : vector<16xi32>
    %swap3A_53 = arith.constant 0 : i32
    %swap3A_54 = arith.index_cast %swap3A_53 : i32 to index
    %swap3A_55 = arith.constant 32 : index
    %swap3A_56 = tpu.vector_load %arg10[%swap3A_54, %swap3A_55] {strides = array<i32>} : memref<2x128xi32, #tpu.memory_space<vmem>>, vector<16xi32>,
    tpu.vector_store %arg10[%swap3A_54, %swap3A_55], %add3A_52 {strides = array<i32>} : memref<2x128xi32, #tpu.memory_space<vmem>>, vector<16xi32>,
    %get3A_57 = arith.constant 48 : index
    %get3A_58 = tpu.vector_load %arg9[%get3A_57] {strides = array<i32>} : memref<256xi32, #tpu.memory_space<vmem>>, vector<16xi32>,
    %mul3A_59 = arith.constant 8832 : i32
    %mul3A_60 = arith.muli %select_n3A, %mul3A_59 : i32
    %add3A_61 = vector.broadcast %mul3A_60 : i32 to vector<16xi32>
    %add3A_62 = arith.addi %get3A_58, %add3A_61 : vector<16xi32>
    %swap3A_63 = arith.constant 0 : i32
    %swap3A_64 = arith.index_cast %swap3A_63 : i32 to index
    %swap3A_65 = arith.constant 48 : index
    %swap3A_66 = tpu.vector_load %arg10[%swap3A_64, %swap3A_65] {strides = array<i32>} : memref<2x128xi32, #tpu.memory_space<vmem>>, vector<16xi32>,
    tpu.vector_store %arg10[%swap3A_64, %swap3A_65], %add3A_62 {strides = array<i32>} : memref<2x128xi32, #tpu.memory_space<vmem>>, vector<16xi32>,
    %get3A_67 = arith.constant 64 : index
    %get3A_68 = tpu.vector_load %arg9[%get3A_67] {strides = array<i32>} : memref<256xi32, #tpu.memory_space<vmem>>, vector<16xi32>,
    %mul3A_69 = arith.constant 8832 : i32
    %mul3A_70 = arith.muli %select_n3A, %mul3A_69 : i32
    %add3A_71 = vector.broadcast %mul3A_70 : i32 to vector<16xi32>
    %add3A_72 = arith.addi %get3A_68, %add3A_71 : vector<16xi32>
    %swap3A_73 = arith.constant 0 : i32
    %swap3A_74 = arith.index_cast %swap3A_73 : i32 to index
    %swap3A_75 = arith.constant 64 : index
    %swap3A_76 = tpu.vector_load %arg10[%swap3A_74, %swap3A_75] {strides = array<i32>} : memref<2x128xi32, #tpu.memory_space<vmem>>, vector<16xi32>,
    tpu.vector_store %arg10[%swap3A_74, %swap3A_75], %add3A_72 {strides = array<i32>} : memref<2x128xi32, #tpu.memory_space<vmem>>, vector<16xi32>,
    %get3A_77 = arith.constant 80 : index
    %get3A_78 = tpu.vector_load %arg9[%get3A_77] {strides = array<i32>} : memref<256xi32, #tpu.memory_space<vmem>>, vector<16xi32>,
    %mul3A_79 = arith.constant 8832 : i32
    %mul3A_80 = arith.muli %select_n3A, %mul3A_79 : i32
    %add3A_81 = vector.broadcast %mul3A_80 : i32 to vector<16xi32>
    %add3A_82 = arith.addi %get3A_78, %add3A_81 : vector<16xi32>
    %swap3A_83 = arith.constant 0 : i32
    %swap3A_84 = arith.index_cast %swap3A_83 : i32 to index
    %swap3A_85 = arith.constant 80 : index
    %swap3A_86 = tpu.vector_load %arg10[%swap3A_84, %swap3A_85] {strides = array<i32>} : memref<2x128xi32, #tpu.memory_space<vmem>>, vector<16xi32>,
    tpu.vector_store %arg10[%swap3A_84, %swap3A_85], %add3A_82 {strides = array<i32>} : memref<2x128xi32, #tpu.memory_space<vmem>>, vector<16xi32>,
    %get3A_87 = arith.constant 96 : index
    %get3A_88 = tpu.vector_load %arg9[%get3A_87] {strides = array<i32>} : memref<256xi32, #tpu.memory_space<vmem>>, vector<16xi32>,
    %mul3A_89 = arith.constant 8832 : i32
    %mul3A_90 = arith.muli %select_n3A, %mul3A_89 : i32
    %add3A_91 = vector.broadcast %mul3A_90 : i32 to vector<16xi32>
    %add3A_92 = arith.addi %get3A_88, %add3A_91 : vector<16xi32>
    %swap3A_93 = arith.constant 0 : i32
    %swap3A_94 = arith.index_cast %swap3A_93 : i32 to index
    %swap3A_95 = arith.constant 96 : index
    %swap3A_96 = tpu.vector_load %arg10[%swap3A_94, %swap3A_95] {strides = array<i32>} : memref<2x128xi32, #tpu.memory_space<vmem>>, vector<16xi32>,
    tpu.vector_store %arg10[%swap3A_94, %swap3A_95], %add3A_92 {strides = array<i32>} : memref<2x128xi32, #tpu.memory_space<vmem>>, vector<16xi32>,
    %get3A_97 = arith.constant 112 : index
    %get3A_98 = tpu.vector_load %arg9[%get3A_97] {strides = array<i32>} : memref<256xi32, #tpu.memory_space<vmem>>, vector<16xi32>,
    %mul3A_99 = arith.constant 8832 : i32
    %mul3A_100 = arith.muli %select_n3A, %mul3A_99 : i32
    %add3A_101 = vector.broadcast %mul3A_100 : i32 to vector<16xi32>
    %add3A_102 = arith.addi %get3A_98, %add3A_101 : vector<16xi32>
    %swap3A_103 = arith.constant 0 : i32
    %swap3A_104 = arith.index_cast %swap3A_103 : i32 to index
    %swap3A_105 = arith.constant 112 : index
    %swap3A_106 = tpu.vector_load %arg10[%swap3A_104, %swap3A_105] {strides = array<i32>} : memref<2x128xi32, #tpu.memory_space<vmem>>, vector<16xi32>,
    tpu.vector_store %arg10[%swap3A_104, %swap3A_105], %add3A_102 {strides = array<i32>} : memref<2x128xi32, #tpu.memory_space<vmem>>, vector<16xi32>,
    %get3A_107 = arith.constant 128 : index
    %get3A_108 = tpu.vector_load %arg9[%get3A_107] {strides = array<i32>} : memref<256xi32, #tpu.memory_space<vmem>>, vector<16xi32>,
    %mul3A_109 = arith.constant 8832 : i32
    %mul3A_110 = arith.muli %select_n3A, %mul3A_109 : i32
    %add3A_111 = vector.broadcast %mul3A_110 : i32 to vector<16xi32>
    %add3A_112 = arith.addi %get3A_108, %add3A_111 : vector<16xi32>
    %swap3A_113 = arith.constant 1 : i32
    %swap3A_114 = arith.index_cast %swap3A_113 : i32 to index
    %swap3A_115 = arith.constant 0 : index
    %swap3A_116 = tpu.vector_load %arg10[%swap3A_114, %swap3A_115] {strides = array<i32>} : memref<2x128xi32, #tpu.memory_space<vmem>>, vector<16xi32>,
    tpu.vector_store %arg10[%swap3A_114, %swap3A_115], %add3A_112 {strides = array<i32>} : memref<2x128xi32, #tpu.memory_space<vmem>>, vector<16xi32>,
    %get3A_117 = arith.constant 144 : index
    %get3A_118 = tpu.vector_load %arg9[%get3A_117] {strides = array<i32>} : memref<256xi32, #tpu.memory_space<vmem>>, vector<16xi32>,
    %mul3A_119 = arith.constant 8832 : i32
    %mul3A_120 = arith.muli %select_n3A, %mul3A_119 : i32
    %add3A_121 = vector.broadcast %mul3A_120 : i32 to vector<16xi32>
    %add3A_122 = arith.addi %get3A_118, %add3A_121 : vector<16xi32>
    %swap3A_123 = arith.constant 1 : i32
    %swap3A_124 = arith.index_cast %swap3A_123 : i32 to index
    %swap3A_125 = arith.constant 16 : index
    %swap3A_126 = tpu.vector_load %arg10[%swap3A_124, %swap3A_125] {strides = array<i32>} : memref<2x128xi32, #tpu.memory_space<vmem>>, vector<16xi32>,
    tpu.vector_store %arg10[%swap3A_124, %swap3A_125], %add3A_122 {strides = array<i32>} : memref<2x128xi32, #tpu.memory_space<vmem>>, vector<16xi32>,
    %get3A_127 = arith.constant 160 : index
    %get3A_128 = tpu.vector_load %arg9[%get3A_127] {strides = array<i32>} : memref<256xi32, #tpu.memory_space<vmem>>, vector<16xi32>,
    %mul3A_129 = arith.constant 8832 : i32
    %mul3A_130 = arith.muli %select_n3A, %mul3A_129 : i32
    %add3A_131 = vector.broadcast %mul3A_130 : i32 to vector<16xi32>
    %add3A_132 = arith.addi %get3A_128, %add3A_131 : vector<16xi32>
    %swap3A_133 = arith.constant 1 : i32
    %swap3A_134 = arith.index_cast %swap3A_133 : i32 to index
    %swap3A_135 = arith.constant 32 : index
    %swap3A_136 = tpu.vector_load %arg10[%swap3A_134, %swap3A_135] {strides = array<i32>} : memref<2x128xi32, #tpu.memory_space<vmem>>, vector<16xi32>,
    tpu.vector_store %arg10[%swap3A_134, %swap3A_135], %add3A_132 {strides = array<i32>} : memref<2x128xi32, #tpu.memory_space<vmem>>, vector<16xi32>,
    %get3A_137 = arith.constant 176 : index
    %get3A_138 = tpu.vector_load %arg9[%get3A_137] {strides = array<i32>} : memref<256xi32, #tpu.memory_space<vmem>>, vector<16xi32>,
    %mul3A_139 = arith.constant 8832 : i32
    %mul3A_140 = arith.muli %select_n3A, %mul3A_139 : i32
    %add3A_141 = vector.broadcast %mul3A_140 : i32 to vector<16xi32>
    %add3A_142 = arith.addi %get3A_138, %add3A_141 : vector<16xi32>
    %swap3A_143 = arith.constant 1 : i32
    %swap3A_144 = arith.index_cast %swap3A_143 : i32 to index
    %swap3A_145 = arith.constant 48 : index
    %swap3A_146 = tpu.vector_load %arg10[%swap3A_144, %swap3A_145] {strides = array<i32>} : memref<2x128xi32, #tpu.memory_space<vmem>>, vector<16xi32>,
    tpu.vector_store %arg10[%swap3A_144, %swap3A_145], %add3A_142 {strides = array<i32>} : memref<2x128xi32, #tpu.memory_space<vmem>>, vector<16xi32>,
    %get3A_147 = arith.constant 192 : index
    %get3A_148 = tpu.vector_load %arg9[%get3A_147] {strides = array<i32>} : memref<256xi32, #tpu.memory_space<vmem>>, vector<16xi32>,
    %mul3A_149 = arith.constant 8832 : i32
    %mul3A_150 = arith.muli %select_n3A, %mul3A_149 : i32
    %add3A_151 = vector.broadcast %mul3A_150 : i32 to vector<16xi32>
    %add3A_152 = arith.addi %get3A_148, %add3A_151 : vector<16xi32>
    %swap3A_153 = arith.constant 1 : i32
    %swap3A_154 = arith.index_cast %swap3A_153 : i32 to index
    %swap3A_155 = arith.constant 64 : index
    %swap3A_156 = tpu.vector_load %arg10[%swap3A_154, %swap3A_155] {strides = array<i32>} : memref<2x128xi32, #tpu.memory_space<vmem>>, vector<16xi32>,
    tpu.vector_store %arg10[%swap3A_154, %swap3A_155], %add3A_152 {strides = array<i32>} : memref<2x128xi32, #tpu.memory_space<vmem>>, vector<16xi32>,
    %get3A_157 = arith.constant 208 : index
    %get3A_158 = tpu.vector_load %arg9[%get3A_157] {strides = array<i32>} : memref<256xi32, #tpu.memory_space<vmem>>, vector<16xi32>,
    %mul3A_159 = arith.constant 8832 : i32
    %mul3A_160 = arith.muli %select_n3A, %mul3A_159 : i32
    %add3A_161 = vector.broadcast %mul3A_160 : i32 to vector<16xi32>
    %add3A_162 = arith.addi %get3A_158, %add3A_161 : vector<16xi32>
    %swap3A_163 = arith.constant 1 : i32
    %swap3A_164 = arith.index_cast %swap3A_163 : i32 to index
    %swap3A_165 = arith.constant 80 : index
    %swap3A_166 = tpu.vector_load %arg10[%swap3A_164, %swap3A_165] {strides = array<i32>} : memref<2x128xi32, #tpu.memory_space<vmem>>, vector<16xi32>,
    tpu.vector_store %arg10[%swap3A_164, %swap3A_165], %add3A_162 {strides = array<i32>} : memref<2x128xi32, #tpu.memory_space<vmem>>, vector<16xi32>,
    %get3A_167 = arith.constant 224 : index
    %get3A_168 = tpu.vector_load %arg9[%get3A_167] {strides = array<i32>} : memref<256xi32, #tpu.memory_space<vmem>>, vector<16xi32>,
    %mul3A_169 = arith.constant 8832 : i32
    %mul3A_170 = arith.muli %select_n3A, %mul3A_169 : i32
    %add3A_171 = vector.broadcast %mul3A_170 : i32 to vector<16xi32>
    %add3A_172 = arith.addi %get3A_168, %add3A_171 : vector<16xi32>
    %swap3A_173 = arith.constant 1 : i32
    %swap3A_174 = arith.index_cast %swap3A_173 : i32 to index
    %swap3A_175 = arith.constant 96 : index
    %swap3A_176 = tpu.vector_load %arg10[%swap3A_174, %swap3A_175] {strides = array<i32>} : memref<2x128xi32, #tpu.memory_space<vmem>>, vector<16xi32>,
    tpu.vector_store %arg10[%swap3A_174, %swap3A_175], %add3A_172 {strides = array<i32>} : memref<2x128xi32, #tpu.memory_space<vmem>>, vector<16xi32>,
    %get3A_177 = arith.constant 240 : index
    %get3A_178 = tpu.vector_load %arg9[%get3A_177] {strides = array<i32>} : memref<256xi32, #tpu.memory_space<vmem>>, vector<16xi32>,
    %mul3A_179 = arith.constant 8832 : i32
    %mul3A_180 = arith.muli %select_n3A, %mul3A_179 : i32
    %add3A_181 = vector.broadcast %mul3A_180 : i32 to vector<16xi32>
    %add3A_182 = arith.addi %get3A_178, %add3A_181 : vector<16xi32>
    %swap3A_183 = arith.constant 1 : i32
    %swap3A_184 = arith.index_cast %swap3A_183 : i32 to index
    %swap3A_185 = arith.constant 112 : index
    %swap3A_186 = tpu.vector_load %arg10[%swap3A_184, %swap3A_185] {strides = array<i32>} : memref<2x128xi32, #tpu.memory_space<vmem>>, vector<16xi32>,
    tpu.vector_store %arg10[%swap3A_184, %swap3A_185], %add3A_182 {strides = array<i32>} : memref<2x128xi32, #tpu.memory_space<vmem>>, vector<16xi32>,
    %dma_start3A = arith.constant 0 : i32
    %dma_start3A_187 = arith.constant 0 : i32
    %dma_start3A_188 = arith.constant 0 : i32
    %dma_start3A_189 = tpu.memref_slice %arg11[%dma_start3A_187, %dma_start3A_188] : memref<256x32xf32, #tpu.memory_space<vmem>> -> memref<128x32xf32, #tpu.memory_space<vmem>>
    %dma_start3A_190 = arith.constant 0 : i32
    %dma_start3A_191 = tpu.memref_slice %arg10[%dma_start3A, %dma_start3A_190] : memref<2x128xi32, #tpu.memory_space<vmem>> -> memref<1x128xi32, #tpu.memory_space<vmem>>
    %dma_start3A_192 = tpu.memref_squeeze %dma_start3A_191 : memref<1x128xi32, #tpu.memory_space<vmem>> -> memref<128xi32, #tpu.memory_space<vmem>>
    %dma_start3A_193 = arith.constant 0 : i32
    %dma_start3A_194 = arith.constant 0 : i32
    %dma_start3A_195 = tpu.memref_slice %arg3[%dma_start3A_193, %dma_start3A_194] : memref<70656x32xf32, #tpu.memory_space<hbm>> -> memref<70656x32xf32, #tpu.memory_space<hbm>>
    tpu.enqueue_indirect_dma source(%dma_start3A_195 : memref<70656x32xf32, #tpu.memory_space<hbm>>) target(%dma_start3A_189 : memref<128x32xf32, #tpu.memory_space<vmem>>) offsets(%dma_start3A_192 : memref<128xi32, #tpu.memory_space<vmem>>) semaphore(%arg12 : memref<!tpu.dma_semaphore, #tpu.memory_space<semaphore_mem>>)
    %dma_wait3A = arith.constant 0 : i32
    %dma_wait3A_196 = arith.constant 0 : i32
    %dma_wait3A_197 = arith.constant 0 : i32
    %dma_wait3A_198 = tpu.memref_slice %arg11[%dma_wait3A_196, %dma_wait3A_197] : memref<256x32xf32, #tpu.memory_space<vmem>> -> memref<128x32xf32, #tpu.memory_space<vmem>>
    %dma_wait3A_199 = arith.constant 0 : i32
    %dma_wait3A_200 = tpu.memref_slice %arg10[%dma_wait3A, %dma_wait3A_199] : memref<2x128xi32, #tpu.memory_space<vmem>> -> memref<1x128xi32, #tpu.memory_space<vmem>>
    %dma_wait3A_201 = tpu.memref_squeeze %dma_wait3A_200 : memref<1x128xi32, #tpu.memory_space<vmem>> -> memref<128xi32, #tpu.memory_space<vmem>>
    %dma_wait3A_202 = arith.constant 0 : i32
    %dma_wait3A_203 = arith.constant 0 : i32
    %dma_wait3A_204 = tpu.memref_slice %arg3[%dma_wait3A_202, %dma_wait3A_203] : memref<70656x32xf32, #tpu.memory_space<hbm>> -> memref<70656x32xf32, #tpu.memory_space<hbm>>
    tpu.wait_indirect_dma semaphore(%arg12 : memref<!tpu.dma_semaphore, #tpu.memory_space<semaphore_mem>>) src(%dma_wait3A_204 : memref<70656x32xf32, #tpu.memory_space<hbm>>) dst(%dma_wait3A_198 : memref<128x32xf32, #tpu.memory_space<vmem>>)
    %dma_start3A_205 = arith.constant 1 : i32
    %dma_start3A_206 = arith.constant 128 : i32
    %dma_start3A_207 = arith.constant 0 : i32
    %dma_start3A_208 = tpu.memref_slice %arg11[%dma_start3A_206, %dma_start3A_207] : memref<256x32xf32, #tpu.memory_space<vmem>> -> memref<128x32xf32, #tpu.memory_space<vmem>>
    %dma_start3A_209 = arith.constant 0 : i32
    %dma_start3A_210 = tpu.memref_slice %arg10[%dma_start3A_205, %dma_start3A_209] : memref<2x128xi32, #tpu.memory_space<vmem>> -> memref<1x128xi32, #tpu.memory_space<vmem>>
    %dma_start3A_211 = tpu.memref_squeeze %dma_start3A_210 : memref<1x128xi32, #tpu.memory_space<vmem>> -> memref<128xi32, #tpu.memory_space<vmem>>
    %dma_start3A_212 = arith.constant 0 : i32
    %dma_start3A_213 = arith.constant 0 : i32
    %dma_start3A_214 = tpu.memref_slice %arg3[%dma_start3A_212, %dma_start3A_213] : memref<70656x32xf32, #tpu.memory_space<hbm>> -> memref<70656x32xf32, #tpu.memory_space<hbm>>
    tpu.enqueue_indirect_dma source(%dma_start3A_214 : memref<70656x32xf32, #tpu.memory_space<hbm>>) target(%dma_start3A_208 : memref<128x32xf32, #tpu.memory_space<vmem>>) offsets(%dma_start3A_211 : memref<128xi32, #tpu.memory_space<vmem>>) semaphore(%arg12 : memref<!tpu.dma_semaphore, #tpu.memory_space<semaphore_mem>>)
    %dma_wait3A_215 = arith.constant 1 : i32
    %dma_wait3A_216 = arith.constant 128 : i32
    %dma_wait3A_217 = arith.constant 0 : i32
    %dma_wait3A_218 = tpu.memref_slice %arg11[%dma_wait3A_216, %dma_wait3A_217] : memref<256x32xf32, #tpu.memory_space<vmem>> -> memref<128x32xf32, #tpu.memory_space<vmem>>
    %dma_wait3A_219 = arith.constant 0 : i32
    %dma_wait3A_220 = tpu.memref_slice %arg10[%dma_wait3A_215, %dma_wait3A_219] : memref<2x128xi32, #tpu.memory_space<vmem>> -> memref<1x128xi32, #tpu.memory_space<vmem>>
    %dma_wait3A_221 = tpu.memref_squeeze %dma_wait3A_220 : memref<1x128xi32, #tpu.memory_space<vmem>> -> memref<128xi32, #tpu.memory_space<vmem>>
    %dma_wait3A_222 = arith.constant 0 : i32
    %dma_wait3A_223 = arith.constant 0 : i32
    %dma_wait3A_224 = tpu.memref_slice %arg3[%dma_wait3A_222, %dma_wait3A_223] : memref<70656x32xf32, #tpu.memory_space<hbm>> -> memref<70656x32xf32, #tpu.memory_space<hbm>>
    tpu.wait_indirect_dma semaphore(%arg12 : memref<!tpu.dma_semaphore, #tpu.memory_space<semaphore_mem>>) src(%dma_wait3A_224 : memref<70656x32xf32, #tpu.memory_space<hbm>>) dst(%dma_wait3A_218 : memref<128x32xf32, #tpu.memory_space<vmem>>)
    %mul3A_225 = arith.constant 256 : i32
    %mul3A_226 = arith.muli %add3A_4, %mul3A_225 : i32
    "tpu.region"() ({
      %run_scoped3A = tpu.sem_alloc : memref<!tpu.dma_semaphore, #tpu.memory_space<semaphore_mem>>
      %dma_start3A_960 = tpu.memref_slice %arg4[%mul3A_226] : memref<32768xf32, #tpu.memory_space<hbm>> -> memref<256xf32, #tpu.memory_space<hbm>>
      %dma_start3A_961 = tpu.memref_slice %arg4[%mul3A_226] : memref<32768xf32, #tpu.memory_space<hbm>> -> memref<256xf32, #tpu.memory_space<hbm>>
      tpu.enqueue_dma source(%arg8 : memref<256xf32, #tpu.memory_space<vmem>>) target(%dma_start3A_961 : memref<256xf32, #tpu.memory_space<hbm>>) target_semaphore(%run_scoped3A : memref<!tpu.dma_semaphore, #tpu.memory_space<semaphore_mem>>)
      %dma_wait3A_962 = tpu.memref_slice %arg4[%mul3A_226] : memref<32768xf32, #tpu.memory_space<hbm>> -> memref<256xf32, #tpu.memory_space<hbm>>
      %dma_wait3A_963 = tpu.memref_slice %arg4[%mul3A_226] : memref<32768xf32, #tpu.memory_space<hbm>> -> memref<256xf32, #tpu.memory_space<hbm>>
      tpu.wait_dma2 semaphore(%run_scoped3A : memref<!tpu.dma_semaphore, #tpu.memory_space<semaphore_mem>>) src(%arg8 : memref<256xf32, #tpu.memory_space<vmem>>) dst(%dma_wait3A_963 : memref<256xf32, #tpu.memory_space<hbm>>)
      tpu.yield
    }) : () -> ()
    %mul3A_227 = arith.constant 256 : i32
    %mul3A_228 = arith.muli %add3A_4, %mul3A_227 : i32
    "tpu.region"() ({
      %run_scoped3A = tpu.sem_alloc : memref<!tpu.dma_semaphore, #tpu.memory_space<semaphore_mem>>
      %dma_start3A_960 = tpu.memref_slice %arg5[%mul3A_228] : memref<32768xi32, #tpu.memory_space<hbm>> -> memref<256xi32, #tpu.memory_space<hbm>>
      %dma_start3A_961 = tpu.memref_slice %arg5[%mul3A_228] : memref<32768xi32, #tpu.memory_space<hbm>> -> memref<256xi32, #tpu.memory_space<hbm>>
      tpu.enqueue_dma source(%arg9 : memref<256xi32, #tpu.memory_space<vmem>>) target(%dma_start3A_961 : memref<256xi32, #tpu.memory_space<hbm>>) target_semaphore(%run_scoped3A : memref<!tpu.dma_semaphore, #tpu.memory_space<semaphore_mem>>)
      %dma_wait3A_962 = tpu.memref_slice %arg5[%mul3A_228] : memref<32768xi32, #tpu.memory_space<hbm>> -> memref<256xi32, #tpu.memory_space<hbm>>
      %dma_wait3A_963 = tpu.memref_slice %arg5[%mul3A_228] : memref<32768xi32, #tpu.memory_space<hbm>> -> memref<256xi32, #tpu.memory_space<hbm>>
      tpu.wait_dma2 semaphore(%run_scoped3A : memref<!tpu.dma_semaphore, #tpu.memory_space<semaphore_mem>>) src(%arg9 : memref<256xi32, #tpu.memory_space<vmem>>) dst(%dma_wait3A_963 : memref<256xi32, #tpu.memory_space<hbm>>)
      tpu.yield
    }) : () -> ()
    %mul3A_229 = arith.constant 256 : i32
    %mul3A_230 = arith.muli %add3A_4, %mul3A_229 : i32
    "tpu.region"() ({
      %run_scoped3A = tpu.sem_alloc : memref<!tpu.dma_semaphore, #tpu.memory_space<semaphore_mem>>
      %dma_start3A_960 = arith.constant 0 : i32
      %dma_start3A_961 = tpu.memref_slice %arg6[%mul3A_230, %dma_start3A_960] : memref<32768x32xf32, #tpu.memory_space<hbm>> -> memref<256x32xf32, #tpu.memory_space<hbm>>
      %dma_start3A_962 = arith.constant 0 : i32
      %dma_start3A_963 = tpu.memref_slice %arg6[%mul3A_230, %dma_start3A_962] : memref<32768x32xf32, #tpu.memory_space<hbm>> -> memref<256x32xf32, #tpu.memory_space<hbm>>
      tpu.enqueue_dma source(%arg11 : memref<256x32xf32, #tpu.memory_space<vmem>>) target(%dma_start3A_963 : memref<256x32xf32, #tpu.memory_space<hbm>>) target_semaphore(%run_scoped3A : memref<!tpu.dma_semaphore, #tpu.memory_space<semaphore_mem>>)
      %dma_wait3A_964 = arith.constant 0 : i32
      %dma_wait3A_965 = tpu.memref_slice %arg6[%mul3A_230, %dma_wait3A_964] : memref<32768x32xf32, #tpu.memory_space<hbm>> -> memref<256x32xf32, #tpu.memory_space<hbm>>
      %dma_wait3A_966 = arith.constant 0 : i32
      %dma_wait3A_967 = tpu.memref_slice %arg6[%mul3A_230, %dma_wait3A_966] : memref<32768x32xf32, #tpu.memory_space<hbm>> -> memref<256x32xf32, #tpu.memory_space<hbm>>
      tpu.wait_dma2 semaphore(%run_scoped3A : memref<!tpu.dma_semaphore, #tpu.memory_space<semaphore_mem>>) src(%arg11 : memref<256x32xf32, #tpu.memory_space<vmem>>) dst(%dma_wait3A_967 : memref<256x32xf32, #tpu.memory_space<hbm>>)
      tpu.yield
    }) : () -> ()
    %mul3A_231 = arith.constant 4 : i32
    %mul3A_232 = arith.muli %add3A, %mul3A_231 : i32
    %add3A_233 = arith.constant 1 : i32
    %add3A_234 = arith.addi %mul3A_232, %add3A_233 : i32
    %jit3A_235 = arith.constant 16 : i32
    %div3A_236 = arith.divsi %add3A_234, %jit3A_235 : i32
    %sign3A_237 = arith.constant 0 : i32
    %sign3A_238 = arith.cmpi sgt, %add3A_234, %sign3A_237 : i32
    %sign3A_239 = arith.extui %sign3A_238 : i1 to i32
    %sign3A_240 = arith.constant 0 : i32
    %sign3A_241 = arith.cmpi slt, %add3A_234, %sign3A_240 : i32
    %sign3A_242 = arith.extui %sign3A_241 : i1 to i32
    %sign3A_243 = arith.subi %sign3A_239, %sign3A_242 : i32
    %sign3A_244 = arith.constant 0 : i32
    %sign3A_245 = arith.cmpi sgt, %jit3A_235, %sign3A_244 : i32
    %sign3A_246 = arith.extui %sign3A_245 : i1 to i32
    %sign3A_247 = arith.constant 0 : i32
    %sign3A_248 = arith.cmpi slt, %jit3A_235, %sign3A_247 : i32
    %sign3A_249 = arith.extui %sign3A_248 : i1 to i32
    %sign3A_250 = arith.subi %sign3A_246, %sign3A_249 : i32
    %ne3A_251 = arith.cmpi ne, %sign3A_243, %sign3A_250 : i32
    %rem3A_252 = arith.remsi %add3A_234, %jit3A_235 : i32
    %ne3A_253 = arith.constant 0 : i32
    %ne3A_254 = arith.cmpi ne, %rem3A_252, %ne3A_253 : i32
    %and3A_255 = arith.andi %ne3A_251, %ne3A_254 : i1
    %sub3A_256 = arith.constant 1 : i32
    %sub3A_257 = arith.subi %div3A_236, %sub3A_256 : i32
    %select_n3A_258 = arith.select %and3A_255, %sub3A_257, %div3A_236 : i32
    %mul3A_259 = arith.constant 8832 : i32
    %mul3A_260 = arith.muli %add3A_234, %mul3A_259 : i32
    "tpu.region"() ({
      %run_scoped3A = tpu.sem_alloc : memref<!tpu.dma_semaphore, #tpu.memory_space<semaphore_mem>>
      %dma_start3A_960 = tpu.memref_slice %arg2[%mul3A_260] : memref<1130496xf32, #tpu.memory_space<hbm>> -> memref<8832xf32, #tpu.memory_space<hbm>>
      %dma_start3A_961 = tpu.memref_slice %arg2[%mul3A_260] : memref<1130496xf32, #tpu.memory_space<hbm>> -> memref<8832xf32, #tpu.memory_space<hbm>>
      tpu.enqueue_dma source(%dma_start3A_961 : memref<8832xf32, #tpu.memory_space<hbm>>) target(%arg7 : memref<8832xf32, #tpu.memory_space<vmem>>) target_semaphore(%run_scoped3A : memref<!tpu.dma_semaphore, #tpu.memory_space<semaphore_mem>>)
      %dma_wait3A_962 = tpu.memref_slice %arg2[%mul3A_260] : memref<1130496xf32, #tpu.memory_space<hbm>> -> memref<8832xf32, #tpu.memory_space<hbm>>
      %dma_wait3A_963 = tpu.memref_slice %arg2[%mul3A_260] : memref<1130496xf32, #tpu.memory_space<hbm>> -> memref<8832xf32, #tpu.memory_space<hbm>>
      tpu.wait_dma2 semaphore(%run_scoped3A : memref<!tpu.dma_semaphore, #tpu.memory_space<semaphore_mem>>) src(%dma_wait3A_963 : memref<8832xf32, #tpu.memory_space<hbm>>) dst(%arg7 : memref<8832xf32, #tpu.memory_space<vmem>>)
      tpu.yield
    }) : () -> ()
    %scan3A_261 = arith.constant 0 : i32
    %scan3A_262 = arith.constant 0 : i32
    %scan3A_263 = arith.constant 552 : i32
    %scan3A_264 = arith.addi %scan3A_262, %scan3A_263 : i32
    %scan3A_265 = arith.constant 1 : i32
    %scan3A_266 = scf.for %scan3A_960 = %scan3A_262 to %scan3A_264 step %scan3A_265 iter_args(%scan3A_961 = %scan3A_261) -> (i32)  : i32 {
      %mul3A_962 = arith.constant 16 : i32
      %mul3A_963 = arith.muli %scan3A_960, %mul3A_962 : i32
      %get3A_964 = arith.index_cast %mul3A_963 : i32 to index
      %get3A_965 = tpu.vector_load %arg7[%get3A_964] {strides = array<i32>} : memref<8832xf32, #tpu.memory_space<vmem>>, vector<16xf32>,
      %ge3A = arith.constant 0.000000e+00 : f32
      %ge3A_966 = vector.broadcast %ge3A : f32 to vector<16xf32>
      %ge3A_967 = arith.cmpf oge, %get3A_965, %ge3A_966 : vector<16xf32>
      %convert_element_type3A = arith.extui %ge3A_967 : vector<16xi1> to vector<16xi32>
      %cumsum3A = arith.constant true
      %cumsum3A_968 = vector.broadcast %cumsum3A : i1 to vector<16xi1>
      %cumsum3A_969 = tpu.scan <sum>, %convert_element_type3A masked %cumsum3A_968 : vector<16xi32>, vector<16xi1> -> vector<16xi32>
      %sub3A_970 = arith.constant 1 : i32
      %sub3A_971 = arith.subi %scan3A_961, %sub3A_970 : i32
      %add3A_972 = vector.broadcast %sub3A_971 : i32 to vector<16xi32>
      %add3A_973 = arith.addi %add3A_972, %cumsum3A_969 : vector<16xi32>
      tpu.vector_store_idx %arg8[%add3A_973], %get3A_965 masked %ge3A_967 : memref<256xf32, #tpu.memory_space<vmem>>[vector<16xi32>], vector<16xf32>, vector<16xi1>
      %mul3A_974 = arith.constant 16 : i32
      %mul3A_975 = arith.muli %scan3A_960, %mul3A_974 : i32
      %add3A_976 = vector.broadcast %mul3A_975 : i32 to vector<16xi32>
      %add3A_977 = arith.addi %iota3A, %add3A_976 : vector<16xi32>
      tpu.vector_store_idx %arg9[%add3A_973], %add3A_977 masked %ge3A_967 : memref<256xi32, #tpu.memory_space<vmem>>[vector<16xi32>], vector<16xi32>, vector<16xi1>
      %reduce_sum3A = arith.constant true
      %reduce_sum3A_978 = vector.broadcast %reduce_sum3A : i1 to vector<16xi1>
      %reduce_sum3A_979 = tpu.scan <sum>, %convert_element_type3A masked %reduce_sum3A_978 : vector<16xi32>, vector<16xi1> -> vector<16xi32>
      %reduce_sum3A_980 = vector.extract %reduce_sum3A_979[15] : i32 from vector<16xi32>
      %add3A_981 = arith.addi %scan3A_961, %reduce_sum3A_980 : i32
      scf.yield %add3A_981 : i32
    }
    %scan3A_267 = arith.constant 552 : i32
    %get3A_268 = arith.constant 0 : index
    %get3A_269 = tpu.vector_load %arg9[%get3A_268] {strides = array<i32>} : memref<256xi32, #tpu.memory_space<vmem>>, vector<16xi32>,
    %mul3A_270 = arith.constant 8832 : i32
    %mul3A_271 = arith.muli %select_n3A_258, %mul3A_270 : i32
    %add3A_272 = vector.broadcast %mul3A_271 : i32 to vector<16xi32>
    %add3A_273 = arith.addi %get3A_269, %add3A_272 : vector<16xi32>
    %swap3A_274 = arith.constant 0 : i32
    %swap3A_275 = arith.index_cast %swap3A_274 : i32 to index
    %swap3A_276 = arith.constant 0 : index
    %swap3A_277 = tpu.vector_load %arg10[%swap3A_275, %swap3A_276] {strides = array<i32>} : memref<2x128xi32, #tpu.memory_space<vmem>>, vector<16xi32>,
    tpu.vector_store %arg10[%swap3A_275, %swap3A_276], %add3A_273 {strides = array<i32>} : memref<2x128xi32, #tpu.memory_space<vmem>>, vector<16xi32>,
    %get3A_278 = arith.constant 16 : index
    %get3A_279 = tpu.vector_load %arg9[%get3A_278] {strides = array<i32>} : memref<256xi32, #tpu.memory_space<vmem>>, vector<16xi32>,
    %mul3A_280 = arith.constant 8832 : i32
    %mul3A_281 = arith.muli %select_n3A_258, %mul3A_280 : i32
    %add3A_282 = vector.broadcast %mul3A_281 : i32 to vector<16xi32>
    %add3A_283 = arith.addi %get3A_279, %add3A_282 : vector<16xi32>
    %swap3A_284 = arith.constant 0 : i32
    %swap3A_285 = arith.index_cast %swap3A_284 : i32 to index
    %swap3A_286 = arith.constant 16 : index
    %swap3A_287 = tpu.vector_load %arg10[%swap3A_285, %swap3A_286] {strides = array<i32>} : memref<2x128xi32, #tpu.memory_space<vmem>>, vector<16xi32>,
    tpu.vector_store %arg10[%swap3A_285, %swap3A_286], %add3A_283 {strides = array<i32>} : memref<2x128xi32, #tpu.memory_space<vmem>>, vector<16xi32>,
    %get3A_288 = arith.constant 32 : index
    %get3A_289 = tpu.vector_load %arg9[%get3A_288] {strides = array<i32>} : memref<256xi32, #tpu.memory_space<vmem>>, vector<16xi32>,
    %mul3A_290 = arith.constant 8832 : i32
    %mul3A_291 = arith.muli %select_n3A_258, %mul3A_290 : i32
    %add3A_292 = vector.broadcast %mul3A_291 : i32 to vector<16xi32>
    %add3A_293 = arith.addi %get3A_289, %add3A_292 : vector<16xi32>
    %swap3A_294 = arith.constant 0 : i32
    %swap3A_295 = arith.index_cast %swap3A_294 : i32 to index
    %swap3A_296 = arith.constant 32 : index
    %swap3A_297 = tpu.vector_load %arg10[%swap3A_295, %swap3A_296] {strides = array<i32>} : memref<2x128xi32, #tpu.memory_space<vmem>>, vector<16xi32>,
    tpu.vector_store %arg10[%swap3A_295, %swap3A_296], %add3A_293 {strides = array<i32>} : memref<2x128xi32, #tpu.memory_space<vmem>>, vector<16xi32>,
    %get3A_298 = arith.constant 48 : index
    %get3A_299 = tpu.vector_load %arg9[%get3A_298] {strides = array<i32>} : memref<256xi32, #tpu.memory_space<vmem>>, vector<16xi32>,
    %mul3A_300 = arith.constant 8832 : i32
    %mul3A_301 = arith.muli %select_n3A_258, %mul3A_300 : i32
    %add3A_302 = vector.broadcast %mul3A_301 : i32 to vector<16xi32>
    %add3A_303 = arith.addi %get3A_299, %add3A_302 : vector<16xi32>
    %swap3A_304 = arith.constant 0 : i32
    %swap3A_305 = arith.index_cast %swap3A_304 : i32 to index
    %swap3A_306 = arith.constant 48 : index
    %swap3A_307 = tpu.vector_load %arg10[%swap3A_305, %swap3A_306] {strides = array<i32>} : memref<2x128xi32, #tpu.memory_space<vmem>>, vector<16xi32>,
    tpu.vector_store %arg10[%swap3A_305, %swap3A_306], %add3A_303 {strides = array<i32>} : memref<2x128xi32, #tpu.memory_space<vmem>>, vector<16xi32>,
    %get3A_308 = arith.constant 64 : index
    %get3A_309 = tpu.vector_load %arg9[%get3A_308] {strides = array<i32>} : memref<256xi32, #tpu.memory_space<vmem>>, vector<16xi32>,
    %mul3A_310 = arith.constant 8832 : i32
    %mul3A_311 = arith.muli %select_n3A_258, %mul3A_310 : i32
    %add3A_312 = vector.broadcast %mul3A_311 : i32 to vector<16xi32>
    %add3A_313 = arith.addi %get3A_309, %add3A_312 : vector<16xi32>
    %swap3A_314 = arith.constant 0 : i32
    %swap3A_315 = arith.index_cast %swap3A_314 : i32 to index
    %swap3A_316 = arith.constant 64 : index
    %swap3A_317 = tpu.vector_load %arg10[%swap3A_315, %swap3A_316] {strides = array<i32>} : memref<2x128xi32, #tpu.memory_space<vmem>>, vector<16xi32>,
    tpu.vector_store %arg10[%swap3A_315, %swap3A_316], %add3A_313 {strides = array<i32>} : memref<2x128xi32, #tpu.memory_space<vmem>>, vector<16xi32>,
    %get3A_318 = arith.constant 80 : index
    %get3A_319 = tpu.vector_load %arg9[%get3A_318] {strides = array<i32>} : memref<256xi32, #tpu.memory_space<vmem>>, vector<16xi32>,
    %mul3A_320 = arith.constant 8832 : i32
    %mul3A_321 = arith.muli %select_n3A_258, %mul3A_320 : i32
    %add3A_322 = vector.broadcast %mul3A_321 : i32 to vector<16xi32>
    %add3A_323 = arith.addi %get3A_319, %add3A_322 : vector<16xi32>
    %swap3A_324 = arith.constant 0 : i32
    %swap3A_325 = arith.index_cast %swap3A_324 : i32 to index
    %swap3A_326 = arith.constant 80 : index
    %swap3A_327 = tpu.vector_load %arg10[%swap3A_325, %swap3A_326] {strides = array<i32>} : memref<2x128xi32, #tpu.memory_space<vmem>>, vector<16xi32>,
    tpu.vector_store %arg10[%swap3A_325, %swap3A_326], %add3A_323 {strides = array<i32>} : memref<2x128xi32, #tpu.memory_space<vmem>>, vector<16xi32>,
    %get3A_328 = arith.constant 96 : index
    %get3A_329 = tpu.vector_load %arg9[%get3A_328] {strides = array<i32>} : memref<256xi32, #tpu.memory_space<vmem>>, vector<16xi32>,
    %mul3A_330 = arith.constant 8832 : i32
    %mul3A_331 = arith.muli %select_n3A_258, %mul3A_330 : i32
    %add3A_332 = vector.broadcast %mul3A_331 : i32 to vector<16xi32>
    %add3A_333 = arith.addi %get3A_329, %add3A_332 : vector<16xi32>
    %swap3A_334 = arith.constant 0 : i32
    %swap3A_335 = arith.index_cast %swap3A_334 : i32 to index
    %swap3A_336 = arith.constant 96 : index
    %swap3A_337 = tpu.vector_load %arg10[%swap3A_335, %swap3A_336] {strides = array<i32>} : memref<2x128xi32, #tpu.memory_space<vmem>>, vector<16xi32>,
    tpu.vector_store %arg10[%swap3A_335, %swap3A_336], %add3A_333 {strides = array<i32>} : memref<2x128xi32, #tpu.memory_space<vmem>>, vector<16xi32>,
    %get3A_338 = arith.constant 112 : index
    %get3A_339 = tpu.vector_load %arg9[%get3A_338] {strides = array<i32>} : memref<256xi32, #tpu.memory_space<vmem>>, vector<16xi32>,
    %mul3A_340 = arith.constant 8832 : i32
    %mul3A_341 = arith.muli %select_n3A_258, %mul3A_340 : i32
    %add3A_342 = vector.broadcast %mul3A_341 : i32 to vector<16xi32>
    %add3A_343 = arith.addi %get3A_339, %add3A_342 : vector<16xi32>
    %swap3A_344 = arith.constant 0 : i32
    %swap3A_345 = arith.index_cast %swap3A_344 : i32 to index
    %swap3A_346 = arith.constant 112 : index
    %swap3A_347 = tpu.vector_load %arg10[%swap3A_345, %swap3A_346] {strides = array<i32>} : memref<2x128xi32, #tpu.memory_space<vmem>>, vector<16xi32>,
    tpu.vector_store %arg10[%swap3A_345, %swap3A_346], %add3A_343 {strides = array<i32>} : memref<2x128xi32, #tpu.memory_space<vmem>>, vector<16xi32>,
    %get3A_348 = arith.constant 128 : index
    %get3A_349 = tpu.vector_load %arg9[%get3A_348] {strides = array<i32>} : memref<256xi32, #tpu.memory_space<vmem>>, vector<16xi32>,
    %mul3A_350 = arith.constant 8832 : i32
    %mul3A_351 = arith.muli %select_n3A_258, %mul3A_350 : i32
    %add3A_352 = vector.broadcast %mul3A_351 : i32 to vector<16xi32>
    %add3A_353 = arith.addi %get3A_349, %add3A_352 : vector<16xi32>
    %swap3A_354 = arith.constant 1 : i32
    %swap3A_355 = arith.index_cast %swap3A_354 : i32 to index
    %swap3A_356 = arith.constant 0 : index
    %swap3A_357 = tpu.vector_load %arg10[%swap3A_355, %swap3A_356] {strides = array<i32>} : memref<2x128xi32, #tpu.memory_space<vmem>>, vector<16xi32>,
    tpu.vector_store %arg10[%swap3A_355, %swap3A_356], %add3A_353 {strides = array<i32>} : memref<2x128xi32, #tpu.memory_space<vmem>>, vector<16xi32>,
    %get3A_358 = arith.constant 144 : index
    %get3A_359 = tpu.vector_load %arg9[%get3A_358] {strides = array<i32>} : memref<256xi32, #tpu.memory_space<vmem>>, vector<16xi32>,
    %mul3A_360 = arith.constant 8832 : i32
    %mul3A_361 = arith.muli %select_n3A_258, %mul3A_360 : i32
    %add3A_362 = vector.broadcast %mul3A_361 : i32 to vector<16xi32>
    %add3A_363 = arith.addi %get3A_359, %add3A_362 : vector<16xi32>
    %swap3A_364 = arith.constant 1 : i32
    %swap3A_365 = arith.index_cast %swap3A_364 : i32 to index
    %swap3A_366 = arith.constant 16 : index
    %swap3A_367 = tpu.vector_load %arg10[%swap3A_365, %swap3A_366] {strides = array<i32>} : memref<2x128xi32, #tpu.memory_space<vmem>>, vector<16xi32>,
    tpu.vector_store %arg10[%swap3A_365, %swap3A_366], %add3A_363 {strides = array<i32>} : memref<2x128xi32, #tpu.memory_space<vmem>>, vector<16xi32>,
    %get3A_368 = arith.constant 160 : index
    %get3A_369 = tpu.vector_load %arg9[%get3A_368] {strides = array<i32>} : memref<256xi32, #tpu.memory_space<vmem>>, vector<16xi32>,
    %mul3A_370 = arith.constant 8832 : i32
    %mul3A_371 = arith.muli %select_n3A_258, %mul3A_370 : i32
    %add3A_372 = vector.broadcast %mul3A_371 : i32 to vector<16xi32>
    %add3A_373 = arith.addi %get3A_369, %add3A_372 : vector<16xi32>
    %swap3A_374 = arith.constant 1 : i32
    %swap3A_375 = arith.index_cast %swap3A_374 : i32 to index
    %swap3A_376 = arith.constant 32 : index
    %swap3A_377 = tpu.vector_load %arg10[%swap3A_375, %swap3A_376] {strides = array<i32>} : memref<2x128xi32, #tpu.memory_space<vmem>>, vector<16xi32>,
    tpu.vector_store %arg10[%swap3A_375, %swap3A_376], %add3A_373 {strides = array<i32>} : memref<2x128xi32, #tpu.memory_space<vmem>>, vector<16xi32>,
    %get3A_378 = arith.constant 176 : index
    %get3A_379 = tpu.vector_load %arg9[%get3A_378] {strides = array<i32>} : memref<256xi32, #tpu.memory_space<vmem>>, vector<16xi32>,
    %mul3A_380 = arith.constant 8832 : i32
    %mul3A_381 = arith.muli %select_n3A_258, %mul3A_380 : i32
    %add3A_382 = vector.broadcast %mul3A_381 : i32 to vector<16xi32>
    %add3A_383 = arith.addi %get3A_379, %add3A_382 : vector<16xi32>
    %swap3A_384 = arith.constant 1 : i32
    %swap3A_385 = arith.index_cast %swap3A_384 : i32 to index
    %swap3A_386 = arith.constant 48 : index
    %swap3A_387 = tpu.vector_load %arg10[%swap3A_385, %swap3A_386] {strides = array<i32>} : memref<2x128xi32, #tpu.memory_space<vmem>>, vector<16xi32>,
    tpu.vector_store %arg10[%swap3A_385, %swap3A_386], %add3A_383 {strides = array<i32>} : memref<2x128xi32, #tpu.memory_space<vmem>>, vector<16xi32>,
    %get3A_388 = arith.constant 192 : index
    %get3A_389 = tpu.vector_load %arg9[%get3A_388] {strides = array<i32>} : memref<256xi32, #tpu.memory_space<vmem>>, vector<16xi32>,
    %mul3A_390 = arith.constant 8832 : i32
    %mul3A_391 = arith.muli %select_n3A_258, %mul3A_390 : i32
    %add3A_392 = vector.broadcast %mul3A_391 : i32 to vector<16xi32>
    %add3A_393 = arith.addi %get3A_389, %add3A_392 : vector<16xi32>
    %swap3A_394 = arith.constant 1 : i32
    %swap3A_395 = arith.index_cast %swap3A_394 : i32 to index
    %swap3A_396 = arith.constant 64 : index
    %swap3A_397 = tpu.vector_load %arg10[%swap3A_395, %swap3A_396] {strides = array<i32>} : memref<2x128xi32, #tpu.memory_space<vmem>>, vector<16xi32>,
    tpu.vector_store %arg10[%swap3A_395, %swap3A_396], %add3A_393 {strides = array<i32>} : memref<2x128xi32, #tpu.memory_space<vmem>>, vector<16xi32>,
    %get3A_398 = arith.constant 208 : index
    %get3A_399 = tpu.vector_load %arg9[%get3A_398] {strides = array<i32>} : memref<256xi32, #tpu.memory_space<vmem>>, vector<16xi32>,
    %mul3A_400 = arith.constant 8832 : i32
    %mul3A_401 = arith.muli %select_n3A_258, %mul3A_400 : i32
    %add3A_402 = vector.broadcast %mul3A_401 : i32 to vector<16xi32>
    %add3A_403 = arith.addi %get3A_399, %add3A_402 : vector<16xi32>
    %swap3A_404 = arith.constant 1 : i32
    %swap3A_405 = arith.index_cast %swap3A_404 : i32 to index
    %swap3A_406 = arith.constant 80 : index
    %swap3A_407 = tpu.vector_load %arg10[%swap3A_405, %swap3A_406] {strides = array<i32>} : memref<2x128xi32, #tpu.memory_space<vmem>>, vector<16xi32>,
    tpu.vector_store %arg10[%swap3A_405, %swap3A_406], %add3A_403 {strides = array<i32>} : memref<2x128xi32, #tpu.memory_space<vmem>>, vector<16xi32>,
    %get3A_408 = arith.constant 224 : index
    %get3A_409 = tpu.vector_load %arg9[%get3A_408] {strides = array<i32>} : memref<256xi32, #tpu.memory_space<vmem>>, vector<16xi32>,
    %mul3A_410 = arith.constant 8832 : i32
    %mul3A_411 = arith.muli %select_n3A_258, %mul3A_410 : i32
    %add3A_412 = vector.broadcast %mul3A_411 : i32 to vector<16xi32>
    %add3A_413 = arith.addi %get3A_409, %add3A_412 : vector<16xi32>
    %swap3A_414 = arith.constant 1 : i32
    %swap3A_415 = arith.index_cast %swap3A_414 : i32 to index
    %swap3A_416 = arith.constant 96 : index
    %swap3A_417 = tpu.vector_load %arg10[%swap3A_415, %swap3A_416] {strides = array<i32>} : memref<2x128xi32, #tpu.memory_space<vmem>>, vector<16xi32>,
    tpu.vector_store %arg10[%swap3A_415, %swap3A_416], %add3A_413 {strides = array<i32>} : memref<2x128xi32, #tpu.memory_space<vmem>>, vector<16xi32>,
    %get3A_418 = arith.constant 240 : index
    %get3A_419 = tpu.vector_load %arg9[%get3A_418] {strides = array<i32>} : memref<256xi32, #tpu.memory_space<vmem>>, vector<16xi32>,
    %mul3A_420 = arith.constant 8832 : i32
    %mul3A_421 = arith.muli %select_n3A_258, %mul3A_420 : i32
    %add3A_422 = vector.broadcast %mul3A_421 : i32 to vector<16xi32>
    %add3A_423 = arith.addi %get3A_419, %add3A_422 : vector<16xi32>
    %swap3A_424 = arith.constant 1 : i32
    %swap3A_425 = arith.index_cast %swap3A_424 : i32 to index
    %swap3A_426 = arith.constant 112 : index
    %swap3A_427 = tpu.vector_load %arg10[%swap3A_425, %swap3A_426] {strides = array<i32>} : memref<2x128xi32, #tpu.memory_space<vmem>>, vector<16xi32>,
    tpu.vector_store %arg10[%swap3A_425, %swap3A_426], %add3A_423 {strides = array<i32>} : memref<2x128xi32, #tpu.memory_space<vmem>>, vector<16xi32>,
    %dma_start3A_428 = arith.constant 0 : i32
    %dma_start3A_429 = arith.constant 0 : i32
    %dma_start3A_430 = arith.constant 0 : i32
    %dma_start3A_431 = tpu.memref_slice %arg11[%dma_start3A_429, %dma_start3A_430] : memref<256x32xf32, #tpu.memory_space<vmem>> -> memref<128x32xf32, #tpu.memory_space<vmem>>
    %dma_start3A_432 = arith.constant 0 : i32
    %dma_start3A_433 = tpu.memref_slice %arg10[%dma_start3A_428, %dma_start3A_432] : memref<2x128xi32, #tpu.memory_space<vmem>> -> memref<1x128xi32, #tpu.memory_space<vmem>>
    %dma_start3A_434 = tpu.memref_squeeze %dma_start3A_433 : memref<1x128xi32, #tpu.memory_space<vmem>> -> memref<128xi32, #tpu.memory_space<vmem>>
    %dma_start3A_435 = arith.constant 0 : i32
    %dma_start3A_436 = arith.constant 0 : i32
    %dma_start3A_437 = tpu.memref_slice %arg3[%dma_start3A_435, %dma_start3A_436] : memref<70656x32xf32, #tpu.memory_space<hbm>> -> memref<70656x32xf32, #tpu.memory_space<hbm>>
    tpu.enqueue_indirect_dma source(%dma_start3A_437 : memref<70656x32xf32, #tpu.memory_space<hbm>>) target(%dma_start3A_431 : memref<128x32xf32, #tpu.memory_space<vmem>>) offsets(%dma_start3A_434 : memref<128xi32, #tpu.memory_space<vmem>>) semaphore(%arg12 : memref<!tpu.dma_semaphore, #tpu.memory_space<semaphore_mem>>)
    %dma_wait3A_438 = arith.constant 0 : i32
    %dma_wait3A_439 = arith.constant 0 : i32
    %dma_wait3A_440 = arith.constant 0 : i32
    %dma_wait3A_441 = tpu.memref_slice %arg11[%dma_wait3A_439, %dma_wait3A_440] : memref<256x32xf32, #tpu.memory_space<vmem>> -> memref<128x32xf32, #tpu.memory_space<vmem>>
    %dma_wait3A_442 = arith.constant 0 : i32
    %dma_wait3A_443 = tpu.memref_slice %arg10[%dma_wait3A_438, %dma_wait3A_442] : memref<2x128xi32, #tpu.memory_space<vmem>> -> memref<1x128xi32, #tpu.memory_space<vmem>>
    %dma_wait3A_444 = tpu.memref_squeeze %dma_wait3A_443 : memref<1x128xi32, #tpu.memory_space<vmem>> -> memref<128xi32, #tpu.memory_space<vmem>>
    %dma_wait3A_445 = arith.constant 0 : i32
    %dma_wait3A_446 = arith.constant 0 : i32
    %dma_wait3A_447 = tpu.memref_slice %arg3[%dma_wait3A_445, %dma_wait3A_446] : memref<70656x32xf32, #tpu.memory_space<hbm>> -> memref<70656x32xf32, #tpu.memory_space<hbm>>
    tpu.wait_indirect_dma semaphore(%arg12 : memref<!tpu.dma_semaphore, #tpu.memory_space<semaphore_mem>>) src(%dma_wait3A_447 : memref<70656x32xf32, #tpu.memory_space<hbm>>) dst(%dma_wait3A_441 : memref<128x32xf32, #tpu.memory_space<vmem>>)
    %dma_start3A_448 = arith.constant 1 : i32
    %dma_start3A_449 = arith.constant 128 : i32
    %dma_start3A_450 = arith.constant 0 : i32
    %dma_start3A_451 = tpu.memref_slice %arg11[%dma_start3A_449, %dma_start3A_450] : memref<256x32xf32, #tpu.memory_space<vmem>> -> memref<128x32xf32, #tpu.memory_space<vmem>>
    %dma_start3A_452 = arith.constant 0 : i32
    %dma_start3A_453 = tpu.memref_slice %arg10[%dma_start3A_448, %dma_start3A_452] : memref<2x128xi32, #tpu.memory_space<vmem>> -> memref<1x128xi32, #tpu.memory_space<vmem>>
    %dma_start3A_454 = tpu.memref_squeeze %dma_start3A_453 : memref<1x128xi32, #tpu.memory_space<vmem>> -> memref<128xi32, #tpu.memory_space<vmem>>
    %dma_start3A_455 = arith.constant 0 : i32
    %dma_start3A_456 = arith.constant 0 : i32
    %dma_start3A_457 = tpu.memref_slice %arg3[%dma_start3A_455, %dma_start3A_456] : memref<70656x32xf32, #tpu.memory_space<hbm>> -> memref<70656x32xf32, #tpu.memory_space<hbm>>
    tpu.enqueue_indirect_dma source(%dma_start3A_457 : memref<70656x32xf32, #tpu.memory_space<hbm>>) target(%dma_start3A_451 : memref<128x32xf32, #tpu.memory_space<vmem>>) offsets(%dma_start3A_454 : memref<128xi32, #tpu.memory_space<vmem>>) semaphore(%arg12 : memref<!tpu.dma_semaphore, #tpu.memory_space<semaphore_mem>>)
    %dma_wait3A_458 = arith.constant 1 : i32
    %dma_wait3A_459 = arith.constant 128 : i32
    %dma_wait3A_460 = arith.constant 0 : i32
    %dma_wait3A_461 = tpu.memref_slice %arg11[%dma_wait3A_459, %dma_wait3A_460] : memref<256x32xf32, #tpu.memory_space<vmem>> -> memref<128x32xf32, #tpu.memory_space<vmem>>
    %dma_wait3A_462 = arith.constant 0 : i32
    %dma_wait3A_463 = tpu.memref_slice %arg10[%dma_wait3A_458, %dma_wait3A_462] : memref<2x128xi32, #tpu.memory_space<vmem>> -> memref<1x128xi32, #tpu.memory_space<vmem>>
    %dma_wait3A_464 = tpu.memref_squeeze %dma_wait3A_463 : memref<1x128xi32, #tpu.memory_space<vmem>> -> memref<128xi32, #tpu.memory_space<vmem>>
    %dma_wait3A_465 = arith.constant 0 : i32
    %dma_wait3A_466 = arith.constant 0 : i32
    %dma_wait3A_467 = tpu.memref_slice %arg3[%dma_wait3A_465, %dma_wait3A_466] : memref<70656x32xf32, #tpu.memory_space<hbm>> -> memref<70656x32xf32, #tpu.memory_space<hbm>>
    tpu.wait_indirect_dma semaphore(%arg12 : memref<!tpu.dma_semaphore, #tpu.memory_space<semaphore_mem>>) src(%dma_wait3A_467 : memref<70656x32xf32, #tpu.memory_space<hbm>>) dst(%dma_wait3A_461 : memref<128x32xf32, #tpu.memory_space<vmem>>)
    %mul3A_468 = arith.constant 256 : i32
    %mul3A_469 = arith.muli %add3A_234, %mul3A_468 : i32
    "tpu.region"() ({
      %run_scoped3A = tpu.sem_alloc : memref<!tpu.dma_semaphore, #tpu.memory_space<semaphore_mem>>
      %dma_start3A_960 = tpu.memref_slice %arg4[%mul3A_469] : memref<32768xf32, #tpu.memory_space<hbm>> -> memref<256xf32, #tpu.memory_space<hbm>>
      %dma_start3A_961 = tpu.memref_slice %arg4[%mul3A_469] : memref<32768xf32, #tpu.memory_space<hbm>> -> memref<256xf32, #tpu.memory_space<hbm>>
      tpu.enqueue_dma source(%arg8 : memref<256xf32, #tpu.memory_space<vmem>>) target(%dma_start3A_961 : memref<256xf32, #tpu.memory_space<hbm>>) target_semaphore(%run_scoped3A : memref<!tpu.dma_semaphore, #tpu.memory_space<semaphore_mem>>)
      %dma_wait3A_962 = tpu.memref_slice %arg4[%mul3A_469] : memref<32768xf32, #tpu.memory_space<hbm>> -> memref<256xf32, #tpu.memory_space<hbm>>
      %dma_wait3A_963 = tpu.memref_slice %arg4[%mul3A_469] : memref<32768xf32, #tpu.memory_space<hbm>> -> memref<256xf32, #tpu.memory_space<hbm>>
      tpu.wait_dma2 semaphore(%run_scoped3A : memref<!tpu.dma_semaphore, #tpu.memory_space<semaphore_mem>>) src(%arg8 : memref<256xf32, #tpu.memory_space<vmem>>) dst(%dma_wait3A_963 : memref<256xf32, #tpu.memory_space<hbm>>)
      tpu.yield
    }) : () -> ()
    %mul3A_470 = arith.constant 256 : i32
    %mul3A_471 = arith.muli %add3A_234, %mul3A_470 : i32
    "tpu.region"() ({
      %run_scoped3A = tpu.sem_alloc : memref<!tpu.dma_semaphore, #tpu.memory_space<semaphore_mem>>
      %dma_start3A_960 = tpu.memref_slice %arg5[%mul3A_471] : memref<32768xi32, #tpu.memory_space<hbm>> -> memref<256xi32, #tpu.memory_space<hbm>>
      %dma_start3A_961 = tpu.memref_slice %arg5[%mul3A_471] : memref<32768xi32, #tpu.memory_space<hbm>> -> memref<256xi32, #tpu.memory_space<hbm>>
      tpu.enqueue_dma source(%arg9 : memref<256xi32, #tpu.memory_space<vmem>>) target(%dma_start3A_961 : memref<256xi32, #tpu.memory_space<hbm>>) target_semaphore(%run_scoped3A : memref<!tpu.dma_semaphore, #tpu.memory_space<semaphore_mem>>)
      %dma_wait3A_962 = tpu.memref_slice %arg5[%mul3A_471] : memref<32768xi32, #tpu.memory_space<hbm>> -> memref<256xi32, #tpu.memory_space<hbm>>
      %dma_wait3A_963 = tpu.memref_slice %arg5[%mul3A_471] : memref<32768xi32, #tpu.memory_space<hbm>> -> memref<256xi32, #tpu.memory_space<hbm>>
      tpu.wait_dma2 semaphore(%run_scoped3A : memref<!tpu.dma_semaphore, #tpu.memory_space<semaphore_mem>>) src(%arg9 : memref<256xi32, #tpu.memory_space<vmem>>) dst(%dma_wait3A_963 : memref<256xi32, #tpu.memory_space<hbm>>)
      tpu.yield
    }) : () -> ()
    %mul3A_472 = arith.constant 256 : i32
    %mul3A_473 = arith.muli %add3A_234, %mul3A_472 : i32
    "tpu.region"() ({
      %run_scoped3A = tpu.sem_alloc : memref<!tpu.dma_semaphore, #tpu.memory_space<semaphore_mem>>
      %dma_start3A_960 = arith.constant 0 : i32
      %dma_start3A_961 = tpu.memref_slice %arg6[%mul3A_473, %dma_start3A_960] : memref<32768x32xf32, #tpu.memory_space<hbm>> -> memref<256x32xf32, #tpu.memory_space<hbm>>
      %dma_start3A_962 = arith.constant 0 : i32
      %dma_start3A_963 = tpu.memref_slice %arg6[%mul3A_473, %dma_start3A_962] : memref<32768x32xf32, #tpu.memory_space<hbm>> -> memref<256x32xf32, #tpu.memory_space<hbm>>
      tpu.enqueue_dma source(%arg11 : memref<256x32xf32, #tpu.memory_space<vmem>>) target(%dma_start3A_963 : memref<256x32xf32, #tpu.memory_space<hbm>>) target_semaphore(%run_scoped3A : memref<!tpu.dma_semaphore, #tpu.memory_space<semaphore_mem>>)
      %dma_wait3A_964 = arith.constant 0 : i32
      %dma_wait3A_965 = tpu.memref_slice %arg6[%mul3A_473, %dma_wait3A_964] : memref<32768x32xf32, #tpu.memory_space<hbm>> -> memref<256x32xf32, #tpu.memory_space<hbm>>
      %dma_wait3A_966 = arith.constant 0 : i32
      %dma_wait3A_967 = tpu.memref_slice %arg6[%mul3A_473, %dma_wait3A_966] : memref<32768x32xf32, #tpu.memory_space<hbm>> -> memref<256x32xf32, #tpu.memory_space<hbm>>
      tpu.wait_dma2 semaphore(%run_scoped3A : memref<!tpu.dma_semaphore, #tpu.memory_space<semaphore_mem>>) src(%arg11 : memref<256x32xf32, #tpu.memory_space<vmem>>) dst(%dma_wait3A_967 : memref<256x32xf32, #tpu.memory_space<hbm>>)
      tpu.yield
    }) : () -> ()
    %mul3A_474 = arith.constant 4 : i32
    %mul3A_475 = arith.muli %add3A, %mul3A_474 : i32
    %add3A_476 = arith.constant 2 : i32
    %add3A_477 = arith.addi %mul3A_475, %add3A_476 : i32
    %jit3A_478 = arith.constant 16 : i32
    %div3A_479 = arith.divsi %add3A_477, %jit3A_478 : i32
    %sign3A_480 = arith.constant 0 : i32
    %sign3A_481 = arith.cmpi sgt, %add3A_477, %sign3A_480 : i32
    %sign3A_482 = arith.extui %sign3A_481 : i1 to i32
    %sign3A_483 = arith.constant 0 : i32
    %sign3A_484 = arith.cmpi slt, %add3A_477, %sign3A_483 : i32
    %sign3A_485 = arith.extui %sign3A_484 : i1 to i32
    %sign3A_486 = arith.subi %sign3A_482, %sign3A_485 : i32
    %sign3A_487 = arith.constant 0 : i32
    %sign3A_488 = arith.cmpi sgt, %jit3A_478, %sign3A_487 : i32
    %sign3A_489 = arith.extui %sign3A_488 : i1 to i32
    %sign3A_490 = arith.constant 0 : i32
    %sign3A_491 = arith.cmpi slt, %jit3A_478, %sign3A_490 : i32
    %sign3A_492 = arith.extui %sign3A_491 : i1 to i32
    %sign3A_493 = arith.subi %sign3A_489, %sign3A_492 : i32
    %ne3A_494 = arith.cmpi ne, %sign3A_486, %sign3A_493 : i32
    %rem3A_495 = arith.remsi %add3A_477, %jit3A_478 : i32
    %ne3A_496 = arith.constant 0 : i32
    %ne3A_497 = arith.cmpi ne, %rem3A_495, %ne3A_496 : i32
    %and3A_498 = arith.andi %ne3A_494, %ne3A_497 : i1
    %sub3A_499 = arith.constant 1 : i32
    %sub3A_500 = arith.subi %div3A_479, %sub3A_499 : i32
    %select_n3A_501 = arith.select %and3A_498, %sub3A_500, %div3A_479 : i32
    %mul3A_502 = arith.constant 8832 : i32
    %mul3A_503 = arith.muli %add3A_477, %mul3A_502 : i32
    "tpu.region"() ({
      %run_scoped3A = tpu.sem_alloc : memref<!tpu.dma_semaphore, #tpu.memory_space<semaphore_mem>>
      %dma_start3A_960 = tpu.memref_slice %arg2[%mul3A_503] : memref<1130496xf32, #tpu.memory_space<hbm>> -> memref<8832xf32, #tpu.memory_space<hbm>>
      %dma_start3A_961 = tpu.memref_slice %arg2[%mul3A_503] : memref<1130496xf32, #tpu.memory_space<hbm>> -> memref<8832xf32, #tpu.memory_space<hbm>>
      tpu.enqueue_dma source(%dma_start3A_961 : memref<8832xf32, #tpu.memory_space<hbm>>) target(%arg7 : memref<8832xf32, #tpu.memory_space<vmem>>) target_semaphore(%run_scoped3A : memref<!tpu.dma_semaphore, #tpu.memory_space<semaphore_mem>>)
      %dma_wait3A_962 = tpu.memref_slice %arg2[%mul3A_503] : memref<1130496xf32, #tpu.memory_space<hbm>> -> memref<8832xf32, #tpu.memory_space<hbm>>
      %dma_wait3A_963 = tpu.memref_slice %arg2[%mul3A_503] : memref<1130496xf32, #tpu.memory_space<hbm>> -> memref<8832xf32, #tpu.memory_space<hbm>>
      tpu.wait_dma2 semaphore(%run_scoped3A : memref<!tpu.dma_semaphore, #tpu.memory_space<semaphore_mem>>) src(%dma_wait3A_963 : memref<8832xf32, #tpu.memory_space<hbm>>) dst(%arg7 : memref<8832xf32, #tpu.memory_space<vmem>>)
      tpu.yield
    }) : () -> ()
    %scan3A_504 = arith.constant 0 : i32
    %scan3A_505 = arith.constant 0 : i32
    %scan3A_506 = arith.constant 552 : i32
    %scan3A_507 = arith.addi %scan3A_505, %scan3A_506 : i32
    %scan3A_508 = arith.constant 1 : i32
    %scan3A_509 = scf.for %scan3A_960 = %scan3A_505 to %scan3A_507 step %scan3A_508 iter_args(%scan3A_961 = %scan3A_504) -> (i32)  : i32 {
      %mul3A_962 = arith.constant 16 : i32
      %mul3A_963 = arith.muli %scan3A_960, %mul3A_962 : i32
      %get3A_964 = arith.index_cast %mul3A_963 : i32 to index
      %get3A_965 = tpu.vector_load %arg7[%get3A_964] {strides = array<i32>} : memref<8832xf32, #tpu.memory_space<vmem>>, vector<16xf32>,
      %ge3A = arith.constant 0.000000e+00 : f32
      %ge3A_966 = vector.broadcast %ge3A : f32 to vector<16xf32>
      %ge3A_967 = arith.cmpf oge, %get3A_965, %ge3A_966 : vector<16xf32>
      %convert_element_type3A = arith.extui %ge3A_967 : vector<16xi1> to vector<16xi32>
      %cumsum3A = arith.constant true
      %cumsum3A_968 = vector.broadcast %cumsum3A : i1 to vector<16xi1>
      %cumsum3A_969 = tpu.scan <sum>, %convert_element_type3A masked %cumsum3A_968 : vector<16xi32>, vector<16xi1> -> vector<16xi32>
      %sub3A_970 = arith.constant 1 : i32
      %sub3A_971 = arith.subi %scan3A_961, %sub3A_970 : i32
      %add3A_972 = vector.broadcast %sub3A_971 : i32 to vector<16xi32>
      %add3A_973 = arith.addi %add3A_972, %cumsum3A_969 : vector<16xi32>
      tpu.vector_store_idx %arg8[%add3A_973], %get3A_965 masked %ge3A_967 : memref<256xf32, #tpu.memory_space<vmem>>[vector<16xi32>], vector<16xf32>, vector<16xi1>
      %mul3A_974 = arith.constant 16 : i32
      %mul3A_975 = arith.muli %scan3A_960, %mul3A_974 : i32
      %add3A_976 = vector.broadcast %mul3A_975 : i32 to vector<16xi32>
      %add3A_977 = arith.addi %iota3A, %add3A_976 : vector<16xi32>
      tpu.vector_store_idx %arg9[%add3A_973], %add3A_977 masked %ge3A_967 : memref<256xi32, #tpu.memory_space<vmem>>[vector<16xi32>], vector<16xi32>, vector<16xi1>
      %reduce_sum3A = arith.constant true
      %reduce_sum3A_978 = vector.broadcast %reduce_sum3A : i1 to vector<16xi1>
      %reduce_sum3A_979 = tpu.scan <sum>, %convert_element_type3A masked %reduce_sum3A_978 : vector<16xi32>, vector<16xi1> -> vector<16xi32>
      %reduce_sum3A_980 = vector.extract %reduce_sum3A_979[15] : i32 from vector<16xi32>
      %add3A_981 = arith.addi %scan3A_961, %reduce_sum3A_980 : i32
      scf.yield %add3A_981 : i32
    }
    %scan3A_510 = arith.constant 552 : i32
    %get3A_511 = arith.constant 0 : index
    %get3A_512 = tpu.vector_load %arg9[%get3A_511] {strides = array<i32>} : memref<256xi32, #tpu.memory_space<vmem>>, vector<16xi32>,
    %mul3A_513 = arith.constant 8832 : i32
    %mul3A_514 = arith.muli %select_n3A_501, %mul3A_513 : i32
    %add3A_515 = vector.broadcast %mul3A_514 : i32 to vector<16xi32>
    %add3A_516 = arith.addi %get3A_512, %add3A_515 : vector<16xi32>
    %swap3A_517 = arith.constant 0 : i32
    %swap3A_518 = arith.index_cast %swap3A_517 : i32 to index
    %swap3A_519 = arith.constant 0 : index
    %swap3A_520 = tpu.vector_load %arg10[%swap3A_518, %swap3A_519] {strides = array<i32>} : memref<2x128xi32, #tpu.memory_space<vmem>>, vector<16xi32>,
    tpu.vector_store %arg10[%swap3A_518, %swap3A_519], %add3A_516 {strides = array<i32>} : memref<2x128xi32, #tpu.memory_space<vmem>>, vector<16xi32>,
    %get3A_521 = arith.constant 16 : index
    %get3A_522 = tpu.vector_load %arg9[%get3A_521] {strides = array<i32>} : memref<256xi32, #tpu.memory_space<vmem>>, vector<16xi32>,
    %mul3A_523 = arith.constant 8832 : i32
    %mul3A_524 = arith.muli %select_n3A_501, %mul3A_523 : i32
    %add3A_525 = vector.broadcast %mul3A_524 : i32 to vector<16xi32>
    %add3A_526 = arith.addi %get3A_522, %add3A_525 : vector<16xi32>
    %swap3A_527 = arith.constant 0 : i32
    %swap3A_528 = arith.index_cast %swap3A_527 : i32 to index
    %swap3A_529 = arith.constant 16 : index
    %swap3A_530 = tpu.vector_load %arg10[%swap3A_528, %swap3A_529] {strides = array<i32>} : memref<2x128xi32, #tpu.memory_space<vmem>>, vector<16xi32>,
    tpu.vector_store %arg10[%swap3A_528, %swap3A_529], %add3A_526 {strides = array<i32>} : memref<2x128xi32, #tpu.memory_space<vmem>>, vector<16xi32>,
    %get3A_531 = arith.constant 32 : index
    %get3A_532 = tpu.vector_load %arg9[%get3A_531] {strides = array<i32>} : memref<256xi32, #tpu.memory_space<vmem>>, vector<16xi32>,
    %mul3A_533 = arith.constant 8832 : i32
    %mul3A_534 = arith.muli %select_n3A_501, %mul3A_533 : i32
    %add3A_535 = vector.broadcast %mul3A_534 : i32 to vector<16xi32>
    %add3A_536 = arith.addi %get3A_532, %add3A_535 : vector<16xi32>
    %swap3A_537 = arith.constant 0 : i32
    %swap3A_538 = arith.index_cast %swap3A_537 : i32 to index
    %swap3A_539 = arith.constant 32 : index
    %swap3A_540 = tpu.vector_load %arg10[%swap3A_538, %swap3A_539] {strides = array<i32>} : memref<2x128xi32, #tpu.memory_space<vmem>>, vector<16xi32>,
    tpu.vector_store %arg10[%swap3A_538, %swap3A_539], %add3A_536 {strides = array<i32>} : memref<2x128xi32, #tpu.memory_space<vmem>>, vector<16xi32>,
    %get3A_541 = arith.constant 48 : index
    %get3A_542 = tpu.vector_load %arg9[%get3A_541] {strides = array<i32>} : memref<256xi32, #tpu.memory_space<vmem>>, vector<16xi32>,
    %mul3A_543 = arith.constant 8832 : i32
    %mul3A_544 = arith.muli %select_n3A_501, %mul3A_543 : i32
    %add3A_545 = vector.broadcast %mul3A_544 : i32 to vector<16xi32>
    %add3A_546 = arith.addi %get3A_542, %add3A_545 : vector<16xi32>
    %swap3A_547 = arith.constant 0 : i32
    %swap3A_548 = arith.index_cast %swap3A_547 : i32 to index
    %swap3A_549 = arith.constant 48 : index
    %swap3A_550 = tpu.vector_load %arg10[%swap3A_548, %swap3A_549] {strides = array<i32>} : memref<2x128xi32, #tpu.memory_space<vmem>>, vector<16xi32>,
    tpu.vector_store %arg10[%swap3A_548, %swap3A_549], %add3A_546 {strides = array<i32>} : memref<2x128xi32, #tpu.memory_space<vmem>>, vector<16xi32>,
    %get3A_551 = arith.constant 64 : index
    %get3A_552 = tpu.vector_load %arg9[%get3A_551] {strides = array<i32>} : memref<256xi32, #tpu.memory_space<vmem>>, vector<16xi32>,
    %mul3A_553 = arith.constant 8832 : i32
    %mul3A_554 = arith.muli %select_n3A_501, %mul3A_553 : i32
    %add3A_555 = vector.broadcast %mul3A_554 : i32 to vector<16xi32>
    %add3A_556 = arith.addi %get3A_552, %add3A_555 : vector<16xi32>
    %swap3A_557 = arith.constant 0 : i32
    %swap3A_558 = arith.index_cast %swap3A_557 : i32 to index
    %swap3A_559 = arith.constant 64 : index
    %swap3A_560 = tpu.vector_load %arg10[%swap3A_558, %swap3A_559] {strides = array<i32>} : memref<2x128xi32, #tpu.memory_space<vmem>>, vector<16xi32>,
    tpu.vector_store %arg10[%swap3A_558, %swap3A_559], %add3A_556 {strides = array<i32>} : memref<2x128xi32, #tpu.memory_space<vmem>>, vector<16xi32>,
    %get3A_561 = arith.constant 80 : index
    %get3A_562 = tpu.vector_load %arg9[%get3A_561] {strides = array<i32>} : memref<256xi32, #tpu.memory_space<vmem>>, vector<16xi32>,
    %mul3A_563 = arith.constant 8832 : i32
    %mul3A_564 = arith.muli %select_n3A_501, %mul3A_563 : i32
    %add3A_565 = vector.broadcast %mul3A_564 : i32 to vector<16xi32>
    %add3A_566 = arith.addi %get3A_562, %add3A_565 : vector<16xi32>
    %swap3A_567 = arith.constant 0 : i32
    %swap3A_568 = arith.index_cast %swap3A_567 : i32 to index
    %swap3A_569 = arith.constant 80 : index
    %swap3A_570 = tpu.vector_load %arg10[%swap3A_568, %swap3A_569] {strides = array<i32>} : memref<2x128xi32, #tpu.memory_space<vmem>>, vector<16xi32>,
    tpu.vector_store %arg10[%swap3A_568, %swap3A_569], %add3A_566 {strides = array<i32>} : memref<2x128xi32, #tpu.memory_space<vmem>>, vector<16xi32>,
    %get3A_571 = arith.constant 96 : index
    %get3A_572 = tpu.vector_load %arg9[%get3A_571] {strides = array<i32>} : memref<256xi32, #tpu.memory_space<vmem>>, vector<16xi32>,
    %mul3A_573 = arith.constant 8832 : i32
    %mul3A_574 = arith.muli %select_n3A_501, %mul3A_573 : i32
    %add3A_575 = vector.broadcast %mul3A_574 : i32 to vector<16xi32>
    %add3A_576 = arith.addi %get3A_572, %add3A_575 : vector<16xi32>
    %swap3A_577 = arith.constant 0 : i32
    %swap3A_578 = arith.index_cast %swap3A_577 : i32 to index
    %swap3A_579 = arith.constant 96 : index
    %swap3A_580 = tpu.vector_load %arg10[%swap3A_578, %swap3A_579] {strides = array<i32>} : memref<2x128xi32, #tpu.memory_space<vmem>>, vector<16xi32>,
    tpu.vector_store %arg10[%swap3A_578, %swap3A_579], %add3A_576 {strides = array<i32>} : memref<2x128xi32, #tpu.memory_space<vmem>>, vector<16xi32>,
    %get3A_581 = arith.constant 112 : index
    %get3A_582 = tpu.vector_load %arg9[%get3A_581] {strides = array<i32>} : memref<256xi32, #tpu.memory_space<vmem>>, vector<16xi32>,
    %mul3A_583 = arith.constant 8832 : i32
    %mul3A_584 = arith.muli %select_n3A_501, %mul3A_583 : i32
    %add3A_585 = vector.broadcast %mul3A_584 : i32 to vector<16xi32>
    %add3A_586 = arith.addi %get3A_582, %add3A_585 : vector<16xi32>
    %swap3A_587 = arith.constant 0 : i32
    %swap3A_588 = arith.index_cast %swap3A_587 : i32 to index
    %swap3A_589 = arith.constant 112 : index
    %swap3A_590 = tpu.vector_load %arg10[%swap3A_588, %swap3A_589] {strides = array<i32>} : memref<2x128xi32, #tpu.memory_space<vmem>>, vector<16xi32>,
    tpu.vector_store %arg10[%swap3A_588, %swap3A_589], %add3A_586 {strides = array<i32>} : memref<2x128xi32, #tpu.memory_space<vmem>>, vector<16xi32>,
    %get3A_591 = arith.constant 128 : index
    %get3A_592 = tpu.vector_load %arg9[%get3A_591] {strides = array<i32>} : memref<256xi32, #tpu.memory_space<vmem>>, vector<16xi32>,
    %mul3A_593 = arith.constant 8832 : i32
    %mul3A_594 = arith.muli %select_n3A_501, %mul3A_593 : i32
    %add3A_595 = vector.broadcast %mul3A_594 : i32 to vector<16xi32>
    %add3A_596 = arith.addi %get3A_592, %add3A_595 : vector<16xi32>
    %swap3A_597 = arith.constant 1 : i32
    %swap3A_598 = arith.index_cast %swap3A_597 : i32 to index
    %swap3A_599 = arith.constant 0 : index
    %swap3A_600 = tpu.vector_load %arg10[%swap3A_598, %swap3A_599] {strides = array<i32>} : memref<2x128xi32, #tpu.memory_space<vmem>>, vector<16xi32>,
    tpu.vector_store %arg10[%swap3A_598, %swap3A_599], %add3A_596 {strides = array<i32>} : memref<2x128xi32, #tpu.memory_space<vmem>>, vector<16xi32>,
    %get3A_601 = arith.constant 144 : index
    %get3A_602 = tpu.vector_load %arg9[%get3A_601] {strides = array<i32>} : memref<256xi32, #tpu.memory_space<vmem>>, vector<16xi32>,
    %mul3A_603 = arith.constant 8832 : i32
    %mul3A_604 = arith.muli %select_n3A_501, %mul3A_603 : i32
    %add3A_605 = vector.broadcast %mul3A_604 : i32 to vector<16xi32>
    %add3A_606 = arith.addi %get3A_602, %add3A_605 : vector<16xi32>
    %swap3A_607 = arith.constant 1 : i32
    %swap3A_608 = arith.index_cast %swap3A_607 : i32 to index
    %swap3A_609 = arith.constant 16 : index
    %swap3A_610 = tpu.vector_load %arg10[%swap3A_608, %swap3A_609] {strides = array<i32>} : memref<2x128xi32, #tpu.memory_space<vmem>>, vector<16xi32>,
    tpu.vector_store %arg10[%swap3A_608, %swap3A_609], %add3A_606 {strides = array<i32>} : memref<2x128xi32, #tpu.memory_space<vmem>>, vector<16xi32>,
    %get3A_611 = arith.constant 160 : index
    %get3A_612 = tpu.vector_load %arg9[%get3A_611] {strides = array<i32>} : memref<256xi32, #tpu.memory_space<vmem>>, vector<16xi32>,
    %mul3A_613 = arith.constant 8832 : i32
    %mul3A_614 = arith.muli %select_n3A_501, %mul3A_613 : i32
    %add3A_615 = vector.broadcast %mul3A_614 : i32 to vector<16xi32>
    %add3A_616 = arith.addi %get3A_612, %add3A_615 : vector<16xi32>
    %swap3A_617 = arith.constant 1 : i32
    %swap3A_618 = arith.index_cast %swap3A_617 : i32 to index
    %swap3A_619 = arith.constant 32 : index
    %swap3A_620 = tpu.vector_load %arg10[%swap3A_618, %swap3A_619] {strides = array<i32>} : memref<2x128xi32, #tpu.memory_space<vmem>>, vector<16xi32>,
    tpu.vector_store %arg10[%swap3A_618, %swap3A_619], %add3A_616 {strides = array<i32>} : memref<2x128xi32, #tpu.memory_space<vmem>>, vector<16xi32>,
    %get3A_621 = arith.constant 176 : index
    %get3A_622 = tpu.vector_load %arg9[%get3A_621] {strides = array<i32>} : memref<256xi32, #tpu.memory_space<vmem>>, vector<16xi32>,
    %mul3A_623 = arith.constant 8832 : i32
    %mul3A_624 = arith.muli %select_n3A_501, %mul3A_623 : i32
    %add3A_625 = vector.broadcast %mul3A_624 : i32 to vector<16xi32>
    %add3A_626 = arith.addi %get3A_622, %add3A_625 : vector<16xi32>
    %swap3A_627 = arith.constant 1 : i32
    %swap3A_628 = arith.index_cast %swap3A_627 : i32 to index
    %swap3A_629 = arith.constant 48 : index
    %swap3A_630 = tpu.vector_load %arg10[%swap3A_628, %swap3A_629] {strides = array<i32>} : memref<2x128xi32, #tpu.memory_space<vmem>>, vector<16xi32>,
    tpu.vector_store %arg10[%swap3A_628, %swap3A_629], %add3A_626 {strides = array<i32>} : memref<2x128xi32, #tpu.memory_space<vmem>>, vector<16xi32>,
    %get3A_631 = arith.constant 192 : index
    %get3A_632 = tpu.vector_load %arg9[%get3A_631] {strides = array<i32>} : memref<256xi32, #tpu.memory_space<vmem>>, vector<16xi32>,
    %mul3A_633 = arith.constant 8832 : i32
    %mul3A_634 = arith.muli %select_n3A_501, %mul3A_633 : i32
    %add3A_635 = vector.broadcast %mul3A_634 : i32 to vector<16xi32>
    %add3A_636 = arith.addi %get3A_632, %add3A_635 : vector<16xi32>
    %swap3A_637 = arith.constant 1 : i32
    %swap3A_638 = arith.index_cast %swap3A_637 : i32 to index
    %swap3A_639 = arith.constant 64 : index
    %swap3A_640 = tpu.vector_load %arg10[%swap3A_638, %swap3A_639] {strides = array<i32>} : memref<2x128xi32, #tpu.memory_space<vmem>>, vector<16xi32>,
    tpu.vector_store %arg10[%swap3A_638, %swap3A_639], %add3A_636 {strides = array<i32>} : memref<2x128xi32, #tpu.memory_space<vmem>>, vector<16xi32>,
    %get3A_641 = arith.constant 208 : index
    %get3A_642 = tpu.vector_load %arg9[%get3A_641] {strides = array<i32>} : memref<256xi32, #tpu.memory_space<vmem>>, vector<16xi32>,
    %mul3A_643 = arith.constant 8832 : i32
    %mul3A_644 = arith.muli %select_n3A_501, %mul3A_643 : i32
    %add3A_645 = vector.broadcast %mul3A_644 : i32 to vector<16xi32>
    %add3A_646 = arith.addi %get3A_642, %add3A_645 : vector<16xi32>
    %swap3A_647 = arith.constant 1 : i32
    %swap3A_648 = arith.index_cast %swap3A_647 : i32 to index
    %swap3A_649 = arith.constant 80 : index
    %swap3A_650 = tpu.vector_load %arg10[%swap3A_648, %swap3A_649] {strides = array<i32>} : memref<2x128xi32, #tpu.memory_space<vmem>>, vector<16xi32>,
    tpu.vector_store %arg10[%swap3A_648, %swap3A_649], %add3A_646 {strides = array<i32>} : memref<2x128xi32, #tpu.memory_space<vmem>>, vector<16xi32>,
    %get3A_651 = arith.constant 224 : index
    %get3A_652 = tpu.vector_load %arg9[%get3A_651] {strides = array<i32>} : memref<256xi32, #tpu.memory_space<vmem>>, vector<16xi32>,
    %mul3A_653 = arith.constant 8832 : i32
    %mul3A_654 = arith.muli %select_n3A_501, %mul3A_653 : i32
    %add3A_655 = vector.broadcast %mul3A_654 : i32 to vector<16xi32>
    %add3A_656 = arith.addi %get3A_652, %add3A_655 : vector<16xi32>
    %swap3A_657 = arith.constant 1 : i32
    %swap3A_658 = arith.index_cast %swap3A_657 : i32 to index
    %swap3A_659 = arith.constant 96 : index
    %swap3A_660 = tpu.vector_load %arg10[%swap3A_658, %swap3A_659] {strides = array<i32>} : memref<2x128xi32, #tpu.memory_space<vmem>>, vector<16xi32>,
    tpu.vector_store %arg10[%swap3A_658, %swap3A_659], %add3A_656 {strides = array<i32>} : memref<2x128xi32, #tpu.memory_space<vmem>>, vector<16xi32>,
    %get3A_661 = arith.constant 240 : index
    %get3A_662 = tpu.vector_load %arg9[%get3A_661] {strides = array<i32>} : memref<256xi32, #tpu.memory_space<vmem>>, vector<16xi32>,
    %mul3A_663 = arith.constant 8832 : i32
    %mul3A_664 = arith.muli %select_n3A_501, %mul3A_663 : i32
    %add3A_665 = vector.broadcast %mul3A_664 : i32 to vector<16xi32>
    %add3A_666 = arith.addi %get3A_662, %add3A_665 : vector<16xi32>
    %swap3A_667 = arith.constant 1 : i32
    %swap3A_668 = arith.index_cast %swap3A_667 : i32 to index
    %swap3A_669 = arith.constant 112 : index
    %swap3A_670 = tpu.vector_load %arg10[%swap3A_668, %swap3A_669] {strides = array<i32>} : memref<2x128xi32, #tpu.memory_space<vmem>>, vector<16xi32>,
    tpu.vector_store %arg10[%swap3A_668, %swap3A_669], %add3A_666 {strides = array<i32>} : memref<2x128xi32, #tpu.memory_space<vmem>>, vector<16xi32>,
    %dma_start3A_671 = arith.constant 0 : i32
    %dma_start3A_672 = arith.constant 0 : i32
    %dma_start3A_673 = arith.constant 0 : i32
    %dma_start3A_674 = tpu.memref_slice %arg11[%dma_start3A_672, %dma_start3A_673] : memref<256x32xf32, #tpu.memory_space<vmem>> -> memref<128x32xf32, #tpu.memory_space<vmem>>
    %dma_start3A_675 = arith.constant 0 : i32
    %dma_start3A_676 = tpu.memref_slice %arg10[%dma_start3A_671, %dma_start3A_675] : memref<2x128xi32, #tpu.memory_space<vmem>> -> memref<1x128xi32, #tpu.memory_space<vmem>>
    %dma_start3A_677 = tpu.memref_squeeze %dma_start3A_676 : memref<1x128xi32, #tpu.memory_space<vmem>> -> memref<128xi32, #tpu.memory_space<vmem>>
    %dma_start3A_678 = arith.constant 0 : i32
    %dma_start3A_679 = arith.constant 0 : i32
    %dma_start3A_680 = tpu.memref_slice %arg3[%dma_start3A_678, %dma_start3A_679] : memref<70656x32xf32, #tpu.memory_space<hbm>> -> memref<70656x32xf32, #tpu.memory_space<hbm>>
    tpu.enqueue_indirect_dma source(%dma_start3A_680 : memref<70656x32xf32, #tpu.memory_space<hbm>>) target(%dma_start3A_674 : memref<128x32xf32, #tpu.memory_space<vmem>>) offsets(%dma_start3A_677 : memref<128xi32, #tpu.memory_space<vmem>>) semaphore(%arg12 : memref<!tpu.dma_semaphore, #tpu.memory_space<semaphore_mem>>)
    %dma_wait3A_681 = arith.constant 0 : i32
    %dma_wait3A_682 = arith.constant 0 : i32
    %dma_wait3A_683 = arith.constant 0 : i32
    %dma_wait3A_684 = tpu.memref_slice %arg11[%dma_wait3A_682, %dma_wait3A_683] : memref<256x32xf32, #tpu.memory_space<vmem>> -> memref<128x32xf32, #tpu.memory_space<vmem>>
    %dma_wait3A_685 = arith.constant 0 : i32
    %dma_wait3A_686 = tpu.memref_slice %arg10[%dma_wait3A_681, %dma_wait3A_685] : memref<2x128xi32, #tpu.memory_space<vmem>> -> memref<1x128xi32, #tpu.memory_space<vmem>>
    %dma_wait3A_687 = tpu.memref_squeeze %dma_wait3A_686 : memref<1x128xi32, #tpu.memory_space<vmem>> -> memref<128xi32, #tpu.memory_space<vmem>>
    %dma_wait3A_688 = arith.constant 0 : i32
    %dma_wait3A_689 = arith.constant 0 : i32
    %dma_wait3A_690 = tpu.memref_slice %arg3[%dma_wait3A_688, %dma_wait3A_689] : memref<70656x32xf32, #tpu.memory_space<hbm>> -> memref<70656x32xf32, #tpu.memory_space<hbm>>
    tpu.wait_indirect_dma semaphore(%arg12 : memref<!tpu.dma_semaphore, #tpu.memory_space<semaphore_mem>>) src(%dma_wait3A_690 : memref<70656x32xf32, #tpu.memory_space<hbm>>) dst(%dma_wait3A_684 : memref<128x32xf32, #tpu.memory_space<vmem>>)
    %dma_start3A_691 = arith.constant 1 : i32
    %dma_start3A_692 = arith.constant 128 : i32
    %dma_start3A_693 = arith.constant 0 : i32
    %dma_start3A_694 = tpu.memref_slice %arg11[%dma_start3A_692, %dma_start3A_693] : memref<256x32xf32, #tpu.memory_space<vmem>> -> memref<128x32xf32, #tpu.memory_space<vmem>>
    %dma_start3A_695 = arith.constant 0 : i32
    %dma_start3A_696 = tpu.memref_slice %arg10[%dma_start3A_691, %dma_start3A_695] : memref<2x128xi32, #tpu.memory_space<vmem>> -> memref<1x128xi32, #tpu.memory_space<vmem>>
    %dma_start3A_697 = tpu.memref_squeeze %dma_start3A_696 : memref<1x128xi32, #tpu.memory_space<vmem>> -> memref<128xi32, #tpu.memory_space<vmem>>
    %dma_start3A_698 = arith.constant 0 : i32
    %dma_start3A_699 = arith.constant 0 : i32
    %dma_start3A_700 = tpu.memref_slice %arg3[%dma_start3A_698, %dma_start3A_699] : memref<70656x32xf32, #tpu.memory_space<hbm>> -> memref<70656x32xf32, #tpu.memory_space<hbm>>
    tpu.enqueue_indirect_dma source(%dma_start3A_700 : memref<70656x32xf32, #tpu.memory_space<hbm>>) target(%dma_start3A_694 : memref<128x32xf32, #tpu.memory_space<vmem>>) offsets(%dma_start3A_697 : memref<128xi32, #tpu.memory_space<vmem>>) semaphore(%arg12 : memref<!tpu.dma_semaphore, #tpu.memory_space<semaphore_mem>>)
    %dma_wait3A_701 = arith.constant 1 : i32
    %dma_wait3A_702 = arith.constant 128 : i32
    %dma_wait3A_703 = arith.constant 0 : i32
    %dma_wait3A_704 = tpu.memref_slice %arg11[%dma_wait3A_702, %dma_wait3A_703] : memref<256x32xf32, #tpu.memory_space<vmem>> -> memref<128x32xf32, #tpu.memory_space<vmem>>
    %dma_wait3A_705 = arith.constant 0 : i32
    %dma_wait3A_706 = tpu.memref_slice %arg10[%dma_wait3A_701, %dma_wait3A_705] : memref<2x128xi32, #tpu.memory_space<vmem>> -> memref<1x128xi32, #tpu.memory_space<vmem>>
    %dma_wait3A_707 = tpu.memref_squeeze %dma_wait3A_706 : memref<1x128xi32, #tpu.memory_space<vmem>> -> memref<128xi32, #tpu.memory_space<vmem>>
    %dma_wait3A_708 = arith.constant 0 : i32
    %dma_wait3A_709 = arith.constant 0 : i32
    %dma_wait3A_710 = tpu.memref_slice %arg3[%dma_wait3A_708, %dma_wait3A_709] : memref<70656x32xf32, #tpu.memory_space<hbm>> -> memref<70656x32xf32, #tpu.memory_space<hbm>>
    tpu.wait_indirect_dma semaphore(%arg12 : memref<!tpu.dma_semaphore, #tpu.memory_space<semaphore_mem>>) src(%dma_wait3A_710 : memref<70656x32xf32, #tpu.memory_space<hbm>>) dst(%dma_wait3A_704 : memref<128x32xf32, #tpu.memory_space<vmem>>)
    %mul3A_711 = arith.constant 256 : i32
    %mul3A_712 = arith.muli %add3A_477, %mul3A_711 : i32
    "tpu.region"() ({
      %run_scoped3A = tpu.sem_alloc : memref<!tpu.dma_semaphore, #tpu.memory_space<semaphore_mem>>
      %dma_start3A_960 = tpu.memref_slice %arg4[%mul3A_712] : memref<32768xf32, #tpu.memory_space<hbm>> -> memref<256xf32, #tpu.memory_space<hbm>>
      %dma_start3A_961 = tpu.memref_slice %arg4[%mul3A_712] : memref<32768xf32, #tpu.memory_space<hbm>> -> memref<256xf32, #tpu.memory_space<hbm>>
      tpu.enqueue_dma source(%arg8 : memref<256xf32, #tpu.memory_space<vmem>>) target(%dma_start3A_961 : memref<256xf32, #tpu.memory_space<hbm>>) target_semaphore(%run_scoped3A : memref<!tpu.dma_semaphore, #tpu.memory_space<semaphore_mem>>)
      %dma_wait3A_962 = tpu.memref_slice %arg4[%mul3A_712] : memref<32768xf32, #tpu.memory_space<hbm>> -> memref<256xf32, #tpu.memory_space<hbm>>
      %dma_wait3A_963 = tpu.memref_slice %arg4[%mul3A_712] : memref<32768xf32, #tpu.memory_space<hbm>> -> memref<256xf32, #tpu.memory_space<hbm>>
      tpu.wait_dma2 semaphore(%run_scoped3A : memref<!tpu.dma_semaphore, #tpu.memory_space<semaphore_mem>>) src(%arg8 : memref<256xf32, #tpu.memory_space<vmem>>) dst(%dma_wait3A_963 : memref<256xf32, #tpu.memory_space<hbm>>)
      tpu.yield
    }) : () -> ()
    %mul3A_713 = arith.constant 256 : i32
    %mul3A_714 = arith.muli %add3A_477, %mul3A_713 : i32
    "tpu.region"() ({
      %run_scoped3A = tpu.sem_alloc : memref<!tpu.dma_semaphore, #tpu.memory_space<semaphore_mem>>
      %dma_start3A_960 = tpu.memref_slice %arg5[%mul3A_714] : memref<32768xi32, #tpu.memory_space<hbm>> -> memref<256xi32, #tpu.memory_space<hbm>>
      %dma_start3A_961 = tpu.memref_slice %arg5[%mul3A_714] : memref<32768xi32, #tpu.memory_space<hbm>> -> memref<256xi32, #tpu.memory_space<hbm>>
      tpu.enqueue_dma source(%arg9 : memref<256xi32, #tpu.memory_space<vmem>>) target(%dma_start3A_961 : memref<256xi32, #tpu.memory_space<hbm>>) target_semaphore(%run_scoped3A : memref<!tpu.dma_semaphore, #tpu.memory_space<semaphore_mem>>)
      %dma_wait3A_962 = tpu.memref_slice %arg5[%mul3A_714] : memref<32768xi32, #tpu.memory_space<hbm>> -> memref<256xi32, #tpu.memory_space<hbm>>
      %dma_wait3A_963 = tpu.memref_slice %arg5[%mul3A_714] : memref<32768xi32, #tpu.memory_space<hbm>> -> memref<256xi32, #tpu.memory_space<hbm>>
      tpu.wait_dma2 semaphore(%run_scoped3A : memref<!tpu.dma_semaphore, #tpu.memory_space<semaphore_mem>>) src(%arg9 : memref<256xi32, #tpu.memory_space<vmem>>) dst(%dma_wait3A_963 : memref<256xi32, #tpu.memory_space<hbm>>)
      tpu.yield
    }) : () -> ()
    %mul3A_715 = arith.constant 256 : i32
    %mul3A_716 = arith.muli %add3A_477, %mul3A_715 : i32
    "tpu.region"() ({
      %run_scoped3A = tpu.sem_alloc : memref<!tpu.dma_semaphore, #tpu.memory_space<semaphore_mem>>
      %dma_start3A_960 = arith.constant 0 : i32
      %dma_start3A_961 = tpu.memref_slice %arg6[%mul3A_716, %dma_start3A_960] : memref<32768x32xf32, #tpu.memory_space<hbm>> -> memref<256x32xf32, #tpu.memory_space<hbm>>
      %dma_start3A_962 = arith.constant 0 : i32
      %dma_start3A_963 = tpu.memref_slice %arg6[%mul3A_716, %dma_start3A_962] : memref<32768x32xf32, #tpu.memory_space<hbm>> -> memref<256x32xf32, #tpu.memory_space<hbm>>
      tpu.enqueue_dma source(%arg11 : memref<256x32xf32, #tpu.memory_space<vmem>>) target(%dma_start3A_963 : memref<256x32xf32, #tpu.memory_space<hbm>>) target_semaphore(%run_scoped3A : memref<!tpu.dma_semaphore, #tpu.memory_space<semaphore_mem>>)
      %dma_wait3A_964 = arith.constant 0 : i32
      %dma_wait3A_965 = tpu.memref_slice %arg6[%mul3A_716, %dma_wait3A_964] : memref<32768x32xf32, #tpu.memory_space<hbm>> -> memref<256x32xf32, #tpu.memory_space<hbm>>
      %dma_wait3A_966 = arith.constant 0 : i32
      %dma_wait3A_967 = tpu.memref_slice %arg6[%mul3A_716, %dma_wait3A_966] : memref<32768x32xf32, #tpu.memory_space<hbm>> -> memref<256x32xf32, #tpu.memory_space<hbm>>
      tpu.wait_dma2 semaphore(%run_scoped3A : memref<!tpu.dma_semaphore, #tpu.memory_space<semaphore_mem>>) src(%arg11 : memref<256x32xf32, #tpu.memory_space<vmem>>) dst(%dma_wait3A_967 : memref<256x32xf32, #tpu.memory_space<hbm>>)
      tpu.yield
    }) : () -> ()
    %mul3A_717 = arith.constant 4 : i32
    %mul3A_718 = arith.muli %add3A, %mul3A_717 : i32
    %add3A_719 = arith.constant 3 : i32
    %add3A_720 = arith.addi %mul3A_718, %add3A_719 : i32
    %jit3A_721 = arith.constant 16 : i32
    %div3A_722 = arith.divsi %add3A_720, %jit3A_721 : i32
    %sign3A_723 = arith.constant 0 : i32
    %sign3A_724 = arith.cmpi sgt, %add3A_720, %sign3A_723 : i32
    %sign3A_725 = arith.extui %sign3A_724 : i1 to i32
    %sign3A_726 = arith.constant 0 : i32
    %sign3A_727 = arith.cmpi slt, %add3A_720, %sign3A_726 : i32
    %sign3A_728 = arith.extui %sign3A_727 : i1 to i32
    %sign3A_729 = arith.subi %sign3A_725, %sign3A_728 : i32
    %sign3A_730 = arith.constant 0 : i32
    %sign3A_731 = arith.cmpi sgt, %jit3A_721, %sign3A_730 : i32
    %sign3A_732 = arith.extui %sign3A_731 : i1 to i32
    %sign3A_733 = arith.constant 0 : i32
    %sign3A_734 = arith.cmpi slt, %jit3A_721, %sign3A_733 : i32
    %sign3A_735 = arith.extui %sign3A_734 : i1 to i32
    %sign3A_736 = arith.subi %sign3A_732, %sign3A_735 : i32
    %ne3A_737 = arith.cmpi ne, %sign3A_729, %sign3A_736 : i32
    %rem3A_738 = arith.remsi %add3A_720, %jit3A_721 : i32
    %ne3A_739 = arith.constant 0 : i32
    %ne3A_740 = arith.cmpi ne, %rem3A_738, %ne3A_739 : i32
    %and3A_741 = arith.andi %ne3A_737, %ne3A_740 : i1
    %sub3A_742 = arith.constant 1 : i32
    %sub3A_743 = arith.subi %div3A_722, %sub3A_742 : i32
    %select_n3A_744 = arith.select %and3A_741, %sub3A_743, %div3A_722 : i32
    %mul3A_745 = arith.constant 8832 : i32
    %mul3A_746 = arith.muli %add3A_720, %mul3A_745 : i32
    "tpu.region"() ({
      %run_scoped3A = tpu.sem_alloc : memref<!tpu.dma_semaphore, #tpu.memory_space<semaphore_mem>>
      %dma_start3A_960 = tpu.memref_slice %arg2[%mul3A_746] : memref<1130496xf32, #tpu.memory_space<hbm>> -> memref<8832xf32, #tpu.memory_space<hbm>>
      %dma_start3A_961 = tpu.memref_slice %arg2[%mul3A_746] : memref<1130496xf32, #tpu.memory_space<hbm>> -> memref<8832xf32, #tpu.memory_space<hbm>>
      tpu.enqueue_dma source(%dma_start3A_961 : memref<8832xf32, #tpu.memory_space<hbm>>) target(%arg7 : memref<8832xf32, #tpu.memory_space<vmem>>) target_semaphore(%run_scoped3A : memref<!tpu.dma_semaphore, #tpu.memory_space<semaphore_mem>>)
      %dma_wait3A_962 = tpu.memref_slice %arg2[%mul3A_746] : memref<1130496xf32, #tpu.memory_space<hbm>> -> memref<8832xf32, #tpu.memory_space<hbm>>
      %dma_wait3A_963 = tpu.memref_slice %arg2[%mul3A_746] : memref<1130496xf32, #tpu.memory_space<hbm>> -> memref<8832xf32, #tpu.memory_space<hbm>>
      tpu.wait_dma2 semaphore(%run_scoped3A : memref<!tpu.dma_semaphore, #tpu.memory_space<semaphore_mem>>) src(%dma_wait3A_963 : memref<8832xf32, #tpu.memory_space<hbm>>) dst(%arg7 : memref<8832xf32, #tpu.memory_space<vmem>>)
      tpu.yield
    }) : () -> ()
    %scan3A_747 = arith.constant 0 : i32
    %scan3A_748 = arith.constant 0 : i32
    %scan3A_749 = arith.constant 552 : i32
    %scan3A_750 = arith.addi %scan3A_748, %scan3A_749 : i32
    %scan3A_751 = arith.constant 1 : i32
    %scan3A_752 = scf.for %scan3A_960 = %scan3A_748 to %scan3A_750 step %scan3A_751 iter_args(%scan3A_961 = %scan3A_747) -> (i32)  : i32 {
      %mul3A_962 = arith.constant 16 : i32
      %mul3A_963 = arith.muli %scan3A_960, %mul3A_962 : i32
      %get3A_964 = arith.index_cast %mul3A_963 : i32 to index
      %get3A_965 = tpu.vector_load %arg7[%get3A_964] {strides = array<i32>} : memref<8832xf32, #tpu.memory_space<vmem>>, vector<16xf32>,
      %ge3A = arith.constant 0.000000e+00 : f32
      %ge3A_966 = vector.broadcast %ge3A : f32 to vector<16xf32>
      %ge3A_967 = arith.cmpf oge, %get3A_965, %ge3A_966 : vector<16xf32>
      %convert_element_type3A = arith.extui %ge3A_967 : vector<16xi1> to vector<16xi32>
      %cumsum3A = arith.constant true
      %cumsum3A_968 = vector.broadcast %cumsum3A : i1 to vector<16xi1>
      %cumsum3A_969 = tpu.scan <sum>, %convert_element_type3A masked %cumsum3A_968 : vector<16xi32>, vector<16xi1> -> vector<16xi32>
      %sub3A_970 = arith.constant 1 : i32
      %sub3A_971 = arith.subi %scan3A_961, %sub3A_970 : i32
      %add3A_972 = vector.broadcast %sub3A_971 : i32 to vector<16xi32>
      %add3A_973 = arith.addi %add3A_972, %cumsum3A_969 : vector<16xi32>
      tpu.vector_store_idx %arg8[%add3A_973], %get3A_965 masked %ge3A_967 : memref<256xf32, #tpu.memory_space<vmem>>[vector<16xi32>], vector<16xf32>, vector<16xi1>
      %mul3A_974 = arith.constant 16 : i32
      %mul3A_975 = arith.muli %scan3A_960, %mul3A_974 : i32
      %add3A_976 = vector.broadcast %mul3A_975 : i32 to vector<16xi32>
      %add3A_977 = arith.addi %iota3A, %add3A_976 : vector<16xi32>
      tpu.vector_store_idx %arg9[%add3A_973], %add3A_977 masked %ge3A_967 : memref<256xi32, #tpu.memory_space<vmem>>[vector<16xi32>], vector<16xi32>, vector<16xi1>
      %reduce_sum3A = arith.constant true
      %reduce_sum3A_978 = vector.broadcast %reduce_sum3A : i1 to vector<16xi1>
      %reduce_sum3A_979 = tpu.scan <sum>, %convert_element_type3A masked %reduce_sum3A_978 : vector<16xi32>, vector<16xi1> -> vector<16xi32>
      %reduce_sum3A_980 = vector.extract %reduce_sum3A_979[15] : i32 from vector<16xi32>
      %add3A_981 = arith.addi %scan3A_961, %reduce_sum3A_980 : i32
      scf.yield %add3A_981 : i32
    }
    %scan3A_753 = arith.constant 552 : i32
    %get3A_754 = arith.constant 0 : index
    %get3A_755 = tpu.vector_load %arg9[%get3A_754] {strides = array<i32>} : memref<256xi32, #tpu.memory_space<vmem>>, vector<16xi32>,
    %mul3A_756 = arith.constant 8832 : i32
    %mul3A_757 = arith.muli %select_n3A_744, %mul3A_756 : i32
    %add3A_758 = vector.broadcast %mul3A_757 : i32 to vector<16xi32>
    %add3A_759 = arith.addi %get3A_755, %add3A_758 : vector<16xi32>
    %swap3A_760 = arith.constant 0 : i32
    %swap3A_761 = arith.index_cast %swap3A_760 : i32 to index
    %swap3A_762 = arith.constant 0 : index
    %swap3A_763 = tpu.vector_load %arg10[%swap3A_761, %swap3A_762] {strides = array<i32>} : memref<2x128xi32, #tpu.memory_space<vmem>>, vector<16xi32>,
    tpu.vector_store %arg10[%swap3A_761, %swap3A_762], %add3A_759 {strides = array<i32>} : memref<2x128xi32, #tpu.memory_space<vmem>>, vector<16xi32>,
    %get3A_764 = arith.constant 16 : index
    %get3A_765 = tpu.vector_load %arg9[%get3A_764] {strides = array<i32>} : memref<256xi32, #tpu.memory_space<vmem>>, vector<16xi32>,
    %mul3A_766 = arith.constant 8832 : i32
    %mul3A_767 = arith.muli %select_n3A_744, %mul3A_766 : i32
    %add3A_768 = vector.broadcast %mul3A_767 : i32 to vector<16xi32>
    %add3A_769 = arith.addi %get3A_765, %add3A_768 : vector<16xi32>
    %swap3A_770 = arith.constant 0 : i32
    %swap3A_771 = arith.index_cast %swap3A_770 : i32 to index
    %swap3A_772 = arith.constant 16 : index
    %swap3A_773 = tpu.vector_load %arg10[%swap3A_771, %swap3A_772] {strides = array<i32>} : memref<2x128xi32, #tpu.memory_space<vmem>>, vector<16xi32>,
    tpu.vector_store %arg10[%swap3A_771, %swap3A_772], %add3A_769 {strides = array<i32>} : memref<2x128xi32, #tpu.memory_space<vmem>>, vector<16xi32>,
    %get3A_774 = arith.constant 32 : index
    %get3A_775 = tpu.vector_load %arg9[%get3A_774] {strides = array<i32>} : memref<256xi32, #tpu.memory_space<vmem>>, vector<16xi32>,
    %mul3A_776 = arith.constant 8832 : i32
    %mul3A_777 = arith.muli %select_n3A_744, %mul3A_776 : i32
    %add3A_778 = vector.broadcast %mul3A_777 : i32 to vector<16xi32>
    %add3A_779 = arith.addi %get3A_775, %add3A_778 : vector<16xi32>
    %swap3A_780 = arith.constant 0 : i32
    %swap3A_781 = arith.index_cast %swap3A_780 : i32 to index
    %swap3A_782 = arith.constant 32 : index
    %swap3A_783 = tpu.vector_load %arg10[%swap3A_781, %swap3A_782] {strides = array<i32>} : memref<2x128xi32, #tpu.memory_space<vmem>>, vector<16xi32>,
    tpu.vector_store %arg10[%swap3A_781, %swap3A_782], %add3A_779 {strides = array<i32>} : memref<2x128xi32, #tpu.memory_space<vmem>>, vector<16xi32>,
    %get3A_784 = arith.constant 48 : index
    %get3A_785 = tpu.vector_load %arg9[%get3A_784] {strides = array<i32>} : memref<256xi32, #tpu.memory_space<vmem>>, vector<16xi32>,
    %mul3A_786 = arith.constant 8832 : i32
    %mul3A_787 = arith.muli %select_n3A_744, %mul3A_786 : i32
    %add3A_788 = vector.broadcast %mul3A_787 : i32 to vector<16xi32>
    %add3A_789 = arith.addi %get3A_785, %add3A_788 : vector<16xi32>
    %swap3A_790 = arith.constant 0 : i32
    %swap3A_791 = arith.index_cast %swap3A_790 : i32 to index
    %swap3A_792 = arith.constant 48 : index
    %swap3A_793 = tpu.vector_load %arg10[%swap3A_791, %swap3A_792] {strides = array<i32>} : memref<2x128xi32, #tpu.memory_space<vmem>>, vector<16xi32>,
    tpu.vector_store %arg10[%swap3A_791, %swap3A_792], %add3A_789 {strides = array<i32>} : memref<2x128xi32, #tpu.memory_space<vmem>>, vector<16xi32>,
    %get3A_794 = arith.constant 64 : index
    %get3A_795 = tpu.vector_load %arg9[%get3A_794] {strides = array<i32>} : memref<256xi32, #tpu.memory_space<vmem>>, vector<16xi32>,
    %mul3A_796 = arith.constant 8832 : i32
    %mul3A_797 = arith.muli %select_n3A_744, %mul3A_796 : i32
    %add3A_798 = vector.broadcast %mul3A_797 : i32 to vector<16xi32>
    %add3A_799 = arith.addi %get3A_795, %add3A_798 : vector<16xi32>
    %swap3A_800 = arith.constant 0 : i32
    %swap3A_801 = arith.index_cast %swap3A_800 : i32 to index
    %swap3A_802 = arith.constant 64 : index
    %swap3A_803 = tpu.vector_load %arg10[%swap3A_801, %swap3A_802] {strides = array<i32>} : memref<2x128xi32, #tpu.memory_space<vmem>>, vector<16xi32>,
    tpu.vector_store %arg10[%swap3A_801, %swap3A_802], %add3A_799 {strides = array<i32>} : memref<2x128xi32, #tpu.memory_space<vmem>>, vector<16xi32>,
    %get3A_804 = arith.constant 80 : index
    %get3A_805 = tpu.vector_load %arg9[%get3A_804] {strides = array<i32>} : memref<256xi32, #tpu.memory_space<vmem>>, vector<16xi32>,
    %mul3A_806 = arith.constant 8832 : i32
    %mul3A_807 = arith.muli %select_n3A_744, %mul3A_806 : i32
    %add3A_808 = vector.broadcast %mul3A_807 : i32 to vector<16xi32>
    %add3A_809 = arith.addi %get3A_805, %add3A_808 : vector<16xi32>
    %swap3A_810 = arith.constant 0 : i32
    %swap3A_811 = arith.index_cast %swap3A_810 : i32 to index
    %swap3A_812 = arith.constant 80 : index
    %swap3A_813 = tpu.vector_load %arg10[%swap3A_811, %swap3A_812] {strides = array<i32>} : memref<2x128xi32, #tpu.memory_space<vmem>>, vector<16xi32>,
    tpu.vector_store %arg10[%swap3A_811, %swap3A_812], %add3A_809 {strides = array<i32>} : memref<2x128xi32, #tpu.memory_space<vmem>>, vector<16xi32>,
    %get3A_814 = arith.constant 96 : index
    %get3A_815 = tpu.vector_load %arg9[%get3A_814] {strides = array<i32>} : memref<256xi32, #tpu.memory_space<vmem>>, vector<16xi32>,
    %mul3A_816 = arith.constant 8832 : i32
    %mul3A_817 = arith.muli %select_n3A_744, %mul3A_816 : i32
    %add3A_818 = vector.broadcast %mul3A_817 : i32 to vector<16xi32>
    %add3A_819 = arith.addi %get3A_815, %add3A_818 : vector<16xi32>
    %swap3A_820 = arith.constant 0 : i32
    %swap3A_821 = arith.index_cast %swap3A_820 : i32 to index
    %swap3A_822 = arith.constant 96 : index
    %swap3A_823 = tpu.vector_load %arg10[%swap3A_821, %swap3A_822] {strides = array<i32>} : memref<2x128xi32, #tpu.memory_space<vmem>>, vector<16xi32>,
    tpu.vector_store %arg10[%swap3A_821, %swap3A_822], %add3A_819 {strides = array<i32>} : memref<2x128xi32, #tpu.memory_space<vmem>>, vector<16xi32>,
    %get3A_824 = arith.constant 112 : index
    %get3A_825 = tpu.vector_load %arg9[%get3A_824] {strides = array<i32>} : memref<256xi32, #tpu.memory_space<vmem>>, vector<16xi32>,
    %mul3A_826 = arith.constant 8832 : i32
    %mul3A_827 = arith.muli %select_n3A_744, %mul3A_826 : i32
    %add3A_828 = vector.broadcast %mul3A_827 : i32 to vector<16xi32>
    %add3A_829 = arith.addi %get3A_825, %add3A_828 : vector<16xi32>
    %swap3A_830 = arith.constant 0 : i32
    %swap3A_831 = arith.index_cast %swap3A_830 : i32 to index
    %swap3A_832 = arith.constant 112 : index
    %swap3A_833 = tpu.vector_load %arg10[%swap3A_831, %swap3A_832] {strides = array<i32>} : memref<2x128xi32, #tpu.memory_space<vmem>>, vector<16xi32>,
    tpu.vector_store %arg10[%swap3A_831, %swap3A_832], %add3A_829 {strides = array<i32>} : memref<2x128xi32, #tpu.memory_space<vmem>>, vector<16xi32>,
    %get3A_834 = arith.constant 128 : index
    %get3A_835 = tpu.vector_load %arg9[%get3A_834] {strides = array<i32>} : memref<256xi32, #tpu.memory_space<vmem>>, vector<16xi32>,
    %mul3A_836 = arith.constant 8832 : i32
    %mul3A_837 = arith.muli %select_n3A_744, %mul3A_836 : i32
    %add3A_838 = vector.broadcast %mul3A_837 : i32 to vector<16xi32>
    %add3A_839 = arith.addi %get3A_835, %add3A_838 : vector<16xi32>
    %swap3A_840 = arith.constant 1 : i32
    %swap3A_841 = arith.index_cast %swap3A_840 : i32 to index
    %swap3A_842 = arith.constant 0 : index
    %swap3A_843 = tpu.vector_load %arg10[%swap3A_841, %swap3A_842] {strides = array<i32>} : memref<2x128xi32, #tpu.memory_space<vmem>>, vector<16xi32>,
    tpu.vector_store %arg10[%swap3A_841, %swap3A_842], %add3A_839 {strides = array<i32>} : memref<2x128xi32, #tpu.memory_space<vmem>>, vector<16xi32>,
    %get3A_844 = arith.constant 144 : index
    %get3A_845 = tpu.vector_load %arg9[%get3A_844] {strides = array<i32>} : memref<256xi32, #tpu.memory_space<vmem>>, vector<16xi32>,
    %mul3A_846 = arith.constant 8832 : i32
    %mul3A_847 = arith.muli %select_n3A_744, %mul3A_846 : i32
    %add3A_848 = vector.broadcast %mul3A_847 : i32 to vector<16xi32>
    %add3A_849 = arith.addi %get3A_845, %add3A_848 : vector<16xi32>
    %swap3A_850 = arith.constant 1 : i32
    %swap3A_851 = arith.index_cast %swap3A_850 : i32 to index
    %swap3A_852 = arith.constant 16 : index
    %swap3A_853 = tpu.vector_load %arg10[%swap3A_851, %swap3A_852] {strides = array<i32>} : memref<2x128xi32, #tpu.memory_space<vmem>>, vector<16xi32>,
    tpu.vector_store %arg10[%swap3A_851, %swap3A_852], %add3A_849 {strides = array<i32>} : memref<2x128xi32, #tpu.memory_space<vmem>>, vector<16xi32>,
    %get3A_854 = arith.constant 160 : index
    %get3A_855 = tpu.vector_load %arg9[%get3A_854] {strides = array<i32>} : memref<256xi32, #tpu.memory_space<vmem>>, vector<16xi32>,
    %mul3A_856 = arith.constant 8832 : i32
    %mul3A_857 = arith.muli %select_n3A_744, %mul3A_856 : i32
    %add3A_858 = vector.broadcast %mul3A_857 : i32 to vector<16xi32>
    %add3A_859 = arith.addi %get3A_855, %add3A_858 : vector<16xi32>
    %swap3A_860 = arith.constant 1 : i32
    %swap3A_861 = arith.index_cast %swap3A_860 : i32 to index
    %swap3A_862 = arith.constant 32 : index
    %swap3A_863 = tpu.vector_load %arg10[%swap3A_861, %swap3A_862] {strides = array<i32>} : memref<2x128xi32, #tpu.memory_space<vmem>>, vector<16xi32>,
    tpu.vector_store %arg10[%swap3A_861, %swap3A_862], %add3A_859 {strides = array<i32>} : memref<2x128xi32, #tpu.memory_space<vmem>>, vector<16xi32>,
    %get3A_864 = arith.constant 176 : index
    %get3A_865 = tpu.vector_load %arg9[%get3A_864] {strides = array<i32>} : memref<256xi32, #tpu.memory_space<vmem>>, vector<16xi32>,
    %mul3A_866 = arith.constant 8832 : i32
    %mul3A_867 = arith.muli %select_n3A_744, %mul3A_866 : i32
    %add3A_868 = vector.broadcast %mul3A_867 : i32 to vector<16xi32>
    %add3A_869 = arith.addi %get3A_865, %add3A_868 : vector<16xi32>
    %swap3A_870 = arith.constant 1 : i32
    %swap3A_871 = arith.index_cast %swap3A_870 : i32 to index
    %swap3A_872 = arith.constant 48 : index
    %swap3A_873 = tpu.vector_load %arg10[%swap3A_871, %swap3A_872] {strides = array<i32>} : memref<2x128xi32, #tpu.memory_space<vmem>>, vector<16xi32>,
    tpu.vector_store %arg10[%swap3A_871, %swap3A_872], %add3A_869 {strides = array<i32>} : memref<2x128xi32, #tpu.memory_space<vmem>>, vector<16xi32>,
    %get3A_874 = arith.constant 192 : index
    %get3A_875 = tpu.vector_load %arg9[%get3A_874] {strides = array<i32>} : memref<256xi32, #tpu.memory_space<vmem>>, vector<16xi32>,
    %mul3A_876 = arith.constant 8832 : i32
    %mul3A_877 = arith.muli %select_n3A_744, %mul3A_876 : i32
    %add3A_878 = vector.broadcast %mul3A_877 : i32 to vector<16xi32>
    %add3A_879 = arith.addi %get3A_875, %add3A_878 : vector<16xi32>
    %swap3A_880 = arith.constant 1 : i32
    %swap3A_881 = arith.index_cast %swap3A_880 : i32 to index
    %swap3A_882 = arith.constant 64 : index
    %swap3A_883 = tpu.vector_load %arg10[%swap3A_881, %swap3A_882] {strides = array<i32>} : memref<2x128xi32, #tpu.memory_space<vmem>>, vector<16xi32>,
    tpu.vector_store %arg10[%swap3A_881, %swap3A_882], %add3A_879 {strides = array<i32>} : memref<2x128xi32, #tpu.memory_space<vmem>>, vector<16xi32>,
    %get3A_884 = arith.constant 208 : index
    %get3A_885 = tpu.vector_load %arg9[%get3A_884] {strides = array<i32>} : memref<256xi32, #tpu.memory_space<vmem>>, vector<16xi32>,
    %mul3A_886 = arith.constant 8832 : i32
    %mul3A_887 = arith.muli %select_n3A_744, %mul3A_886 : i32
    %add3A_888 = vector.broadcast %mul3A_887 : i32 to vector<16xi32>
    %add3A_889 = arith.addi %get3A_885, %add3A_888 : vector<16xi32>
    %swap3A_890 = arith.constant 1 : i32
    %swap3A_891 = arith.index_cast %swap3A_890 : i32 to index
    %swap3A_892 = arith.constant 80 : index
    %swap3A_893 = tpu.vector_load %arg10[%swap3A_891, %swap3A_892] {strides = array<i32>} : memref<2x128xi32, #tpu.memory_space<vmem>>, vector<16xi32>,
    tpu.vector_store %arg10[%swap3A_891, %swap3A_892], %add3A_889 {strides = array<i32>} : memref<2x128xi32, #tpu.memory_space<vmem>>, vector<16xi32>,
    %get3A_894 = arith.constant 224 : index
    %get3A_895 = tpu.vector_load %arg9[%get3A_894] {strides = array<i32>} : memref<256xi32, #tpu.memory_space<vmem>>, vector<16xi32>,
    %mul3A_896 = arith.constant 8832 : i32
    %mul3A_897 = arith.muli %select_n3A_744, %mul3A_896 : i32
    %add3A_898 = vector.broadcast %mul3A_897 : i32 to vector<16xi32>
    %add3A_899 = arith.addi %get3A_895, %add3A_898 : vector<16xi32>
    %swap3A_900 = arith.constant 1 : i32
    %swap3A_901 = arith.index_cast %swap3A_900 : i32 to index
    %swap3A_902 = arith.constant 96 : index
    %swap3A_903 = tpu.vector_load %arg10[%swap3A_901, %swap3A_902] {strides = array<i32>} : memref<2x128xi32, #tpu.memory_space<vmem>>, vector<16xi32>,
    tpu.vector_store %arg10[%swap3A_901, %swap3A_902], %add3A_899 {strides = array<i32>} : memref<2x128xi32, #tpu.memory_space<vmem>>, vector<16xi32>,
    %get3A_904 = arith.constant 240 : index
    %get3A_905 = tpu.vector_load %arg9[%get3A_904] {strides = array<i32>} : memref<256xi32, #tpu.memory_space<vmem>>, vector<16xi32>,
    %mul3A_906 = arith.constant 8832 : i32
    %mul3A_907 = arith.muli %select_n3A_744, %mul3A_906 : i32
    %add3A_908 = vector.broadcast %mul3A_907 : i32 to vector<16xi32>
    %add3A_909 = arith.addi %get3A_905, %add3A_908 : vector<16xi32>
    %swap3A_910 = arith.constant 1 : i32
    %swap3A_911 = arith.index_cast %swap3A_910 : i32 to index
    %swap3A_912 = arith.constant 112 : index
    %swap3A_913 = tpu.vector_load %arg10[%swap3A_911, %swap3A_912] {strides = array<i32>} : memref<2x128xi32, #tpu.memory_space<vmem>>, vector<16xi32>,
    tpu.vector_store %arg10[%swap3A_911, %swap3A_912], %add3A_909 {strides = array<i32>} : memref<2x128xi32, #tpu.memory_space<vmem>>, vector<16xi32>,
    %dma_start3A_914 = arith.constant 0 : i32
    %dma_start3A_915 = arith.constant 0 : i32
    %dma_start3A_916 = arith.constant 0 : i32
    %dma_start3A_917 = tpu.memref_slice %arg11[%dma_start3A_915, %dma_start3A_916] : memref<256x32xf32, #tpu.memory_space<vmem>> -> memref<128x32xf32, #tpu.memory_space<vmem>>
    %dma_start3A_918 = arith.constant 0 : i32
    %dma_start3A_919 = tpu.memref_slice %arg10[%dma_start3A_914, %dma_start3A_918] : memref<2x128xi32, #tpu.memory_space<vmem>> -> memref<1x128xi32, #tpu.memory_space<vmem>>
    %dma_start3A_920 = tpu.memref_squeeze %dma_start3A_919 : memref<1x128xi32, #tpu.memory_space<vmem>> -> memref<128xi32, #tpu.memory_space<vmem>>
    %dma_start3A_921 = arith.constant 0 : i32
    %dma_start3A_922 = arith.constant 0 : i32
    %dma_start3A_923 = tpu.memref_slice %arg3[%dma_start3A_921, %dma_start3A_922] : memref<70656x32xf32, #tpu.memory_space<hbm>> -> memref<70656x32xf32, #tpu.memory_space<hbm>>
    tpu.enqueue_indirect_dma source(%dma_start3A_923 : memref<70656x32xf32, #tpu.memory_space<hbm>>) target(%dma_start3A_917 : memref<128x32xf32, #tpu.memory_space<vmem>>) offsets(%dma_start3A_920 : memref<128xi32, #tpu.memory_space<vmem>>) semaphore(%arg12 : memref<!tpu.dma_semaphore, #tpu.memory_space<semaphore_mem>>)
    %dma_wait3A_924 = arith.constant 0 : i32
    %dma_wait3A_925 = arith.constant 0 : i32
    %dma_wait3A_926 = arith.constant 0 : i32
    %dma_wait3A_927 = tpu.memref_slice %arg11[%dma_wait3A_925, %dma_wait3A_926] : memref<256x32xf32, #tpu.memory_space<vmem>> -> memref<128x32xf32, #tpu.memory_space<vmem>>
    %dma_wait3A_928 = arith.constant 0 : i32
    %dma_wait3A_929 = tpu.memref_slice %arg10[%dma_wait3A_924, %dma_wait3A_928] : memref<2x128xi32, #tpu.memory_space<vmem>> -> memref<1x128xi32, #tpu.memory_space<vmem>>
    %dma_wait3A_930 = tpu.memref_squeeze %dma_wait3A_929 : memref<1x128xi32, #tpu.memory_space<vmem>> -> memref<128xi32, #tpu.memory_space<vmem>>
    %dma_wait3A_931 = arith.constant 0 : i32
    %dma_wait3A_932 = arith.constant 0 : i32
    %dma_wait3A_933 = tpu.memref_slice %arg3[%dma_wait3A_931, %dma_wait3A_932] : memref<70656x32xf32, #tpu.memory_space<hbm>> -> memref<70656x32xf32, #tpu.memory_space<hbm>>
    tpu.wait_indirect_dma semaphore(%arg12 : memref<!tpu.dma_semaphore, #tpu.memory_space<semaphore_mem>>) src(%dma_wait3A_933 : memref<70656x32xf32, #tpu.memory_space<hbm>>) dst(%dma_wait3A_927 : memref<128x32xf32, #tpu.memory_space<vmem>>)
    %dma_start3A_934 = arith.constant 1 : i32
    %dma_start3A_935 = arith.constant 128 : i32
    %dma_start3A_936 = arith.constant 0 : i32
    %dma_start3A_937 = tpu.memref_slice %arg11[%dma_start3A_935, %dma_start3A_936] : memref<256x32xf32, #tpu.memory_space<vmem>> -> memref<128x32xf32, #tpu.memory_space<vmem>>
    %dma_start3A_938 = arith.constant 0 : i32
    %dma_start3A_939 = tpu.memref_slice %arg10[%dma_start3A_934, %dma_start3A_938] : memref<2x128xi32, #tpu.memory_space<vmem>> -> memref<1x128xi32, #tpu.memory_space<vmem>>
    %dma_start3A_940 = tpu.memref_squeeze %dma_start3A_939 : memref<1x128xi32, #tpu.memory_space<vmem>> -> memref<128xi32, #tpu.memory_space<vmem>>
    %dma_start3A_941 = arith.constant 0 : i32
    %dma_start3A_942 = arith.constant 0 : i32
    %dma_start3A_943 = tpu.memref_slice %arg3[%dma_start3A_941, %dma_start3A_942] : memref<70656x32xf32, #tpu.memory_space<hbm>> -> memref<70656x32xf32, #tpu.memory_space<hbm>>
    tpu.enqueue_indirect_dma source(%dma_start3A_943 : memref<70656x32xf32, #tpu.memory_space<hbm>>) target(%dma_start3A_937 : memref<128x32xf32, #tpu.memory_space<vmem>>) offsets(%dma_start3A_940 : memref<128xi32, #tpu.memory_space<vmem>>) semaphore(%arg12 : memref<!tpu.dma_semaphore, #tpu.memory_space<semaphore_mem>>)
    %dma_wait3A_944 = arith.constant 1 : i32
    %dma_wait3A_945 = arith.constant 128 : i32
    %dma_wait3A_946 = arith.constant 0 : i32
    %dma_wait3A_947 = tpu.memref_slice %arg11[%dma_wait3A_945, %dma_wait3A_946] : memref<256x32xf32, #tpu.memory_space<vmem>> -> memref<128x32xf32, #tpu.memory_space<vmem>>
    %dma_wait3A_948 = arith.constant 0 : i32
    %dma_wait3A_949 = tpu.memref_slice %arg10[%dma_wait3A_944, %dma_wait3A_948] : memref<2x128xi32, #tpu.memory_space<vmem>> -> memref<1x128xi32, #tpu.memory_space<vmem>>
    %dma_wait3A_950 = tpu.memref_squeeze %dma_wait3A_949 : memref<1x128xi32, #tpu.memory_space<vmem>> -> memref<128xi32, #tpu.memory_space<vmem>>
    %dma_wait3A_951 = arith.constant 0 : i32
    %dma_wait3A_952 = arith.constant 0 : i32
    %dma_wait3A_953 = tpu.memref_slice %arg3[%dma_wait3A_951, %dma_wait3A_952] : memref<70656x32xf32, #tpu.memory_space<hbm>> -> memref<70656x32xf32, #tpu.memory_space<hbm>>
    tpu.wait_indirect_dma semaphore(%arg12 : memref<!tpu.dma_semaphore, #tpu.memory_space<semaphore_mem>>) src(%dma_wait3A_953 : memref<70656x32xf32, #tpu.memory_space<hbm>>) dst(%dma_wait3A_947 : memref<128x32xf32, #tpu.memory_space<vmem>>)
    %mul3A_954 = arith.constant 256 : i32
    %mul3A_955 = arith.muli %add3A_720, %mul3A_954 : i32
    "tpu.region"() ({
      %run_scoped3A = tpu.sem_alloc : memref<!tpu.dma_semaphore, #tpu.memory_space<semaphore_mem>>
      %dma_start3A_960 = tpu.memref_slice %arg4[%mul3A_955] : memref<32768xf32, #tpu.memory_space<hbm>> -> memref<256xf32, #tpu.memory_space<hbm>>
      %dma_start3A_961 = tpu.memref_slice %arg4[%mul3A_955] : memref<32768xf32, #tpu.memory_space<hbm>> -> memref<256xf32, #tpu.memory_space<hbm>>
      tpu.enqueue_dma source(%arg8 : memref<256xf32, #tpu.memory_space<vmem>>) target(%dma_start3A_961 : memref<256xf32, #tpu.memory_space<hbm>>) target_semaphore(%run_scoped3A : memref<!tpu.dma_semaphore, #tpu.memory_space<semaphore_mem>>)
      %dma_wait3A_962 = tpu.memref_slice %arg4[%mul3A_955] : memref<32768xf32, #tpu.memory_space<hbm>> -> memref<256xf32, #tpu.memory_space<hbm>>
      %dma_wait3A_963 = tpu.memref_slice %arg4[%mul3A_955] : memref<32768xf32, #tpu.memory_space<hbm>> -> memref<256xf32, #tpu.memory_space<hbm>>
      tpu.wait_dma2 semaphore(%run_scoped3A : memref<!tpu.dma_semaphore, #tpu.memory_space<semaphore_mem>>) src(%arg8 : memref<256xf32, #tpu.memory_space<vmem>>) dst(%dma_wait3A_963 : memref<256xf32, #tpu.memory_space<hbm>>)
      tpu.yield
    }) : () -> ()
    %mul3A_956 = arith.constant 256 : i32
    %mul3A_957 = arith.muli %add3A_720, %mul3A_956 : i32
    "tpu.region"() ({
      %run_scoped3A = tpu.sem_alloc : memref<!tpu.dma_semaphore, #tpu.memory_space<semaphore_mem>>
      %dma_start3A_960 = tpu.memref_slice %arg5[%mul3A_957] : memref<32768xi32, #tpu.memory_space<hbm>> -> memref<256xi32, #tpu.memory_space<hbm>>
      %dma_start3A_961 = tpu.memref_slice %arg5[%mul3A_957] : memref<32768xi32, #tpu.memory_space<hbm>> -> memref<256xi32, #tpu.memory_space<hbm>>
      tpu.enqueue_dma source(%arg9 : memref<256xi32, #tpu.memory_space<vmem>>) target(%dma_start3A_961 : memref<256xi32, #tpu.memory_space<hbm>>) target_semaphore(%run_scoped3A : memref<!tpu.dma_semaphore, #tpu.memory_space<semaphore_mem>>)
      %dma_wait3A_962 = tpu.memref_slice %arg5[%mul3A_957] : memref<32768xi32, #tpu.memory_space<hbm>> -> memref<256xi32, #tpu.memory_space<hbm>>
      %dma_wait3A_963 = tpu.memref_slice %arg5[%mul3A_957] : memref<32768xi32, #tpu.memory_space<hbm>> -> memref<256xi32, #tpu.memory_space<hbm>>
      tpu.wait_dma2 semaphore(%run_scoped3A : memref<!tpu.dma_semaphore, #tpu.memory_space<semaphore_mem>>) src(%arg9 : memref<256xi32, #tpu.memory_space<vmem>>) dst(%dma_wait3A_963 : memref<256xi32, #tpu.memory_space<hbm>>)
      tpu.yield
    }) : () -> ()
    %mul3A_958 = arith.constant 256 : i32
    %mul3A_959 = arith.muli %add3A_720, %mul3A_958 : i32
    "tpu.region"() ({
      %run_scoped3A = tpu.sem_alloc : memref<!tpu.dma_semaphore, #tpu.memory_space<semaphore_mem>>
      %dma_start3A_960 = arith.constant 0 : i32
      %dma_start3A_961 = tpu.memref_slice %arg6[%mul3A_959, %dma_start3A_960] : memref<32768x32xf32, #tpu.memory_space<hbm>> -> memref<256x32xf32, #tpu.memory_space<hbm>>
      %dma_start3A_962 = arith.constant 0 : i32
      %dma_start3A_963 = tpu.memref_slice %arg6[%mul3A_959, %dma_start3A_962] : memref<32768x32xf32, #tpu.memory_space<hbm>> -> memref<256x32xf32, #tpu.memory_space<hbm>>
      tpu.enqueue_dma source(%arg11 : memref<256x32xf32, #tpu.memory_space<vmem>>) target(%dma_start3A_963 : memref<256x32xf32, #tpu.memory_space<hbm>>) target_semaphore(%run_scoped3A : memref<!tpu.dma_semaphore, #tpu.memory_space<semaphore_mem>>)
      %dma_wait3A_964 = arith.constant 0 : i32
      %dma_wait3A_965 = tpu.memref_slice %arg6[%mul3A_959, %dma_wait3A_964] : memref<32768x32xf32, #tpu.memory_space<hbm>> -> memref<256x32xf32, #tpu.memory_space<hbm>>
      %dma_wait3A_966 = arith.constant 0 : i32
      %dma_wait3A_967 = tpu.memref_slice %arg6[%mul3A_959, %dma_wait3A_966] : memref<32768x32xf32, #tpu.memory_space<hbm>> -> memref<256x32xf32, #tpu.memory_space<hbm>>
      tpu.wait_dma2 semaphore(%run_scoped3A : memref<!tpu.dma_semaphore, #tpu.memory_space<semaphore_mem>>) src(%arg11 : memref<256x32xf32, #tpu.memory_space<vmem>>) dst(%dma_wait3A_967 : memref<256x32xf32, #tpu.memory_space<hbm>>)
      tpu.yield
    }) : () -> ()
    return
  }
}

module attributes {stable_mosaic.version = 14 : i64} {
  func.func @_stage1a_kernel(%arg0: i32, %arg1: memref<8x8832xf32, #tpu.memory_space<vmem>>, %arg2: memref<1x16x4xf32, #tpu.memory_space<vmem>>, %arg3: memref<1x16x8832xf32, #tpu.memory_space<vmem>>) attributes {dimension_semantics = [#tpu.dimension_semantics<arbitrary>], iteration_bounds = array<i64: 8>, scalar_prefetch = 0 : i64, scratch_operands = 0 : i64, tpu.core_type = #tpu.core_type<tc>, window_params = [{pipeline_mode = #tpu.pipeline_mode<synchronous>, transform_indices = @transform_0, window_bounds = array<i64: 8, 8832>}, {transform_indices = @transform_1, window_bounds = array<i64: 1, 16, 4>}, {transform_indices = @transform_2, window_bounds = array<i64: 1, 16, 8832>}]} {
    %iota3A = tpu.iota {dimensions = array<i32: 1>} : vector<1x8832xi32>
    %lt3A = arith.constant 8732 : i32
    %lt3A_0 = vector.broadcast %lt3A : i32 to vector<1x8832xi32>
    %lt3A_1 = arith.cmpi slt, %iota3A, %lt3A_0 : vector<1x8832xi32>
    %get3A = arith.constant 0 : index
    %get3A_2 = arith.constant 0 : index
    %get3A_3 = vector.load %arg1[%get3A, %get3A_2] : memref<8x8832xf32, #tpu.memory_space<vmem>>, vector<1x8832xf32>
    %get3A_4 = arith.constant 1 : index
    %get3A_5 = arith.constant 0 : index
    %get3A_6 = vector.load %arg1[%get3A_4, %get3A_5] : memref<8x8832xf32, #tpu.memory_space<vmem>>, vector<1x8832xf32>
    %get3A_7 = arith.constant 2 : index
    %get3A_8 = arith.constant 0 : index
    %get3A_9 = vector.load %arg1[%get3A_7, %get3A_8] : memref<8x8832xf32, #tpu.memory_space<vmem>>, vector<1x8832xf32>
    %get3A_10 = arith.constant 3 : index
    %get3A_11 = arith.constant 0 : index
    %get3A_12 = vector.load %arg1[%get3A_10, %get3A_11] : memref<8x8832xf32, #tpu.memory_space<vmem>>, vector<1x8832xf32>
    %get3A_13 = arith.constant 0 : index
    %get3A_14 = arith.constant 0 : index
    %get3A_15 = arith.constant 0 : index
    %get3A_16 = vector.load %arg2[%get3A_13, %get3A_14, %get3A_15] : memref<1x16x4xf32, #tpu.memory_space<vmem>>, vector<1x16x4xf32>
    %get3A_17 = vector.shape_cast %get3A_16 : vector<1x16x4xf32> to vector<16x4xf32>
    %slice3A = vector.extract_strided_slice %get3A_17 {offsets = [0, 0], sizes = [16, 1], strides = [1, 1]} : vector<16x4xf32> to vector<16x1xf32>
    %slice3A_18 = vector.extract_strided_slice %get3A_17 {offsets = [0, 1], sizes = [16, 1], strides = [1, 1]} : vector<16x4xf32> to vector<16x1xf32>
    %slice3A_19 = vector.extract_strided_slice %get3A_17 {offsets = [0, 2], sizes = [16, 1], strides = [1, 1]} : vector<16x4xf32> to vector<16x1xf32>
    %slice3A_20 = vector.extract_strided_slice %get3A_17 {offsets = [0, 3], sizes = [16, 1], strides = [1, 1]} : vector<16x4xf32> to vector<16x1xf32>
    %sub3A = arith.subf %slice3A_19, %slice3A : vector<16x1xf32>
    %sub3A_21 = arith.subf %slice3A_20, %slice3A_18 : vector<16x1xf32>
    %mul3A = arith.mulf %sub3A, %sub3A_21 : vector<16x1xf32>
    %mul3A_22 = arith.constant 5.000000e-01 : f32
    %mul3A_23 = vector.broadcast %mul3A_22 : f32 to vector<1x8832xf32>
    %mul3A_24 = arith.mulf %get3A_9, %mul3A_23 : vector<1x8832xf32>
    %sub3A_25 = arith.subf %get3A_3, %mul3A_24 : vector<1x8832xf32>
    %mul3A_26 = arith.constant 5.000000e-01 : f32
    %mul3A_27 = vector.broadcast %mul3A_26 : f32 to vector<1x8832xf32>
    %mul3A_28 = arith.mulf %get3A_12, %mul3A_27 : vector<1x8832xf32>
    %sub3A_29 = arith.subf %get3A_6, %mul3A_28 : vector<1x8832xf32>
    %mul3A_30 = arith.constant 5.000000e-01 : f32
    %mul3A_31 = vector.broadcast %mul3A_30 : f32 to vector<1x8832xf32>
    %mul3A_32 = arith.mulf %get3A_9, %mul3A_31 : vector<1x8832xf32>
    %add3A = arith.addf %get3A_3, %mul3A_32 : vector<1x8832xf32>
    %mul3A_33 = arith.constant 5.000000e-01 : f32
    %mul3A_34 = vector.broadcast %mul3A_33 : f32 to vector<1x8832xf32>
    %mul3A_35 = arith.mulf %get3A_12, %mul3A_34 : vector<1x8832xf32>
    %add3A_36 = arith.addf %get3A_6, %mul3A_35 : vector<1x8832xf32>
    %mul3A_37 = arith.mulf %get3A_9, %get3A_12 : vector<1x8832xf32>
    %min3A = vector.broadcast %add3A : vector<1x8832xf32> to vector<16x8832xf32>
    %min3A_38 = vector.broadcast %slice3A_19 : vector<16x1xf32> to vector<16x8832xf32>
    %min3A_39 = arith.minimumf %min3A, %min3A_38 : vector<16x8832xf32>
    %max3A = vector.broadcast %sub3A_25 : vector<1x8832xf32> to vector<16x8832xf32>
    %max3A_40 = vector.broadcast %slice3A : vector<16x1xf32> to vector<16x8832xf32>
    %max3A_41 = arith.maximumf %max3A, %max3A_40 : vector<16x8832xf32>
    %sub3A_42 = arith.subf %min3A_39, %max3A_41 : vector<16x8832xf32>
    %jit3A = arith.constant 0.000000e+00 : f32
    %max3A_43 = vector.broadcast %jit3A : f32 to vector<16x8832xf32>
    %max3A_44 = arith.maximumf %max3A_43, %sub3A_42 : vector<16x8832xf32>
    %min3A_45 = vector.broadcast %add3A_36 : vector<1x8832xf32> to vector<16x8832xf32>
    %min3A_46 = vector.broadcast %slice3A_20 : vector<16x1xf32> to vector<16x8832xf32>
    %min3A_47 = arith.minimumf %min3A_45, %min3A_46 : vector<16x8832xf32>
    %max3A_48 = vector.broadcast %sub3A_29 : vector<1x8832xf32> to vector<16x8832xf32>
    %max3A_49 = vector.broadcast %slice3A_18 : vector<16x1xf32> to vector<16x8832xf32>
    %max3A_50 = arith.maximumf %max3A_48, %max3A_49 : vector<16x8832xf32>
    %sub3A_51 = arith.subf %min3A_47, %max3A_50 : vector<16x8832xf32>
    %jit3A_52 = arith.constant 0.000000e+00 : f32
    %max3A_53 = vector.broadcast %jit3A_52 : f32 to vector<16x8832xf32>
    %max3A_54 = arith.maximumf %max3A_53, %sub3A_51 : vector<16x8832xf32>
    %mul3A_55 = arith.mulf %max3A_44, %max3A_54 : vector<16x8832xf32>
    %add3A_56 = vector.broadcast %mul3A_37 : vector<1x8832xf32> to vector<16x8832xf32>
    %add3A_57 = vector.broadcast %mul3A : vector<16x1xf32> to vector<16x8832xf32>
    %add3A_58 = arith.addf %add3A_56, %add3A_57 : vector<16x8832xf32>
    %sub3A_59 = arith.subf %add3A_58, %mul3A_55 : vector<16x8832xf32>
    %div3A = arith.divf %mul3A_55, %sub3A_59 : vector<16x8832xf32>
    %jit3A_60 = arith.constant -1.000000e+00 : f32
    %broadcast_in_dim3A = vector.shape_cast %lt3A_1 : vector<1x8832xi1> to vector<1x8832xi1>
    %broadcast_in_dim3A_61 = vector.broadcast %broadcast_in_dim3A : vector<1x8832xi1> to vector<16x8832xi1>
    %broadcast_in_dim3A_62 = vector.broadcast %jit3A_60 : f32 to vector<16x8832xf32>
    %select_n3A = arith.select %broadcast_in_dim3A_61, %div3A, %broadcast_in_dim3A_62 : vector<16x8832xi1>, vector<16x8832xf32>
    %broadcast_in_dim3A_63 = arith.constant 0 : i32
    %broadcast_in_dim3A_64 = vector.broadcast %broadcast_in_dim3A_63 : i32 to vector<16x1xi32>
    %broadcast_in_dim3A_65 = arith.constant 1069547520 : i32
    %broadcast_in_dim3A_66 = vector.broadcast %broadcast_in_dim3A_65 : i32 to vector<16x1xi32>
    %add3A_67 = arith.addi %broadcast_in_dim3A_64, %broadcast_in_dim3A_66 : vector<16x1xi32>
    %shift_right_arithmetic3A = arith.constant 1 : i32
    %shift_right_arithmetic3A_68 = vector.broadcast %shift_right_arithmetic3A : i32 to vector<16x1xi32>
    %shift_right_arithmetic3A_69 = arith.shrsi %add3A_67, %shift_right_arithmetic3A_68 : vector<16x1xi32>
    %bitcast_convert_type3A = tpu.bitcast %shift_right_arithmetic3A_69 : vector<16x1xi32> -> vector<16x1xf32>
    %ge3A = vector.broadcast %bitcast_convert_type3A : vector<16x1xf32> to vector<16x8832xf32>
    %ge3A_70 = arith.cmpf oge, %select_n3A, %ge3A : vector<16x8832xf32>
    %convert_element_type3A = arith.extui %ge3A_70 : vector<16x8832xi1> to vector<16x8832xi32>
    %convert_element_type3A_71 = arith.sitofp %convert_element_type3A : vector<16x8832xi32> to vector<16x8832xf32>
    %reduce_sum3A = arith.constant dense<0.000000e+00> : vector<16xf32>
    %reduce_sum3A_72 = vector.multi_reduction <add>, %convert_element_type3A_71, %reduce_sum3A [1] : vector<16x8832xf32> to vector<16xf32>
    %broadcast_in_dim3A_73 = vector.shape_cast %reduce_sum3A_72 : vector<16xf32> to vector<16x1xf32>
    %ge3A_74 = arith.constant 2.560000e+02 : f32
    %ge3A_75 = vector.broadcast %ge3A_74 : f32 to vector<16x1xf32>
    %ge3A_76 = arith.cmpf oge, %broadcast_in_dim3A_73, %ge3A_75 : vector<16x1xf32>
    %select_n3A_77 = arith.select %ge3A_76, %shift_right_arithmetic3A_69, %broadcast_in_dim3A_64 : vector<16x1xi1>, vector<16x1xi32>
    %select_n3A_78 = arith.select %ge3A_76, %broadcast_in_dim3A_66, %shift_right_arithmetic3A_69 : vector<16x1xi1>, vector<16x1xi32>
    %add3A_79 = arith.addi %select_n3A_77, %select_n3A_78 : vector<16x1xi32>
    %shift_right_arithmetic3A_80 = arith.constant 1 : i32
    %shift_right_arithmetic3A_81 = vector.broadcast %shift_right_arithmetic3A_80 : i32 to vector<16x1xi32>
    %shift_right_arithmetic3A_82 = arith.shrsi %add3A_79, %shift_right_arithmetic3A_81 : vector<16x1xi32>
    %bitcast_convert_type3A_83 = tpu.bitcast %shift_right_arithmetic3A_82 : vector<16x1xi32> -> vector<16x1xf32>
    %ge3A_84 = vector.broadcast %bitcast_convert_type3A_83 : vector<16x1xf32> to vector<16x8832xf32>
    %ge3A_85 = arith.cmpf oge, %select_n3A, %ge3A_84 : vector<16x8832xf32>
    %convert_element_type3A_86 = arith.extui %ge3A_85 : vector<16x8832xi1> to vector<16x8832xi32>
    %convert_element_type3A_87 = arith.sitofp %convert_element_type3A_86 : vector<16x8832xi32> to vector<16x8832xf32>
    %reduce_sum3A_88 = arith.constant dense<0.000000e+00> : vector<16xf32>
    %reduce_sum3A_89 = vector.multi_reduction <add>, %convert_element_type3A_87, %reduce_sum3A_88 [1] : vector<16x8832xf32> to vector<16xf32>
    %broadcast_in_dim3A_90 = vector.shape_cast %reduce_sum3A_89 : vector<16xf32> to vector<16x1xf32>
    %ge3A_91 = arith.constant 2.560000e+02 : f32
    %ge3A_92 = vector.broadcast %ge3A_91 : f32 to vector<16x1xf32>
    %ge3A_93 = arith.cmpf oge, %broadcast_in_dim3A_90, %ge3A_92 : vector<16x1xf32>
    %select_n3A_94 = arith.select %ge3A_93, %shift_right_arithmetic3A_82, %select_n3A_77 : vector<16x1xi1>, vector<16x1xi32>
    %select_n3A_95 = arith.select %ge3A_93, %select_n3A_78, %shift_right_arithmetic3A_82 : vector<16x1xi1>, vector<16x1xi32>
    %add3A_96 = arith.addi %select_n3A_94, %select_n3A_95 : vector<16x1xi32>
    %shift_right_arithmetic3A_97 = arith.constant 1 : i32
    %shift_right_arithmetic3A_98 = vector.broadcast %shift_right_arithmetic3A_97 : i32 to vector<16x1xi32>
    %shift_right_arithmetic3A_99 = arith.shrsi %add3A_96, %shift_right_arithmetic3A_98 : vector<16x1xi32>
    %bitcast_convert_type3A_100 = tpu.bitcast %shift_right_arithmetic3A_99 : vector<16x1xi32> -> vector<16x1xf32>
    %ge3A_101 = vector.broadcast %bitcast_convert_type3A_100 : vector<16x1xf32> to vector<16x8832xf32>
    %ge3A_102 = arith.cmpf oge, %select_n3A, %ge3A_101 : vector<16x8832xf32>
    %convert_element_type3A_103 = arith.extui %ge3A_102 : vector<16x8832xi1> to vector<16x8832xi32>
    %convert_element_type3A_104 = arith.sitofp %convert_element_type3A_103 : vector<16x8832xi32> to vector<16x8832xf32>
    %reduce_sum3A_105 = arith.constant dense<0.000000e+00> : vector<16xf32>
    %reduce_sum3A_106 = vector.multi_reduction <add>, %convert_element_type3A_104, %reduce_sum3A_105 [1] : vector<16x8832xf32> to vector<16xf32>
    %broadcast_in_dim3A_107 = vector.shape_cast %reduce_sum3A_106 : vector<16xf32> to vector<16x1xf32>
    %ge3A_108 = arith.constant 2.560000e+02 : f32
    %ge3A_109 = vector.broadcast %ge3A_108 : f32 to vector<16x1xf32>
    %ge3A_110 = arith.cmpf oge, %broadcast_in_dim3A_107, %ge3A_109 : vector<16x1xf32>
    %select_n3A_111 = arith.select %ge3A_110, %shift_right_arithmetic3A_99, %select_n3A_94 : vector<16x1xi1>, vector<16x1xi32>
    %select_n3A_112 = arith.select %ge3A_110, %select_n3A_95, %shift_right_arithmetic3A_99 : vector<16x1xi1>, vector<16x1xi32>
    %add3A_113 = arith.addi %select_n3A_111, %select_n3A_112 : vector<16x1xi32>
    %shift_right_arithmetic3A_114 = arith.constant 1 : i32
    %shift_right_arithmetic3A_115 = vector.broadcast %shift_right_arithmetic3A_114 : i32 to vector<16x1xi32>
    %shift_right_arithmetic3A_116 = arith.shrsi %add3A_113, %shift_right_arithmetic3A_115 : vector<16x1xi32>
    %bitcast_convert_type3A_117 = tpu.bitcast %shift_right_arithmetic3A_116 : vector<16x1xi32> -> vector<16x1xf32>
    %ge3A_118 = vector.broadcast %bitcast_convert_type3A_117 : vector<16x1xf32> to vector<16x8832xf32>
    %ge3A_119 = arith.cmpf oge, %select_n3A, %ge3A_118 : vector<16x8832xf32>
    %convert_element_type3A_120 = arith.extui %ge3A_119 : vector<16x8832xi1> to vector<16x8832xi32>
    %convert_element_type3A_121 = arith.sitofp %convert_element_type3A_120 : vector<16x8832xi32> to vector<16x8832xf32>
    %reduce_sum3A_122 = arith.constant dense<0.000000e+00> : vector<16xf32>
    %reduce_sum3A_123 = vector.multi_reduction <add>, %convert_element_type3A_121, %reduce_sum3A_122 [1] : vector<16x8832xf32> to vector<16xf32>
    %broadcast_in_dim3A_124 = vector.shape_cast %reduce_sum3A_123 : vector<16xf32> to vector<16x1xf32>
    %ge3A_125 = arith.constant 2.560000e+02 : f32
    %ge3A_126 = vector.broadcast %ge3A_125 : f32 to vector<16x1xf32>
    %ge3A_127 = arith.cmpf oge, %broadcast_in_dim3A_124, %ge3A_126 : vector<16x1xf32>
    %select_n3A_128 = arith.select %ge3A_127, %shift_right_arithmetic3A_116, %select_n3A_111 : vector<16x1xi1>, vector<16x1xi32>
    %select_n3A_129 = arith.select %ge3A_127, %select_n3A_112, %shift_right_arithmetic3A_116 : vector<16x1xi1>, vector<16x1xi32>
    %add3A_130 = arith.addi %select_n3A_128, %select_n3A_129 : vector<16x1xi32>
    %shift_right_arithmetic3A_131 = arith.constant 1 : i32
    %shift_right_arithmetic3A_132 = vector.broadcast %shift_right_arithmetic3A_131 : i32 to vector<16x1xi32>
    %shift_right_arithmetic3A_133 = arith.shrsi %add3A_130, %shift_right_arithmetic3A_132 : vector<16x1xi32>
    %bitcast_convert_type3A_134 = tpu.bitcast %shift_right_arithmetic3A_133 : vector<16x1xi32> -> vector<16x1xf32>
    %ge3A_135 = vector.broadcast %bitcast_convert_type3A_134 : vector<16x1xf32> to vector<16x8832xf32>
    %ge3A_136 = arith.cmpf oge, %select_n3A, %ge3A_135 : vector<16x8832xf32>
    %convert_element_type3A_137 = arith.extui %ge3A_136 : vector<16x8832xi1> to vector<16x8832xi32>
    %convert_element_type3A_138 = arith.sitofp %convert_element_type3A_137 : vector<16x8832xi32> to vector<16x8832xf32>
    %reduce_sum3A_139 = arith.constant dense<0.000000e+00> : vector<16xf32>
    %reduce_sum3A_140 = vector.multi_reduction <add>, %convert_element_type3A_138, %reduce_sum3A_139 [1] : vector<16x8832xf32> to vector<16xf32>
    %broadcast_in_dim3A_141 = vector.shape_cast %reduce_sum3A_140 : vector<16xf32> to vector<16x1xf32>
    %ge3A_142 = arith.constant 2.560000e+02 : f32
    %ge3A_143 = vector.broadcast %ge3A_142 : f32 to vector<16x1xf32>
    %ge3A_144 = arith.cmpf oge, %broadcast_in_dim3A_141, %ge3A_143 : vector<16x1xf32>
    %select_n3A_145 = arith.select %ge3A_144, %shift_right_arithmetic3A_133, %select_n3A_128 : vector<16x1xi1>, vector<16x1xi32>
    %select_n3A_146 = arith.select %ge3A_144, %select_n3A_129, %shift_right_arithmetic3A_133 : vector<16x1xi1>, vector<16x1xi32>
    %add3A_147 = arith.addi %select_n3A_145, %select_n3A_146 : vector<16x1xi32>
    %shift_right_arithmetic3A_148 = arith.constant 1 : i32
    %shift_right_arithmetic3A_149 = vector.broadcast %shift_right_arithmetic3A_148 : i32 to vector<16x1xi32>
    %shift_right_arithmetic3A_150 = arith.shrsi %add3A_147, %shift_right_arithmetic3A_149 : vector<16x1xi32>
    %bitcast_convert_type3A_151 = tpu.bitcast %shift_right_arithmetic3A_150 : vector<16x1xi32> -> vector<16x1xf32>
    %ge3A_152 = vector.broadcast %bitcast_convert_type3A_151 : vector<16x1xf32> to vector<16x8832xf32>
    %ge3A_153 = arith.cmpf oge, %select_n3A, %ge3A_152 : vector<16x8832xf32>
    %convert_element_type3A_154 = arith.extui %ge3A_153 : vector<16x8832xi1> to vector<16x8832xi32>
    %convert_element_type3A_155 = arith.sitofp %convert_element_type3A_154 : vector<16x8832xi32> to vector<16x8832xf32>
    %reduce_sum3A_156 = arith.constant dense<0.000000e+00> : vector<16xf32>
    %reduce_sum3A_157 = vector.multi_reduction <add>, %convert_element_type3A_155, %reduce_sum3A_156 [1] : vector<16x8832xf32> to vector<16xf32>
    %broadcast_in_dim3A_158 = vector.shape_cast %reduce_sum3A_157 : vector<16xf32> to vector<16x1xf32>
    %ge3A_159 = arith.constant 2.560000e+02 : f32
    %ge3A_160 = vector.broadcast %ge3A_159 : f32 to vector<16x1xf32>
    %ge3A_161 = arith.cmpf oge, %broadcast_in_dim3A_158, %ge3A_160 : vector<16x1xf32>
    %select_n3A_162 = arith.select %ge3A_161, %shift_right_arithmetic3A_150, %select_n3A_145 : vector<16x1xi1>, vector<16x1xi32>
    %select_n3A_163 = arith.select %ge3A_161, %select_n3A_146, %shift_right_arithmetic3A_150 : vector<16x1xi1>, vector<16x1xi32>
    %add3A_164 = arith.addi %select_n3A_162, %select_n3A_163 : vector<16x1xi32>
    %shift_right_arithmetic3A_165 = arith.constant 1 : i32
    %shift_right_arithmetic3A_166 = vector.broadcast %shift_right_arithmetic3A_165 : i32 to vector<16x1xi32>
    %shift_right_arithmetic3A_167 = arith.shrsi %add3A_164, %shift_right_arithmetic3A_166 : vector<16x1xi32>
    %bitcast_convert_type3A_168 = tpu.bitcast %shift_right_arithmetic3A_167 : vector<16x1xi32> -> vector<16x1xf32>
    %ge3A_169 = vector.broadcast %bitcast_convert_type3A_168 : vector<16x1xf32> to vector<16x8832xf32>
    %ge3A_170 = arith.cmpf oge, %select_n3A, %ge3A_169 : vector<16x8832xf32>
    %convert_element_type3A_171 = arith.extui %ge3A_170 : vector<16x8832xi1> to vector<16x8832xi32>
    %convert_element_type3A_172 = arith.sitofp %convert_element_type3A_171 : vector<16x8832xi32> to vector<16x8832xf32>
    %reduce_sum3A_173 = arith.constant dense<0.000000e+00> : vector<16xf32>
    %reduce_sum3A_174 = vector.multi_reduction <add>, %convert_element_type3A_172, %reduce_sum3A_173 [1] : vector<16x8832xf32> to vector<16xf32>
    %broadcast_in_dim3A_175 = vector.shape_cast %reduce_sum3A_174 : vector<16xf32> to vector<16x1xf32>
    %ge3A_176 = arith.constant 2.560000e+02 : f32
    %ge3A_177 = vector.broadcast %ge3A_176 : f32 to vector<16x1xf32>
    %ge3A_178 = arith.cmpf oge, %broadcast_in_dim3A_175, %ge3A_177 : vector<16x1xf32>
    %select_n3A_179 = arith.select %ge3A_178, %shift_right_arithmetic3A_167, %select_n3A_162 : vector<16x1xi1>, vector<16x1xi32>
    %select_n3A_180 = arith.select %ge3A_178, %select_n3A_163, %shift_right_arithmetic3A_167 : vector<16x1xi1>, vector<16x1xi32>
    %add3A_181 = arith.addi %select_n3A_179, %select_n3A_180 : vector<16x1xi32>
    %shift_right_arithmetic3A_182 = arith.constant 1 : i32
    %shift_right_arithmetic3A_183 = vector.broadcast %shift_right_arithmetic3A_182 : i32 to vector<16x1xi32>
    %shift_right_arithmetic3A_184 = arith.shrsi %add3A_181, %shift_right_arithmetic3A_183 : vector<16x1xi32>
    %bitcast_convert_type3A_185 = tpu.bitcast %shift_right_arithmetic3A_184 : vector<16x1xi32> -> vector<16x1xf32>
    %ge3A_186 = vector.broadcast %bitcast_convert_type3A_185 : vector<16x1xf32> to vector<16x8832xf32>
    %ge3A_187 = arith.cmpf oge, %select_n3A, %ge3A_186 : vector<16x8832xf32>
    %convert_element_type3A_188 = arith.extui %ge3A_187 : vector<16x8832xi1> to vector<16x8832xi32>
    %convert_element_type3A_189 = arith.sitofp %convert_element_type3A_188 : vector<16x8832xi32> to vector<16x8832xf32>
    %reduce_sum3A_190 = arith.constant dense<0.000000e+00> : vector<16xf32>
    %reduce_sum3A_191 = vector.multi_reduction <add>, %convert_element_type3A_189, %reduce_sum3A_190 [1] : vector<16x8832xf32> to vector<16xf32>
    %broadcast_in_dim3A_192 = vector.shape_cast %reduce_sum3A_191 : vector<16xf32> to vector<16x1xf32>
    %ge3A_193 = arith.constant 2.560000e+02 : f32
    %ge3A_194 = vector.broadcast %ge3A_193 : f32 to vector<16x1xf32>
    %ge3A_195 = arith.cmpf oge, %broadcast_in_dim3A_192, %ge3A_194 : vector<16x1xf32>
    %select_n3A_196 = arith.select %ge3A_195, %shift_right_arithmetic3A_184, %select_n3A_179 : vector<16x1xi1>, vector<16x1xi32>
    %select_n3A_197 = arith.select %ge3A_195, %select_n3A_180, %shift_right_arithmetic3A_184 : vector<16x1xi1>, vector<16x1xi32>
    %add3A_198 = arith.addi %select_n3A_196, %select_n3A_197 : vector<16x1xi32>
    %shift_right_arithmetic3A_199 = arith.constant 1 : i32
    %shift_right_arithmetic3A_200 = vector.broadcast %shift_right_arithmetic3A_199 : i32 to vector<16x1xi32>
    %shift_right_arithmetic3A_201 = arith.shrsi %add3A_198, %shift_right_arithmetic3A_200 : vector<16x1xi32>
    %bitcast_convert_type3A_202 = tpu.bitcast %shift_right_arithmetic3A_201 : vector<16x1xi32> -> vector<16x1xf32>
    %ge3A_203 = vector.broadcast %bitcast_convert_type3A_202 : vector<16x1xf32> to vector<16x8832xf32>
    %ge3A_204 = arith.cmpf oge, %select_n3A, %ge3A_203 : vector<16x8832xf32>
    %convert_element_type3A_205 = arith.extui %ge3A_204 : vector<16x8832xi1> to vector<16x8832xi32>
    %convert_element_type3A_206 = arith.sitofp %convert_element_type3A_205 : vector<16x8832xi32> to vector<16x8832xf32>
    %reduce_sum3A_207 = arith.constant dense<0.000000e+00> : vector<16xf32>
    %reduce_sum3A_208 = vector.multi_reduction <add>, %convert_element_type3A_206, %reduce_sum3A_207 [1] : vector<16x8832xf32> to vector<16xf32>
    %broadcast_in_dim3A_209 = vector.shape_cast %reduce_sum3A_208 : vector<16xf32> to vector<16x1xf32>
    %ge3A_210 = arith.constant 2.560000e+02 : f32
    %ge3A_211 = vector.broadcast %ge3A_210 : f32 to vector<16x1xf32>
    %ge3A_212 = arith.cmpf oge, %broadcast_in_dim3A_209, %ge3A_211 : vector<16x1xf32>
    %select_n3A_213 = arith.select %ge3A_212, %shift_right_arithmetic3A_201, %select_n3A_196 : vector<16x1xi1>, vector<16x1xi32>
    %select_n3A_214 = arith.select %ge3A_212, %select_n3A_197, %shift_right_arithmetic3A_201 : vector<16x1xi1>, vector<16x1xi32>
    %add3A_215 = arith.addi %select_n3A_213, %select_n3A_214 : vector<16x1xi32>
    %shift_right_arithmetic3A_216 = arith.constant 1 : i32
    %shift_right_arithmetic3A_217 = vector.broadcast %shift_right_arithmetic3A_216 : i32 to vector<16x1xi32>
    %shift_right_arithmetic3A_218 = arith.shrsi %add3A_215, %shift_right_arithmetic3A_217 : vector<16x1xi32>
    %bitcast_convert_type3A_219 = tpu.bitcast %shift_right_arithmetic3A_218 : vector<16x1xi32> -> vector<16x1xf32>
    %ge3A_220 = vector.broadcast %bitcast_convert_type3A_219 : vector<16x1xf32> to vector<16x8832xf32>
    %ge3A_221 = arith.cmpf oge, %select_n3A, %ge3A_220 : vector<16x8832xf32>
    %convert_element_type3A_222 = arith.extui %ge3A_221 : vector<16x8832xi1> to vector<16x8832xi32>
    %convert_element_type3A_223 = arith.sitofp %convert_element_type3A_222 : vector<16x8832xi32> to vector<16x8832xf32>
    %reduce_sum3A_224 = arith.constant dense<0.000000e+00> : vector<16xf32>
    %reduce_sum3A_225 = vector.multi_reduction <add>, %convert_element_type3A_223, %reduce_sum3A_224 [1] : vector<16x8832xf32> to vector<16xf32>
    %broadcast_in_dim3A_226 = vector.shape_cast %reduce_sum3A_225 : vector<16xf32> to vector<16x1xf32>
    %ge3A_227 = arith.constant 2.560000e+02 : f32
    %ge3A_228 = vector.broadcast %ge3A_227 : f32 to vector<16x1xf32>
    %ge3A_229 = arith.cmpf oge, %broadcast_in_dim3A_226, %ge3A_228 : vector<16x1xf32>
    %select_n3A_230 = arith.select %ge3A_229, %shift_right_arithmetic3A_218, %select_n3A_213 : vector<16x1xi1>, vector<16x1xi32>
    %select_n3A_231 = arith.select %ge3A_229, %select_n3A_214, %shift_right_arithmetic3A_218 : vector<16x1xi1>, vector<16x1xi32>
    %add3A_232 = arith.addi %select_n3A_230, %select_n3A_231 : vector<16x1xi32>
    %shift_right_arithmetic3A_233 = arith.constant 1 : i32
    %shift_right_arithmetic3A_234 = vector.broadcast %shift_right_arithmetic3A_233 : i32 to vector<16x1xi32>
    %shift_right_arithmetic3A_235 = arith.shrsi %add3A_232, %shift_right_arithmetic3A_234 : vector<16x1xi32>
    %bitcast_convert_type3A_236 = tpu.bitcast %shift_right_arithmetic3A_235 : vector<16x1xi32> -> vector<16x1xf32>
    %ge3A_237 = vector.broadcast %bitcast_convert_type3A_236 : vector<16x1xf32> to vector<16x8832xf32>
    %ge3A_238 = arith.cmpf oge, %select_n3A, %ge3A_237 : vector<16x8832xf32>
    %convert_element_type3A_239 = arith.extui %ge3A_238 : vector<16x8832xi1> to vector<16x8832xi32>
    %convert_element_type3A_240 = arith.sitofp %convert_element_type3A_239 : vector<16x8832xi32> to vector<16x8832xf32>
    %reduce_sum3A_241 = arith.constant dense<0.000000e+00> : vector<16xf32>
    %reduce_sum3A_242 = vector.multi_reduction <add>, %convert_element_type3A_240, %reduce_sum3A_241 [1] : vector<16x8832xf32> to vector<16xf32>
    %broadcast_in_dim3A_243 = vector.shape_cast %reduce_sum3A_242 : vector<16xf32> to vector<16x1xf32>
    %ge3A_244 = arith.constant 2.560000e+02 : f32
    %ge3A_245 = vector.broadcast %ge3A_244 : f32 to vector<16x1xf32>
    %ge3A_246 = arith.cmpf oge, %broadcast_in_dim3A_243, %ge3A_245 : vector<16x1xf32>
    %select_n3A_247 = arith.select %ge3A_246, %shift_right_arithmetic3A_235, %select_n3A_230 : vector<16x1xi1>, vector<16x1xi32>
    %select_n3A_248 = arith.select %ge3A_246, %select_n3A_231, %shift_right_arithmetic3A_235 : vector<16x1xi1>, vector<16x1xi32>
    %add3A_249 = arith.addi %select_n3A_247, %select_n3A_248 : vector<16x1xi32>
    %shift_right_arithmetic3A_250 = arith.constant 1 : i32
    %shift_right_arithmetic3A_251 = vector.broadcast %shift_right_arithmetic3A_250 : i32 to vector<16x1xi32>
    %shift_right_arithmetic3A_252 = arith.shrsi %add3A_249, %shift_right_arithmetic3A_251 : vector<16x1xi32>
    %bitcast_convert_type3A_253 = tpu.bitcast %shift_right_arithmetic3A_252 : vector<16x1xi32> -> vector<16x1xf32>
    %ge3A_254 = vector.broadcast %bitcast_convert_type3A_253 : vector<16x1xf32> to vector<16x8832xf32>
    %ge3A_255 = arith.cmpf oge, %select_n3A, %ge3A_254 : vector<16x8832xf32>
    %convert_element_type3A_256 = arith.extui %ge3A_255 : vector<16x8832xi1> to vector<16x8832xi32>
    %convert_element_type3A_257 = arith.sitofp %convert_element_type3A_256 : vector<16x8832xi32> to vector<16x8832xf32>
    %reduce_sum3A_258 = arith.constant dense<0.000000e+00> : vector<16xf32>
    %reduce_sum3A_259 = vector.multi_reduction <add>, %convert_element_type3A_257, %reduce_sum3A_258 [1] : vector<16x8832xf32> to vector<16xf32>
    %broadcast_in_dim3A_260 = vector.shape_cast %reduce_sum3A_259 : vector<16xf32> to vector<16x1xf32>
    %ge3A_261 = arith.constant 2.560000e+02 : f32
    %ge3A_262 = vector.broadcast %ge3A_261 : f32 to vector<16x1xf32>
    %ge3A_263 = arith.cmpf oge, %broadcast_in_dim3A_260, %ge3A_262 : vector<16x1xf32>
    %select_n3A_264 = arith.select %ge3A_263, %shift_right_arithmetic3A_252, %select_n3A_247 : vector<16x1xi1>, vector<16x1xi32>
    %select_n3A_265 = arith.select %ge3A_263, %select_n3A_248, %shift_right_arithmetic3A_252 : vector<16x1xi1>, vector<16x1xi32>
    %add3A_266 = arith.addi %select_n3A_264, %select_n3A_265 : vector<16x1xi32>
    %shift_right_arithmetic3A_267 = arith.constant 1 : i32
    %shift_right_arithmetic3A_268 = vector.broadcast %shift_right_arithmetic3A_267 : i32 to vector<16x1xi32>
    %shift_right_arithmetic3A_269 = arith.shrsi %add3A_266, %shift_right_arithmetic3A_268 : vector<16x1xi32>
    %bitcast_convert_type3A_270 = tpu.bitcast %shift_right_arithmetic3A_269 : vector<16x1xi32> -> vector<16x1xf32>
    %ge3A_271 = vector.broadcast %bitcast_convert_type3A_270 : vector<16x1xf32> to vector<16x8832xf32>
    %ge3A_272 = arith.cmpf oge, %select_n3A, %ge3A_271 : vector<16x8832xf32>
    %convert_element_type3A_273 = arith.extui %ge3A_272 : vector<16x8832xi1> to vector<16x8832xi32>
    %convert_element_type3A_274 = arith.sitofp %convert_element_type3A_273 : vector<16x8832xi32> to vector<16x8832xf32>
    %reduce_sum3A_275 = arith.constant dense<0.000000e+00> : vector<16xf32>
    %reduce_sum3A_276 = vector.multi_reduction <add>, %convert_element_type3A_274, %reduce_sum3A_275 [1] : vector<16x8832xf32> to vector<16xf32>
    %broadcast_in_dim3A_277 = vector.shape_cast %reduce_sum3A_276 : vector<16xf32> to vector<16x1xf32>
    %ge3A_278 = arith.constant 2.560000e+02 : f32
    %ge3A_279 = vector.broadcast %ge3A_278 : f32 to vector<16x1xf32>
    %ge3A_280 = arith.cmpf oge, %broadcast_in_dim3A_277, %ge3A_279 : vector<16x1xf32>
    %select_n3A_281 = arith.select %ge3A_280, %shift_right_arithmetic3A_269, %select_n3A_264 : vector<16x1xi1>, vector<16x1xi32>
    %select_n3A_282 = arith.select %ge3A_280, %select_n3A_265, %shift_right_arithmetic3A_269 : vector<16x1xi1>, vector<16x1xi32>
    %add3A_283 = arith.addi %select_n3A_281, %select_n3A_282 : vector<16x1xi32>
    %shift_right_arithmetic3A_284 = arith.constant 1 : i32
    %shift_right_arithmetic3A_285 = vector.broadcast %shift_right_arithmetic3A_284 : i32 to vector<16x1xi32>
    %shift_right_arithmetic3A_286 = arith.shrsi %add3A_283, %shift_right_arithmetic3A_285 : vector<16x1xi32>
    %bitcast_convert_type3A_287 = tpu.bitcast %shift_right_arithmetic3A_286 : vector<16x1xi32> -> vector<16x1xf32>
    %ge3A_288 = vector.broadcast %bitcast_convert_type3A_287 : vector<16x1xf32> to vector<16x8832xf32>
    %ge3A_289 = arith.cmpf oge, %select_n3A, %ge3A_288 : vector<16x8832xf32>
    %convert_element_type3A_290 = arith.extui %ge3A_289 : vector<16x8832xi1> to vector<16x8832xi32>
    %convert_element_type3A_291 = arith.sitofp %convert_element_type3A_290 : vector<16x8832xi32> to vector<16x8832xf32>
    %reduce_sum3A_292 = arith.constant dense<0.000000e+00> : vector<16xf32>
    %reduce_sum3A_293 = vector.multi_reduction <add>, %convert_element_type3A_291, %reduce_sum3A_292 [1] : vector<16x8832xf32> to vector<16xf32>
    %broadcast_in_dim3A_294 = vector.shape_cast %reduce_sum3A_293 : vector<16xf32> to vector<16x1xf32>
    %ge3A_295 = arith.constant 2.560000e+02 : f32
    %ge3A_296 = vector.broadcast %ge3A_295 : f32 to vector<16x1xf32>
    %ge3A_297 = arith.cmpf oge, %broadcast_in_dim3A_294, %ge3A_296 : vector<16x1xf32>
    %select_n3A_298 = arith.select %ge3A_297, %shift_right_arithmetic3A_286, %select_n3A_281 : vector<16x1xi1>, vector<16x1xi32>
    %select_n3A_299 = arith.select %ge3A_297, %select_n3A_282, %shift_right_arithmetic3A_286 : vector<16x1xi1>, vector<16x1xi32>
    %add3A_300 = arith.addi %select_n3A_298, %select_n3A_299 : vector<16x1xi32>
    %shift_right_arithmetic3A_301 = arith.constant 1 : i32
    %shift_right_arithmetic3A_302 = vector.broadcast %shift_right_arithmetic3A_301 : i32 to vector<16x1xi32>
    %shift_right_arithmetic3A_303 = arith.shrsi %add3A_300, %shift_right_arithmetic3A_302 : vector<16x1xi32>
    %bitcast_convert_type3A_304 = tpu.bitcast %shift_right_arithmetic3A_303 : vector<16x1xi32> -> vector<16x1xf32>
    %ge3A_305 = vector.broadcast %bitcast_convert_type3A_304 : vector<16x1xf32> to vector<16x8832xf32>
    %ge3A_306 = arith.cmpf oge, %select_n3A, %ge3A_305 : vector<16x8832xf32>
    %convert_element_type3A_307 = arith.extui %ge3A_306 : vector<16x8832xi1> to vector<16x8832xi32>
    %convert_element_type3A_308 = arith.sitofp %convert_element_type3A_307 : vector<16x8832xi32> to vector<16x8832xf32>
    %reduce_sum3A_309 = arith.constant dense<0.000000e+00> : vector<16xf32>
    %reduce_sum3A_310 = vector.multi_reduction <add>, %convert_element_type3A_308, %reduce_sum3A_309 [1] : vector<16x8832xf32> to vector<16xf32>
    %broadcast_in_dim3A_311 = vector.shape_cast %reduce_sum3A_310 : vector<16xf32> to vector<16x1xf32>
    %ge3A_312 = arith.constant 2.560000e+02 : f32
    %ge3A_313 = vector.broadcast %ge3A_312 : f32 to vector<16x1xf32>
    %ge3A_314 = arith.cmpf oge, %broadcast_in_dim3A_311, %ge3A_313 : vector<16x1xf32>
    %select_n3A_315 = arith.select %ge3A_314, %shift_right_arithmetic3A_303, %select_n3A_298 : vector<16x1xi1>, vector<16x1xi32>
    %select_n3A_316 = arith.select %ge3A_314, %select_n3A_299, %shift_right_arithmetic3A_303 : vector<16x1xi1>, vector<16x1xi32>
    %add3A_317 = arith.addi %select_n3A_315, %select_n3A_316 : vector<16x1xi32>
    %shift_right_arithmetic3A_318 = arith.constant 1 : i32
    %shift_right_arithmetic3A_319 = vector.broadcast %shift_right_arithmetic3A_318 : i32 to vector<16x1xi32>
    %shift_right_arithmetic3A_320 = arith.shrsi %add3A_317, %shift_right_arithmetic3A_319 : vector<16x1xi32>
    %bitcast_convert_type3A_321 = tpu.bitcast %shift_right_arithmetic3A_320 : vector<16x1xi32> -> vector<16x1xf32>
    %ge3A_322 = vector.broadcast %bitcast_convert_type3A_321 : vector<16x1xf32> to vector<16x8832xf32>
    %ge3A_323 = arith.cmpf oge, %select_n3A, %ge3A_322 : vector<16x8832xf32>
    %convert_element_type3A_324 = arith.extui %ge3A_323 : vector<16x8832xi1> to vector<16x8832xi32>
    %convert_element_type3A_325 = arith.sitofp %convert_element_type3A_324 : vector<16x8832xi32> to vector<16x8832xf32>
    %reduce_sum3A_326 = arith.constant dense<0.000000e+00> : vector<16xf32>
    %reduce_sum3A_327 = vector.multi_reduction <add>, %convert_element_type3A_325, %reduce_sum3A_326 [1] : vector<16x8832xf32> to vector<16xf32>
    %broadcast_in_dim3A_328 = vector.shape_cast %reduce_sum3A_327 : vector<16xf32> to vector<16x1xf32>
    %ge3A_329 = arith.constant 2.560000e+02 : f32
    %ge3A_330 = vector.broadcast %ge3A_329 : f32 to vector<16x1xf32>
    %ge3A_331 = arith.cmpf oge, %broadcast_in_dim3A_328, %ge3A_330 : vector<16x1xf32>
    %select_n3A_332 = arith.select %ge3A_331, %shift_right_arithmetic3A_320, %select_n3A_315 : vector<16x1xi1>, vector<16x1xi32>
    %select_n3A_333 = arith.select %ge3A_331, %select_n3A_316, %shift_right_arithmetic3A_320 : vector<16x1xi1>, vector<16x1xi32>
    %add3A_334 = arith.addi %select_n3A_332, %select_n3A_333 : vector<16x1xi32>
    %shift_right_arithmetic3A_335 = arith.constant 1 : i32
    %shift_right_arithmetic3A_336 = vector.broadcast %shift_right_arithmetic3A_335 : i32 to vector<16x1xi32>
    %shift_right_arithmetic3A_337 = arith.shrsi %add3A_334, %shift_right_arithmetic3A_336 : vector<16x1xi32>
    %bitcast_convert_type3A_338 = tpu.bitcast %shift_right_arithmetic3A_337 : vector<16x1xi32> -> vector<16x1xf32>
    %ge3A_339 = vector.broadcast %bitcast_convert_type3A_338 : vector<16x1xf32> to vector<16x8832xf32>
    %ge3A_340 = arith.cmpf oge, %select_n3A, %ge3A_339 : vector<16x8832xf32>
    %convert_element_type3A_341 = arith.extui %ge3A_340 : vector<16x8832xi1> to vector<16x8832xi32>
    %convert_element_type3A_342 = arith.sitofp %convert_element_type3A_341 : vector<16x8832xi32> to vector<16x8832xf32>
    %reduce_sum3A_343 = arith.constant dense<0.000000e+00> : vector<16xf32>
    %reduce_sum3A_344 = vector.multi_reduction <add>, %convert_element_type3A_342, %reduce_sum3A_343 [1] : vector<16x8832xf32> to vector<16xf32>
    %broadcast_in_dim3A_345 = vector.shape_cast %reduce_sum3A_344 : vector<16xf32> to vector<16x1xf32>
    %ge3A_346 = arith.constant 2.560000e+02 : f32
    %ge3A_347 = vector.broadcast %ge3A_346 : f32 to vector<16x1xf32>
    %ge3A_348 = arith.cmpf oge, %broadcast_in_dim3A_345, %ge3A_347 : vector<16x1xf32>
    %select_n3A_349 = arith.select %ge3A_348, %shift_right_arithmetic3A_337, %select_n3A_332 : vector<16x1xi1>, vector<16x1xi32>
    %select_n3A_350 = arith.select %ge3A_348, %select_n3A_333, %shift_right_arithmetic3A_337 : vector<16x1xi1>, vector<16x1xi32>
    %add3A_351 = arith.addi %select_n3A_349, %select_n3A_350 : vector<16x1xi32>
    %shift_right_arithmetic3A_352 = arith.constant 1 : i32
    %shift_right_arithmetic3A_353 = vector.broadcast %shift_right_arithmetic3A_352 : i32 to vector<16x1xi32>
    %shift_right_arithmetic3A_354 = arith.shrsi %add3A_351, %shift_right_arithmetic3A_353 : vector<16x1xi32>
    %bitcast_convert_type3A_355 = tpu.bitcast %shift_right_arithmetic3A_354 : vector<16x1xi32> -> vector<16x1xf32>
    %ge3A_356 = vector.broadcast %bitcast_convert_type3A_355 : vector<16x1xf32> to vector<16x8832xf32>
    %ge3A_357 = arith.cmpf oge, %select_n3A, %ge3A_356 : vector<16x8832xf32>
    %convert_element_type3A_358 = arith.extui %ge3A_357 : vector<16x8832xi1> to vector<16x8832xi32>
    %convert_element_type3A_359 = arith.sitofp %convert_element_type3A_358 : vector<16x8832xi32> to vector<16x8832xf32>
    %reduce_sum3A_360 = arith.constant dense<0.000000e+00> : vector<16xf32>
    %reduce_sum3A_361 = vector.multi_reduction <add>, %convert_element_type3A_359, %reduce_sum3A_360 [1] : vector<16x8832xf32> to vector<16xf32>
    %broadcast_in_dim3A_362 = vector.shape_cast %reduce_sum3A_361 : vector<16xf32> to vector<16x1xf32>
    %ge3A_363 = arith.constant 2.560000e+02 : f32
    %ge3A_364 = vector.broadcast %ge3A_363 : f32 to vector<16x1xf32>
    %ge3A_365 = arith.cmpf oge, %broadcast_in_dim3A_362, %ge3A_364 : vector<16x1xf32>
    %select_n3A_366 = arith.select %ge3A_365, %shift_right_arithmetic3A_354, %select_n3A_349 : vector<16x1xi1>, vector<16x1xi32>
    %select_n3A_367 = arith.select %ge3A_365, %select_n3A_350, %shift_right_arithmetic3A_354 : vector<16x1xi1>, vector<16x1xi32>
    %add3A_368 = arith.addi %select_n3A_366, %select_n3A_367 : vector<16x1xi32>
    %shift_right_arithmetic3A_369 = arith.constant 1 : i32
    %shift_right_arithmetic3A_370 = vector.broadcast %shift_right_arithmetic3A_369 : i32 to vector<16x1xi32>
    %shift_right_arithmetic3A_371 = arith.shrsi %add3A_368, %shift_right_arithmetic3A_370 : vector<16x1xi32>
    %bitcast_convert_type3A_372 = tpu.bitcast %shift_right_arithmetic3A_371 : vector<16x1xi32> -> vector<16x1xf32>
    %ge3A_373 = vector.broadcast %bitcast_convert_type3A_372 : vector<16x1xf32> to vector<16x8832xf32>
    %ge3A_374 = arith.cmpf oge, %select_n3A, %ge3A_373 : vector<16x8832xf32>
    %convert_element_type3A_375 = arith.extui %ge3A_374 : vector<16x8832xi1> to vector<16x8832xi32>
    %convert_element_type3A_376 = arith.sitofp %convert_element_type3A_375 : vector<16x8832xi32> to vector<16x8832xf32>
    %reduce_sum3A_377 = arith.constant dense<0.000000e+00> : vector<16xf32>
    %reduce_sum3A_378 = vector.multi_reduction <add>, %convert_element_type3A_376, %reduce_sum3A_377 [1] : vector<16x8832xf32> to vector<16xf32>
    %broadcast_in_dim3A_379 = vector.shape_cast %reduce_sum3A_378 : vector<16xf32> to vector<16x1xf32>
    %ge3A_380 = arith.constant 2.560000e+02 : f32
    %ge3A_381 = vector.broadcast %ge3A_380 : f32 to vector<16x1xf32>
    %ge3A_382 = arith.cmpf oge, %broadcast_in_dim3A_379, %ge3A_381 : vector<16x1xf32>
    %select_n3A_383 = arith.select %ge3A_382, %shift_right_arithmetic3A_371, %select_n3A_366 : vector<16x1xi1>, vector<16x1xi32>
    %select_n3A_384 = arith.select %ge3A_382, %select_n3A_367, %shift_right_arithmetic3A_371 : vector<16x1xi1>, vector<16x1xi32>
    %add3A_385 = arith.addi %select_n3A_383, %select_n3A_384 : vector<16x1xi32>
    %shift_right_arithmetic3A_386 = arith.constant 1 : i32
    %shift_right_arithmetic3A_387 = vector.broadcast %shift_right_arithmetic3A_386 : i32 to vector<16x1xi32>
    %shift_right_arithmetic3A_388 = arith.shrsi %add3A_385, %shift_right_arithmetic3A_387 : vector<16x1xi32>
    %bitcast_convert_type3A_389 = tpu.bitcast %shift_right_arithmetic3A_388 : vector<16x1xi32> -> vector<16x1xf32>
    %ge3A_390 = vector.broadcast %bitcast_convert_type3A_389 : vector<16x1xf32> to vector<16x8832xf32>
    %ge3A_391 = arith.cmpf oge, %select_n3A, %ge3A_390 : vector<16x8832xf32>
    %convert_element_type3A_392 = arith.extui %ge3A_391 : vector<16x8832xi1> to vector<16x8832xi32>
    %convert_element_type3A_393 = arith.sitofp %convert_element_type3A_392 : vector<16x8832xi32> to vector<16x8832xf32>
    %reduce_sum3A_394 = arith.constant dense<0.000000e+00> : vector<16xf32>
    %reduce_sum3A_395 = vector.multi_reduction <add>, %convert_element_type3A_393, %reduce_sum3A_394 [1] : vector<16x8832xf32> to vector<16xf32>
    %broadcast_in_dim3A_396 = vector.shape_cast %reduce_sum3A_395 : vector<16xf32> to vector<16x1xf32>
    %ge3A_397 = arith.constant 2.560000e+02 : f32
    %ge3A_398 = vector.broadcast %ge3A_397 : f32 to vector<16x1xf32>
    %ge3A_399 = arith.cmpf oge, %broadcast_in_dim3A_396, %ge3A_398 : vector<16x1xf32>
    %select_n3A_400 = arith.select %ge3A_399, %shift_right_arithmetic3A_388, %select_n3A_383 : vector<16x1xi1>, vector<16x1xi32>
    %select_n3A_401 = arith.select %ge3A_399, %select_n3A_384, %shift_right_arithmetic3A_388 : vector<16x1xi1>, vector<16x1xi32>
    %add3A_402 = arith.addi %select_n3A_400, %select_n3A_401 : vector<16x1xi32>
    %shift_right_arithmetic3A_403 = arith.constant 1 : i32
    %shift_right_arithmetic3A_404 = vector.broadcast %shift_right_arithmetic3A_403 : i32 to vector<16x1xi32>
    %shift_right_arithmetic3A_405 = arith.shrsi %add3A_402, %shift_right_arithmetic3A_404 : vector<16x1xi32>
    %bitcast_convert_type3A_406 = tpu.bitcast %shift_right_arithmetic3A_405 : vector<16x1xi32> -> vector<16x1xf32>
    %ge3A_407 = vector.broadcast %bitcast_convert_type3A_406 : vector<16x1xf32> to vector<16x8832xf32>
    %ge3A_408 = arith.cmpf oge, %select_n3A, %ge3A_407 : vector<16x8832xf32>
    %convert_element_type3A_409 = arith.extui %ge3A_408 : vector<16x8832xi1> to vector<16x8832xi32>
    %convert_element_type3A_410 = arith.sitofp %convert_element_type3A_409 : vector<16x8832xi32> to vector<16x8832xf32>
    %reduce_sum3A_411 = arith.constant dense<0.000000e+00> : vector<16xf32>
    %reduce_sum3A_412 = vector.multi_reduction <add>, %convert_element_type3A_410, %reduce_sum3A_411 [1] : vector<16x8832xf32> to vector<16xf32>
    %broadcast_in_dim3A_413 = vector.shape_cast %reduce_sum3A_412 : vector<16xf32> to vector<16x1xf32>
    %ge3A_414 = arith.constant 2.560000e+02 : f32
    %ge3A_415 = vector.broadcast %ge3A_414 : f32 to vector<16x1xf32>
    %ge3A_416 = arith.cmpf oge, %broadcast_in_dim3A_413, %ge3A_415 : vector<16x1xf32>
    %select_n3A_417 = arith.select %ge3A_416, %shift_right_arithmetic3A_405, %select_n3A_400 : vector<16x1xi1>, vector<16x1xi32>
    %select_n3A_418 = arith.select %ge3A_416, %select_n3A_401, %shift_right_arithmetic3A_405 : vector<16x1xi1>, vector<16x1xi32>
    %add3A_419 = arith.addi %select_n3A_417, %select_n3A_418 : vector<16x1xi32>
    %shift_right_arithmetic3A_420 = arith.constant 1 : i32
    %shift_right_arithmetic3A_421 = vector.broadcast %shift_right_arithmetic3A_420 : i32 to vector<16x1xi32>
    %shift_right_arithmetic3A_422 = arith.shrsi %add3A_419, %shift_right_arithmetic3A_421 : vector<16x1xi32>
    %bitcast_convert_type3A_423 = tpu.bitcast %shift_right_arithmetic3A_422 : vector<16x1xi32> -> vector<16x1xf32>
    %ge3A_424 = vector.broadcast %bitcast_convert_type3A_423 : vector<16x1xf32> to vector<16x8832xf32>
    %ge3A_425 = arith.cmpf oge, %select_n3A, %ge3A_424 : vector<16x8832xf32>
    %convert_element_type3A_426 = arith.extui %ge3A_425 : vector<16x8832xi1> to vector<16x8832xi32>
    %convert_element_type3A_427 = arith.sitofp %convert_element_type3A_426 : vector<16x8832xi32> to vector<16x8832xf32>
    %reduce_sum3A_428 = arith.constant dense<0.000000e+00> : vector<16xf32>
    %reduce_sum3A_429 = vector.multi_reduction <add>, %convert_element_type3A_427, %reduce_sum3A_428 [1] : vector<16x8832xf32> to vector<16xf32>
    %broadcast_in_dim3A_430 = vector.shape_cast %reduce_sum3A_429 : vector<16xf32> to vector<16x1xf32>
    %ge3A_431 = arith.constant 2.560000e+02 : f32
    %ge3A_432 = vector.broadcast %ge3A_431 : f32 to vector<16x1xf32>
    %ge3A_433 = arith.cmpf oge, %broadcast_in_dim3A_430, %ge3A_432 : vector<16x1xf32>
    %select_n3A_434 = arith.select %ge3A_433, %shift_right_arithmetic3A_422, %select_n3A_417 : vector<16x1xi1>, vector<16x1xi32>
    %select_n3A_435 = arith.select %ge3A_433, %select_n3A_418, %shift_right_arithmetic3A_422 : vector<16x1xi1>, vector<16x1xi32>
    %add3A_436 = arith.addi %select_n3A_434, %select_n3A_435 : vector<16x1xi32>
    %shift_right_arithmetic3A_437 = arith.constant 1 : i32
    %shift_right_arithmetic3A_438 = vector.broadcast %shift_right_arithmetic3A_437 : i32 to vector<16x1xi32>
    %shift_right_arithmetic3A_439 = arith.shrsi %add3A_436, %shift_right_arithmetic3A_438 : vector<16x1xi32>
    %bitcast_convert_type3A_440 = tpu.bitcast %shift_right_arithmetic3A_439 : vector<16x1xi32> -> vector<16x1xf32>
    %ge3A_441 = vector.broadcast %bitcast_convert_type3A_440 : vector<16x1xf32> to vector<16x8832xf32>
    %ge3A_442 = arith.cmpf oge, %select_n3A, %ge3A_441 : vector<16x8832xf32>
    %convert_element_type3A_443 = arith.extui %ge3A_442 : vector<16x8832xi1> to vector<16x8832xi32>
    %convert_element_type3A_444 = arith.sitofp %convert_element_type3A_443 : vector<16x8832xi32> to vector<16x8832xf32>
    %reduce_sum3A_445 = arith.constant dense<0.000000e+00> : vector<16xf32>
    %reduce_sum3A_446 = vector.multi_reduction <add>, %convert_element_type3A_444, %reduce_sum3A_445 [1] : vector<16x8832xf32> to vector<16xf32>
    %broadcast_in_dim3A_447 = vector.shape_cast %reduce_sum3A_446 : vector<16xf32> to vector<16x1xf32>
    %ge3A_448 = arith.constant 2.560000e+02 : f32
    %ge3A_449 = vector.broadcast %ge3A_448 : f32 to vector<16x1xf32>
    %ge3A_450 = arith.cmpf oge, %broadcast_in_dim3A_447, %ge3A_449 : vector<16x1xf32>
    %select_n3A_451 = arith.select %ge3A_450, %shift_right_arithmetic3A_439, %select_n3A_434 : vector<16x1xi1>, vector<16x1xi32>
    %select_n3A_452 = arith.select %ge3A_450, %select_n3A_435, %shift_right_arithmetic3A_439 : vector<16x1xi1>, vector<16x1xi32>
    %add3A_453 = arith.addi %select_n3A_451, %select_n3A_452 : vector<16x1xi32>
    %shift_right_arithmetic3A_454 = arith.constant 1 : i32
    %shift_right_arithmetic3A_455 = vector.broadcast %shift_right_arithmetic3A_454 : i32 to vector<16x1xi32>
    %shift_right_arithmetic3A_456 = arith.shrsi %add3A_453, %shift_right_arithmetic3A_455 : vector<16x1xi32>
    %bitcast_convert_type3A_457 = tpu.bitcast %shift_right_arithmetic3A_456 : vector<16x1xi32> -> vector<16x1xf32>
    %ge3A_458 = vector.broadcast %bitcast_convert_type3A_457 : vector<16x1xf32> to vector<16x8832xf32>
    %ge3A_459 = arith.cmpf oge, %select_n3A, %ge3A_458 : vector<16x8832xf32>
    %convert_element_type3A_460 = arith.extui %ge3A_459 : vector<16x8832xi1> to vector<16x8832xi32>
    %convert_element_type3A_461 = arith.sitofp %convert_element_type3A_460 : vector<16x8832xi32> to vector<16x8832xf32>
    %reduce_sum3A_462 = arith.constant dense<0.000000e+00> : vector<16xf32>
    %reduce_sum3A_463 = vector.multi_reduction <add>, %convert_element_type3A_461, %reduce_sum3A_462 [1] : vector<16x8832xf32> to vector<16xf32>
    %broadcast_in_dim3A_464 = vector.shape_cast %reduce_sum3A_463 : vector<16xf32> to vector<16x1xf32>
    %ge3A_465 = arith.constant 2.560000e+02 : f32
    %ge3A_466 = vector.broadcast %ge3A_465 : f32 to vector<16x1xf32>
    %ge3A_467 = arith.cmpf oge, %broadcast_in_dim3A_464, %ge3A_466 : vector<16x1xf32>
    %select_n3A_468 = arith.select %ge3A_467, %shift_right_arithmetic3A_456, %select_n3A_451 : vector<16x1xi1>, vector<16x1xi32>
    %select_n3A_469 = arith.select %ge3A_467, %select_n3A_452, %shift_right_arithmetic3A_456 : vector<16x1xi1>, vector<16x1xi32>
    %add3A_470 = arith.addi %select_n3A_468, %select_n3A_469 : vector<16x1xi32>
    %shift_right_arithmetic3A_471 = arith.constant 1 : i32
    %shift_right_arithmetic3A_472 = vector.broadcast %shift_right_arithmetic3A_471 : i32 to vector<16x1xi32>
    %shift_right_arithmetic3A_473 = arith.shrsi %add3A_470, %shift_right_arithmetic3A_472 : vector<16x1xi32>
    %bitcast_convert_type3A_474 = tpu.bitcast %shift_right_arithmetic3A_473 : vector<16x1xi32> -> vector<16x1xf32>
    %ge3A_475 = vector.broadcast %bitcast_convert_type3A_474 : vector<16x1xf32> to vector<16x8832xf32>
    %ge3A_476 = arith.cmpf oge, %select_n3A, %ge3A_475 : vector<16x8832xf32>
    %convert_element_type3A_477 = arith.extui %ge3A_476 : vector<16x8832xi1> to vector<16x8832xi32>
    %convert_element_type3A_478 = arith.sitofp %convert_element_type3A_477 : vector<16x8832xi32> to vector<16x8832xf32>
    %reduce_sum3A_479 = arith.constant dense<0.000000e+00> : vector<16xf32>
    %reduce_sum3A_480 = vector.multi_reduction <add>, %convert_element_type3A_478, %reduce_sum3A_479 [1] : vector<16x8832xf32> to vector<16xf32>
    %broadcast_in_dim3A_481 = vector.shape_cast %reduce_sum3A_480 : vector<16xf32> to vector<16x1xf32>
    %ge3A_482 = arith.constant 2.560000e+02 : f32
    %ge3A_483 = vector.broadcast %ge3A_482 : f32 to vector<16x1xf32>
    %ge3A_484 = arith.cmpf oge, %broadcast_in_dim3A_481, %ge3A_483 : vector<16x1xf32>
    %select_n3A_485 = arith.select %ge3A_484, %shift_right_arithmetic3A_473, %select_n3A_468 : vector<16x1xi1>, vector<16x1xi32>
    %select_n3A_486 = arith.select %ge3A_484, %select_n3A_469, %shift_right_arithmetic3A_473 : vector<16x1xi1>, vector<16x1xi32>
    %add3A_487 = arith.addi %select_n3A_485, %select_n3A_486 : vector<16x1xi32>
    %shift_right_arithmetic3A_488 = arith.constant 1 : i32
    %shift_right_arithmetic3A_489 = vector.broadcast %shift_right_arithmetic3A_488 : i32 to vector<16x1xi32>
    %shift_right_arithmetic3A_490 = arith.shrsi %add3A_487, %shift_right_arithmetic3A_489 : vector<16x1xi32>
    %bitcast_convert_type3A_491 = tpu.bitcast %shift_right_arithmetic3A_490 : vector<16x1xi32> -> vector<16x1xf32>
    %ge3A_492 = vector.broadcast %bitcast_convert_type3A_491 : vector<16x1xf32> to vector<16x8832xf32>
    %ge3A_493 = arith.cmpf oge, %select_n3A, %ge3A_492 : vector<16x8832xf32>
    %convert_element_type3A_494 = arith.extui %ge3A_493 : vector<16x8832xi1> to vector<16x8832xi32>
    %convert_element_type3A_495 = arith.sitofp %convert_element_type3A_494 : vector<16x8832xi32> to vector<16x8832xf32>
    %reduce_sum3A_496 = arith.constant dense<0.000000e+00> : vector<16xf32>
    %reduce_sum3A_497 = vector.multi_reduction <add>, %convert_element_type3A_495, %reduce_sum3A_496 [1] : vector<16x8832xf32> to vector<16xf32>
    %broadcast_in_dim3A_498 = vector.shape_cast %reduce_sum3A_497 : vector<16xf32> to vector<16x1xf32>
    %ge3A_499 = arith.constant 2.560000e+02 : f32
    %ge3A_500 = vector.broadcast %ge3A_499 : f32 to vector<16x1xf32>
    %ge3A_501 = arith.cmpf oge, %broadcast_in_dim3A_498, %ge3A_500 : vector<16x1xf32>
    %select_n3A_502 = arith.select %ge3A_501, %shift_right_arithmetic3A_490, %select_n3A_485 : vector<16x1xi1>, vector<16x1xi32>
    %select_n3A_503 = arith.select %ge3A_501, %select_n3A_486, %shift_right_arithmetic3A_490 : vector<16x1xi1>, vector<16x1xi32>
    %add3A_504 = arith.addi %select_n3A_502, %select_n3A_503 : vector<16x1xi32>
    %shift_right_arithmetic3A_505 = arith.constant 1 : i32
    %shift_right_arithmetic3A_506 = vector.broadcast %shift_right_arithmetic3A_505 : i32 to vector<16x1xi32>
    %shift_right_arithmetic3A_507 = arith.shrsi %add3A_504, %shift_right_arithmetic3A_506 : vector<16x1xi32>
    %bitcast_convert_type3A_508 = tpu.bitcast %shift_right_arithmetic3A_507 : vector<16x1xi32> -> vector<16x1xf32>
    %ge3A_509 = vector.broadcast %bitcast_convert_type3A_508 : vector<16x1xf32> to vector<16x8832xf32>
    %ge3A_510 = arith.cmpf oge, %select_n3A, %ge3A_509 : vector<16x8832xf32>
    %convert_element_type3A_511 = arith.extui %ge3A_510 : vector<16x8832xi1> to vector<16x8832xi32>
    %convert_element_type3A_512 = arith.sitofp %convert_element_type3A_511 : vector<16x8832xi32> to vector<16x8832xf32>
    %reduce_sum3A_513 = arith.constant dense<0.000000e+00> : vector<16xf32>
    %reduce_sum3A_514 = vector.multi_reduction <add>, %convert_element_type3A_512, %reduce_sum3A_513 [1] : vector<16x8832xf32> to vector<16xf32>
    %broadcast_in_dim3A_515 = vector.shape_cast %reduce_sum3A_514 : vector<16xf32> to vector<16x1xf32>
    %ge3A_516 = arith.constant 2.560000e+02 : f32
    %ge3A_517 = vector.broadcast %ge3A_516 : f32 to vector<16x1xf32>
    %ge3A_518 = arith.cmpf oge, %broadcast_in_dim3A_515, %ge3A_517 : vector<16x1xf32>
    %select_n3A_519 = arith.select %ge3A_518, %shift_right_arithmetic3A_507, %select_n3A_502 : vector<16x1xi1>, vector<16x1xi32>
    %select_n3A_520 = arith.select %ge3A_518, %select_n3A_503, %shift_right_arithmetic3A_507 : vector<16x1xi1>, vector<16x1xi32>
    %add3A_521 = arith.addi %select_n3A_519, %select_n3A_520 : vector<16x1xi32>
    %shift_right_arithmetic3A_522 = arith.constant 1 : i32
    %shift_right_arithmetic3A_523 = vector.broadcast %shift_right_arithmetic3A_522 : i32 to vector<16x1xi32>
    %shift_right_arithmetic3A_524 = arith.shrsi %add3A_521, %shift_right_arithmetic3A_523 : vector<16x1xi32>
    %bitcast_convert_type3A_525 = tpu.bitcast %shift_right_arithmetic3A_524 : vector<16x1xi32> -> vector<16x1xf32>
    %ge3A_526 = vector.broadcast %bitcast_convert_type3A_525 : vector<16x1xf32> to vector<16x8832xf32>
    %ge3A_527 = arith.cmpf oge, %select_n3A, %ge3A_526 : vector<16x8832xf32>
    %convert_element_type3A_528 = arith.extui %ge3A_527 : vector<16x8832xi1> to vector<16x8832xi32>
    %convert_element_type3A_529 = arith.sitofp %convert_element_type3A_528 : vector<16x8832xi32> to vector<16x8832xf32>
    %reduce_sum3A_530 = arith.constant dense<0.000000e+00> : vector<16xf32>
    %reduce_sum3A_531 = vector.multi_reduction <add>, %convert_element_type3A_529, %reduce_sum3A_530 [1] : vector<16x8832xf32> to vector<16xf32>
    %broadcast_in_dim3A_532 = vector.shape_cast %reduce_sum3A_531 : vector<16xf32> to vector<16x1xf32>
    %ge3A_533 = arith.constant 2.560000e+02 : f32
    %ge3A_534 = vector.broadcast %ge3A_533 : f32 to vector<16x1xf32>
    %ge3A_535 = arith.cmpf oge, %broadcast_in_dim3A_532, %ge3A_534 : vector<16x1xf32>
    %select_n3A_536 = arith.select %ge3A_535, %shift_right_arithmetic3A_524, %select_n3A_519 : vector<16x1xi1>, vector<16x1xi32>
    %select_n3A_537 = arith.select %ge3A_535, %select_n3A_520, %shift_right_arithmetic3A_524 : vector<16x1xi1>, vector<16x1xi32>
    %add3A_538 = arith.addi %select_n3A_536, %select_n3A_537 : vector<16x1xi32>
    %shift_right_arithmetic3A_539 = arith.constant 1 : i32
    %shift_right_arithmetic3A_540 = vector.broadcast %shift_right_arithmetic3A_539 : i32 to vector<16x1xi32>
    %shift_right_arithmetic3A_541 = arith.shrsi %add3A_538, %shift_right_arithmetic3A_540 : vector<16x1xi32>
    %bitcast_convert_type3A_542 = tpu.bitcast %shift_right_arithmetic3A_541 : vector<16x1xi32> -> vector<16x1xf32>
    %ge3A_543 = vector.broadcast %bitcast_convert_type3A_542 : vector<16x1xf32> to vector<16x8832xf32>
    %ge3A_544 = arith.cmpf oge, %select_n3A, %ge3A_543 : vector<16x8832xf32>
    %convert_element_type3A_545 = arith.extui %ge3A_544 : vector<16x8832xi1> to vector<16x8832xi32>
    %convert_element_type3A_546 = arith.sitofp %convert_element_type3A_545 : vector<16x8832xi32> to vector<16x8832xf32>
    %reduce_sum3A_547 = arith.constant dense<0.000000e+00> : vector<16xf32>
    %reduce_sum3A_548 = vector.multi_reduction <add>, %convert_element_type3A_546, %reduce_sum3A_547 [1] : vector<16x8832xf32> to vector<16xf32>
    %broadcast_in_dim3A_549 = vector.shape_cast %reduce_sum3A_548 : vector<16xf32> to vector<16x1xf32>
    %ge3A_550 = arith.constant 2.560000e+02 : f32
    %ge3A_551 = vector.broadcast %ge3A_550 : f32 to vector<16x1xf32>
    %ge3A_552 = arith.cmpf oge, %broadcast_in_dim3A_549, %ge3A_551 : vector<16x1xf32>
    %select_n3A_553 = arith.select %ge3A_552, %shift_right_arithmetic3A_541, %select_n3A_536 : vector<16x1xi1>, vector<16x1xi32>
    %select_n3A_554 = arith.select %ge3A_552, %select_n3A_537, %shift_right_arithmetic3A_541 : vector<16x1xi1>, vector<16x1xi32>
    %add3A_555 = arith.addi %select_n3A_553, %select_n3A_554 : vector<16x1xi32>
    %shift_right_arithmetic3A_556 = arith.constant 1 : i32
    %shift_right_arithmetic3A_557 = vector.broadcast %shift_right_arithmetic3A_556 : i32 to vector<16x1xi32>
    %shift_right_arithmetic3A_558 = arith.shrsi %add3A_555, %shift_right_arithmetic3A_557 : vector<16x1xi32>
    %bitcast_convert_type3A_559 = tpu.bitcast %shift_right_arithmetic3A_558 : vector<16x1xi32> -> vector<16x1xf32>
    %ge3A_560 = vector.broadcast %bitcast_convert_type3A_559 : vector<16x1xf32> to vector<16x8832xf32>
    %ge3A_561 = arith.cmpf oge, %select_n3A, %ge3A_560 : vector<16x8832xf32>
    %convert_element_type3A_562 = arith.extui %ge3A_561 : vector<16x8832xi1> to vector<16x8832xi32>
    %convert_element_type3A_563 = arith.sitofp %convert_element_type3A_562 : vector<16x8832xi32> to vector<16x8832xf32>
    %reduce_sum3A_564 = arith.constant dense<0.000000e+00> : vector<16xf32>
    %reduce_sum3A_565 = vector.multi_reduction <add>, %convert_element_type3A_563, %reduce_sum3A_564 [1] : vector<16x8832xf32> to vector<16xf32>
    %broadcast_in_dim3A_566 = vector.shape_cast %reduce_sum3A_565 : vector<16xf32> to vector<16x1xf32>
    %ge3A_567 = arith.constant 2.560000e+02 : f32
    %ge3A_568 = vector.broadcast %ge3A_567 : f32 to vector<16x1xf32>
    %ge3A_569 = arith.cmpf oge, %broadcast_in_dim3A_566, %ge3A_568 : vector<16x1xf32>
    %select_n3A_570 = arith.select %ge3A_569, %shift_right_arithmetic3A_558, %select_n3A_553 : vector<16x1xi1>, vector<16x1xi32>
    %bitcast_convert_type3A_571 = tpu.bitcast %select_n3A_570 : vector<16x1xi32> -> vector<16x1xf32>
    %gt3A = vector.broadcast %bitcast_convert_type3A_571 : vector<16x1xf32> to vector<16x8832xf32>
    %gt3A_572 = arith.cmpf ogt, %select_n3A, %gt3A : vector<16x8832xf32>
    %convert_element_type3A_573 = arith.extui %gt3A_572 : vector<16x8832xi1> to vector<16x8832xi32>
    %convert_element_type3A_574 = arith.sitofp %convert_element_type3A_573 : vector<16x8832xi32> to vector<16x8832xf32>
    %reduce_sum3A_575 = arith.constant dense<0.000000e+00> : vector<16xf32>
    %reduce_sum3A_576 = vector.multi_reduction <add>, %convert_element_type3A_574, %reduce_sum3A_575 [1] : vector<16x8832xf32> to vector<16xf32>
    %broadcast_in_dim3A_577 = vector.shape_cast %reduce_sum3A_576 : vector<16xf32> to vector<16x1xf32>
    %sub3A_578 = arith.constant 2.560000e+02 : f32
    %sub3A_579 = vector.broadcast %sub3A_578 : f32 to vector<16x1xf32>
    %sub3A_580 = arith.subf %sub3A_579, %broadcast_in_dim3A_577 : vector<16x1xf32>
    %eq3A = vector.broadcast %bitcast_convert_type3A_571 : vector<16x1xf32> to vector<16x8832xf32>
    %eq3A_581 = arith.cmpf oeq, %select_n3A, %eq3A : vector<16x8832xf32>
    %convert_element_type3A_582 = arith.extui %eq3A_581 : vector<16x8832xi1> to vector<16x8832xi32>
    %convert_element_type3A_583 = arith.sitofp %convert_element_type3A_582 : vector<16x8832xi32> to vector<16x8832xf32>
    %broadcast_in_dim3A_584 = arith.constant -1 : i32
    %broadcast_in_dim3A_585 = vector.broadcast %broadcast_in_dim3A_584 : i32 to vector<16x1xi32>
    %broadcast_in_dim3A_586 = arith.constant 8831 : i32
    %broadcast_in_dim3A_587 = vector.broadcast %broadcast_in_dim3A_586 : i32 to vector<16x1xi32>
    %add3A_588 = arith.addi %broadcast_in_dim3A_585, %broadcast_in_dim3A_587 : vector<16x1xi32>
    %shift_right_arithmetic3A_589 = arith.constant 1 : i32
    %shift_right_arithmetic3A_590 = vector.broadcast %shift_right_arithmetic3A_589 : i32 to vector<16x1xi32>
    %shift_right_arithmetic3A_591 = arith.shrsi %add3A_588, %shift_right_arithmetic3A_590 : vector<16x1xi32>
    %le3A = vector.broadcast %iota3A : vector<1x8832xi32> to vector<16x8832xi32>
    %le3A_592 = vector.broadcast %shift_right_arithmetic3A_591 : vector<16x1xi32> to vector<16x8832xi32>
    %le3A_593 = arith.cmpi sle, %le3A, %le3A_592 : vector<16x8832xi32>
    %jit3A_594 = arith.constant 0.000000e+00 : f32
    %broadcast_in_dim3A_595 = vector.broadcast %jit3A_594 : f32 to vector<16x8832xf32>
    %select_n3A_596 = arith.select %le3A_593, %convert_element_type3A_583, %broadcast_in_dim3A_595 : vector<16x8832xi1>, vector<16x8832xf32>
    %reduce_sum3A_597 = arith.constant dense<0.000000e+00> : vector<16xf32>
    %reduce_sum3A_598 = vector.multi_reduction <add>, %select_n3A_596, %reduce_sum3A_597 [1] : vector<16x8832xf32> to vector<16xf32>
    %broadcast_in_dim3A_599 = vector.shape_cast %reduce_sum3A_598 : vector<16xf32> to vector<16x1xf32>
    %ge3A_600 = arith.cmpf oge, %broadcast_in_dim3A_599, %sub3A_580 : vector<16x1xf32>
    %select_n3A_601 = arith.select %ge3A_600, %shift_right_arithmetic3A_591, %broadcast_in_dim3A_587 : vector<16x1xi1>, vector<16x1xi32>
    %select_n3A_602 = arith.select %ge3A_600, %broadcast_in_dim3A_585, %shift_right_arithmetic3A_591 : vector<16x1xi1>, vector<16x1xi32>
    %add3A_603 = arith.addi %select_n3A_602, %select_n3A_601 : vector<16x1xi32>
    %shift_right_arithmetic3A_604 = arith.constant 1 : i32
    %shift_right_arithmetic3A_605 = vector.broadcast %shift_right_arithmetic3A_604 : i32 to vector<16x1xi32>
    %shift_right_arithmetic3A_606 = arith.shrsi %add3A_603, %shift_right_arithmetic3A_605 : vector<16x1xi32>
    %le3A_607 = vector.broadcast %iota3A : vector<1x8832xi32> to vector<16x8832xi32>
    %le3A_608 = vector.broadcast %shift_right_arithmetic3A_606 : vector<16x1xi32> to vector<16x8832xi32>
    %le3A_609 = arith.cmpi sle, %le3A_607, %le3A_608 : vector<16x8832xi32>
    %jit3A_610 = arith.constant 0.000000e+00 : f32
    %broadcast_in_dim3A_611 = vector.broadcast %jit3A_610 : f32 to vector<16x8832xf32>
    %select_n3A_612 = arith.select %le3A_609, %convert_element_type3A_583, %broadcast_in_dim3A_611 : vector<16x8832xi1>, vector<16x8832xf32>
    %reduce_sum3A_613 = arith.constant dense<0.000000e+00> : vector<16xf32>
    %reduce_sum3A_614 = vector.multi_reduction <add>, %select_n3A_612, %reduce_sum3A_613 [1] : vector<16x8832xf32> to vector<16xf32>
    %broadcast_in_dim3A_615 = vector.shape_cast %reduce_sum3A_614 : vector<16xf32> to vector<16x1xf32>
    %ge3A_616 = arith.cmpf oge, %broadcast_in_dim3A_615, %sub3A_580 : vector<16x1xf32>
    %select_n3A_617 = arith.select %ge3A_616, %shift_right_arithmetic3A_606, %select_n3A_601 : vector<16x1xi1>, vector<16x1xi32>
    %select_n3A_618 = arith.select %ge3A_616, %select_n3A_602, %shift_right_arithmetic3A_606 : vector<16x1xi1>, vector<16x1xi32>
    %add3A_619 = arith.addi %select_n3A_618, %select_n3A_617 : vector<16x1xi32>
    %shift_right_arithmetic3A_620 = arith.constant 1 : i32
    %shift_right_arithmetic3A_621 = vector.broadcast %shift_right_arithmetic3A_620 : i32 to vector<16x1xi32>
    %shift_right_arithmetic3A_622 = arith.shrsi %add3A_619, %shift_right_arithmetic3A_621 : vector<16x1xi32>
    %le3A_623 = vector.broadcast %iota3A : vector<1x8832xi32> to vector<16x8832xi32>
    %le3A_624 = vector.broadcast %shift_right_arithmetic3A_622 : vector<16x1xi32> to vector<16x8832xi32>
    %le3A_625 = arith.cmpi sle, %le3A_623, %le3A_624 : vector<16x8832xi32>
    %jit3A_626 = arith.constant 0.000000e+00 : f32
    %broadcast_in_dim3A_627 = vector.broadcast %jit3A_626 : f32 to vector<16x8832xf32>
    %select_n3A_628 = arith.select %le3A_625, %convert_element_type3A_583, %broadcast_in_dim3A_627 : vector<16x8832xi1>, vector<16x8832xf32>
    %reduce_sum3A_629 = arith.constant dense<0.000000e+00> : vector<16xf32>
    %reduce_sum3A_630 = vector.multi_reduction <add>, %select_n3A_628, %reduce_sum3A_629 [1] : vector<16x8832xf32> to vector<16xf32>
    %broadcast_in_dim3A_631 = vector.shape_cast %reduce_sum3A_630 : vector<16xf32> to vector<16x1xf32>
    %ge3A_632 = arith.cmpf oge, %broadcast_in_dim3A_631, %sub3A_580 : vector<16x1xf32>
    %select_n3A_633 = arith.select %ge3A_632, %shift_right_arithmetic3A_622, %select_n3A_617 : vector<16x1xi1>, vector<16x1xi32>
    %select_n3A_634 = arith.select %ge3A_632, %select_n3A_618, %shift_right_arithmetic3A_622 : vector<16x1xi1>, vector<16x1xi32>
    %add3A_635 = arith.addi %select_n3A_634, %select_n3A_633 : vector<16x1xi32>
    %shift_right_arithmetic3A_636 = arith.constant 1 : i32
    %shift_right_arithmetic3A_637 = vector.broadcast %shift_right_arithmetic3A_636 : i32 to vector<16x1xi32>
    %shift_right_arithmetic3A_638 = arith.shrsi %add3A_635, %shift_right_arithmetic3A_637 : vector<16x1xi32>
    %le3A_639 = vector.broadcast %iota3A : vector<1x8832xi32> to vector<16x8832xi32>
    %le3A_640 = vector.broadcast %shift_right_arithmetic3A_638 : vector<16x1xi32> to vector<16x8832xi32>
    %le3A_641 = arith.cmpi sle, %le3A_639, %le3A_640 : vector<16x8832xi32>
    %jit3A_642 = arith.constant 0.000000e+00 : f32
    %broadcast_in_dim3A_643 = vector.broadcast %jit3A_642 : f32 to vector<16x8832xf32>
    %select_n3A_644 = arith.select %le3A_641, %convert_element_type3A_583, %broadcast_in_dim3A_643 : vector<16x8832xi1>, vector<16x8832xf32>
    %reduce_sum3A_645 = arith.constant dense<0.000000e+00> : vector<16xf32>
    %reduce_sum3A_646 = vector.multi_reduction <add>, %select_n3A_644, %reduce_sum3A_645 [1] : vector<16x8832xf32> to vector<16xf32>
    %broadcast_in_dim3A_647 = vector.shape_cast %reduce_sum3A_646 : vector<16xf32> to vector<16x1xf32>
    %ge3A_648 = arith.cmpf oge, %broadcast_in_dim3A_647, %sub3A_580 : vector<16x1xf32>
    %select_n3A_649 = arith.select %ge3A_648, %shift_right_arithmetic3A_638, %select_n3A_633 : vector<16x1xi1>, vector<16x1xi32>
    %select_n3A_650 = arith.select %ge3A_648, %select_n3A_634, %shift_right_arithmetic3A_638 : vector<16x1xi1>, vector<16x1xi32>
    %add3A_651 = arith.addi %select_n3A_650, %select_n3A_649 : vector<16x1xi32>
    %shift_right_arithmetic3A_652 = arith.constant 1 : i32
    %shift_right_arithmetic3A_653 = vector.broadcast %shift_right_arithmetic3A_652 : i32 to vector<16x1xi32>
    %shift_right_arithmetic3A_654 = arith.shrsi %add3A_651, %shift_right_arithmetic3A_653 : vector<16x1xi32>
    %le3A_655 = vector.broadcast %iota3A : vector<1x8832xi32> to vector<16x8832xi32>
    %le3A_656 = vector.broadcast %shift_right_arithmetic3A_654 : vector<16x1xi32> to vector<16x8832xi32>
    %le3A_657 = arith.cmpi sle, %le3A_655, %le3A_656 : vector<16x8832xi32>
    %jit3A_658 = arith.constant 0.000000e+00 : f32
    %broadcast_in_dim3A_659 = vector.broadcast %jit3A_658 : f32 to vector<16x8832xf32>
    %select_n3A_660 = arith.select %le3A_657, %convert_element_type3A_583, %broadcast_in_dim3A_659 : vector<16x8832xi1>, vector<16x8832xf32>
    %reduce_sum3A_661 = arith.constant dense<0.000000e+00> : vector<16xf32>
    %reduce_sum3A_662 = vector.multi_reduction <add>, %select_n3A_660, %reduce_sum3A_661 [1] : vector<16x8832xf32> to vector<16xf32>
    %broadcast_in_dim3A_663 = vector.shape_cast %reduce_sum3A_662 : vector<16xf32> to vector<16x1xf32>
    %ge3A_664 = arith.cmpf oge, %broadcast_in_dim3A_663, %sub3A_580 : vector<16x1xf32>
    %select_n3A_665 = arith.select %ge3A_664, %shift_right_arithmetic3A_654, %select_n3A_649 : vector<16x1xi1>, vector<16x1xi32>
    %select_n3A_666 = arith.select %ge3A_664, %select_n3A_650, %shift_right_arithmetic3A_654 : vector<16x1xi1>, vector<16x1xi32>
    %add3A_667 = arith.addi %select_n3A_666, %select_n3A_665 : vector<16x1xi32>
    %shift_right_arithmetic3A_668 = arith.constant 1 : i32
    %shift_right_arithmetic3A_669 = vector.broadcast %shift_right_arithmetic3A_668 : i32 to vector<16x1xi32>
    %shift_right_arithmetic3A_670 = arith.shrsi %add3A_667, %shift_right_arithmetic3A_669 : vector<16x1xi32>
    %le3A_671 = vector.broadcast %iota3A : vector<1x8832xi32> to vector<16x8832xi32>
    %le3A_672 = vector.broadcast %shift_right_arithmetic3A_670 : vector<16x1xi32> to vector<16x8832xi32>
    %le3A_673 = arith.cmpi sle, %le3A_671, %le3A_672 : vector<16x8832xi32>
    %jit3A_674 = arith.constant 0.000000e+00 : f32
    %broadcast_in_dim3A_675 = vector.broadcast %jit3A_674 : f32 to vector<16x8832xf32>
    %select_n3A_676 = arith.select %le3A_673, %convert_element_type3A_583, %broadcast_in_dim3A_675 : vector<16x8832xi1>, vector<16x8832xf32>
    %reduce_sum3A_677 = arith.constant dense<0.000000e+00> : vector<16xf32>
    %reduce_sum3A_678 = vector.multi_reduction <add>, %select_n3A_676, %reduce_sum3A_677 [1] : vector<16x8832xf32> to vector<16xf32>
    %broadcast_in_dim3A_679 = vector.shape_cast %reduce_sum3A_678 : vector<16xf32> to vector<16x1xf32>
    %ge3A_680 = arith.cmpf oge, %broadcast_in_dim3A_679, %sub3A_580 : vector<16x1xf32>
    %select_n3A_681 = arith.select %ge3A_680, %shift_right_arithmetic3A_670, %select_n3A_665 : vector<16x1xi1>, vector<16x1xi32>
    %select_n3A_682 = arith.select %ge3A_680, %select_n3A_666, %shift_right_arithmetic3A_670 : vector<16x1xi1>, vector<16x1xi32>
    %add3A_683 = arith.addi %select_n3A_682, %select_n3A_681 : vector<16x1xi32>
    %shift_right_arithmetic3A_684 = arith.constant 1 : i32
    %shift_right_arithmetic3A_685 = vector.broadcast %shift_right_arithmetic3A_684 : i32 to vector<16x1xi32>
    %shift_right_arithmetic3A_686 = arith.shrsi %add3A_683, %shift_right_arithmetic3A_685 : vector<16x1xi32>
    %le3A_687 = vector.broadcast %iota3A : vector<1x8832xi32> to vector<16x8832xi32>
    %le3A_688 = vector.broadcast %shift_right_arithmetic3A_686 : vector<16x1xi32> to vector<16x8832xi32>
    %le3A_689 = arith.cmpi sle, %le3A_687, %le3A_688 : vector<16x8832xi32>
    %jit3A_690 = arith.constant 0.000000e+00 : f32
    %broadcast_in_dim3A_691 = vector.broadcast %jit3A_690 : f32 to vector<16x8832xf32>
    %select_n3A_692 = arith.select %le3A_689, %convert_element_type3A_583, %broadcast_in_dim3A_691 : vector<16x8832xi1>, vector<16x8832xf32>
    %reduce_sum3A_693 = arith.constant dense<0.000000e+00> : vector<16xf32>
    %reduce_sum3A_694 = vector.multi_reduction <add>, %select_n3A_692, %reduce_sum3A_693 [1] : vector<16x8832xf32> to vector<16xf32>
    %broadcast_in_dim3A_695 = vector.shape_cast %reduce_sum3A_694 : vector<16xf32> to vector<16x1xf32>
    %ge3A_696 = arith.cmpf oge, %broadcast_in_dim3A_695, %sub3A_580 : vector<16x1xf32>
    %select_n3A_697 = arith.select %ge3A_696, %shift_right_arithmetic3A_686, %select_n3A_681 : vector<16x1xi1>, vector<16x1xi32>
    %select_n3A_698 = arith.select %ge3A_696, %select_n3A_682, %shift_right_arithmetic3A_686 : vector<16x1xi1>, vector<16x1xi32>
    %add3A_699 = arith.addi %select_n3A_698, %select_n3A_697 : vector<16x1xi32>
    %shift_right_arithmetic3A_700 = arith.constant 1 : i32
    %shift_right_arithmetic3A_701 = vector.broadcast %shift_right_arithmetic3A_700 : i32 to vector<16x1xi32>
    %shift_right_arithmetic3A_702 = arith.shrsi %add3A_699, %shift_right_arithmetic3A_701 : vector<16x1xi32>
    %le3A_703 = vector.broadcast %iota3A : vector<1x8832xi32> to vector<16x8832xi32>
    %le3A_704 = vector.broadcast %shift_right_arithmetic3A_702 : vector<16x1xi32> to vector<16x8832xi32>
    %le3A_705 = arith.cmpi sle, %le3A_703, %le3A_704 : vector<16x8832xi32>
    %jit3A_706 = arith.constant 0.000000e+00 : f32
    %broadcast_in_dim3A_707 = vector.broadcast %jit3A_706 : f32 to vector<16x8832xf32>
    %select_n3A_708 = arith.select %le3A_705, %convert_element_type3A_583, %broadcast_in_dim3A_707 : vector<16x8832xi1>, vector<16x8832xf32>
    %reduce_sum3A_709 = arith.constant dense<0.000000e+00> : vector<16xf32>
    %reduce_sum3A_710 = vector.multi_reduction <add>, %select_n3A_708, %reduce_sum3A_709 [1] : vector<16x8832xf32> to vector<16xf32>
    %broadcast_in_dim3A_711 = vector.shape_cast %reduce_sum3A_710 : vector<16xf32> to vector<16x1xf32>
    %ge3A_712 = arith.cmpf oge, %broadcast_in_dim3A_711, %sub3A_580 : vector<16x1xf32>
    %select_n3A_713 = arith.select %ge3A_712, %shift_right_arithmetic3A_702, %select_n3A_697 : vector<16x1xi1>, vector<16x1xi32>
    %select_n3A_714 = arith.select %ge3A_712, %select_n3A_698, %shift_right_arithmetic3A_702 : vector<16x1xi1>, vector<16x1xi32>
    %add3A_715 = arith.addi %select_n3A_714, %select_n3A_713 : vector<16x1xi32>
    %shift_right_arithmetic3A_716 = arith.constant 1 : i32
    %shift_right_arithmetic3A_717 = vector.broadcast %shift_right_arithmetic3A_716 : i32 to vector<16x1xi32>
    %shift_right_arithmetic3A_718 = arith.shrsi %add3A_715, %shift_right_arithmetic3A_717 : vector<16x1xi32>
    %le3A_719 = vector.broadcast %iota3A : vector<1x8832xi32> to vector<16x8832xi32>
    %le3A_720 = vector.broadcast %shift_right_arithmetic3A_718 : vector<16x1xi32> to vector<16x8832xi32>
    %le3A_721 = arith.cmpi sle, %le3A_719, %le3A_720 : vector<16x8832xi32>
    %jit3A_722 = arith.constant 0.000000e+00 : f32
    %broadcast_in_dim3A_723 = vector.broadcast %jit3A_722 : f32 to vector<16x8832xf32>
    %select_n3A_724 = arith.select %le3A_721, %convert_element_type3A_583, %broadcast_in_dim3A_723 : vector<16x8832xi1>, vector<16x8832xf32>
    %reduce_sum3A_725 = arith.constant dense<0.000000e+00> : vector<16xf32>
    %reduce_sum3A_726 = vector.multi_reduction <add>, %select_n3A_724, %reduce_sum3A_725 [1] : vector<16x8832xf32> to vector<16xf32>
    %broadcast_in_dim3A_727 = vector.shape_cast %reduce_sum3A_726 : vector<16xf32> to vector<16x1xf32>
    %ge3A_728 = arith.cmpf oge, %broadcast_in_dim3A_727, %sub3A_580 : vector<16x1xf32>
    %select_n3A_729 = arith.select %ge3A_728, %shift_right_arithmetic3A_718, %select_n3A_713 : vector<16x1xi1>, vector<16x1xi32>
    %select_n3A_730 = arith.select %ge3A_728, %select_n3A_714, %shift_right_arithmetic3A_718 : vector<16x1xi1>, vector<16x1xi32>
    %add3A_731 = arith.addi %select_n3A_730, %select_n3A_729 : vector<16x1xi32>
    %shift_right_arithmetic3A_732 = arith.constant 1 : i32
    %shift_right_arithmetic3A_733 = vector.broadcast %shift_right_arithmetic3A_732 : i32 to vector<16x1xi32>
    %shift_right_arithmetic3A_734 = arith.shrsi %add3A_731, %shift_right_arithmetic3A_733 : vector<16x1xi32>
    %le3A_735 = vector.broadcast %iota3A : vector<1x8832xi32> to vector<16x8832xi32>
    %le3A_736 = vector.broadcast %shift_right_arithmetic3A_734 : vector<16x1xi32> to vector<16x8832xi32>
    %le3A_737 = arith.cmpi sle, %le3A_735, %le3A_736 : vector<16x8832xi32>
    %jit3A_738 = arith.constant 0.000000e+00 : f32
    %broadcast_in_dim3A_739 = vector.broadcast %jit3A_738 : f32 to vector<16x8832xf32>
    %select_n3A_740 = arith.select %le3A_737, %convert_element_type3A_583, %broadcast_in_dim3A_739 : vector<16x8832xi1>, vector<16x8832xf32>
    %reduce_sum3A_741 = arith.constant dense<0.000000e+00> : vector<16xf32>
    %reduce_sum3A_742 = vector.multi_reduction <add>, %select_n3A_740, %reduce_sum3A_741 [1] : vector<16x8832xf32> to vector<16xf32>
    %broadcast_in_dim3A_743 = vector.shape_cast %reduce_sum3A_742 : vector<16xf32> to vector<16x1xf32>
    %ge3A_744 = arith.cmpf oge, %broadcast_in_dim3A_743, %sub3A_580 : vector<16x1xf32>
    %select_n3A_745 = arith.select %ge3A_744, %shift_right_arithmetic3A_734, %select_n3A_729 : vector<16x1xi1>, vector<16x1xi32>
    %select_n3A_746 = arith.select %ge3A_744, %select_n3A_730, %shift_right_arithmetic3A_734 : vector<16x1xi1>, vector<16x1xi32>
    %add3A_747 = arith.addi %select_n3A_746, %select_n3A_745 : vector<16x1xi32>
    %shift_right_arithmetic3A_748 = arith.constant 1 : i32
    %shift_right_arithmetic3A_749 = vector.broadcast %shift_right_arithmetic3A_748 : i32 to vector<16x1xi32>
    %shift_right_arithmetic3A_750 = arith.shrsi %add3A_747, %shift_right_arithmetic3A_749 : vector<16x1xi32>
    %le3A_751 = vector.broadcast %iota3A : vector<1x8832xi32> to vector<16x8832xi32>
    %le3A_752 = vector.broadcast %shift_right_arithmetic3A_750 : vector<16x1xi32> to vector<16x8832xi32>
    %le3A_753 = arith.cmpi sle, %le3A_751, %le3A_752 : vector<16x8832xi32>
    %jit3A_754 = arith.constant 0.000000e+00 : f32
    %broadcast_in_dim3A_755 = vector.broadcast %jit3A_754 : f32 to vector<16x8832xf32>
    %select_n3A_756 = arith.select %le3A_753, %convert_element_type3A_583, %broadcast_in_dim3A_755 : vector<16x8832xi1>, vector<16x8832xf32>
    %reduce_sum3A_757 = arith.constant dense<0.000000e+00> : vector<16xf32>
    %reduce_sum3A_758 = vector.multi_reduction <add>, %select_n3A_756, %reduce_sum3A_757 [1] : vector<16x8832xf32> to vector<16xf32>
    %broadcast_in_dim3A_759 = vector.shape_cast %reduce_sum3A_758 : vector<16xf32> to vector<16x1xf32>
    %ge3A_760 = arith.cmpf oge, %broadcast_in_dim3A_759, %sub3A_580 : vector<16x1xf32>
    %select_n3A_761 = arith.select %ge3A_760, %shift_right_arithmetic3A_750, %select_n3A_745 : vector<16x1xi1>, vector<16x1xi32>
    %select_n3A_762 = arith.select %ge3A_760, %select_n3A_746, %shift_right_arithmetic3A_750 : vector<16x1xi1>, vector<16x1xi32>
    %add3A_763 = arith.addi %select_n3A_762, %select_n3A_761 : vector<16x1xi32>
    %shift_right_arithmetic3A_764 = arith.constant 1 : i32
    %shift_right_arithmetic3A_765 = vector.broadcast %shift_right_arithmetic3A_764 : i32 to vector<16x1xi32>
    %shift_right_arithmetic3A_766 = arith.shrsi %add3A_763, %shift_right_arithmetic3A_765 : vector<16x1xi32>
    %le3A_767 = vector.broadcast %iota3A : vector<1x8832xi32> to vector<16x8832xi32>
    %le3A_768 = vector.broadcast %shift_right_arithmetic3A_766 : vector<16x1xi32> to vector<16x8832xi32>
    %le3A_769 = arith.cmpi sle, %le3A_767, %le3A_768 : vector<16x8832xi32>
    %jit3A_770 = arith.constant 0.000000e+00 : f32
    %broadcast_in_dim3A_771 = vector.broadcast %jit3A_770 : f32 to vector<16x8832xf32>
    %select_n3A_772 = arith.select %le3A_769, %convert_element_type3A_583, %broadcast_in_dim3A_771 : vector<16x8832xi1>, vector<16x8832xf32>
    %reduce_sum3A_773 = arith.constant dense<0.000000e+00> : vector<16xf32>
    %reduce_sum3A_774 = vector.multi_reduction <add>, %select_n3A_772, %reduce_sum3A_773 [1] : vector<16x8832xf32> to vector<16xf32>
    %broadcast_in_dim3A_775 = vector.shape_cast %reduce_sum3A_774 : vector<16xf32> to vector<16x1xf32>
    %ge3A_776 = arith.cmpf oge, %broadcast_in_dim3A_775, %sub3A_580 : vector<16x1xf32>
    %select_n3A_777 = arith.select %ge3A_776, %shift_right_arithmetic3A_766, %select_n3A_761 : vector<16x1xi1>, vector<16x1xi32>
    %select_n3A_778 = arith.select %ge3A_776, %select_n3A_762, %shift_right_arithmetic3A_766 : vector<16x1xi1>, vector<16x1xi32>
    %add3A_779 = arith.addi %select_n3A_778, %select_n3A_777 : vector<16x1xi32>
    %shift_right_arithmetic3A_780 = arith.constant 1 : i32
    %shift_right_arithmetic3A_781 = vector.broadcast %shift_right_arithmetic3A_780 : i32 to vector<16x1xi32>
    %shift_right_arithmetic3A_782 = arith.shrsi %add3A_779, %shift_right_arithmetic3A_781 : vector<16x1xi32>
    %le3A_783 = vector.broadcast %iota3A : vector<1x8832xi32> to vector<16x8832xi32>
    %le3A_784 = vector.broadcast %shift_right_arithmetic3A_782 : vector<16x1xi32> to vector<16x8832xi32>
    %le3A_785 = arith.cmpi sle, %le3A_783, %le3A_784 : vector<16x8832xi32>
    %jit3A_786 = arith.constant 0.000000e+00 : f32
    %broadcast_in_dim3A_787 = vector.broadcast %jit3A_786 : f32 to vector<16x8832xf32>
    %select_n3A_788 = arith.select %le3A_785, %convert_element_type3A_583, %broadcast_in_dim3A_787 : vector<16x8832xi1>, vector<16x8832xf32>
    %reduce_sum3A_789 = arith.constant dense<0.000000e+00> : vector<16xf32>
    %reduce_sum3A_790 = vector.multi_reduction <add>, %select_n3A_788, %reduce_sum3A_789 [1] : vector<16x8832xf32> to vector<16xf32>
    %broadcast_in_dim3A_791 = vector.shape_cast %reduce_sum3A_790 : vector<16xf32> to vector<16x1xf32>
    %ge3A_792 = arith.cmpf oge, %broadcast_in_dim3A_791, %sub3A_580 : vector<16x1xf32>
    %select_n3A_793 = arith.select %ge3A_792, %shift_right_arithmetic3A_782, %select_n3A_777 : vector<16x1xi1>, vector<16x1xi32>
    %select_n3A_794 = arith.select %ge3A_792, %select_n3A_778, %shift_right_arithmetic3A_782 : vector<16x1xi1>, vector<16x1xi32>
    %add3A_795 = arith.addi %select_n3A_794, %select_n3A_793 : vector<16x1xi32>
    %shift_right_arithmetic3A_796 = arith.constant 1 : i32
    %shift_right_arithmetic3A_797 = vector.broadcast %shift_right_arithmetic3A_796 : i32 to vector<16x1xi32>
    %shift_right_arithmetic3A_798 = arith.shrsi %add3A_795, %shift_right_arithmetic3A_797 : vector<16x1xi32>
    %le3A_799 = vector.broadcast %iota3A : vector<1x8832xi32> to vector<16x8832xi32>
    %le3A_800 = vector.broadcast %shift_right_arithmetic3A_798 : vector<16x1xi32> to vector<16x8832xi32>
    %le3A_801 = arith.cmpi sle, %le3A_799, %le3A_800 : vector<16x8832xi32>
    %jit3A_802 = arith.constant 0.000000e+00 : f32
    %broadcast_in_dim3A_803 = vector.broadcast %jit3A_802 : f32 to vector<16x8832xf32>
    %select_n3A_804 = arith.select %le3A_801, %convert_element_type3A_583, %broadcast_in_dim3A_803 : vector<16x8832xi1>, vector<16x8832xf32>
    %reduce_sum3A_805 = arith.constant dense<0.000000e+00> : vector<16xf32>
    %reduce_sum3A_806 = vector.multi_reduction <add>, %select_n3A_804, %reduce_sum3A_805 [1] : vector<16x8832xf32> to vector<16xf32>
    %broadcast_in_dim3A_807 = vector.shape_cast %reduce_sum3A_806 : vector<16xf32> to vector<16x1xf32>
    %ge3A_808 = arith.cmpf oge, %broadcast_in_dim3A_807, %sub3A_580 : vector<16x1xf32>
    %select_n3A_809 = arith.select %ge3A_808, %shift_right_arithmetic3A_798, %select_n3A_793 : vector<16x1xi1>, vector<16x1xi32>
    %gt3A_810 = vector.broadcast %bitcast_convert_type3A_571 : vector<16x1xf32> to vector<16x8832xf32>
    %gt3A_811 = arith.cmpf ogt, %select_n3A, %gt3A_810 : vector<16x8832xf32>
    %le3A_812 = vector.broadcast %iota3A : vector<1x8832xi32> to vector<16x8832xi32>
    %le3A_813 = vector.broadcast %select_n3A_809 : vector<16x1xi32> to vector<16x8832xi32>
    %le3A_814 = arith.cmpi sle, %le3A_812, %le3A_813 : vector<16x8832xi32>
    %and3A = arith.andi %eq3A_581, %le3A_814 : vector<16x8832xi1>
    %or3A = arith.ori %gt3A_811, %and3A : vector<16x8832xi1>
    %jit3A_815 = arith.constant -1.000000e+00 : f32
    %broadcast_in_dim3A_816 = vector.broadcast %jit3A_815 : f32 to vector<16x8832xf32>
    %select_n3A_817 = arith.select %or3A, %select_n3A, %broadcast_in_dim3A_816 : vector<16x8832xi1>, vector<16x8832xf32>
    %swap3A = arith.constant 0 : index
    %swap3A_818 = arith.constant 0 : index
    %swap3A_819 = arith.constant 0 : index
    %swap3A_820 = vector.load %arg3[%swap3A, %swap3A_818, %swap3A_819] : memref<1x16x8832xf32, #tpu.memory_space<vmem>>, vector<1x16x8832xf32>
    %swap3A_821 = vector.shape_cast %swap3A_820 : vector<1x16x8832xf32> to vector<16x8832xf32>
    %swap3A_822 = vector.shape_cast %select_n3A_817 : vector<16x8832xf32> to vector<1x16x8832xf32>
    tpu.vector_store %arg3[%swap3A, %swap3A_818, %swap3A_819], %swap3A_822 {strides = array<i32>} : memref<1x16x8832xf32, #tpu.memory_space<vmem>>, vector<1x16x8832xf32>,
    return
  }
  func.func @transform_0(%arg0: i32) -> (i32, i32) {
    %c0_i32 = arith.constant 0 : i32
    %c0_i32_0 = arith.constant 0 : i32
    %c0_i32_1 = arith.constant 0 : i32
    return %c0_i32, %c0_i32_0 : i32, i32
  }
  func.func @transform_1(%arg0: i32) -> (i32, i32, i32) {
    %c0_i32 = arith.constant 0 : i32
    %c0_i32_0 = arith.constant 0 : i32
    %c0_i32_1 = arith.constant 0 : i32
    return %arg0, %c0_i32, %c0_i32_0 : i32, i32, i32
  }
  func.func @transform_2(%arg0: i32) -> (i32, i32, i32) {
    %c0_i32 = arith.constant 0 : i32
    %c0_i32_0 = arith.constant 0 : i32
    %c0_i32_1 = arith.constant 0 : i32
    return %arg0, %c0_i32, %c0_i32_0 : i32, i32, i32
  }
}

module attributes {stable_mosaic.version = 14 : i64} {
  func.func @_stage1b_kernel(%arg0: i32, %arg1: memref<1x24x8832xf32, #tpu.memory_space<vmem>>, %arg2: memref<1x8x8832xf32, #tpu.memory_space<vmem>>, %arg3: memref<1x16x4xf32, #tpu.memory_space<vmem>>, %arg4: memref<1x24x16xf32, #tpu.memory_space<vmem>>, %arg5: memref<1x1xf32, #tpu.memory_space<vmem>>) attributes {dimension_semantics = [#tpu.dimension_semantics<arbitrary>], iteration_bounds = array<i64: 8>, scalar_prefetch = 0 : i64, scratch_operands = 0 : i64, tpu.core_type = #tpu.core_type<tc>, window_params = [{transform_indices = @transform_0, window_bounds = array<i64: 1, 24, 8832>}, {transform_indices = @transform_1, window_bounds = array<i64: 1, 8, 8832>}, {transform_indices = @transform_2, window_bounds = array<i64: 1, 16, 4>}, {transform_indices = @transform_3, window_bounds = array<i64: 1, 24, 16>}, {pipeline_mode = #tpu.pipeline_mode<synchronous>, transform_indices = @transform_4, window_bounds = array<i64: 1, 1>}]} {
    %iota3A = tpu.iota {dimensions = array<i32: 1>} : vector<1x8832xi32>
    %lt3A = arith.constant 8732 : i32
    %lt3A_0 = vector.broadcast %lt3A : i32 to vector<1x8832xi32>
    %lt3A_1 = arith.cmpi slt, %iota3A, %lt3A_0 : vector<1x8832xi32>
    %get3A = arith.constant 0 : index
    %get3A_2 = arith.constant 0 : index
    %get3A_3 = arith.constant 0 : index
    %get3A_4 = vector.load %arg1[%get3A, %get3A_2, %get3A_3] : memref<1x24x8832xf32, #tpu.memory_space<vmem>>, vector<1x24x8832xf32>
    %get3A_5 = vector.shape_cast %get3A_4 : vector<1x24x8832xf32> to vector<24x8832xf32>
    %reduce_max3A = arith.constant dense<0xFF800000> : vector<8832xf32>
    %reduce_max3A_6 = vector.multi_reduction <maximumf>, %get3A_5, %reduce_max3A [0] : vector<24x8832xf32> to vector<8832xf32>
    %broadcast_in_dim3A = vector.shape_cast %reduce_max3A_6 : vector<8832xf32> to vector<1x8832xf32>
    %sub3A = vector.broadcast %broadcast_in_dim3A : vector<1x8832xf32> to vector<24x8832xf32>
    %sub3A_7 = arith.subf %get3A_5, %sub3A : vector<24x8832xf32>
    %exp3A = math.exp %sub3A_7 : vector<24x8832xf32>
    %reduce_sum3A = arith.constant dense<0.000000e+00> : vector<8832xf32>
    %reduce_sum3A_8 = vector.multi_reduction <add>, %exp3A, %reduce_sum3A [0] : vector<24x8832xf32> to vector<8832xf32>
    %broadcast_in_dim3A_9 = vector.shape_cast %reduce_sum3A_8 : vector<8832xf32> to vector<1x8832xf32>
    %div3A = vector.broadcast %broadcast_in_dim3A_9 : vector<1x8832xf32> to vector<24x8832xf32>
    %div3A_10 = arith.divf %exp3A, %div3A : vector<24x8832xf32>
    %get3A_11 = arith.constant 0 : index
    %get3A_12 = arith.constant 0 : index
    %get3A_13 = arith.constant 0 : index
    %get3A_14 = vector.load %arg2[%get3A_11, %get3A_12, %get3A_13] : memref<1x8x8832xf32, #tpu.memory_space<vmem>>, vector<1x1x8832xf32>
    %get3A_15 = vector.shape_cast %get3A_14 : vector<1x1x8832xf32> to vector<1x8832xf32>
    %get3A_16 = arith.constant 0 : index
    %get3A_17 = arith.constant 1 : index
    %get3A_18 = arith.constant 0 : index
    %get3A_19 = vector.load %arg2[%get3A_16, %get3A_17, %get3A_18] : memref<1x8x8832xf32, #tpu.memory_space<vmem>>, vector<1x1x8832xf32>
    %get3A_20 = vector.shape_cast %get3A_19 : vector<1x1x8832xf32> to vector<1x8832xf32>
    %get3A_21 = arith.constant 0 : index
    %get3A_22 = arith.constant 2 : index
    %get3A_23 = arith.constant 0 : index
    %get3A_24 = vector.load %arg2[%get3A_21, %get3A_22, %get3A_23] : memref<1x8x8832xf32, #tpu.memory_space<vmem>>, vector<1x1x8832xf32>
    %get3A_25 = vector.shape_cast %get3A_24 : vector<1x1x8832xf32> to vector<1x8832xf32>
    %get3A_26 = arith.constant 0 : index
    %get3A_27 = arith.constant 3 : index
    %get3A_28 = arith.constant 0 : index
    %get3A_29 = vector.load %arg2[%get3A_26, %get3A_27, %get3A_28] : memref<1x8x8832xf32, #tpu.memory_space<vmem>>, vector<1x1x8832xf32>
    %get3A_30 = vector.shape_cast %get3A_29 : vector<1x1x8832xf32> to vector<1x8832xf32>
    %get3A_31 = arith.constant 0 : index
    %get3A_32 = arith.constant 4 : index
    %get3A_33 = arith.constant 0 : index
    %get3A_34 = vector.load %arg2[%get3A_31, %get3A_32, %get3A_33] : memref<1x8x8832xf32, #tpu.memory_space<vmem>>, vector<1x1x8832xf32>
    %get3A_35 = vector.shape_cast %get3A_34 : vector<1x1x8832xf32> to vector<1x8832xf32>
    %get3A_36 = arith.constant 0 : index
    %get3A_37 = arith.constant 5 : index
    %get3A_38 = arith.constant 0 : index
    %get3A_39 = vector.load %arg2[%get3A_36, %get3A_37, %get3A_38] : memref<1x8x8832xf32, #tpu.memory_space<vmem>>, vector<1x1x8832xf32>
    %get3A_40 = vector.shape_cast %get3A_39 : vector<1x1x8832xf32> to vector<1x8832xf32>
    %get3A_41 = arith.constant 0 : index
    %get3A_42 = arith.constant 6 : index
    %get3A_43 = arith.constant 0 : index
    %get3A_44 = vector.load %arg2[%get3A_41, %get3A_42, %get3A_43] : memref<1x8x8832xf32, #tpu.memory_space<vmem>>, vector<1x1x8832xf32>
    %get3A_45 = vector.shape_cast %get3A_44 : vector<1x1x8832xf32> to vector<1x8832xf32>
    %get3A_46 = arith.constant 0 : index
    %get3A_47 = arith.constant 7 : index
    %get3A_48 = arith.constant 0 : index
    %get3A_49 = vector.load %arg2[%get3A_46, %get3A_47, %get3A_48] : memref<1x8x8832xf32, #tpu.memory_space<vmem>>, vector<1x1x8832xf32>
    %get3A_50 = vector.shape_cast %get3A_49 : vector<1x1x8832xf32> to vector<1x8832xf32>
    %get3A_51 = arith.constant 0 : index
    %get3A_52 = arith.constant 0 : index
    %get3A_53 = arith.constant 0 : index
    %get3A_54 = vector.load %arg3[%get3A_51, %get3A_52, %get3A_53] : memref<1x16x4xf32, #tpu.memory_space<vmem>>, vector<1x16x4xf32>
    %get3A_55 = vector.shape_cast %get3A_54 : vector<1x16x4xf32> to vector<16x4xf32>
    %slice3A = vector.extract_strided_slice %get3A_55 {offsets = [0, 0], sizes = [16, 1], strides = [1, 1]} : vector<16x4xf32> to vector<16x1xf32>
    %slice3A_56 = vector.extract_strided_slice %get3A_55 {offsets = [0, 1], sizes = [16, 1], strides = [1, 1]} : vector<16x4xf32> to vector<16x1xf32>
    %slice3A_57 = vector.extract_strided_slice %get3A_55 {offsets = [0, 2], sizes = [16, 1], strides = [1, 1]} : vector<16x4xf32> to vector<16x1xf32>
    %slice3A_58 = vector.extract_strided_slice %get3A_55 {offsets = [0, 3], sizes = [16, 1], strides = [1, 1]} : vector<16x4xf32> to vector<16x1xf32>
    %sub3A_59 = arith.subf %slice3A_57, %slice3A : vector<16x1xf32>
    %sub3A_60 = arith.subf %slice3A_58, %slice3A_56 : vector<16x1xf32>
    %mul3A = arith.mulf %sub3A_59, %sub3A_60 : vector<16x1xf32>
    %mul3A_61 = arith.constant 1.000000e-01 : f32
    %mul3A_62 = vector.broadcast %mul3A_61 : f32 to vector<1x8832xf32>
    %mul3A_63 = arith.mulf %get3A_15, %mul3A_62 : vector<1x8832xf32>
    %mul3A_64 = arith.mulf %mul3A_63, %get3A_45 : vector<1x8832xf32>
    %add3A = arith.addf %get3A_35, %mul3A_64 : vector<1x8832xf32>
    %mul3A_65 = arith.constant 1.000000e-01 : f32
    %mul3A_66 = vector.broadcast %mul3A_65 : f32 to vector<1x8832xf32>
    %mul3A_67 = arith.mulf %get3A_20, %mul3A_66 : vector<1x8832xf32>
    %mul3A_68 = arith.mulf %mul3A_67, %get3A_50 : vector<1x8832xf32>
    %add3A_69 = arith.addf %get3A_40, %mul3A_68 : vector<1x8832xf32>
    %mul3A_70 = arith.constant 2.000000e-01 : f32
    %mul3A_71 = vector.broadcast %mul3A_70 : f32 to vector<1x8832xf32>
    %mul3A_72 = arith.mulf %get3A_25, %mul3A_71 : vector<1x8832xf32>
    %exp3A_73 = math.exp %mul3A_72 : vector<1x8832xf32>
    %mul3A_74 = arith.mulf %get3A_45, %exp3A_73 : vector<1x8832xf32>
    %mul3A_75 = arith.constant 2.000000e-01 : f32
    %mul3A_76 = vector.broadcast %mul3A_75 : f32 to vector<1x8832xf32>
    %mul3A_77 = arith.mulf %get3A_30, %mul3A_76 : vector<1x8832xf32>
    %exp3A_78 = math.exp %mul3A_77 : vector<1x8832xf32>
    %mul3A_79 = arith.mulf %get3A_50, %exp3A_78 : vector<1x8832xf32>
    %mul3A_80 = arith.constant 5.000000e-01 : f32
    %mul3A_81 = vector.broadcast %mul3A_80 : f32 to vector<1x8832xf32>
    %mul3A_82 = arith.mulf %mul3A_74, %mul3A_81 : vector<1x8832xf32>
    %sub3A_83 = arith.subf %add3A, %mul3A_82 : vector<1x8832xf32>
    %mul3A_84 = arith.constant 5.000000e-01 : f32
    %mul3A_85 = vector.broadcast %mul3A_84 : f32 to vector<1x8832xf32>
    %mul3A_86 = arith.mulf %mul3A_79, %mul3A_85 : vector<1x8832xf32>
    %sub3A_87 = arith.subf %add3A_69, %mul3A_86 : vector<1x8832xf32>
    %mul3A_88 = arith.constant 5.000000e-01 : f32
    %mul3A_89 = vector.broadcast %mul3A_88 : f32 to vector<1x8832xf32>
    %mul3A_90 = arith.mulf %mul3A_74, %mul3A_89 : vector<1x8832xf32>
    %add3A_91 = arith.addf %add3A, %mul3A_90 : vector<1x8832xf32>
    %mul3A_92 = arith.constant 5.000000e-01 : f32
    %mul3A_93 = vector.broadcast %mul3A_92 : f32 to vector<1x8832xf32>
    %mul3A_94 = arith.mulf %mul3A_79, %mul3A_93 : vector<1x8832xf32>
    %add3A_95 = arith.addf %add3A_69, %mul3A_94 : vector<1x8832xf32>
    %mul3A_96 = arith.mulf %mul3A_74, %mul3A_79 : vector<1x8832xf32>
    %min3A = vector.broadcast %add3A_91 : vector<1x8832xf32> to vector<16x8832xf32>
    %min3A_97 = vector.broadcast %slice3A_57 : vector<16x1xf32> to vector<16x8832xf32>
    %min3A_98 = arith.minimumf %min3A, %min3A_97 : vector<16x8832xf32>
    %max3A = vector.broadcast %sub3A_83 : vector<1x8832xf32> to vector<16x8832xf32>
    %max3A_99 = vector.broadcast %slice3A : vector<16x1xf32> to vector<16x8832xf32>
    %max3A_100 = arith.maximumf %max3A, %max3A_99 : vector<16x8832xf32>
    %sub3A_101 = arith.subf %min3A_98, %max3A_100 : vector<16x8832xf32>
    %jit3A = arith.constant 0.000000e+00 : f32
    %max3A_102 = vector.broadcast %jit3A : f32 to vector<16x8832xf32>
    %max3A_103 = arith.maximumf %max3A_102, %sub3A_101 : vector<16x8832xf32>
    %min3A_104 = vector.broadcast %add3A_95 : vector<1x8832xf32> to vector<16x8832xf32>
    %min3A_105 = vector.broadcast %slice3A_58 : vector<16x1xf32> to vector<16x8832xf32>
    %min3A_106 = arith.minimumf %min3A_104, %min3A_105 : vector<16x8832xf32>
    %max3A_107 = vector.broadcast %sub3A_87 : vector<1x8832xf32> to vector<16x8832xf32>
    %max3A_108 = vector.broadcast %slice3A_56 : vector<16x1xf32> to vector<16x8832xf32>
    %max3A_109 = arith.maximumf %max3A_107, %max3A_108 : vector<16x8832xf32>
    %sub3A_110 = arith.subf %min3A_106, %max3A_109 : vector<16x8832xf32>
    %jit3A_111 = arith.constant 0.000000e+00 : f32
    %max3A_112 = vector.broadcast %jit3A_111 : f32 to vector<16x8832xf32>
    %max3A_113 = arith.maximumf %max3A_112, %sub3A_110 : vector<16x8832xf32>
    %mul3A_114 = arith.mulf %max3A_103, %max3A_113 : vector<16x8832xf32>
    %add3A_115 = vector.broadcast %mul3A_96 : vector<1x8832xf32> to vector<16x8832xf32>
    %add3A_116 = vector.broadcast %mul3A : vector<16x1xf32> to vector<16x8832xf32>
    %add3A_117 = arith.addf %add3A_115, %add3A_116 : vector<16x8832xf32>
    %sub3A_118 = arith.subf %add3A_117, %mul3A_114 : vector<16x8832xf32>
    %div3A_119 = arith.divf %mul3A_114, %sub3A_118 : vector<16x8832xf32>
    %reduce_max3A_120 = arith.constant dense<0xFF800000> : vector<16xf32>
    %reduce_max3A_121 = vector.multi_reduction <maximumf>, %div3A_119, %reduce_max3A_120 [1] : vector<16x8832xf32> to vector<16xf32>
    %broadcast_in_dim3A_122 = vector.shape_cast %reduce_max3A_121 : vector<16xf32> to vector<16x1xf32>
    %jit3A_123 = arith.constant 5.000000e-01 : f32
    %max3A_124 = vector.broadcast %jit3A_123 : f32 to vector<16x1xf32>
    %max3A_125 = arith.maximumf %max3A_124, %broadcast_in_dim3A_122 : vector<16x1xf32>
    %sub3A_126 = arith.constant 5.000000e-01 : f32
    %sub3A_127 = vector.broadcast %sub3A_126 : f32 to vector<16x8832xf32>
    %sub3A_128 = arith.subf %div3A_119, %sub3A_127 : vector<16x8832xf32>
    %sub3A_129 = arith.constant 5.000000e-01 : f32
    %sub3A_130 = vector.broadcast %sub3A_129 : f32 to vector<16x1xf32>
    %sub3A_131 = arith.subf %max3A_125, %sub3A_130 : vector<16x1xf32>
    %div3A_132 = vector.broadcast %sub3A_131 : vector<16x1xf32> to vector<16x8832xf32>
    %div3A_133 = arith.divf %sub3A_128, %div3A_132 : vector<16x8832xf32>
    %jit3A_134 = arith.constant 0.000000e+00 : f32
    %jit3A_135 = arith.constant 1.000000e+00 : f32
    %max3A_136 = vector.broadcast %jit3A_134 : f32 to vector<16x8832xf32>
    %max3A_137 = arith.maximumf %max3A_136, %div3A_133 : vector<16x8832xf32>
    %min3A_138 = vector.broadcast %jit3A_135 : f32 to vector<16x8832xf32>
    %min3A_139 = arith.minimumf %min3A_138, %max3A_137 : vector<16x8832xf32>
    %get3A_140 = arith.constant 0 : index
    %get3A_141 = arith.constant 0 : index
    %get3A_142 = arith.constant 0 : index
    %get3A_143 = vector.load %arg4[%get3A_140, %get3A_141, %get3A_142] : memref<1x24x16xf32, #tpu.memory_space<vmem>>, vector<1x24x16xf32>
    %get3A_144 = vector.shape_cast %get3A_143 : vector<1x24x16xf32> to vector<24x16xf32>
    %broadcast_in_dim3A_145 = arith.constant 0.000000e+00 : f32
    %broadcast_in_dim3A_146 = vector.broadcast %broadcast_in_dim3A_145 : f32 to vector<24x8832xf32>
    %slice3A_147 = vector.extract_strided_slice %get3A_144 {offsets = [0, 0], sizes = [24, 1], strides = [1, 1]} : vector<24x16xf32> to vector<24x1xf32>
    %slice3A_148 = vector.extract_strided_slice %min3A_139 {offsets = [0, 0], sizes = [1, 8832], strides = [1, 1]} : vector<16x8832xf32> to vector<1x8832xf32>
    %mul3A_149 = vector.broadcast %slice3A_147 : vector<24x1xf32> to vector<24x8832xf32>
    %mul3A_150 = vector.broadcast %slice3A_148 : vector<1x8832xf32> to vector<24x8832xf32>
    %mul3A_151 = arith.mulf %mul3A_149, %mul3A_150 : vector<24x8832xf32>
    %max3A_152 = arith.maximumf %broadcast_in_dim3A_146, %mul3A_151 : vector<24x8832xf32>
    %slice3A_153 = vector.extract_strided_slice %get3A_144 {offsets = [0, 1], sizes = [24, 1], strides = [1, 1]} : vector<24x16xf32> to vector<24x1xf32>
    %slice3A_154 = vector.extract_strided_slice %min3A_139 {offsets = [1, 0], sizes = [1, 8832], strides = [1, 1]} : vector<16x8832xf32> to vector<1x8832xf32>
    %mul3A_155 = vector.broadcast %slice3A_153 : vector<24x1xf32> to vector<24x8832xf32>
    %mul3A_156 = vector.broadcast %slice3A_154 : vector<1x8832xf32> to vector<24x8832xf32>
    %mul3A_157 = arith.mulf %mul3A_155, %mul3A_156 : vector<24x8832xf32>
    %max3A_158 = arith.maximumf %max3A_152, %mul3A_157 : vector<24x8832xf32>
    %slice3A_159 = vector.extract_strided_slice %get3A_144 {offsets = [0, 2], sizes = [24, 1], strides = [1, 1]} : vector<24x16xf32> to vector<24x1xf32>
    %slice3A_160 = vector.extract_strided_slice %min3A_139 {offsets = [2, 0], sizes = [1, 8832], strides = [1, 1]} : vector<16x8832xf32> to vector<1x8832xf32>
    %mul3A_161 = vector.broadcast %slice3A_159 : vector<24x1xf32> to vector<24x8832xf32>
    %mul3A_162 = vector.broadcast %slice3A_160 : vector<1x8832xf32> to vector<24x8832xf32>
    %mul3A_163 = arith.mulf %mul3A_161, %mul3A_162 : vector<24x8832xf32>
    %max3A_164 = arith.maximumf %max3A_158, %mul3A_163 : vector<24x8832xf32>
    %slice3A_165 = vector.extract_strided_slice %get3A_144 {offsets = [0, 3], sizes = [24, 1], strides = [1, 1]} : vector<24x16xf32> to vector<24x1xf32>
    %slice3A_166 = vector.extract_strided_slice %min3A_139 {offsets = [3, 0], sizes = [1, 8832], strides = [1, 1]} : vector<16x8832xf32> to vector<1x8832xf32>
    %mul3A_167 = vector.broadcast %slice3A_165 : vector<24x1xf32> to vector<24x8832xf32>
    %mul3A_168 = vector.broadcast %slice3A_166 : vector<1x8832xf32> to vector<24x8832xf32>
    %mul3A_169 = arith.mulf %mul3A_167, %mul3A_168 : vector<24x8832xf32>
    %max3A_170 = arith.maximumf %max3A_164, %mul3A_169 : vector<24x8832xf32>
    %slice3A_171 = vector.extract_strided_slice %get3A_144 {offsets = [0, 4], sizes = [24, 1], strides = [1, 1]} : vector<24x16xf32> to vector<24x1xf32>
    %slice3A_172 = vector.extract_strided_slice %min3A_139 {offsets = [4, 0], sizes = [1, 8832], strides = [1, 1]} : vector<16x8832xf32> to vector<1x8832xf32>
    %mul3A_173 = vector.broadcast %slice3A_171 : vector<24x1xf32> to vector<24x8832xf32>
    %mul3A_174 = vector.broadcast %slice3A_172 : vector<1x8832xf32> to vector<24x8832xf32>
    %mul3A_175 = arith.mulf %mul3A_173, %mul3A_174 : vector<24x8832xf32>
    %max3A_176 = arith.maximumf %max3A_170, %mul3A_175 : vector<24x8832xf32>
    %slice3A_177 = vector.extract_strided_slice %get3A_144 {offsets = [0, 5], sizes = [24, 1], strides = [1, 1]} : vector<24x16xf32> to vector<24x1xf32>
    %slice3A_178 = vector.extract_strided_slice %min3A_139 {offsets = [5, 0], sizes = [1, 8832], strides = [1, 1]} : vector<16x8832xf32> to vector<1x8832xf32>
    %mul3A_179 = vector.broadcast %slice3A_177 : vector<24x1xf32> to vector<24x8832xf32>
    %mul3A_180 = vector.broadcast %slice3A_178 : vector<1x8832xf32> to vector<24x8832xf32>
    %mul3A_181 = arith.mulf %mul3A_179, %mul3A_180 : vector<24x8832xf32>
    %max3A_182 = arith.maximumf %max3A_176, %mul3A_181 : vector<24x8832xf32>
    %slice3A_183 = vector.extract_strided_slice %get3A_144 {offsets = [0, 6], sizes = [24, 1], strides = [1, 1]} : vector<24x16xf32> to vector<24x1xf32>
    %slice3A_184 = vector.extract_strided_slice %min3A_139 {offsets = [6, 0], sizes = [1, 8832], strides = [1, 1]} : vector<16x8832xf32> to vector<1x8832xf32>
    %mul3A_185 = vector.broadcast %slice3A_183 : vector<24x1xf32> to vector<24x8832xf32>
    %mul3A_186 = vector.broadcast %slice3A_184 : vector<1x8832xf32> to vector<24x8832xf32>
    %mul3A_187 = arith.mulf %mul3A_185, %mul3A_186 : vector<24x8832xf32>
    %max3A_188 = arith.maximumf %max3A_182, %mul3A_187 : vector<24x8832xf32>
    %slice3A_189 = vector.extract_strided_slice %get3A_144 {offsets = [0, 7], sizes = [24, 1], strides = [1, 1]} : vector<24x16xf32> to vector<24x1xf32>
    %slice3A_190 = vector.extract_strided_slice %min3A_139 {offsets = [7, 0], sizes = [1, 8832], strides = [1, 1]} : vector<16x8832xf32> to vector<1x8832xf32>
    %mul3A_191 = vector.broadcast %slice3A_189 : vector<24x1xf32> to vector<24x8832xf32>
    %mul3A_192 = vector.broadcast %slice3A_190 : vector<1x8832xf32> to vector<24x8832xf32>
    %mul3A_193 = arith.mulf %mul3A_191, %mul3A_192 : vector<24x8832xf32>
    %max3A_194 = arith.maximumf %max3A_188, %mul3A_193 : vector<24x8832xf32>
    %slice3A_195 = vector.extract_strided_slice %get3A_144 {offsets = [0, 8], sizes = [24, 1], strides = [1, 1]} : vector<24x16xf32> to vector<24x1xf32>
    %slice3A_196 = vector.extract_strided_slice %min3A_139 {offsets = [8, 0], sizes = [1, 8832], strides = [1, 1]} : vector<16x8832xf32> to vector<1x8832xf32>
    %mul3A_197 = vector.broadcast %slice3A_195 : vector<24x1xf32> to vector<24x8832xf32>
    %mul3A_198 = vector.broadcast %slice3A_196 : vector<1x8832xf32> to vector<24x8832xf32>
    %mul3A_199 = arith.mulf %mul3A_197, %mul3A_198 : vector<24x8832xf32>
    %max3A_200 = arith.maximumf %max3A_194, %mul3A_199 : vector<24x8832xf32>
    %slice3A_201 = vector.extract_strided_slice %get3A_144 {offsets = [0, 9], sizes = [24, 1], strides = [1, 1]} : vector<24x16xf32> to vector<24x1xf32>
    %slice3A_202 = vector.extract_strided_slice %min3A_139 {offsets = [9, 0], sizes = [1, 8832], strides = [1, 1]} : vector<16x8832xf32> to vector<1x8832xf32>
    %mul3A_203 = vector.broadcast %slice3A_201 : vector<24x1xf32> to vector<24x8832xf32>
    %mul3A_204 = vector.broadcast %slice3A_202 : vector<1x8832xf32> to vector<24x8832xf32>
    %mul3A_205 = arith.mulf %mul3A_203, %mul3A_204 : vector<24x8832xf32>
    %max3A_206 = arith.maximumf %max3A_200, %mul3A_205 : vector<24x8832xf32>
    %slice3A_207 = vector.extract_strided_slice %get3A_144 {offsets = [0, 10], sizes = [24, 1], strides = [1, 1]} : vector<24x16xf32> to vector<24x1xf32>
    %slice3A_208 = vector.extract_strided_slice %min3A_139 {offsets = [10, 0], sizes = [1, 8832], strides = [1, 1]} : vector<16x8832xf32> to vector<1x8832xf32>
    %mul3A_209 = vector.broadcast %slice3A_207 : vector<24x1xf32> to vector<24x8832xf32>
    %mul3A_210 = vector.broadcast %slice3A_208 : vector<1x8832xf32> to vector<24x8832xf32>
    %mul3A_211 = arith.mulf %mul3A_209, %mul3A_210 : vector<24x8832xf32>
    %max3A_212 = arith.maximumf %max3A_206, %mul3A_211 : vector<24x8832xf32>
    %slice3A_213 = vector.extract_strided_slice %get3A_144 {offsets = [0, 11], sizes = [24, 1], strides = [1, 1]} : vector<24x16xf32> to vector<24x1xf32>
    %slice3A_214 = vector.extract_strided_slice %min3A_139 {offsets = [11, 0], sizes = [1, 8832], strides = [1, 1]} : vector<16x8832xf32> to vector<1x8832xf32>
    %mul3A_215 = vector.broadcast %slice3A_213 : vector<24x1xf32> to vector<24x8832xf32>
    %mul3A_216 = vector.broadcast %slice3A_214 : vector<1x8832xf32> to vector<24x8832xf32>
    %mul3A_217 = arith.mulf %mul3A_215, %mul3A_216 : vector<24x8832xf32>
    %max3A_218 = arith.maximumf %max3A_212, %mul3A_217 : vector<24x8832xf32>
    %slice3A_219 = vector.extract_strided_slice %get3A_144 {offsets = [0, 12], sizes = [24, 1], strides = [1, 1]} : vector<24x16xf32> to vector<24x1xf32>
    %slice3A_220 = vector.extract_strided_slice %min3A_139 {offsets = [12, 0], sizes = [1, 8832], strides = [1, 1]} : vector<16x8832xf32> to vector<1x8832xf32>
    %mul3A_221 = vector.broadcast %slice3A_219 : vector<24x1xf32> to vector<24x8832xf32>
    %mul3A_222 = vector.broadcast %slice3A_220 : vector<1x8832xf32> to vector<24x8832xf32>
    %mul3A_223 = arith.mulf %mul3A_221, %mul3A_222 : vector<24x8832xf32>
    %max3A_224 = arith.maximumf %max3A_218, %mul3A_223 : vector<24x8832xf32>
    %slice3A_225 = vector.extract_strided_slice %get3A_144 {offsets = [0, 13], sizes = [24, 1], strides = [1, 1]} : vector<24x16xf32> to vector<24x1xf32>
    %slice3A_226 = vector.extract_strided_slice %min3A_139 {offsets = [13, 0], sizes = [1, 8832], strides = [1, 1]} : vector<16x8832xf32> to vector<1x8832xf32>
    %mul3A_227 = vector.broadcast %slice3A_225 : vector<24x1xf32> to vector<24x8832xf32>
    %mul3A_228 = vector.broadcast %slice3A_226 : vector<1x8832xf32> to vector<24x8832xf32>
    %mul3A_229 = arith.mulf %mul3A_227, %mul3A_228 : vector<24x8832xf32>
    %max3A_230 = arith.maximumf %max3A_224, %mul3A_229 : vector<24x8832xf32>
    %slice3A_231 = vector.extract_strided_slice %get3A_144 {offsets = [0, 14], sizes = [24, 1], strides = [1, 1]} : vector<24x16xf32> to vector<24x1xf32>
    %slice3A_232 = vector.extract_strided_slice %min3A_139 {offsets = [14, 0], sizes = [1, 8832], strides = [1, 1]} : vector<16x8832xf32> to vector<1x8832xf32>
    %mul3A_233 = vector.broadcast %slice3A_231 : vector<24x1xf32> to vector<24x8832xf32>
    %mul3A_234 = vector.broadcast %slice3A_232 : vector<1x8832xf32> to vector<24x8832xf32>
    %mul3A_235 = arith.mulf %mul3A_233, %mul3A_234 : vector<24x8832xf32>
    %max3A_236 = arith.maximumf %max3A_230, %mul3A_235 : vector<24x8832xf32>
    %slice3A_237 = vector.extract_strided_slice %get3A_144 {offsets = [0, 15], sizes = [24, 1], strides = [1, 1]} : vector<24x16xf32> to vector<24x1xf32>
    %slice3A_238 = vector.extract_strided_slice %min3A_139 {offsets = [15, 0], sizes = [1, 8832], strides = [1, 1]} : vector<16x8832xf32> to vector<1x8832xf32>
    %mul3A_239 = vector.broadcast %slice3A_237 : vector<24x1xf32> to vector<24x8832xf32>
    %mul3A_240 = vector.broadcast %slice3A_238 : vector<1x8832xf32> to vector<24x8832xf32>
    %mul3A_241 = arith.mulf %mul3A_239, %mul3A_240 : vector<24x8832xf32>
    %max3A_242 = arith.maximumf %max3A_236, %mul3A_241 : vector<24x8832xf32>
    %sub3A_243 = arith.constant 1.000000e+00 : f32
    %sub3A_244 = vector.broadcast %sub3A_243 : f32 to vector<24x8832xf32>
    %sub3A_245 = arith.subf %sub3A_244, %max3A_242 : vector<24x8832xf32>
    %mul3A_246 = arith.mulf %div3A_10, %sub3A_245 : vector<24x8832xf32>
    %neg3A = arith.constant 0.000000e+00 : f32
    %neg3A_247 = vector.broadcast %neg3A : f32 to vector<24x8832xf32>
    %neg3A_248 = arith.subf %neg3A_247, %mul3A_246 : vector<24x8832xf32>
    %log1p3A = math.log1p %neg3A_248 : vector<24x8832xf32>
    %max3A_249 = arith.constant -1.000000e+02 : f32
    %max3A_250 = vector.broadcast %max3A_249 : f32 to vector<24x8832xf32>
    %max3A_251 = arith.maximumf %log1p3A, %max3A_250 : vector<24x8832xf32>
    %neg3A_252 = arith.constant 0.000000e+00 : f32
    %neg3A_253 = vector.broadcast %neg3A_252 : f32 to vector<24x8832xf32>
    %neg3A_254 = arith.subf %neg3A_253, %max3A_251 : vector<24x8832xf32>
    %mul3A_255 = arith.mulf %mul3A_246, %mul3A_246 : vector<24x8832xf32>
    %mul3A_256 = arith.mulf %mul3A_255, %neg3A_254 : vector<24x8832xf32>
    %jit3A_257 = arith.constant 0.000000e+00 : f32
    %broadcast_in_dim3A_258 = vector.shape_cast %lt3A_1 : vector<1x8832xi1> to vector<1x8832xi1>
    %broadcast_in_dim3A_259 = vector.broadcast %broadcast_in_dim3A_258 : vector<1x8832xi1> to vector<24x8832xi1>
    %broadcast_in_dim3A_260 = vector.broadcast %jit3A_257 : f32 to vector<24x8832xf32>
    %select_n3A = arith.select %broadcast_in_dim3A_259, %mul3A_256, %broadcast_in_dim3A_260 : vector<24x8832xi1>, vector<24x8832xf32>
    %reduce_sum3A_261 = vector.shape_cast %select_n3A : vector<24x8832xf32> to vector<1x24x8832xf32>
    %reduce_sum3A_262 = arith.constant dense<0.000000e+00> : vector<1xf32>
    %reduce_sum3A_263 = vector.multi_reduction <add>, %reduce_sum3A_261, %reduce_sum3A_262 [1, 2] : vector<1x24x8832xf32> to vector<1xf32>
    %reduce_sum3A_264 = vector.shape_cast %reduce_sum3A_263 : vector<1xf32> to vector<1x1x1xf32>
    %reduce_sum3A_265 = vector.extract %reduce_sum3A_264[0, 0, 0] : f32 from vector<1x1x1xf32>
    %eq3A = arith.constant 0 : i32
    %eq3A_266 = arith.cmpi eq, %arg0, %eq3A : i32
    %convert_element_type3A = arith.extui %eq3A_266 : i1 to i32
    %cond3A = arith.constant 0 : i32
    %cond3A_267 = arith.cmpi ne, %convert_element_type3A, %cond3A : i32
    scf.if %cond3A_267 {
      %broadcast_in_dim3A_274 = arith.constant 0.000000e+00 : f32
      %broadcast_in_dim3A_275 = vector.broadcast %broadcast_in_dim3A_274 : f32 to vector<1x1xf32>
      %swap3A_276 = arith.constant 0 : index
      %swap3A_277 = arith.constant 0 : index
      %swap3A_278 = vector.load %arg5[%swap3A_276, %swap3A_277] : memref<1x1xf32, #tpu.memory_space<vmem>>, vector<1x1xf32>
      tpu.vector_store %arg5[%swap3A_276, %swap3A_277], %broadcast_in_dim3A_275 {strides = array<i32>} : memref<1x1xf32, #tpu.memory_space<vmem>>, vector<1x1xf32>,
    } else {
    }
    %get3A_268 = arith.constant 0 : index
    %get3A_269 = arith.constant 0 : index
    %get3A_270 = vector.load %arg5[%get3A_268, %get3A_269] : memref<1x1xf32, #tpu.memory_space<vmem>>, vector<1x1xf32>
    %reshape3A = vector.broadcast %reduce_sum3A_265 : f32 to vector<1x1xf32>
    %add3A_271 = arith.addf %get3A_270, %reshape3A : vector<1x1xf32>
    %swap3A = arith.constant 0 : index
    %swap3A_272 = arith.constant 0 : index
    %swap3A_273 = vector.load %arg5[%swap3A, %swap3A_272] : memref<1x1xf32, #tpu.memory_space<vmem>>, vector<1x1xf32>
    tpu.vector_store %arg5[%swap3A, %swap3A_272], %add3A_271 {strides = array<i32>} : memref<1x1xf32, #tpu.memory_space<vmem>>, vector<1x1xf32>,
    return
  }
  func.func @transform_0(%arg0: i32) -> (i32, i32, i32) {
    %c0_i32 = arith.constant 0 : i32
    %c0_i32_0 = arith.constant 0 : i32
    %c0_i32_1 = arith.constant 0 : i32
    return %arg0, %c0_i32, %c0_i32_0 : i32, i32, i32
  }
  func.func @transform_1(%arg0: i32) -> (i32, i32, i32) {
    %c0_i32 = arith.constant 0 : i32
    %c0_i32_0 = arith.constant 0 : i32
    %c0_i32_1 = arith.constant 0 : i32
    return %arg0, %c0_i32, %c0_i32_0 : i32, i32, i32
  }
  func.func @transform_2(%arg0: i32) -> (i32, i32, i32) {
    %c0_i32 = arith.constant 0 : i32
    %c0_i32_0 = arith.constant 0 : i32
    %c0_i32_1 = arith.constant 0 : i32
    return %arg0, %c0_i32, %c0_i32_0 : i32, i32, i32
  }
  func.func @transform_3(%arg0: i32) -> (i32, i32, i32) {
    %c0_i32 = arith.constant 0 : i32
    %c0_i32_0 = arith.constant 0 : i32
    %c0_i32_1 = arith.constant 0 : i32
    return %arg0, %c0_i32, %c0_i32_0 : i32, i32, i32
  }
  func.func @transform_4(%arg0: i32) -> (i32, i32) {
    %c0_i32 = arith.constant 0 : i32
    %c0_i32_0 = arith.constant 0 : i32
    %c0_i32_1 = arith.constant 0 : i32
    return %c0_i32, %c0_i32_0 : i32, i32
  }
}

module attributes {stable_mosaic.version = 14 : i64} {
  func.func @_stage3_kernel(%arg0: i32, %arg1: memref<1x16x256xf32, #tpu.memory_space<vmem>>, %arg2: memref<1x16x256xi32, #tpu.memory_space<vmem>>, %arg3: memref<1x4096x32xf32, #tpu.memory_space<vmem>>, %arg4: memref<1x4x16xf32, #tpu.memory_space<vmem>>, %arg5: memref<1x4096x1xi32, #tpu.memory_space<vmem>>, %arg6: memref<1x1xf32, #tpu.memory_space<vmem>>) attributes {dimension_semantics = [#tpu.dimension_semantics<arbitrary>], iteration_bounds = array<i64: 8>, scalar_prefetch = 0 : i64, scratch_operands = 0 : i64, tpu.core_type = #tpu.core_type<tc>, window_params = [{transform_indices = @transform_0, window_bounds = array<i64: 1, 16, 256>}, {transform_indices = @transform_1, window_bounds = array<i64: 1, 16, 256>}, {transform_indices = @transform_2, window_bounds = array<i64: 1, 4096, 32>}, {transform_indices = @transform_3, window_bounds = array<i64: 1, 4, 16>}, {transform_indices = @transform_4, window_bounds = array<i64: 1, 4096, 1>}, {pipeline_mode = #tpu.pipeline_mode<synchronous>, transform_indices = @transform_5, window_bounds = array<i64: 1, 1>}]} {
    %get3A = arith.constant 0 : index
    %get3A_0 = arith.constant 0 : index
    %get3A_1 = arith.constant 0 : index
    %get3A_2 = vector.load %arg1[%get3A, %get3A_0, %get3A_1] : memref<1x16x256xf32, #tpu.memory_space<vmem>>, vector<1x16x256xf32>
    %get3A_3 = vector.shape_cast %get3A_2 : vector<1x16x256xf32> to vector<16x256xf32>
    %get3A_4 = arith.constant 0 : index
    %get3A_5 = arith.constant 0 : index
    %get3A_6 = arith.constant 0 : index
    %get3A_7 = vector.load %arg2[%get3A_4, %get3A_5, %get3A_6] : memref<1x16x256xi32, #tpu.memory_space<vmem>>, vector<1x16x256xi32>
    %get3A_8 = vector.shape_cast %get3A_7 : vector<1x16x256xi32> to vector<16x256xi32>
    %convert_element_type3A = arith.sitofp %get3A_8 : vector<16x256xi32> to vector<16x256xf32>
    %transpose3A = tpu.transpose %get3A_3, [1, 0] : vector<16x256xf32> -> vector<256x16xf32>
    %transpose3A_9 = tpu.transpose %convert_element_type3A, [1, 0] : vector<16x256xf32> -> vector<256x16xf32>
    %slice3A = vector.extract_strided_slice %get3A_3 {offsets = [0, 0], sizes = [1, 256], strides = [1, 1]} : vector<16x256xf32> to vector<1x256xf32>
    %slice3A_10 = vector.extract_strided_slice %convert_element_type3A {offsets = [0, 0], sizes = [1, 256], strides = [1, 1]} : vector<16x256xf32> to vector<1x256xf32>
    %slice3A_11 = vector.extract_strided_slice %transpose3A {offsets = [0, 0], sizes = [256, 1], strides = [1, 1]} : vector<256x16xf32> to vector<256x1xf32>
    %slice3A_12 = vector.extract_strided_slice %transpose3A_9 {offsets = [0, 0], sizes = [256, 1], strides = [1, 1]} : vector<256x16xf32> to vector<256x1xf32>
    %gt3A = vector.broadcast %slice3A : vector<1x256xf32> to vector<256x256xf32>
    %gt3A_13 = vector.broadcast %slice3A_11 : vector<256x1xf32> to vector<256x256xf32>
    %gt3A_14 = arith.cmpf ogt, %gt3A, %gt3A_13 : vector<256x256xf32>
    %eq3A = vector.broadcast %slice3A : vector<1x256xf32> to vector<256x256xf32>
    %eq3A_15 = vector.broadcast %slice3A_11 : vector<256x1xf32> to vector<256x256xf32>
    %eq3A_16 = arith.cmpf oeq, %eq3A, %eq3A_15 : vector<256x256xf32>
    %lt3A = vector.broadcast %slice3A_10 : vector<1x256xf32> to vector<256x256xf32>
    %lt3A_17 = vector.broadcast %slice3A_12 : vector<256x1xf32> to vector<256x256xf32>
    %lt3A_18 = arith.cmpf olt, %lt3A, %lt3A_17 : vector<256x256xf32>
    %and3A = arith.andi %eq3A_16, %lt3A_18 : vector<256x256xi1>
    %or3A = arith.ori %gt3A_14, %and3A : vector<256x256xi1>
    %convert_element_type3A_19 = arith.extui %or3A : vector<256x256xi1> to vector<256x256xi32>
    %convert_element_type3A_20 = arith.sitofp %convert_element_type3A_19 : vector<256x256xi32> to vector<256x256xf32>
    %reduce_sum3A = arith.constant dense<0.000000e+00> : vector<256xf32>
    %reduce_sum3A_21 = vector.multi_reduction <add>, %convert_element_type3A_20, %reduce_sum3A [1] : vector<256x256xf32> to vector<256xf32>
    %broadcast_in_dim3A = vector.shape_cast %reduce_sum3A_21 : vector<256xf32> to vector<256x1xf32>
    %slice3A_22 = vector.extract_strided_slice %get3A_3 {offsets = [1, 0], sizes = [1, 256], strides = [1, 1]} : vector<16x256xf32> to vector<1x256xf32>
    %slice3A_23 = vector.extract_strided_slice %convert_element_type3A {offsets = [1, 0], sizes = [1, 256], strides = [1, 1]} : vector<16x256xf32> to vector<1x256xf32>
    %slice3A_24 = vector.extract_strided_slice %transpose3A {offsets = [0, 1], sizes = [256, 1], strides = [1, 1]} : vector<256x16xf32> to vector<256x1xf32>
    %slice3A_25 = vector.extract_strided_slice %transpose3A_9 {offsets = [0, 1], sizes = [256, 1], strides = [1, 1]} : vector<256x16xf32> to vector<256x1xf32>
    %gt3A_26 = vector.broadcast %slice3A_22 : vector<1x256xf32> to vector<256x256xf32>
    %gt3A_27 = vector.broadcast %slice3A_24 : vector<256x1xf32> to vector<256x256xf32>
    %gt3A_28 = arith.cmpf ogt, %gt3A_26, %gt3A_27 : vector<256x256xf32>
    %eq3A_29 = vector.broadcast %slice3A_22 : vector<1x256xf32> to vector<256x256xf32>
    %eq3A_30 = vector.broadcast %slice3A_24 : vector<256x1xf32> to vector<256x256xf32>
    %eq3A_31 = arith.cmpf oeq, %eq3A_29, %eq3A_30 : vector<256x256xf32>
    %lt3A_32 = vector.broadcast %slice3A_23 : vector<1x256xf32> to vector<256x256xf32>
    %lt3A_33 = vector.broadcast %slice3A_25 : vector<256x1xf32> to vector<256x256xf32>
    %lt3A_34 = arith.cmpf olt, %lt3A_32, %lt3A_33 : vector<256x256xf32>
    %and3A_35 = arith.andi %eq3A_31, %lt3A_34 : vector<256x256xi1>
    %or3A_36 = arith.ori %gt3A_28, %and3A_35 : vector<256x256xi1>
    %convert_element_type3A_37 = arith.extui %or3A_36 : vector<256x256xi1> to vector<256x256xi32>
    %convert_element_type3A_38 = arith.sitofp %convert_element_type3A_37 : vector<256x256xi32> to vector<256x256xf32>
    %reduce_sum3A_39 = arith.constant dense<0.000000e+00> : vector<256xf32>
    %reduce_sum3A_40 = vector.multi_reduction <add>, %convert_element_type3A_38, %reduce_sum3A_39 [1] : vector<256x256xf32> to vector<256xf32>
    %broadcast_in_dim3A_41 = vector.shape_cast %reduce_sum3A_40 : vector<256xf32> to vector<256x1xf32>
    %slice3A_42 = vector.extract_strided_slice %get3A_3 {offsets = [2, 0], sizes = [1, 256], strides = [1, 1]} : vector<16x256xf32> to vector<1x256xf32>
    %slice3A_43 = vector.extract_strided_slice %convert_element_type3A {offsets = [2, 0], sizes = [1, 256], strides = [1, 1]} : vector<16x256xf32> to vector<1x256xf32>
    %slice3A_44 = vector.extract_strided_slice %transpose3A {offsets = [0, 2], sizes = [256, 1], strides = [1, 1]} : vector<256x16xf32> to vector<256x1xf32>
    %slice3A_45 = vector.extract_strided_slice %transpose3A_9 {offsets = [0, 2], sizes = [256, 1], strides = [1, 1]} : vector<256x16xf32> to vector<256x1xf32>
    %gt3A_46 = vector.broadcast %slice3A_42 : vector<1x256xf32> to vector<256x256xf32>
    %gt3A_47 = vector.broadcast %slice3A_44 : vector<256x1xf32> to vector<256x256xf32>
    %gt3A_48 = arith.cmpf ogt, %gt3A_46, %gt3A_47 : vector<256x256xf32>
    %eq3A_49 = vector.broadcast %slice3A_42 : vector<1x256xf32> to vector<256x256xf32>
    %eq3A_50 = vector.broadcast %slice3A_44 : vector<256x1xf32> to vector<256x256xf32>
    %eq3A_51 = arith.cmpf oeq, %eq3A_49, %eq3A_50 : vector<256x256xf32>
    %lt3A_52 = vector.broadcast %slice3A_43 : vector<1x256xf32> to vector<256x256xf32>
    %lt3A_53 = vector.broadcast %slice3A_45 : vector<256x1xf32> to vector<256x256xf32>
    %lt3A_54 = arith.cmpf olt, %lt3A_52, %lt3A_53 : vector<256x256xf32>
    %and3A_55 = arith.andi %eq3A_51, %lt3A_54 : vector<256x256xi1>
    %or3A_56 = arith.ori %gt3A_48, %and3A_55 : vector<256x256xi1>
    %convert_element_type3A_57 = arith.extui %or3A_56 : vector<256x256xi1> to vector<256x256xi32>
    %convert_element_type3A_58 = arith.sitofp %convert_element_type3A_57 : vector<256x256xi32> to vector<256x256xf32>
    %reduce_sum3A_59 = arith.constant dense<0.000000e+00> : vector<256xf32>
    %reduce_sum3A_60 = vector.multi_reduction <add>, %convert_element_type3A_58, %reduce_sum3A_59 [1] : vector<256x256xf32> to vector<256xf32>
    %broadcast_in_dim3A_61 = vector.shape_cast %reduce_sum3A_60 : vector<256xf32> to vector<256x1xf32>
    %slice3A_62 = vector.extract_strided_slice %get3A_3 {offsets = [3, 0], sizes = [1, 256], strides = [1, 1]} : vector<16x256xf32> to vector<1x256xf32>
    %slice3A_63 = vector.extract_strided_slice %convert_element_type3A {offsets = [3, 0], sizes = [1, 256], strides = [1, 1]} : vector<16x256xf32> to vector<1x256xf32>
    %slice3A_64 = vector.extract_strided_slice %transpose3A {offsets = [0, 3], sizes = [256, 1], strides = [1, 1]} : vector<256x16xf32> to vector<256x1xf32>
    %slice3A_65 = vector.extract_strided_slice %transpose3A_9 {offsets = [0, 3], sizes = [256, 1], strides = [1, 1]} : vector<256x16xf32> to vector<256x1xf32>
    %gt3A_66 = vector.broadcast %slice3A_62 : vector<1x256xf32> to vector<256x256xf32>
    %gt3A_67 = vector.broadcast %slice3A_64 : vector<256x1xf32> to vector<256x256xf32>
    %gt3A_68 = arith.cmpf ogt, %gt3A_66, %gt3A_67 : vector<256x256xf32>
    %eq3A_69 = vector.broadcast %slice3A_62 : vector<1x256xf32> to vector<256x256xf32>
    %eq3A_70 = vector.broadcast %slice3A_64 : vector<256x1xf32> to vector<256x256xf32>
    %eq3A_71 = arith.cmpf oeq, %eq3A_69, %eq3A_70 : vector<256x256xf32>
    %lt3A_72 = vector.broadcast %slice3A_63 : vector<1x256xf32> to vector<256x256xf32>
    %lt3A_73 = vector.broadcast %slice3A_65 : vector<256x1xf32> to vector<256x256xf32>
    %lt3A_74 = arith.cmpf olt, %lt3A_72, %lt3A_73 : vector<256x256xf32>
    %and3A_75 = arith.andi %eq3A_71, %lt3A_74 : vector<256x256xi1>
    %or3A_76 = arith.ori %gt3A_68, %and3A_75 : vector<256x256xi1>
    %convert_element_type3A_77 = arith.extui %or3A_76 : vector<256x256xi1> to vector<256x256xi32>
    %convert_element_type3A_78 = arith.sitofp %convert_element_type3A_77 : vector<256x256xi32> to vector<256x256xf32>
    %reduce_sum3A_79 = arith.constant dense<0.000000e+00> : vector<256xf32>
    %reduce_sum3A_80 = vector.multi_reduction <add>, %convert_element_type3A_78, %reduce_sum3A_79 [1] : vector<256x256xf32> to vector<256xf32>
    %broadcast_in_dim3A_81 = vector.shape_cast %reduce_sum3A_80 : vector<256xf32> to vector<256x1xf32>
    %slice3A_82 = vector.extract_strided_slice %get3A_3 {offsets = [4, 0], sizes = [1, 256], strides = [1, 1]} : vector<16x256xf32> to vector<1x256xf32>
    %slice3A_83 = vector.extract_strided_slice %convert_element_type3A {offsets = [4, 0], sizes = [1, 256], strides = [1, 1]} : vector<16x256xf32> to vector<1x256xf32>
    %slice3A_84 = vector.extract_strided_slice %transpose3A {offsets = [0, 4], sizes = [256, 1], strides = [1, 1]} : vector<256x16xf32> to vector<256x1xf32>
    %slice3A_85 = vector.extract_strided_slice %transpose3A_9 {offsets = [0, 4], sizes = [256, 1], strides = [1, 1]} : vector<256x16xf32> to vector<256x1xf32>
    %gt3A_86 = vector.broadcast %slice3A_82 : vector<1x256xf32> to vector<256x256xf32>
    %gt3A_87 = vector.broadcast %slice3A_84 : vector<256x1xf32> to vector<256x256xf32>
    %gt3A_88 = arith.cmpf ogt, %gt3A_86, %gt3A_87 : vector<256x256xf32>
    %eq3A_89 = vector.broadcast %slice3A_82 : vector<1x256xf32> to vector<256x256xf32>
    %eq3A_90 = vector.broadcast %slice3A_84 : vector<256x1xf32> to vector<256x256xf32>
    %eq3A_91 = arith.cmpf oeq, %eq3A_89, %eq3A_90 : vector<256x256xf32>
    %lt3A_92 = vector.broadcast %slice3A_83 : vector<1x256xf32> to vector<256x256xf32>
    %lt3A_93 = vector.broadcast %slice3A_85 : vector<256x1xf32> to vector<256x256xf32>
    %lt3A_94 = arith.cmpf olt, %lt3A_92, %lt3A_93 : vector<256x256xf32>
    %and3A_95 = arith.andi %eq3A_91, %lt3A_94 : vector<256x256xi1>
    %or3A_96 = arith.ori %gt3A_88, %and3A_95 : vector<256x256xi1>
    %convert_element_type3A_97 = arith.extui %or3A_96 : vector<256x256xi1> to vector<256x256xi32>
    %convert_element_type3A_98 = arith.sitofp %convert_element_type3A_97 : vector<256x256xi32> to vector<256x256xf32>
    %reduce_sum3A_99 = arith.constant dense<0.000000e+00> : vector<256xf32>
    %reduce_sum3A_100 = vector.multi_reduction <add>, %convert_element_type3A_98, %reduce_sum3A_99 [1] : vector<256x256xf32> to vector<256xf32>
    %broadcast_in_dim3A_101 = vector.shape_cast %reduce_sum3A_100 : vector<256xf32> to vector<256x1xf32>
    %slice3A_102 = vector.extract_strided_slice %get3A_3 {offsets = [5, 0], sizes = [1, 256], strides = [1, 1]} : vector<16x256xf32> to vector<1x256xf32>
    %slice3A_103 = vector.extract_strided_slice %convert_element_type3A {offsets = [5, 0], sizes = [1, 256], strides = [1, 1]} : vector<16x256xf32> to vector<1x256xf32>
    %slice3A_104 = vector.extract_strided_slice %transpose3A {offsets = [0, 5], sizes = [256, 1], strides = [1, 1]} : vector<256x16xf32> to vector<256x1xf32>
    %slice3A_105 = vector.extract_strided_slice %transpose3A_9 {offsets = [0, 5], sizes = [256, 1], strides = [1, 1]} : vector<256x16xf32> to vector<256x1xf32>
    %gt3A_106 = vector.broadcast %slice3A_102 : vector<1x256xf32> to vector<256x256xf32>
    %gt3A_107 = vector.broadcast %slice3A_104 : vector<256x1xf32> to vector<256x256xf32>
    %gt3A_108 = arith.cmpf ogt, %gt3A_106, %gt3A_107 : vector<256x256xf32>
    %eq3A_109 = vector.broadcast %slice3A_102 : vector<1x256xf32> to vector<256x256xf32>
    %eq3A_110 = vector.broadcast %slice3A_104 : vector<256x1xf32> to vector<256x256xf32>
    %eq3A_111 = arith.cmpf oeq, %eq3A_109, %eq3A_110 : vector<256x256xf32>
    %lt3A_112 = vector.broadcast %slice3A_103 : vector<1x256xf32> to vector<256x256xf32>
    %lt3A_113 = vector.broadcast %slice3A_105 : vector<256x1xf32> to vector<256x256xf32>
    %lt3A_114 = arith.cmpf olt, %lt3A_112, %lt3A_113 : vector<256x256xf32>
    %and3A_115 = arith.andi %eq3A_111, %lt3A_114 : vector<256x256xi1>
    %or3A_116 = arith.ori %gt3A_108, %and3A_115 : vector<256x256xi1>
    %convert_element_type3A_117 = arith.extui %or3A_116 : vector<256x256xi1> to vector<256x256xi32>
    %convert_element_type3A_118 = arith.sitofp %convert_element_type3A_117 : vector<256x256xi32> to vector<256x256xf32>
    %reduce_sum3A_119 = arith.constant dense<0.000000e+00> : vector<256xf32>
    %reduce_sum3A_120 = vector.multi_reduction <add>, %convert_element_type3A_118, %reduce_sum3A_119 [1] : vector<256x256xf32> to vector<256xf32>
    %broadcast_in_dim3A_121 = vector.shape_cast %reduce_sum3A_120 : vector<256xf32> to vector<256x1xf32>
    %slice3A_122 = vector.extract_strided_slice %get3A_3 {offsets = [6, 0], sizes = [1, 256], strides = [1, 1]} : vector<16x256xf32> to vector<1x256xf32>
    %slice3A_123 = vector.extract_strided_slice %convert_element_type3A {offsets = [6, 0], sizes = [1, 256], strides = [1, 1]} : vector<16x256xf32> to vector<1x256xf32>
    %slice3A_124 = vector.extract_strided_slice %transpose3A {offsets = [0, 6], sizes = [256, 1], strides = [1, 1]} : vector<256x16xf32> to vector<256x1xf32>
    %slice3A_125 = vector.extract_strided_slice %transpose3A_9 {offsets = [0, 6], sizes = [256, 1], strides = [1, 1]} : vector<256x16xf32> to vector<256x1xf32>
    %gt3A_126 = vector.broadcast %slice3A_122 : vector<1x256xf32> to vector<256x256xf32>
    %gt3A_127 = vector.broadcast %slice3A_124 : vector<256x1xf32> to vector<256x256xf32>
    %gt3A_128 = arith.cmpf ogt, %gt3A_126, %gt3A_127 : vector<256x256xf32>
    %eq3A_129 = vector.broadcast %slice3A_122 : vector<1x256xf32> to vector<256x256xf32>
    %eq3A_130 = vector.broadcast %slice3A_124 : vector<256x1xf32> to vector<256x256xf32>
    %eq3A_131 = arith.cmpf oeq, %eq3A_129, %eq3A_130 : vector<256x256xf32>
    %lt3A_132 = vector.broadcast %slice3A_123 : vector<1x256xf32> to vector<256x256xf32>
    %lt3A_133 = vector.broadcast %slice3A_125 : vector<256x1xf32> to vector<256x256xf32>
    %lt3A_134 = arith.cmpf olt, %lt3A_132, %lt3A_133 : vector<256x256xf32>
    %and3A_135 = arith.andi %eq3A_131, %lt3A_134 : vector<256x256xi1>
    %or3A_136 = arith.ori %gt3A_128, %and3A_135 : vector<256x256xi1>
    %convert_element_type3A_137 = arith.extui %or3A_136 : vector<256x256xi1> to vector<256x256xi32>
    %convert_element_type3A_138 = arith.sitofp %convert_element_type3A_137 : vector<256x256xi32> to vector<256x256xf32>
    %reduce_sum3A_139 = arith.constant dense<0.000000e+00> : vector<256xf32>
    %reduce_sum3A_140 = vector.multi_reduction <add>, %convert_element_type3A_138, %reduce_sum3A_139 [1] : vector<256x256xf32> to vector<256xf32>
    %broadcast_in_dim3A_141 = vector.shape_cast %reduce_sum3A_140 : vector<256xf32> to vector<256x1xf32>
    %slice3A_142 = vector.extract_strided_slice %get3A_3 {offsets = [7, 0], sizes = [1, 256], strides = [1, 1]} : vector<16x256xf32> to vector<1x256xf32>
    %slice3A_143 = vector.extract_strided_slice %convert_element_type3A {offsets = [7, 0], sizes = [1, 256], strides = [1, 1]} : vector<16x256xf32> to vector<1x256xf32>
    %slice3A_144 = vector.extract_strided_slice %transpose3A {offsets = [0, 7], sizes = [256, 1], strides = [1, 1]} : vector<256x16xf32> to vector<256x1xf32>
    %slice3A_145 = vector.extract_strided_slice %transpose3A_9 {offsets = [0, 7], sizes = [256, 1], strides = [1, 1]} : vector<256x16xf32> to vector<256x1xf32>
    %gt3A_146 = vector.broadcast %slice3A_142 : vector<1x256xf32> to vector<256x256xf32>
    %gt3A_147 = vector.broadcast %slice3A_144 : vector<256x1xf32> to vector<256x256xf32>
    %gt3A_148 = arith.cmpf ogt, %gt3A_146, %gt3A_147 : vector<256x256xf32>
    %eq3A_149 = vector.broadcast %slice3A_142 : vector<1x256xf32> to vector<256x256xf32>
    %eq3A_150 = vector.broadcast %slice3A_144 : vector<256x1xf32> to vector<256x256xf32>
    %eq3A_151 = arith.cmpf oeq, %eq3A_149, %eq3A_150 : vector<256x256xf32>
    %lt3A_152 = vector.broadcast %slice3A_143 : vector<1x256xf32> to vector<256x256xf32>
    %lt3A_153 = vector.broadcast %slice3A_145 : vector<256x1xf32> to vector<256x256xf32>
    %lt3A_154 = arith.cmpf olt, %lt3A_152, %lt3A_153 : vector<256x256xf32>
    %and3A_155 = arith.andi %eq3A_151, %lt3A_154 : vector<256x256xi1>
    %or3A_156 = arith.ori %gt3A_148, %and3A_155 : vector<256x256xi1>
    %convert_element_type3A_157 = arith.extui %or3A_156 : vector<256x256xi1> to vector<256x256xi32>
    %convert_element_type3A_158 = arith.sitofp %convert_element_type3A_157 : vector<256x256xi32> to vector<256x256xf32>
    %reduce_sum3A_159 = arith.constant dense<0.000000e+00> : vector<256xf32>
    %reduce_sum3A_160 = vector.multi_reduction <add>, %convert_element_type3A_158, %reduce_sum3A_159 [1] : vector<256x256xf32> to vector<256xf32>
    %broadcast_in_dim3A_161 = vector.shape_cast %reduce_sum3A_160 : vector<256xf32> to vector<256x1xf32>
    %slice3A_162 = vector.extract_strided_slice %get3A_3 {offsets = [8, 0], sizes = [1, 256], strides = [1, 1]} : vector<16x256xf32> to vector<1x256xf32>
    %slice3A_163 = vector.extract_strided_slice %convert_element_type3A {offsets = [8, 0], sizes = [1, 256], strides = [1, 1]} : vector<16x256xf32> to vector<1x256xf32>
    %slice3A_164 = vector.extract_strided_slice %transpose3A {offsets = [0, 8], sizes = [256, 1], strides = [1, 1]} : vector<256x16xf32> to vector<256x1xf32>
    %slice3A_165 = vector.extract_strided_slice %transpose3A_9 {offsets = [0, 8], sizes = [256, 1], strides = [1, 1]} : vector<256x16xf32> to vector<256x1xf32>
    %gt3A_166 = vector.broadcast %slice3A_162 : vector<1x256xf32> to vector<256x256xf32>
    %gt3A_167 = vector.broadcast %slice3A_164 : vector<256x1xf32> to vector<256x256xf32>
    %gt3A_168 = arith.cmpf ogt, %gt3A_166, %gt3A_167 : vector<256x256xf32>
    %eq3A_169 = vector.broadcast %slice3A_162 : vector<1x256xf32> to vector<256x256xf32>
    %eq3A_170 = vector.broadcast %slice3A_164 : vector<256x1xf32> to vector<256x256xf32>
    %eq3A_171 = arith.cmpf oeq, %eq3A_169, %eq3A_170 : vector<256x256xf32>
    %lt3A_172 = vector.broadcast %slice3A_163 : vector<1x256xf32> to vector<256x256xf32>
    %lt3A_173 = vector.broadcast %slice3A_165 : vector<256x1xf32> to vector<256x256xf32>
    %lt3A_174 = arith.cmpf olt, %lt3A_172, %lt3A_173 : vector<256x256xf32>
    %and3A_175 = arith.andi %eq3A_171, %lt3A_174 : vector<256x256xi1>
    %or3A_176 = arith.ori %gt3A_168, %and3A_175 : vector<256x256xi1>
    %convert_element_type3A_177 = arith.extui %or3A_176 : vector<256x256xi1> to vector<256x256xi32>
    %convert_element_type3A_178 = arith.sitofp %convert_element_type3A_177 : vector<256x256xi32> to vector<256x256xf32>
    %reduce_sum3A_179 = arith.constant dense<0.000000e+00> : vector<256xf32>
    %reduce_sum3A_180 = vector.multi_reduction <add>, %convert_element_type3A_178, %reduce_sum3A_179 [1] : vector<256x256xf32> to vector<256xf32>
    %broadcast_in_dim3A_181 = vector.shape_cast %reduce_sum3A_180 : vector<256xf32> to vector<256x1xf32>
    %slice3A_182 = vector.extract_strided_slice %get3A_3 {offsets = [9, 0], sizes = [1, 256], strides = [1, 1]} : vector<16x256xf32> to vector<1x256xf32>
    %slice3A_183 = vector.extract_strided_slice %convert_element_type3A {offsets = [9, 0], sizes = [1, 256], strides = [1, 1]} : vector<16x256xf32> to vector<1x256xf32>
    %slice3A_184 = vector.extract_strided_slice %transpose3A {offsets = [0, 9], sizes = [256, 1], strides = [1, 1]} : vector<256x16xf32> to vector<256x1xf32>
    %slice3A_185 = vector.extract_strided_slice %transpose3A_9 {offsets = [0, 9], sizes = [256, 1], strides = [1, 1]} : vector<256x16xf32> to vector<256x1xf32>
    %gt3A_186 = vector.broadcast %slice3A_182 : vector<1x256xf32> to vector<256x256xf32>
    %gt3A_187 = vector.broadcast %slice3A_184 : vector<256x1xf32> to vector<256x256xf32>
    %gt3A_188 = arith.cmpf ogt, %gt3A_186, %gt3A_187 : vector<256x256xf32>
    %eq3A_189 = vector.broadcast %slice3A_182 : vector<1x256xf32> to vector<256x256xf32>
    %eq3A_190 = vector.broadcast %slice3A_184 : vector<256x1xf32> to vector<256x256xf32>
    %eq3A_191 = arith.cmpf oeq, %eq3A_189, %eq3A_190 : vector<256x256xf32>
    %lt3A_192 = vector.broadcast %slice3A_183 : vector<1x256xf32> to vector<256x256xf32>
    %lt3A_193 = vector.broadcast %slice3A_185 : vector<256x1xf32> to vector<256x256xf32>
    %lt3A_194 = arith.cmpf olt, %lt3A_192, %lt3A_193 : vector<256x256xf32>
    %and3A_195 = arith.andi %eq3A_191, %lt3A_194 : vector<256x256xi1>
    %or3A_196 = arith.ori %gt3A_188, %and3A_195 : vector<256x256xi1>
    %convert_element_type3A_197 = arith.extui %or3A_196 : vector<256x256xi1> to vector<256x256xi32>
    %convert_element_type3A_198 = arith.sitofp %convert_element_type3A_197 : vector<256x256xi32> to vector<256x256xf32>
    %reduce_sum3A_199 = arith.constant dense<0.000000e+00> : vector<256xf32>
    %reduce_sum3A_200 = vector.multi_reduction <add>, %convert_element_type3A_198, %reduce_sum3A_199 [1] : vector<256x256xf32> to vector<256xf32>
    %broadcast_in_dim3A_201 = vector.shape_cast %reduce_sum3A_200 : vector<256xf32> to vector<256x1xf32>
    %slice3A_202 = vector.extract_strided_slice %get3A_3 {offsets = [10, 0], sizes = [1, 256], strides = [1, 1]} : vector<16x256xf32> to vector<1x256xf32>
    %slice3A_203 = vector.extract_strided_slice %convert_element_type3A {offsets = [10, 0], sizes = [1, 256], strides = [1, 1]} : vector<16x256xf32> to vector<1x256xf32>
    %slice3A_204 = vector.extract_strided_slice %transpose3A {offsets = [0, 10], sizes = [256, 1], strides = [1, 1]} : vector<256x16xf32> to vector<256x1xf32>
    %slice3A_205 = vector.extract_strided_slice %transpose3A_9 {offsets = [0, 10], sizes = [256, 1], strides = [1, 1]} : vector<256x16xf32> to vector<256x1xf32>
    %gt3A_206 = vector.broadcast %slice3A_202 : vector<1x256xf32> to vector<256x256xf32>
    %gt3A_207 = vector.broadcast %slice3A_204 : vector<256x1xf32> to vector<256x256xf32>
    %gt3A_208 = arith.cmpf ogt, %gt3A_206, %gt3A_207 : vector<256x256xf32>
    %eq3A_209 = vector.broadcast %slice3A_202 : vector<1x256xf32> to vector<256x256xf32>
    %eq3A_210 = vector.broadcast %slice3A_204 : vector<256x1xf32> to vector<256x256xf32>
    %eq3A_211 = arith.cmpf oeq, %eq3A_209, %eq3A_210 : vector<256x256xf32>
    %lt3A_212 = vector.broadcast %slice3A_203 : vector<1x256xf32> to vector<256x256xf32>
    %lt3A_213 = vector.broadcast %slice3A_205 : vector<256x1xf32> to vector<256x256xf32>
    %lt3A_214 = arith.cmpf olt, %lt3A_212, %lt3A_213 : vector<256x256xf32>
    %and3A_215 = arith.andi %eq3A_211, %lt3A_214 : vector<256x256xi1>
    %or3A_216 = arith.ori %gt3A_208, %and3A_215 : vector<256x256xi1>
    %convert_element_type3A_217 = arith.extui %or3A_216 : vector<256x256xi1> to vector<256x256xi32>
    %convert_element_type3A_218 = arith.sitofp %convert_element_type3A_217 : vector<256x256xi32> to vector<256x256xf32>
    %reduce_sum3A_219 = arith.constant dense<0.000000e+00> : vector<256xf32>
    %reduce_sum3A_220 = vector.multi_reduction <add>, %convert_element_type3A_218, %reduce_sum3A_219 [1] : vector<256x256xf32> to vector<256xf32>
    %broadcast_in_dim3A_221 = vector.shape_cast %reduce_sum3A_220 : vector<256xf32> to vector<256x1xf32>
    %slice3A_222 = vector.extract_strided_slice %get3A_3 {offsets = [11, 0], sizes = [1, 256], strides = [1, 1]} : vector<16x256xf32> to vector<1x256xf32>
    %slice3A_223 = vector.extract_strided_slice %convert_element_type3A {offsets = [11, 0], sizes = [1, 256], strides = [1, 1]} : vector<16x256xf32> to vector<1x256xf32>
    %slice3A_224 = vector.extract_strided_slice %transpose3A {offsets = [0, 11], sizes = [256, 1], strides = [1, 1]} : vector<256x16xf32> to vector<256x1xf32>
    %slice3A_225 = vector.extract_strided_slice %transpose3A_9 {offsets = [0, 11], sizes = [256, 1], strides = [1, 1]} : vector<256x16xf32> to vector<256x1xf32>
    %gt3A_226 = vector.broadcast %slice3A_222 : vector<1x256xf32> to vector<256x256xf32>
    %gt3A_227 = vector.broadcast %slice3A_224 : vector<256x1xf32> to vector<256x256xf32>
    %gt3A_228 = arith.cmpf ogt, %gt3A_226, %gt3A_227 : vector<256x256xf32>
    %eq3A_229 = vector.broadcast %slice3A_222 : vector<1x256xf32> to vector<256x256xf32>
    %eq3A_230 = vector.broadcast %slice3A_224 : vector<256x1xf32> to vector<256x256xf32>
    %eq3A_231 = arith.cmpf oeq, %eq3A_229, %eq3A_230 : vector<256x256xf32>
    %lt3A_232 = vector.broadcast %slice3A_223 : vector<1x256xf32> to vector<256x256xf32>
    %lt3A_233 = vector.broadcast %slice3A_225 : vector<256x1xf32> to vector<256x256xf32>
    %lt3A_234 = arith.cmpf olt, %lt3A_232, %lt3A_233 : vector<256x256xf32>
    %and3A_235 = arith.andi %eq3A_231, %lt3A_234 : vector<256x256xi1>
    %or3A_236 = arith.ori %gt3A_228, %and3A_235 : vector<256x256xi1>
    %convert_element_type3A_237 = arith.extui %or3A_236 : vector<256x256xi1> to vector<256x256xi32>
    %convert_element_type3A_238 = arith.sitofp %convert_element_type3A_237 : vector<256x256xi32> to vector<256x256xf32>
    %reduce_sum3A_239 = arith.constant dense<0.000000e+00> : vector<256xf32>
    %reduce_sum3A_240 = vector.multi_reduction <add>, %convert_element_type3A_238, %reduce_sum3A_239 [1] : vector<256x256xf32> to vector<256xf32>
    %broadcast_in_dim3A_241 = vector.shape_cast %reduce_sum3A_240 : vector<256xf32> to vector<256x1xf32>
    %slice3A_242 = vector.extract_strided_slice %get3A_3 {offsets = [12, 0], sizes = [1, 256], strides = [1, 1]} : vector<16x256xf32> to vector<1x256xf32>
    %slice3A_243 = vector.extract_strided_slice %convert_element_type3A {offsets = [12, 0], sizes = [1, 256], strides = [1, 1]} : vector<16x256xf32> to vector<1x256xf32>
    %slice3A_244 = vector.extract_strided_slice %transpose3A {offsets = [0, 12], sizes = [256, 1], strides = [1, 1]} : vector<256x16xf32> to vector<256x1xf32>
    %slice3A_245 = vector.extract_strided_slice %transpose3A_9 {offsets = [0, 12], sizes = [256, 1], strides = [1, 1]} : vector<256x16xf32> to vector<256x1xf32>
    %gt3A_246 = vector.broadcast %slice3A_242 : vector<1x256xf32> to vector<256x256xf32>
    %gt3A_247 = vector.broadcast %slice3A_244 : vector<256x1xf32> to vector<256x256xf32>
    %gt3A_248 = arith.cmpf ogt, %gt3A_246, %gt3A_247 : vector<256x256xf32>
    %eq3A_249 = vector.broadcast %slice3A_242 : vector<1x256xf32> to vector<256x256xf32>
    %eq3A_250 = vector.broadcast %slice3A_244 : vector<256x1xf32> to vector<256x256xf32>
    %eq3A_251 = arith.cmpf oeq, %eq3A_249, %eq3A_250 : vector<256x256xf32>
    %lt3A_252 = vector.broadcast %slice3A_243 : vector<1x256xf32> to vector<256x256xf32>
    %lt3A_253 = vector.broadcast %slice3A_245 : vector<256x1xf32> to vector<256x256xf32>
    %lt3A_254 = arith.cmpf olt, %lt3A_252, %lt3A_253 : vector<256x256xf32>
    %and3A_255 = arith.andi %eq3A_251, %lt3A_254 : vector<256x256xi1>
    %or3A_256 = arith.ori %gt3A_248, %and3A_255 : vector<256x256xi1>
    %convert_element_type3A_257 = arith.extui %or3A_256 : vector<256x256xi1> to vector<256x256xi32>
    %convert_element_type3A_258 = arith.sitofp %convert_element_type3A_257 : vector<256x256xi32> to vector<256x256xf32>
    %reduce_sum3A_259 = arith.constant dense<0.000000e+00> : vector<256xf32>
    %reduce_sum3A_260 = vector.multi_reduction <add>, %convert_element_type3A_258, %reduce_sum3A_259 [1] : vector<256x256xf32> to vector<256xf32>
    %broadcast_in_dim3A_261 = vector.shape_cast %reduce_sum3A_260 : vector<256xf32> to vector<256x1xf32>
    %slice3A_262 = vector.extract_strided_slice %get3A_3 {offsets = [13, 0], sizes = [1, 256], strides = [1, 1]} : vector<16x256xf32> to vector<1x256xf32>
    %slice3A_263 = vector.extract_strided_slice %convert_element_type3A {offsets = [13, 0], sizes = [1, 256], strides = [1, 1]} : vector<16x256xf32> to vector<1x256xf32>
    %slice3A_264 = vector.extract_strided_slice %transpose3A {offsets = [0, 13], sizes = [256, 1], strides = [1, 1]} : vector<256x16xf32> to vector<256x1xf32>
    %slice3A_265 = vector.extract_strided_slice %transpose3A_9 {offsets = [0, 13], sizes = [256, 1], strides = [1, 1]} : vector<256x16xf32> to vector<256x1xf32>
    %gt3A_266 = vector.broadcast %slice3A_262 : vector<1x256xf32> to vector<256x256xf32>
    %gt3A_267 = vector.broadcast %slice3A_264 : vector<256x1xf32> to vector<256x256xf32>
    %gt3A_268 = arith.cmpf ogt, %gt3A_266, %gt3A_267 : vector<256x256xf32>
    %eq3A_269 = vector.broadcast %slice3A_262 : vector<1x256xf32> to vector<256x256xf32>
    %eq3A_270 = vector.broadcast %slice3A_264 : vector<256x1xf32> to vector<256x256xf32>
    %eq3A_271 = arith.cmpf oeq, %eq3A_269, %eq3A_270 : vector<256x256xf32>
    %lt3A_272 = vector.broadcast %slice3A_263 : vector<1x256xf32> to vector<256x256xf32>
    %lt3A_273 = vector.broadcast %slice3A_265 : vector<256x1xf32> to vector<256x256xf32>
    %lt3A_274 = arith.cmpf olt, %lt3A_272, %lt3A_273 : vector<256x256xf32>
    %and3A_275 = arith.andi %eq3A_271, %lt3A_274 : vector<256x256xi1>
    %or3A_276 = arith.ori %gt3A_268, %and3A_275 : vector<256x256xi1>
    %convert_element_type3A_277 = arith.extui %or3A_276 : vector<256x256xi1> to vector<256x256xi32>
    %convert_element_type3A_278 = arith.sitofp %convert_element_type3A_277 : vector<256x256xi32> to vector<256x256xf32>
    %reduce_sum3A_279 = arith.constant dense<0.000000e+00> : vector<256xf32>
    %reduce_sum3A_280 = vector.multi_reduction <add>, %convert_element_type3A_278, %reduce_sum3A_279 [1] : vector<256x256xf32> to vector<256xf32>
    %broadcast_in_dim3A_281 = vector.shape_cast %reduce_sum3A_280 : vector<256xf32> to vector<256x1xf32>
    %slice3A_282 = vector.extract_strided_slice %get3A_3 {offsets = [14, 0], sizes = [1, 256], strides = [1, 1]} : vector<16x256xf32> to vector<1x256xf32>
    %slice3A_283 = vector.extract_strided_slice %convert_element_type3A {offsets = [14, 0], sizes = [1, 256], strides = [1, 1]} : vector<16x256xf32> to vector<1x256xf32>
    %slice3A_284 = vector.extract_strided_slice %transpose3A {offsets = [0, 14], sizes = [256, 1], strides = [1, 1]} : vector<256x16xf32> to vector<256x1xf32>
    %slice3A_285 = vector.extract_strided_slice %transpose3A_9 {offsets = [0, 14], sizes = [256, 1], strides = [1, 1]} : vector<256x16xf32> to vector<256x1xf32>
    %gt3A_286 = vector.broadcast %slice3A_282 : vector<1x256xf32> to vector<256x256xf32>
    %gt3A_287 = vector.broadcast %slice3A_284 : vector<256x1xf32> to vector<256x256xf32>
    %gt3A_288 = arith.cmpf ogt, %gt3A_286, %gt3A_287 : vector<256x256xf32>
    %eq3A_289 = vector.broadcast %slice3A_282 : vector<1x256xf32> to vector<256x256xf32>
    %eq3A_290 = vector.broadcast %slice3A_284 : vector<256x1xf32> to vector<256x256xf32>
    %eq3A_291 = arith.cmpf oeq, %eq3A_289, %eq3A_290 : vector<256x256xf32>
    %lt3A_292 = vector.broadcast %slice3A_283 : vector<1x256xf32> to vector<256x256xf32>
    %lt3A_293 = vector.broadcast %slice3A_285 : vector<256x1xf32> to vector<256x256xf32>
    %lt3A_294 = arith.cmpf olt, %lt3A_292, %lt3A_293 : vector<256x256xf32>
    %and3A_295 = arith.andi %eq3A_291, %lt3A_294 : vector<256x256xi1>
    %or3A_296 = arith.ori %gt3A_288, %and3A_295 : vector<256x256xi1>
    %convert_element_type3A_297 = arith.extui %or3A_296 : vector<256x256xi1> to vector<256x256xi32>
    %convert_element_type3A_298 = arith.sitofp %convert_element_type3A_297 : vector<256x256xi32> to vector<256x256xf32>
    %reduce_sum3A_299 = arith.constant dense<0.000000e+00> : vector<256xf32>
    %reduce_sum3A_300 = vector.multi_reduction <add>, %convert_element_type3A_298, %reduce_sum3A_299 [1] : vector<256x256xf32> to vector<256xf32>
    %broadcast_in_dim3A_301 = vector.shape_cast %reduce_sum3A_300 : vector<256xf32> to vector<256x1xf32>
    %slice3A_302 = vector.extract_strided_slice %get3A_3 {offsets = [15, 0], sizes = [1, 256], strides = [1, 1]} : vector<16x256xf32> to vector<1x256xf32>
    %slice3A_303 = vector.extract_strided_slice %convert_element_type3A {offsets = [15, 0], sizes = [1, 256], strides = [1, 1]} : vector<16x256xf32> to vector<1x256xf32>
    %slice3A_304 = vector.extract_strided_slice %transpose3A {offsets = [0, 15], sizes = [256, 1], strides = [1, 1]} : vector<256x16xf32> to vector<256x1xf32>
    %slice3A_305 = vector.extract_strided_slice %transpose3A_9 {offsets = [0, 15], sizes = [256, 1], strides = [1, 1]} : vector<256x16xf32> to vector<256x1xf32>
    %gt3A_306 = vector.broadcast %slice3A_302 : vector<1x256xf32> to vector<256x256xf32>
    %gt3A_307 = vector.broadcast %slice3A_304 : vector<256x1xf32> to vector<256x256xf32>
    %gt3A_308 = arith.cmpf ogt, %gt3A_306, %gt3A_307 : vector<256x256xf32>
    %eq3A_309 = vector.broadcast %slice3A_302 : vector<1x256xf32> to vector<256x256xf32>
    %eq3A_310 = vector.broadcast %slice3A_304 : vector<256x1xf32> to vector<256x256xf32>
    %eq3A_311 = arith.cmpf oeq, %eq3A_309, %eq3A_310 : vector<256x256xf32>
    %lt3A_312 = vector.broadcast %slice3A_303 : vector<1x256xf32> to vector<256x256xf32>
    %lt3A_313 = vector.broadcast %slice3A_305 : vector<256x1xf32> to vector<256x256xf32>
    %lt3A_314 = arith.cmpf olt, %lt3A_312, %lt3A_313 : vector<256x256xf32>
    %and3A_315 = arith.andi %eq3A_311, %lt3A_314 : vector<256x256xi1>
    %or3A_316 = arith.ori %gt3A_308, %and3A_315 : vector<256x256xi1>
    %convert_element_type3A_317 = arith.extui %or3A_316 : vector<256x256xi1> to vector<256x256xi32>
    %convert_element_type3A_318 = arith.sitofp %convert_element_type3A_317 : vector<256x256xi32> to vector<256x256xf32>
    %reduce_sum3A_319 = arith.constant dense<0.000000e+00> : vector<256xf32>
    %reduce_sum3A_320 = vector.multi_reduction <add>, %convert_element_type3A_318, %reduce_sum3A_319 [1] : vector<256x256xf32> to vector<256xf32>
    %broadcast_in_dim3A_321 = vector.shape_cast %reduce_sum3A_320 : vector<256xf32> to vector<256x1xf32>
    %concatenate3A = tpu.concatenate %broadcast_in_dim3A, %broadcast_in_dim3A_41, %broadcast_in_dim3A_61, %broadcast_in_dim3A_81, %broadcast_in_dim3A_101, %broadcast_in_dim3A_121, %broadcast_in_dim3A_141, %broadcast_in_dim3A_161, %broadcast_in_dim3A_181, %broadcast_in_dim3A_201, %broadcast_in_dim3A_221, %broadcast_in_dim3A_241, %broadcast_in_dim3A_261, %broadcast_in_dim3A_281, %broadcast_in_dim3A_301, %broadcast_in_dim3A_321 in 0 : vector<256x1xf32>, vector<256x1xf32>, vector<256x1xf32>, vector<256x1xf32>, vector<256x1xf32>, vector<256x1xf32>, vector<256x1xf32>, vector<256x1xf32>, vector<256x1xf32>, vector<256x1xf32>, vector<256x1xf32>, vector<256x1xf32>, vector<256x1xf32>, vector<256x1xf32>, vector<256x1xf32>, vector<256x1xf32> -> vector<4096x1xf32>
    %convert_element_type3A_322 = arith.fptosi %concatenate3A : vector<4096x1xf32> to vector<4096x1xi32>
    %lt3A_323 = arith.constant 200 : i32
    %lt3A_324 = vector.broadcast %lt3A_323 : i32 to vector<4096x1xi32>
    %lt3A_325 = arith.cmpi slt, %convert_element_type3A_322, %lt3A_324 : vector<4096x1xi32>
    %convert_element_type3A_326 = arith.extui %lt3A_325 : vector<4096x1xi1> to vector<4096x1xi32>
    %convert_element_type3A_327 = arith.sitofp %convert_element_type3A_326 : vector<4096x1xi32> to vector<4096x1xf32>
    %iota3A = tpu.iota {dimensions = array<i32: 0>} : vector<4096x1xi32>
    %shift_right_arithmetic3A = arith.constant 8 : i32
    %shift_right_arithmetic3A_328 = vector.broadcast %shift_right_arithmetic3A : i32 to vector<4096x1xi32>
    %shift_right_arithmetic3A_329 = arith.shrsi %iota3A, %shift_right_arithmetic3A_328 : vector<4096x1xi32>
    %and3A_330 = arith.constant 1 : i32
    %and3A_331 = vector.broadcast %and3A_330 : i32 to vector<4096x1xi32>
    %and3A_332 = arith.andi %shift_right_arithmetic3A_329, %and3A_331 : vector<4096x1xi32>
    %mul3A = arith.constant 8 : i32
    %mul3A_333 = vector.broadcast %mul3A : i32 to vector<4096x1xi32>
    %mul3A_334 = arith.muli %mul3A_333, %and3A_332 : vector<4096x1xi32>
    %add3A = arith.addi %convert_element_type3A_322, %mul3A_334 : vector<4096x1xi32>
    %and3A_335 = arith.constant 15 : i32
    %and3A_336 = vector.broadcast %and3A_335 : i32 to vector<4096x1xi32>
    %and3A_337 = arith.andi %add3A, %and3A_336 : vector<4096x1xi32>
    %get3A_338 = arith.constant 0 : index
    %get3A_339 = arith.constant 0 : index
    %get3A_340 = arith.constant 0 : index
    %get3A_341 = vector.load %arg4[%get3A_338, %get3A_339, %get3A_340] : memref<1x4x16xf32, #tpu.memory_space<vmem>>, vector<1x4x16xf32>
    %get3A_342 = vector.shape_cast %get3A_341 : vector<1x4x16xf32> to vector<4x16xf32>
    %iota3A_343 = tpu.iota {dimensions = array<i32: 1>} : vector<1x16xi32>
    %iota3A_344 = tpu.iota {dimensions = array<i32: 1>} : vector<1x32xi32>
    %lt3A_345 = arith.constant 24 : i32
    %lt3A_346 = vector.broadcast %lt3A_345 : i32 to vector<1x32xi32>
    %lt3A_347 = arith.cmpi slt, %iota3A_344, %lt3A_346 : vector<1x32xi32>
    %eq3A_348 = vector.broadcast %and3A_337 : vector<4096x1xi32> to vector<4096x16xi32>
    %eq3A_349 = vector.broadcast %iota3A_343 : vector<1x16xi32> to vector<4096x16xi32>
    %eq3A_350 = arith.cmpi eq, %eq3A_348, %eq3A_349 : vector<4096x16xi32>
    %convert_element_type3A_351 = arith.extui %eq3A_350 : vector<4096x16xi1> to vector<4096x16xi32>
    %convert_element_type3A_352 = arith.sitofp %convert_element_type3A_351 : vector<4096x16xi32> to vector<4096x16xf32>
    %slice3A_353 = vector.extract_strided_slice %get3A_342 {offsets = [0, 0], sizes = [1, 16], strides = [1, 1]} : vector<4x16xf32> to vector<1x16xf32>
    %mul3A_354 = vector.broadcast %slice3A_353 : vector<1x16xf32> to vector<4096x16xf32>
    %mul3A_355 = arith.mulf %convert_element_type3A_352, %mul3A_354 : vector<4096x16xf32>
    %reduce_sum3A_356 = arith.constant dense<0.000000e+00> : vector<4096xf32>
    %reduce_sum3A_357 = vector.multi_reduction <add>, %mul3A_355, %reduce_sum3A_356 [1] : vector<4096x16xf32> to vector<4096xf32>
    %broadcast_in_dim3A_358 = vector.shape_cast %reduce_sum3A_357 : vector<4096xf32> to vector<4096x1xf32>
    %slice3A_359 = vector.extract_strided_slice %get3A_342 {offsets = [1, 0], sizes = [1, 16], strides = [1, 1]} : vector<4x16xf32> to vector<1x16xf32>
    %mul3A_360 = vector.broadcast %slice3A_359 : vector<1x16xf32> to vector<4096x16xf32>
    %mul3A_361 = arith.mulf %convert_element_type3A_352, %mul3A_360 : vector<4096x16xf32>
    %reduce_sum3A_362 = arith.constant dense<0.000000e+00> : vector<4096xf32>
    %reduce_sum3A_363 = vector.multi_reduction <add>, %mul3A_361, %reduce_sum3A_362 [1] : vector<4096x16xf32> to vector<4096xf32>
    %broadcast_in_dim3A_364 = vector.shape_cast %reduce_sum3A_363 : vector<4096xf32> to vector<4096x1xf32>
    %slice3A_365 = vector.extract_strided_slice %get3A_342 {offsets = [2, 0], sizes = [1, 16], strides = [1, 1]} : vector<4x16xf32> to vector<1x16xf32>
    %mul3A_366 = vector.broadcast %slice3A_365 : vector<1x16xf32> to vector<4096x16xf32>
    %mul3A_367 = arith.mulf %convert_element_type3A_352, %mul3A_366 : vector<4096x16xf32>
    %reduce_sum3A_368 = arith.constant dense<0.000000e+00> : vector<4096xf32>
    %reduce_sum3A_369 = vector.multi_reduction <add>, %mul3A_367, %reduce_sum3A_368 [1] : vector<4096x16xf32> to vector<4096xf32>
    %broadcast_in_dim3A_370 = vector.shape_cast %reduce_sum3A_369 : vector<4096xf32> to vector<4096x1xf32>
    %slice3A_371 = vector.extract_strided_slice %get3A_342 {offsets = [3, 0], sizes = [1, 16], strides = [1, 1]} : vector<4x16xf32> to vector<1x16xf32>
    %mul3A_372 = vector.broadcast %slice3A_371 : vector<1x16xf32> to vector<4096x16xf32>
    %mul3A_373 = arith.mulf %convert_element_type3A_352, %mul3A_372 : vector<4096x16xf32>
    %reduce_sum3A_374 = arith.constant dense<0.000000e+00> : vector<4096xf32>
    %reduce_sum3A_375 = vector.multi_reduction <add>, %mul3A_373, %reduce_sum3A_374 [1] : vector<4096x16xf32> to vector<4096xf32>
    %broadcast_in_dim3A_376 = vector.shape_cast %reduce_sum3A_375 : vector<4096xf32> to vector<4096x1xf32>
    %get3A_377 = arith.constant 0 : index
    %get3A_378 = arith.constant 0 : index
    %get3A_379 = arith.constant 0 : index
    %get3A_380 = vector.load %arg3[%get3A_377, %get3A_378, %get3A_379] : memref<1x4096x32xf32, #tpu.memory_space<vmem>>, vector<1x4096x32xf32>
    %get3A_381 = vector.shape_cast %get3A_380 : vector<1x4096x32xf32> to vector<4096x32xf32>
    %jit3A = arith.constant -1.000000e+30 : f32
    %broadcast_in_dim3A_382 = vector.shape_cast %lt3A_347 : vector<1x32xi1> to vector<1x32xi1>
    %broadcast_in_dim3A_383 = vector.broadcast %broadcast_in_dim3A_382 : vector<1x32xi1> to vector<4096x32xi1>
    %broadcast_in_dim3A_384 = vector.broadcast %jit3A : f32 to vector<4096x32xf32>
    %select_n3A = arith.select %broadcast_in_dim3A_383, %get3A_381, %broadcast_in_dim3A_384 : vector<4096x32xi1>, vector<4096x32xf32>
    %reduce_max3A = arith.constant dense<0xFF800000> : vector<4096xf32>
    %reduce_max3A_385 = vector.multi_reduction <maximumf>, %select_n3A, %reduce_max3A [1] : vector<4096x32xf32> to vector<4096xf32>
    %broadcast_in_dim3A_386 = vector.shape_cast %reduce_max3A_385 : vector<4096xf32> to vector<4096x1xf32>
    %sub3A = vector.broadcast %broadcast_in_dim3A_386 : vector<4096x1xf32> to vector<4096x32xf32>
    %sub3A_387 = arith.subf %get3A_381, %sub3A : vector<4096x32xf32>
    %exp3A = math.exp %sub3A_387 : vector<4096x32xf32>
    %jit3A_388 = arith.constant 0.000000e+00 : f32
    %broadcast_in_dim3A_389 = vector.shape_cast %lt3A_347 : vector<1x32xi1> to vector<1x32xi1>
    %broadcast_in_dim3A_390 = vector.broadcast %broadcast_in_dim3A_389 : vector<1x32xi1> to vector<4096x32xi1>
    %broadcast_in_dim3A_391 = vector.broadcast %jit3A_388 : f32 to vector<4096x32xf32>
    %select_n3A_392 = arith.select %broadcast_in_dim3A_390, %exp3A, %broadcast_in_dim3A_391 : vector<4096x32xi1>, vector<4096x32xf32>
    %reduce_sum3A_393 = arith.constant dense<0.000000e+00> : vector<4096xf32>
    %reduce_sum3A_394 = vector.multi_reduction <add>, %select_n3A_392, %reduce_sum3A_393 [1] : vector<4096x32xf32> to vector<4096xf32>
    %broadcast_in_dim3A_395 = vector.shape_cast %reduce_sum3A_394 : vector<4096xf32> to vector<4096x1xf32>
    %get3A_396 = arith.constant 0 : index
    %get3A_397 = arith.constant 0 : index
    %get3A_398 = arith.constant 0 : index
    %get3A_399 = vector.load %arg5[%get3A_396, %get3A_397, %get3A_398] : memref<1x4096x1xi32, #tpu.memory_space<vmem>>, vector<1x4096x1xi32>
    %get3A_400 = vector.shape_cast %get3A_399 : vector<1x4096x1xi32> to vector<4096x1xi32>
    %eq3A_401 = vector.broadcast %get3A_400 : vector<4096x1xi32> to vector<4096x32xi32>
    %eq3A_402 = vector.broadcast %iota3A_344 : vector<1x32xi32> to vector<4096x32xi32>
    %eq3A_403 = arith.cmpi eq, %eq3A_401, %eq3A_402 : vector<4096x32xi32>
    %convert_element_type3A_404 = arith.extui %eq3A_403 : vector<4096x32xi1> to vector<4096x32xi32>
    %convert_element_type3A_405 = arith.sitofp %convert_element_type3A_404 : vector<4096x32xi32> to vector<4096x32xf32>
    %mul3A_406 = arith.mulf %select_n3A_392, %convert_element_type3A_405 : vector<4096x32xf32>
    %reduce_sum3A_407 = arith.constant dense<0.000000e+00> : vector<4096xf32>
    %reduce_sum3A_408 = vector.multi_reduction <add>, %mul3A_406, %reduce_sum3A_407 [1] : vector<4096x32xf32> to vector<4096xf32>
    %broadcast_in_dim3A_409 = vector.shape_cast %reduce_sum3A_408 : vector<4096xf32> to vector<4096x1xf32>
    %div3A = arith.divf %broadcast_in_dim3A_409, %broadcast_in_dim3A_395 : vector<4096x1xf32>
    %slice3A_410 = vector.extract_strided_slice %get3A_381 {offsets = [0, 24], sizes = [4096, 1], strides = [1, 1]} : vector<4096x32xf32> to vector<4096x1xf32>
    %slice3A_411 = vector.extract_strided_slice %get3A_381 {offsets = [0, 25], sizes = [4096, 1], strides = [1, 1]} : vector<4096x32xf32> to vector<4096x1xf32>
    %slice3A_412 = vector.extract_strided_slice %get3A_381 {offsets = [0, 26], sizes = [4096, 1], strides = [1, 1]} : vector<4096x32xf32> to vector<4096x1xf32>
    %slice3A_413 = vector.extract_strided_slice %get3A_381 {offsets = [0, 27], sizes = [4096, 1], strides = [1, 1]} : vector<4096x32xf32> to vector<4096x1xf32>
    %slice3A_414 = vector.extract_strided_slice %get3A_381 {offsets = [0, 28], sizes = [4096, 1], strides = [1, 1]} : vector<4096x32xf32> to vector<4096x1xf32>
    %slice3A_415 = vector.extract_strided_slice %get3A_381 {offsets = [0, 29], sizes = [4096, 1], strides = [1, 1]} : vector<4096x32xf32> to vector<4096x1xf32>
    %slice3A_416 = vector.extract_strided_slice %get3A_381 {offsets = [0, 30], sizes = [4096, 1], strides = [1, 1]} : vector<4096x32xf32> to vector<4096x1xf32>
    %slice3A_417 = vector.extract_strided_slice %get3A_381 {offsets = [0, 31], sizes = [4096, 1], strides = [1, 1]} : vector<4096x32xf32> to vector<4096x1xf32>
    %add3A_418 = arith.addf %broadcast_in_dim3A_358, %broadcast_in_dim3A_370 : vector<4096x1xf32>
    %mul3A_419 = arith.constant 5.000000e-01 : f32
    %mul3A_420 = vector.broadcast %mul3A_419 : f32 to vector<4096x1xf32>
    %mul3A_421 = arith.mulf %add3A_418, %mul3A_420 : vector<4096x1xf32>
    %sub3A_422 = arith.subf %mul3A_421, %slice3A_414 : vector<4096x1xf32>
    %mul3A_423 = arith.constant 1.000000e-01 : f32
    %mul3A_424 = vector.broadcast %mul3A_423 : f32 to vector<4096x1xf32>
    %mul3A_425 = arith.mulf %mul3A_424, %slice3A_416 : vector<4096x1xf32>
    %div3A_426 = arith.divf %sub3A_422, %mul3A_425 : vector<4096x1xf32>
    %add3A_427 = arith.addf %broadcast_in_dim3A_364, %broadcast_in_dim3A_376 : vector<4096x1xf32>
    %mul3A_428 = arith.constant 5.000000e-01 : f32
    %mul3A_429 = vector.broadcast %mul3A_428 : f32 to vector<4096x1xf32>
    %mul3A_430 = arith.mulf %add3A_427, %mul3A_429 : vector<4096x1xf32>
    %sub3A_431 = arith.subf %mul3A_430, %slice3A_415 : vector<4096x1xf32>
    %mul3A_432 = arith.constant 1.000000e-01 : f32
    %mul3A_433 = vector.broadcast %mul3A_432 : f32 to vector<4096x1xf32>
    %mul3A_434 = arith.mulf %mul3A_433, %slice3A_417 : vector<4096x1xf32>
    %div3A_435 = arith.divf %sub3A_431, %mul3A_434 : vector<4096x1xf32>
    %sub3A_436 = arith.subf %broadcast_in_dim3A_370, %broadcast_in_dim3A_358 : vector<4096x1xf32>
    %div3A_437 = arith.divf %sub3A_436, %slice3A_416 : vector<4096x1xf32>
    %log3A = math.log %div3A_437 : vector<4096x1xf32>
    %mul3A_438 = arith.constant 5.000000e+00 : f32
    %mul3A_439 = vector.broadcast %mul3A_438 : f32 to vector<4096x1xf32>
    %mul3A_440 = arith.mulf %log3A, %mul3A_439 : vector<4096x1xf32>
    %sub3A_441 = arith.subf %broadcast_in_dim3A_376, %broadcast_in_dim3A_364 : vector<4096x1xf32>
    %div3A_442 = arith.divf %sub3A_441, %slice3A_417 : vector<4096x1xf32>
    %log3A_443 = math.log %div3A_442 : vector<4096x1xf32>
    %mul3A_444 = arith.constant 5.000000e+00 : f32
    %mul3A_445 = vector.broadcast %mul3A_444 : f32 to vector<4096x1xf32>
    %mul3A_446 = arith.mulf %log3A_443, %mul3A_445 : vector<4096x1xf32>
    %sub3A_447 = arith.subf %div3A_426, %slice3A_410 : vector<4096x1xf32>
    %abs3A = math.absf %sub3A_447 : vector<4096x1xf32>
    %lt3A_448 = arith.constant 1.100000e-01 : f32
    %lt3A_449 = vector.broadcast %lt3A_448 : f32 to vector<4096x1xf32>
    %lt3A_450 = arith.cmpf olt, %abs3A, %lt3A_449 : vector<4096x1xf32>
    %mul3A_451 = arith.constant 4.5454545 : f32
    %mul3A_452 = vector.broadcast %mul3A_451 : f32 to vector<4096x1xf32>
    %mul3A_453 = arith.mulf %mul3A_452, %sub3A_447 : vector<4096x1xf32>
    %mul3A_454 = arith.mulf %mul3A_453, %sub3A_447 : vector<4096x1xf32>
    %sub3A_455 = arith.constant 5.500000e-02 : f32
    %sub3A_456 = vector.broadcast %sub3A_455 : f32 to vector<4096x1xf32>
    %sub3A_457 = arith.subf %abs3A, %sub3A_456 : vector<4096x1xf32>
    %select_n3A_458 = arith.select %lt3A_450, %mul3A_454, %sub3A_457 : vector<4096x1xi1>, vector<4096x1xf32>
    %sub3A_459 = arith.subf %div3A_435, %slice3A_411 : vector<4096x1xf32>
    %abs3A_460 = math.absf %sub3A_459 : vector<4096x1xf32>
    %lt3A_461 = arith.constant 1.100000e-01 : f32
    %lt3A_462 = vector.broadcast %lt3A_461 : f32 to vector<4096x1xf32>
    %lt3A_463 = arith.cmpf olt, %abs3A_460, %lt3A_462 : vector<4096x1xf32>
    %mul3A_464 = arith.constant 4.5454545 : f32
    %mul3A_465 = vector.broadcast %mul3A_464 : f32 to vector<4096x1xf32>
    %mul3A_466 = arith.mulf %mul3A_465, %sub3A_459 : vector<4096x1xf32>
    %mul3A_467 = arith.mulf %mul3A_466, %sub3A_459 : vector<4096x1xf32>
    %sub3A_468 = arith.constant 5.500000e-02 : f32
    %sub3A_469 = vector.broadcast %sub3A_468 : f32 to vector<4096x1xf32>
    %sub3A_470 = arith.subf %abs3A_460, %sub3A_469 : vector<4096x1xf32>
    %select_n3A_471 = arith.select %lt3A_463, %mul3A_467, %sub3A_470 : vector<4096x1xi1>, vector<4096x1xf32>
    %add3A_472 = arith.addf %select_n3A_458, %select_n3A_471 : vector<4096x1xf32>
    %sub3A_473 = arith.subf %mul3A_440, %slice3A_412 : vector<4096x1xf32>
    %abs3A_474 = math.absf %sub3A_473 : vector<4096x1xf32>
    %lt3A_475 = arith.constant 1.100000e-01 : f32
    %lt3A_476 = vector.broadcast %lt3A_475 : f32 to vector<4096x1xf32>
    %lt3A_477 = arith.cmpf olt, %abs3A_474, %lt3A_476 : vector<4096x1xf32>
    %mul3A_478 = arith.constant 4.5454545 : f32
    %mul3A_479 = vector.broadcast %mul3A_478 : f32 to vector<4096x1xf32>
    %mul3A_480 = arith.mulf %mul3A_479, %sub3A_473 : vector<4096x1xf32>
    %mul3A_481 = arith.mulf %mul3A_480, %sub3A_473 : vector<4096x1xf32>
    %sub3A_482 = arith.constant 5.500000e-02 : f32
    %sub3A_483 = vector.broadcast %sub3A_482 : f32 to vector<4096x1xf32>
    %sub3A_484 = arith.subf %abs3A_474, %sub3A_483 : vector<4096x1xf32>
    %select_n3A_485 = arith.select %lt3A_477, %mul3A_481, %sub3A_484 : vector<4096x1xi1>, vector<4096x1xf32>
    %add3A_486 = arith.addf %add3A_472, %select_n3A_485 : vector<4096x1xf32>
    %sub3A_487 = arith.subf %mul3A_446, %slice3A_413 : vector<4096x1xf32>
    %abs3A_488 = math.absf %sub3A_487 : vector<4096x1xf32>
    %lt3A_489 = arith.constant 1.100000e-01 : f32
    %lt3A_490 = vector.broadcast %lt3A_489 : f32 to vector<4096x1xf32>
    %lt3A_491 = arith.cmpf olt, %abs3A_488, %lt3A_490 : vector<4096x1xf32>
    %mul3A_492 = arith.constant 4.5454545 : f32
    %mul3A_493 = vector.broadcast %mul3A_492 : f32 to vector<4096x1xf32>
    %mul3A_494 = arith.mulf %mul3A_493, %sub3A_487 : vector<4096x1xf32>
    %mul3A_495 = arith.mulf %mul3A_494, %sub3A_487 : vector<4096x1xf32>
    %sub3A_496 = arith.constant 5.500000e-02 : f32
    %sub3A_497 = vector.broadcast %sub3A_496 : f32 to vector<4096x1xf32>
    %sub3A_498 = arith.subf %abs3A_488, %sub3A_497 : vector<4096x1xf32>
    %select_n3A_499 = arith.select %lt3A_491, %mul3A_495, %sub3A_498 : vector<4096x1xi1>, vector<4096x1xf32>
    %add3A_500 = arith.addf %add3A_486, %select_n3A_499 : vector<4096x1xf32>
    %mul3A_501 = arith.constant 7.500000e-01 : f32
    %mul3A_502 = vector.broadcast %mul3A_501 : f32 to vector<4096x1xf32>
    %mul3A_503 = arith.mulf %mul3A_502, %add3A_500 : vector<4096x1xf32>
    %neg3A = arith.constant 0.000000e+00 : f32
    %neg3A_504 = vector.broadcast %neg3A : f32 to vector<4096x1xf32>
    %neg3A_505 = arith.subf %neg3A_504, %mul3A_503 : vector<4096x1xf32>
    %exp3A_506 = math.exp %neg3A_505 : vector<4096x1xf32>
    %mul3A_507 = arith.mulf %div3A, %exp3A_506 : vector<4096x1xf32>
    %sub3A_508 = arith.constant 1.000000e+00 : f32
    %sub3A_509 = vector.broadcast %sub3A_508 : f32 to vector<4096x1xf32>
    %sub3A_510 = arith.subf %sub3A_509, %mul3A_507 : vector<4096x1xf32>
    %max3A = arith.constant 9.99999996E-13 : f32
    %max3A_511 = vector.broadcast %max3A : f32 to vector<4096x1xf32>
    %max3A_512 = arith.maximumf %sub3A_510, %max3A_511 : vector<4096x1xf32>
    %div3A_513 = arith.divf %convert_element_type3A_327, %max3A_512 : vector<4096x1xf32>
    %mul3A_514 = arith.mulf %div3A_513, %mul3A_507 : vector<4096x1xf32>
    %slice3A_515 = vector.extract_strided_slice %mul3A_514 {offsets = [0, 0], sizes = [256, 1], strides = [1, 1]} : vector<4096x1xf32> to vector<256x1xf32>
    %reduce_sum3A_516 = vector.shape_cast %slice3A_515 : vector<256x1xf32> to vector<1x256x1xf32>
    %reduce_sum3A_517 = arith.constant dense<0.000000e+00> : vector<1xf32>
    %reduce_sum3A_518 = vector.multi_reduction <add>, %reduce_sum3A_516, %reduce_sum3A_517 [1, 2] : vector<1x256x1xf32> to vector<1xf32>
    %reduce_sum3A_519 = vector.shape_cast %reduce_sum3A_518 : vector<1xf32> to vector<1x1x1xf32>
    %reduce_sum3A_520 = vector.extract %reduce_sum3A_519[0, 0, 0] : f32 from vector<1x1x1xf32>
    %slice3A_521 = vector.extract_strided_slice %div3A_513 {offsets = [0, 0], sizes = [256, 1], strides = [1, 1]} : vector<4096x1xf32> to vector<256x1xf32>
    %reduce_sum3A_522 = vector.shape_cast %slice3A_521 : vector<256x1xf32> to vector<1x256x1xf32>
    %reduce_sum3A_523 = arith.constant dense<0.000000e+00> : vector<1xf32>
    %reduce_sum3A_524 = vector.multi_reduction <add>, %reduce_sum3A_522, %reduce_sum3A_523 [1, 2] : vector<1x256x1xf32> to vector<1xf32>
    %reduce_sum3A_525 = vector.shape_cast %reduce_sum3A_524 : vector<1xf32> to vector<1x1x1xf32>
    %reduce_sum3A_526 = vector.extract %reduce_sum3A_525[0, 0, 0] : f32 from vector<1x1x1xf32>
    %div3A_527 = arith.divf %reduce_sum3A_520, %reduce_sum3A_526 : f32
    %log3A_528 = math.log %div3A_527 : f32
    %max3A_529 = arith.constant -1.000000e+02 : f32
    %max3A_530 = arith.maximumf %log3A_528, %max3A_529 : f32
    %neg3A_531 = arith.constant 0.000000e+00 : f32
    %neg3A_532 = arith.subf %neg3A_531, %max3A_530 : f32
    %add3A_533 = arith.constant 0.000000e+00 : f32
    %add3A_534 = arith.addf %add3A_533, %neg3A_532 : f32
    %slice3A_535 = vector.extract_strided_slice %mul3A_514 {offsets = [256, 0], sizes = [256, 1], strides = [1, 1]} : vector<4096x1xf32> to vector<256x1xf32>
    %reduce_sum3A_536 = vector.shape_cast %slice3A_535 : vector<256x1xf32> to vector<1x256x1xf32>
    %reduce_sum3A_537 = arith.constant dense<0.000000e+00> : vector<1xf32>
    %reduce_sum3A_538 = vector.multi_reduction <add>, %reduce_sum3A_536, %reduce_sum3A_537 [1, 2] : vector<1x256x1xf32> to vector<1xf32>
    %reduce_sum3A_539 = vector.shape_cast %reduce_sum3A_538 : vector<1xf32> to vector<1x1x1xf32>
    %reduce_sum3A_540 = vector.extract %reduce_sum3A_539[0, 0, 0] : f32 from vector<1x1x1xf32>
    %slice3A_541 = vector.extract_strided_slice %div3A_513 {offsets = [256, 0], sizes = [256, 1], strides = [1, 1]} : vector<4096x1xf32> to vector<256x1xf32>
    %reduce_sum3A_542 = vector.shape_cast %slice3A_541 : vector<256x1xf32> to vector<1x256x1xf32>
    %reduce_sum3A_543 = arith.constant dense<0.000000e+00> : vector<1xf32>
    %reduce_sum3A_544 = vector.multi_reduction <add>, %reduce_sum3A_542, %reduce_sum3A_543 [1, 2] : vector<1x256x1xf32> to vector<1xf32>
    %reduce_sum3A_545 = vector.shape_cast %reduce_sum3A_544 : vector<1xf32> to vector<1x1x1xf32>
    %reduce_sum3A_546 = vector.extract %reduce_sum3A_545[0, 0, 0] : f32 from vector<1x1x1xf32>
    %div3A_547 = arith.divf %reduce_sum3A_540, %reduce_sum3A_546 : f32
    %log3A_548 = math.log %div3A_547 : f32
    %max3A_549 = arith.constant -1.000000e+02 : f32
    %max3A_550 = arith.maximumf %log3A_548, %max3A_549 : f32
    %neg3A_551 = arith.constant 0.000000e+00 : f32
    %neg3A_552 = arith.subf %neg3A_551, %max3A_550 : f32
    %add3A_553 = arith.addf %add3A_534, %neg3A_552 : f32
    %slice3A_554 = vector.extract_strided_slice %mul3A_514 {offsets = [512, 0], sizes = [256, 1], strides = [1, 1]} : vector<4096x1xf32> to vector<256x1xf32>
    %reduce_sum3A_555 = vector.shape_cast %slice3A_554 : vector<256x1xf32> to vector<1x256x1xf32>
    %reduce_sum3A_556 = arith.constant dense<0.000000e+00> : vector<1xf32>
    %reduce_sum3A_557 = vector.multi_reduction <add>, %reduce_sum3A_555, %reduce_sum3A_556 [1, 2] : vector<1x256x1xf32> to vector<1xf32>
    %reduce_sum3A_558 = vector.shape_cast %reduce_sum3A_557 : vector<1xf32> to vector<1x1x1xf32>
    %reduce_sum3A_559 = vector.extract %reduce_sum3A_558[0, 0, 0] : f32 from vector<1x1x1xf32>
    %slice3A_560 = vector.extract_strided_slice %div3A_513 {offsets = [512, 0], sizes = [256, 1], strides = [1, 1]} : vector<4096x1xf32> to vector<256x1xf32>
    %reduce_sum3A_561 = vector.shape_cast %slice3A_560 : vector<256x1xf32> to vector<1x256x1xf32>
    %reduce_sum3A_562 = arith.constant dense<0.000000e+00> : vector<1xf32>
    %reduce_sum3A_563 = vector.multi_reduction <add>, %reduce_sum3A_561, %reduce_sum3A_562 [1, 2] : vector<1x256x1xf32> to vector<1xf32>
    %reduce_sum3A_564 = vector.shape_cast %reduce_sum3A_563 : vector<1xf32> to vector<1x1x1xf32>
    %reduce_sum3A_565 = vector.extract %reduce_sum3A_564[0, 0, 0] : f32 from vector<1x1x1xf32>
    %div3A_566 = arith.divf %reduce_sum3A_559, %reduce_sum3A_565 : f32
    %log3A_567 = math.log %div3A_566 : f32
    %max3A_568 = arith.constant -1.000000e+02 : f32
    %max3A_569 = arith.maximumf %log3A_567, %max3A_568 : f32
    %neg3A_570 = arith.constant 0.000000e+00 : f32
    %neg3A_571 = arith.subf %neg3A_570, %max3A_569 : f32
    %add3A_572 = arith.addf %add3A_553, %neg3A_571 : f32
    %slice3A_573 = vector.extract_strided_slice %mul3A_514 {offsets = [768, 0], sizes = [256, 1], strides = [1, 1]} : vector<4096x1xf32> to vector<256x1xf32>
    %reduce_sum3A_574 = vector.shape_cast %slice3A_573 : vector<256x1xf32> to vector<1x256x1xf32>
    %reduce_sum3A_575 = arith.constant dense<0.000000e+00> : vector<1xf32>
    %reduce_sum3A_576 = vector.multi_reduction <add>, %reduce_sum3A_574, %reduce_sum3A_575 [1, 2] : vector<1x256x1xf32> to vector<1xf32>
    %reduce_sum3A_577 = vector.shape_cast %reduce_sum3A_576 : vector<1xf32> to vector<1x1x1xf32>
    %reduce_sum3A_578 = vector.extract %reduce_sum3A_577[0, 0, 0] : f32 from vector<1x1x1xf32>
    %slice3A_579 = vector.extract_strided_slice %div3A_513 {offsets = [768, 0], sizes = [256, 1], strides = [1, 1]} : vector<4096x1xf32> to vector<256x1xf32>
    %reduce_sum3A_580 = vector.shape_cast %slice3A_579 : vector<256x1xf32> to vector<1x256x1xf32>
    %reduce_sum3A_581 = arith.constant dense<0.000000e+00> : vector<1xf32>
    %reduce_sum3A_582 = vector.multi_reduction <add>, %reduce_sum3A_580, %reduce_sum3A_581 [1, 2] : vector<1x256x1xf32> to vector<1xf32>
    %reduce_sum3A_583 = vector.shape_cast %reduce_sum3A_582 : vector<1xf32> to vector<1x1x1xf32>
    %reduce_sum3A_584 = vector.extract %reduce_sum3A_583[0, 0, 0] : f32 from vector<1x1x1xf32>
    %div3A_585 = arith.divf %reduce_sum3A_578, %reduce_sum3A_584 : f32
    %log3A_586 = math.log %div3A_585 : f32
    %max3A_587 = arith.constant -1.000000e+02 : f32
    %max3A_588 = arith.maximumf %log3A_586, %max3A_587 : f32
    %neg3A_589 = arith.constant 0.000000e+00 : f32
    %neg3A_590 = arith.subf %neg3A_589, %max3A_588 : f32
    %add3A_591 = arith.addf %add3A_572, %neg3A_590 : f32
    %slice3A_592 = vector.extract_strided_slice %mul3A_514 {offsets = [1024, 0], sizes = [256, 1], strides = [1, 1]} : vector<4096x1xf32> to vector<256x1xf32>
    %reduce_sum3A_593 = vector.shape_cast %slice3A_592 : vector<256x1xf32> to vector<1x256x1xf32>
    %reduce_sum3A_594 = arith.constant dense<0.000000e+00> : vector<1xf32>
    %reduce_sum3A_595 = vector.multi_reduction <add>, %reduce_sum3A_593, %reduce_sum3A_594 [1, 2] : vector<1x256x1xf32> to vector<1xf32>
    %reduce_sum3A_596 = vector.shape_cast %reduce_sum3A_595 : vector<1xf32> to vector<1x1x1xf32>
    %reduce_sum3A_597 = vector.extract %reduce_sum3A_596[0, 0, 0] : f32 from vector<1x1x1xf32>
    %slice3A_598 = vector.extract_strided_slice %div3A_513 {offsets = [1024, 0], sizes = [256, 1], strides = [1, 1]} : vector<4096x1xf32> to vector<256x1xf32>
    %reduce_sum3A_599 = vector.shape_cast %slice3A_598 : vector<256x1xf32> to vector<1x256x1xf32>
    %reduce_sum3A_600 = arith.constant dense<0.000000e+00> : vector<1xf32>
    %reduce_sum3A_601 = vector.multi_reduction <add>, %reduce_sum3A_599, %reduce_sum3A_600 [1, 2] : vector<1x256x1xf32> to vector<1xf32>
    %reduce_sum3A_602 = vector.shape_cast %reduce_sum3A_601 : vector<1xf32> to vector<1x1x1xf32>
    %reduce_sum3A_603 = vector.extract %reduce_sum3A_602[0, 0, 0] : f32 from vector<1x1x1xf32>
    %div3A_604 = arith.divf %reduce_sum3A_597, %reduce_sum3A_603 : f32
    %log3A_605 = math.log %div3A_604 : f32
    %max3A_606 = arith.constant -1.000000e+02 : f32
    %max3A_607 = arith.maximumf %log3A_605, %max3A_606 : f32
    %neg3A_608 = arith.constant 0.000000e+00 : f32
    %neg3A_609 = arith.subf %neg3A_608, %max3A_607 : f32
    %add3A_610 = arith.addf %add3A_591, %neg3A_609 : f32
    %slice3A_611 = vector.extract_strided_slice %mul3A_514 {offsets = [1280, 0], sizes = [256, 1], strides = [1, 1]} : vector<4096x1xf32> to vector<256x1xf32>
    %reduce_sum3A_612 = vector.shape_cast %slice3A_611 : vector<256x1xf32> to vector<1x256x1xf32>
    %reduce_sum3A_613 = arith.constant dense<0.000000e+00> : vector<1xf32>
    %reduce_sum3A_614 = vector.multi_reduction <add>, %reduce_sum3A_612, %reduce_sum3A_613 [1, 2] : vector<1x256x1xf32> to vector<1xf32>
    %reduce_sum3A_615 = vector.shape_cast %reduce_sum3A_614 : vector<1xf32> to vector<1x1x1xf32>
    %reduce_sum3A_616 = vector.extract %reduce_sum3A_615[0, 0, 0] : f32 from vector<1x1x1xf32>
    %slice3A_617 = vector.extract_strided_slice %div3A_513 {offsets = [1280, 0], sizes = [256, 1], strides = [1, 1]} : vector<4096x1xf32> to vector<256x1xf32>
    %reduce_sum3A_618 = vector.shape_cast %slice3A_617 : vector<256x1xf32> to vector<1x256x1xf32>
    %reduce_sum3A_619 = arith.constant dense<0.000000e+00> : vector<1xf32>
    %reduce_sum3A_620 = vector.multi_reduction <add>, %reduce_sum3A_618, %reduce_sum3A_619 [1, 2] : vector<1x256x1xf32> to vector<1xf32>
    %reduce_sum3A_621 = vector.shape_cast %reduce_sum3A_620 : vector<1xf32> to vector<1x1x1xf32>
    %reduce_sum3A_622 = vector.extract %reduce_sum3A_621[0, 0, 0] : f32 from vector<1x1x1xf32>
    %div3A_623 = arith.divf %reduce_sum3A_616, %reduce_sum3A_622 : f32
    %log3A_624 = math.log %div3A_623 : f32
    %max3A_625 = arith.constant -1.000000e+02 : f32
    %max3A_626 = arith.maximumf %log3A_624, %max3A_625 : f32
    %neg3A_627 = arith.constant 0.000000e+00 : f32
    %neg3A_628 = arith.subf %neg3A_627, %max3A_626 : f32
    %add3A_629 = arith.addf %add3A_610, %neg3A_628 : f32
    %slice3A_630 = vector.extract_strided_slice %mul3A_514 {offsets = [1536, 0], sizes = [256, 1], strides = [1, 1]} : vector<4096x1xf32> to vector<256x1xf32>
    %reduce_sum3A_631 = vector.shape_cast %slice3A_630 : vector<256x1xf32> to vector<1x256x1xf32>
    %reduce_sum3A_632 = arith.constant dense<0.000000e+00> : vector<1xf32>
    %reduce_sum3A_633 = vector.multi_reduction <add>, %reduce_sum3A_631, %reduce_sum3A_632 [1, 2] : vector<1x256x1xf32> to vector<1xf32>
    %reduce_sum3A_634 = vector.shape_cast %reduce_sum3A_633 : vector<1xf32> to vector<1x1x1xf32>
    %reduce_sum3A_635 = vector.extract %reduce_sum3A_634[0, 0, 0] : f32 from vector<1x1x1xf32>
    %slice3A_636 = vector.extract_strided_slice %div3A_513 {offsets = [1536, 0], sizes = [256, 1], strides = [1, 1]} : vector<4096x1xf32> to vector<256x1xf32>
    %reduce_sum3A_637 = vector.shape_cast %slice3A_636 : vector<256x1xf32> to vector<1x256x1xf32>
    %reduce_sum3A_638 = arith.constant dense<0.000000e+00> : vector<1xf32>
    %reduce_sum3A_639 = vector.multi_reduction <add>, %reduce_sum3A_637, %reduce_sum3A_638 [1, 2] : vector<1x256x1xf32> to vector<1xf32>
    %reduce_sum3A_640 = vector.shape_cast %reduce_sum3A_639 : vector<1xf32> to vector<1x1x1xf32>
    %reduce_sum3A_641 = vector.extract %reduce_sum3A_640[0, 0, 0] : f32 from vector<1x1x1xf32>
    %div3A_642 = arith.divf %reduce_sum3A_635, %reduce_sum3A_641 : f32
    %log3A_643 = math.log %div3A_642 : f32
    %max3A_644 = arith.constant -1.000000e+02 : f32
    %max3A_645 = arith.maximumf %log3A_643, %max3A_644 : f32
    %neg3A_646 = arith.constant 0.000000e+00 : f32
    %neg3A_647 = arith.subf %neg3A_646, %max3A_645 : f32
    %add3A_648 = arith.addf %add3A_629, %neg3A_647 : f32
    %slice3A_649 = vector.extract_strided_slice %mul3A_514 {offsets = [1792, 0], sizes = [256, 1], strides = [1, 1]} : vector<4096x1xf32> to vector<256x1xf32>
    %reduce_sum3A_650 = vector.shape_cast %slice3A_649 : vector<256x1xf32> to vector<1x256x1xf32>
    %reduce_sum3A_651 = arith.constant dense<0.000000e+00> : vector<1xf32>
    %reduce_sum3A_652 = vector.multi_reduction <add>, %reduce_sum3A_650, %reduce_sum3A_651 [1, 2] : vector<1x256x1xf32> to vector<1xf32>
    %reduce_sum3A_653 = vector.shape_cast %reduce_sum3A_652 : vector<1xf32> to vector<1x1x1xf32>
    %reduce_sum3A_654 = vector.extract %reduce_sum3A_653[0, 0, 0] : f32 from vector<1x1x1xf32>
    %slice3A_655 = vector.extract_strided_slice %div3A_513 {offsets = [1792, 0], sizes = [256, 1], strides = [1, 1]} : vector<4096x1xf32> to vector<256x1xf32>
    %reduce_sum3A_656 = vector.shape_cast %slice3A_655 : vector<256x1xf32> to vector<1x256x1xf32>
    %reduce_sum3A_657 = arith.constant dense<0.000000e+00> : vector<1xf32>
    %reduce_sum3A_658 = vector.multi_reduction <add>, %reduce_sum3A_656, %reduce_sum3A_657 [1, 2] : vector<1x256x1xf32> to vector<1xf32>
    %reduce_sum3A_659 = vector.shape_cast %reduce_sum3A_658 : vector<1xf32> to vector<1x1x1xf32>
    %reduce_sum3A_660 = vector.extract %reduce_sum3A_659[0, 0, 0] : f32 from vector<1x1x1xf32>
    %div3A_661 = arith.divf %reduce_sum3A_654, %reduce_sum3A_660 : f32
    %log3A_662 = math.log %div3A_661 : f32
    %max3A_663 = arith.constant -1.000000e+02 : f32
    %max3A_664 = arith.maximumf %log3A_662, %max3A_663 : f32
    %neg3A_665 = arith.constant 0.000000e+00 : f32
    %neg3A_666 = arith.subf %neg3A_665, %max3A_664 : f32
    %add3A_667 = arith.addf %add3A_648, %neg3A_666 : f32
    %slice3A_668 = vector.extract_strided_slice %mul3A_514 {offsets = [2048, 0], sizes = [256, 1], strides = [1, 1]} : vector<4096x1xf32> to vector<256x1xf32>
    %reduce_sum3A_669 = vector.shape_cast %slice3A_668 : vector<256x1xf32> to vector<1x256x1xf32>
    %reduce_sum3A_670 = arith.constant dense<0.000000e+00> : vector<1xf32>
    %reduce_sum3A_671 = vector.multi_reduction <add>, %reduce_sum3A_669, %reduce_sum3A_670 [1, 2] : vector<1x256x1xf32> to vector<1xf32>
    %reduce_sum3A_672 = vector.shape_cast %reduce_sum3A_671 : vector<1xf32> to vector<1x1x1xf32>
    %reduce_sum3A_673 = vector.extract %reduce_sum3A_672[0, 0, 0] : f32 from vector<1x1x1xf32>
    %slice3A_674 = vector.extract_strided_slice %div3A_513 {offsets = [2048, 0], sizes = [256, 1], strides = [1, 1]} : vector<4096x1xf32> to vector<256x1xf32>
    %reduce_sum3A_675 = vector.shape_cast %slice3A_674 : vector<256x1xf32> to vector<1x256x1xf32>
    %reduce_sum3A_676 = arith.constant dense<0.000000e+00> : vector<1xf32>
    %reduce_sum3A_677 = vector.multi_reduction <add>, %reduce_sum3A_675, %reduce_sum3A_676 [1, 2] : vector<1x256x1xf32> to vector<1xf32>
    %reduce_sum3A_678 = vector.shape_cast %reduce_sum3A_677 : vector<1xf32> to vector<1x1x1xf32>
    %reduce_sum3A_679 = vector.extract %reduce_sum3A_678[0, 0, 0] : f32 from vector<1x1x1xf32>
    %div3A_680 = arith.divf %reduce_sum3A_673, %reduce_sum3A_679 : f32
    %log3A_681 = math.log %div3A_680 : f32
    %max3A_682 = arith.constant -1.000000e+02 : f32
    %max3A_683 = arith.maximumf %log3A_681, %max3A_682 : f32
    %neg3A_684 = arith.constant 0.000000e+00 : f32
    %neg3A_685 = arith.subf %neg3A_684, %max3A_683 : f32
    %add3A_686 = arith.addf %add3A_667, %neg3A_685 : f32
    %slice3A_687 = vector.extract_strided_slice %mul3A_514 {offsets = [2304, 0], sizes = [256, 1], strides = [1, 1]} : vector<4096x1xf32> to vector<256x1xf32>
    %reduce_sum3A_688 = vector.shape_cast %slice3A_687 : vector<256x1xf32> to vector<1x256x1xf32>
    %reduce_sum3A_689 = arith.constant dense<0.000000e+00> : vector<1xf32>
    %reduce_sum3A_690 = vector.multi_reduction <add>, %reduce_sum3A_688, %reduce_sum3A_689 [1, 2] : vector<1x256x1xf32> to vector<1xf32>
    %reduce_sum3A_691 = vector.shape_cast %reduce_sum3A_690 : vector<1xf32> to vector<1x1x1xf32>
    %reduce_sum3A_692 = vector.extract %reduce_sum3A_691[0, 0, 0] : f32 from vector<1x1x1xf32>
    %slice3A_693 = vector.extract_strided_slice %div3A_513 {offsets = [2304, 0], sizes = [256, 1], strides = [1, 1]} : vector<4096x1xf32> to vector<256x1xf32>
    %reduce_sum3A_694 = vector.shape_cast %slice3A_693 : vector<256x1xf32> to vector<1x256x1xf32>
    %reduce_sum3A_695 = arith.constant dense<0.000000e+00> : vector<1xf32>
    %reduce_sum3A_696 = vector.multi_reduction <add>, %reduce_sum3A_694, %reduce_sum3A_695 [1, 2] : vector<1x256x1xf32> to vector<1xf32>
    %reduce_sum3A_697 = vector.shape_cast %reduce_sum3A_696 : vector<1xf32> to vector<1x1x1xf32>
    %reduce_sum3A_698 = vector.extract %reduce_sum3A_697[0, 0, 0] : f32 from vector<1x1x1xf32>
    %div3A_699 = arith.divf %reduce_sum3A_692, %reduce_sum3A_698 : f32
    %log3A_700 = math.log %div3A_699 : f32
    %max3A_701 = arith.constant -1.000000e+02 : f32
    %max3A_702 = arith.maximumf %log3A_700, %max3A_701 : f32
    %neg3A_703 = arith.constant 0.000000e+00 : f32
    %neg3A_704 = arith.subf %neg3A_703, %max3A_702 : f32
    %add3A_705 = arith.addf %add3A_686, %neg3A_704 : f32
    %slice3A_706 = vector.extract_strided_slice %mul3A_514 {offsets = [2560, 0], sizes = [256, 1], strides = [1, 1]} : vector<4096x1xf32> to vector<256x1xf32>
    %reduce_sum3A_707 = vector.shape_cast %slice3A_706 : vector<256x1xf32> to vector<1x256x1xf32>
    %reduce_sum3A_708 = arith.constant dense<0.000000e+00> : vector<1xf32>
    %reduce_sum3A_709 = vector.multi_reduction <add>, %reduce_sum3A_707, %reduce_sum3A_708 [1, 2] : vector<1x256x1xf32> to vector<1xf32>
    %reduce_sum3A_710 = vector.shape_cast %reduce_sum3A_709 : vector<1xf32> to vector<1x1x1xf32>
    %reduce_sum3A_711 = vector.extract %reduce_sum3A_710[0, 0, 0] : f32 from vector<1x1x1xf32>
    %slice3A_712 = vector.extract_strided_slice %div3A_513 {offsets = [2560, 0], sizes = [256, 1], strides = [1, 1]} : vector<4096x1xf32> to vector<256x1xf32>
    %reduce_sum3A_713 = vector.shape_cast %slice3A_712 : vector<256x1xf32> to vector<1x256x1xf32>
    %reduce_sum3A_714 = arith.constant dense<0.000000e+00> : vector<1xf32>
    %reduce_sum3A_715 = vector.multi_reduction <add>, %reduce_sum3A_713, %reduce_sum3A_714 [1, 2] : vector<1x256x1xf32> to vector<1xf32>
    %reduce_sum3A_716 = vector.shape_cast %reduce_sum3A_715 : vector<1xf32> to vector<1x1x1xf32>
    %reduce_sum3A_717 = vector.extract %reduce_sum3A_716[0, 0, 0] : f32 from vector<1x1x1xf32>
    %div3A_718 = arith.divf %reduce_sum3A_711, %reduce_sum3A_717 : f32
    %log3A_719 = math.log %div3A_718 : f32
    %max3A_720 = arith.constant -1.000000e+02 : f32
    %max3A_721 = arith.maximumf %log3A_719, %max3A_720 : f32
    %neg3A_722 = arith.constant 0.000000e+00 : f32
    %neg3A_723 = arith.subf %neg3A_722, %max3A_721 : f32
    %add3A_724 = arith.addf %add3A_705, %neg3A_723 : f32
    %slice3A_725 = vector.extract_strided_slice %mul3A_514 {offsets = [2816, 0], sizes = [256, 1], strides = [1, 1]} : vector<4096x1xf32> to vector<256x1xf32>
    %reduce_sum3A_726 = vector.shape_cast %slice3A_725 : vector<256x1xf32> to vector<1x256x1xf32>
    %reduce_sum3A_727 = arith.constant dense<0.000000e+00> : vector<1xf32>
    %reduce_sum3A_728 = vector.multi_reduction <add>, %reduce_sum3A_726, %reduce_sum3A_727 [1, 2] : vector<1x256x1xf32> to vector<1xf32>
    %reduce_sum3A_729 = vector.shape_cast %reduce_sum3A_728 : vector<1xf32> to vector<1x1x1xf32>
    %reduce_sum3A_730 = vector.extract %reduce_sum3A_729[0, 0, 0] : f32 from vector<1x1x1xf32>
    %slice3A_731 = vector.extract_strided_slice %div3A_513 {offsets = [2816, 0], sizes = [256, 1], strides = [1, 1]} : vector<4096x1xf32> to vector<256x1xf32>
    %reduce_sum3A_732 = vector.shape_cast %slice3A_731 : vector<256x1xf32> to vector<1x256x1xf32>
    %reduce_sum3A_733 = arith.constant dense<0.000000e+00> : vector<1xf32>
    %reduce_sum3A_734 = vector.multi_reduction <add>, %reduce_sum3A_732, %reduce_sum3A_733 [1, 2] : vector<1x256x1xf32> to vector<1xf32>
    %reduce_sum3A_735 = vector.shape_cast %reduce_sum3A_734 : vector<1xf32> to vector<1x1x1xf32>
    %reduce_sum3A_736 = vector.extract %reduce_sum3A_735[0, 0, 0] : f32 from vector<1x1x1xf32>
    %div3A_737 = arith.divf %reduce_sum3A_730, %reduce_sum3A_736 : f32
    %log3A_738 = math.log %div3A_737 : f32
    %max3A_739 = arith.constant -1.000000e+02 : f32
    %max3A_740 = arith.maximumf %log3A_738, %max3A_739 : f32
    %neg3A_741 = arith.constant 0.000000e+00 : f32
    %neg3A_742 = arith.subf %neg3A_741, %max3A_740 : f32
    %add3A_743 = arith.addf %add3A_724, %neg3A_742 : f32
    %slice3A_744 = vector.extract_strided_slice %mul3A_514 {offsets = [3072, 0], sizes = [256, 1], strides = [1, 1]} : vector<4096x1xf32> to vector<256x1xf32>
    %reduce_sum3A_745 = vector.shape_cast %slice3A_744 : vector<256x1xf32> to vector<1x256x1xf32>
    %reduce_sum3A_746 = arith.constant dense<0.000000e+00> : vector<1xf32>
    %reduce_sum3A_747 = vector.multi_reduction <add>, %reduce_sum3A_745, %reduce_sum3A_746 [1, 2] : vector<1x256x1xf32> to vector<1xf32>
    %reduce_sum3A_748 = vector.shape_cast %reduce_sum3A_747 : vector<1xf32> to vector<1x1x1xf32>
    %reduce_sum3A_749 = vector.extract %reduce_sum3A_748[0, 0, 0] : f32 from vector<1x1x1xf32>
    %slice3A_750 = vector.extract_strided_slice %div3A_513 {offsets = [3072, 0], sizes = [256, 1], strides = [1, 1]} : vector<4096x1xf32> to vector<256x1xf32>
    %reduce_sum3A_751 = vector.shape_cast %slice3A_750 : vector<256x1xf32> to vector<1x256x1xf32>
    %reduce_sum3A_752 = arith.constant dense<0.000000e+00> : vector<1xf32>
    %reduce_sum3A_753 = vector.multi_reduction <add>, %reduce_sum3A_751, %reduce_sum3A_752 [1, 2] : vector<1x256x1xf32> to vector<1xf32>
    %reduce_sum3A_754 = vector.shape_cast %reduce_sum3A_753 : vector<1xf32> to vector<1x1x1xf32>
    %reduce_sum3A_755 = vector.extract %reduce_sum3A_754[0, 0, 0] : f32 from vector<1x1x1xf32>
    %div3A_756 = arith.divf %reduce_sum3A_749, %reduce_sum3A_755 : f32
    %log3A_757 = math.log %div3A_756 : f32
    %max3A_758 = arith.constant -1.000000e+02 : f32
    %max3A_759 = arith.maximumf %log3A_757, %max3A_758 : f32
    %neg3A_760 = arith.constant 0.000000e+00 : f32
    %neg3A_761 = arith.subf %neg3A_760, %max3A_759 : f32
    %add3A_762 = arith.addf %add3A_743, %neg3A_761 : f32
    %slice3A_763 = vector.extract_strided_slice %mul3A_514 {offsets = [3328, 0], sizes = [256, 1], strides = [1, 1]} : vector<4096x1xf32> to vector<256x1xf32>
    %reduce_sum3A_764 = vector.shape_cast %slice3A_763 : vector<256x1xf32> to vector<1x256x1xf32>
    %reduce_sum3A_765 = arith.constant dense<0.000000e+00> : vector<1xf32>
    %reduce_sum3A_766 = vector.multi_reduction <add>, %reduce_sum3A_764, %reduce_sum3A_765 [1, 2] : vector<1x256x1xf32> to vector<1xf32>
    %reduce_sum3A_767 = vector.shape_cast %reduce_sum3A_766 : vector<1xf32> to vector<1x1x1xf32>
    %reduce_sum3A_768 = vector.extract %reduce_sum3A_767[0, 0, 0] : f32 from vector<1x1x1xf32>
    %slice3A_769 = vector.extract_strided_slice %div3A_513 {offsets = [3328, 0], sizes = [256, 1], strides = [1, 1]} : vector<4096x1xf32> to vector<256x1xf32>
    %reduce_sum3A_770 = vector.shape_cast %slice3A_769 : vector<256x1xf32> to vector<1x256x1xf32>
    %reduce_sum3A_771 = arith.constant dense<0.000000e+00> : vector<1xf32>
    %reduce_sum3A_772 = vector.multi_reduction <add>, %reduce_sum3A_770, %reduce_sum3A_771 [1, 2] : vector<1x256x1xf32> to vector<1xf32>
    %reduce_sum3A_773 = vector.shape_cast %reduce_sum3A_772 : vector<1xf32> to vector<1x1x1xf32>
    %reduce_sum3A_774 = vector.extract %reduce_sum3A_773[0, 0, 0] : f32 from vector<1x1x1xf32>
    %div3A_775 = arith.divf %reduce_sum3A_768, %reduce_sum3A_774 : f32
    %log3A_776 = math.log %div3A_775 : f32
    %max3A_777 = arith.constant -1.000000e+02 : f32
    %max3A_778 = arith.maximumf %log3A_776, %max3A_777 : f32
    %neg3A_779 = arith.constant 0.000000e+00 : f32
    %neg3A_780 = arith.subf %neg3A_779, %max3A_778 : f32
    %add3A_781 = arith.addf %add3A_762, %neg3A_780 : f32
    %slice3A_782 = vector.extract_strided_slice %mul3A_514 {offsets = [3584, 0], sizes = [256, 1], strides = [1, 1]} : vector<4096x1xf32> to vector<256x1xf32>
    %reduce_sum3A_783 = vector.shape_cast %slice3A_782 : vector<256x1xf32> to vector<1x256x1xf32>
    %reduce_sum3A_784 = arith.constant dense<0.000000e+00> : vector<1xf32>
    %reduce_sum3A_785 = vector.multi_reduction <add>, %reduce_sum3A_783, %reduce_sum3A_784 [1, 2] : vector<1x256x1xf32> to vector<1xf32>
    %reduce_sum3A_786 = vector.shape_cast %reduce_sum3A_785 : vector<1xf32> to vector<1x1x1xf32>
    %reduce_sum3A_787 = vector.extract %reduce_sum3A_786[0, 0, 0] : f32 from vector<1x1x1xf32>
    %slice3A_788 = vector.extract_strided_slice %div3A_513 {offsets = [3584, 0], sizes = [256, 1], strides = [1, 1]} : vector<4096x1xf32> to vector<256x1xf32>
    %reduce_sum3A_789 = vector.shape_cast %slice3A_788 : vector<256x1xf32> to vector<1x256x1xf32>
    %reduce_sum3A_790 = arith.constant dense<0.000000e+00> : vector<1xf32>
    %reduce_sum3A_791 = vector.multi_reduction <add>, %reduce_sum3A_789, %reduce_sum3A_790 [1, 2] : vector<1x256x1xf32> to vector<1xf32>
    %reduce_sum3A_792 = vector.shape_cast %reduce_sum3A_791 : vector<1xf32> to vector<1x1x1xf32>
    %reduce_sum3A_793 = vector.extract %reduce_sum3A_792[0, 0, 0] : f32 from vector<1x1x1xf32>
    %div3A_794 = arith.divf %reduce_sum3A_787, %reduce_sum3A_793 : f32
    %log3A_795 = math.log %div3A_794 : f32
    %max3A_796 = arith.constant -1.000000e+02 : f32
    %max3A_797 = arith.maximumf %log3A_795, %max3A_796 : f32
    %neg3A_798 = arith.constant 0.000000e+00 : f32
    %neg3A_799 = arith.subf %neg3A_798, %max3A_797 : f32
    %add3A_800 = arith.addf %add3A_781, %neg3A_799 : f32
    %slice3A_801 = vector.extract_strided_slice %mul3A_514 {offsets = [3840, 0], sizes = [256, 1], strides = [1, 1]} : vector<4096x1xf32> to vector<256x1xf32>
    %reduce_sum3A_802 = vector.shape_cast %slice3A_801 : vector<256x1xf32> to vector<1x256x1xf32>
    %reduce_sum3A_803 = arith.constant dense<0.000000e+00> : vector<1xf32>
    %reduce_sum3A_804 = vector.multi_reduction <add>, %reduce_sum3A_802, %reduce_sum3A_803 [1, 2] : vector<1x256x1xf32> to vector<1xf32>
    %reduce_sum3A_805 = vector.shape_cast %reduce_sum3A_804 : vector<1xf32> to vector<1x1x1xf32>
    %reduce_sum3A_806 = vector.extract %reduce_sum3A_805[0, 0, 0] : f32 from vector<1x1x1xf32>
    %slice3A_807 = vector.extract_strided_slice %div3A_513 {offsets = [3840, 0], sizes = [256, 1], strides = [1, 1]} : vector<4096x1xf32> to vector<256x1xf32>
    %reduce_sum3A_808 = vector.shape_cast %slice3A_807 : vector<256x1xf32> to vector<1x256x1xf32>
    %reduce_sum3A_809 = arith.constant dense<0.000000e+00> : vector<1xf32>
    %reduce_sum3A_810 = vector.multi_reduction <add>, %reduce_sum3A_808, %reduce_sum3A_809 [1, 2] : vector<1x256x1xf32> to vector<1xf32>
    %reduce_sum3A_811 = vector.shape_cast %reduce_sum3A_810 : vector<1xf32> to vector<1x1x1xf32>
    %reduce_sum3A_812 = vector.extract %reduce_sum3A_811[0, 0, 0] : f32 from vector<1x1x1xf32>
    %div3A_813 = arith.divf %reduce_sum3A_806, %reduce_sum3A_812 : f32
    %log3A_814 = math.log %div3A_813 : f32
    %max3A_815 = arith.constant -1.000000e+02 : f32
    %max3A_816 = arith.maximumf %log3A_814, %max3A_815 : f32
    %neg3A_817 = arith.constant 0.000000e+00 : f32
    %neg3A_818 = arith.subf %neg3A_817, %max3A_816 : f32
    %add3A_819 = arith.addf %add3A_800, %neg3A_818 : f32
    %eq3A_820 = arith.constant 0 : i32
    %eq3A_821 = arith.cmpi eq, %arg0, %eq3A_820 : i32
    %convert_element_type3A_822 = arith.extui %eq3A_821 : i1 to i32
    %cond3A = arith.constant 0 : i32
    %cond3A_823 = arith.cmpi ne, %convert_element_type3A_822, %cond3A : i32
    scf.if %cond3A_823 {
      %broadcast_in_dim3A_830 = arith.constant 0.000000e+00 : f32
      %broadcast_in_dim3A_831 = vector.broadcast %broadcast_in_dim3A_830 : f32 to vector<1x1xf32>
      %swap3A_832 = arith.constant 0 : index
      %swap3A_833 = arith.constant 0 : index
      %swap3A_834 = vector.load %arg6[%swap3A_832, %swap3A_833] : memref<1x1xf32, #tpu.memory_space<vmem>>, vector<1x1xf32>
      tpu.vector_store %arg6[%swap3A_832, %swap3A_833], %broadcast_in_dim3A_831 {strides = array<i32>} : memref<1x1xf32, #tpu.memory_space<vmem>>, vector<1x1xf32>,
    } else {
    }
    %get3A_824 = arith.constant 0 : index
    %get3A_825 = arith.constant 0 : index
    %get3A_826 = vector.load %arg6[%get3A_824, %get3A_825] : memref<1x1xf32, #tpu.memory_space<vmem>>, vector<1x1xf32>
    %reshape3A = vector.broadcast %add3A_819 : f32 to vector<1x1xf32>
    %add3A_827 = arith.addf %get3A_826, %reshape3A : vector<1x1xf32>
    %swap3A = arith.constant 0 : index
    %swap3A_828 = arith.constant 0 : index
    %swap3A_829 = vector.load %arg6[%swap3A, %swap3A_828] : memref<1x1xf32, #tpu.memory_space<vmem>>, vector<1x1xf32>
    tpu.vector_store %arg6[%swap3A, %swap3A_828], %add3A_827 {strides = array<i32>} : memref<1x1xf32, #tpu.memory_space<vmem>>, vector<1x1xf32>,
    return
  }
  func.func @transform_0(%arg0: i32) -> (i32, i32, i32) {
    %c0_i32 = arith.constant 0 : i32
    %c0_i32_0 = arith.constant 0 : i32
    %c0_i32_1 = arith.constant 0 : i32
    return %arg0, %c0_i32, %c0_i32_0 : i32, i32, i32
  }
  func.func @transform_1(%arg0: i32) -> (i32, i32, i32) {
    %c0_i32 = arith.constant 0 : i32
    %c0_i32_0 = arith.constant 0 : i32
    %c0_i32_1 = arith.constant 0 : i32
    return %arg0, %c0_i32, %c0_i32_0 : i32, i32, i32
  }
  func.func @transform_2(%arg0: i32) -> (i32, i32, i32) {
    %c0_i32 = arith.constant 0 : i32
    %c0_i32_0 = arith.constant 0 : i32
    %c0_i32_1 = arith.constant 0 : i32
    return %arg0, %c0_i32, %c0_i32_0 : i32, i32, i32
  }
  func.func @transform_3(%arg0: i32) -> (i32, i32, i32) {
    %c0_i32 = arith.constant 0 : i32
    %c0_i32_0 = arith.constant 0 : i32
    %c0_i32_1 = arith.constant 0 : i32
    return %arg0, %c0_i32, %c0_i32_0 : i32, i32, i32
  }
  func.func @transform_4(%arg0: i32) -> (i32, i32, i32) {
    %c0_i32 = arith.constant 0 : i32
    %c0_i32_0 = arith.constant 0 : i32
    %c0_i32_1 = arith.constant 0 : i32
    return %arg0, %c0_i32, %c0_i32_0 : i32, i32, i32
  }
  func.func @transform_5(%arg0: i32) -> (i32, i32) {
    %c0_i32 = arith.constant 0 : i32
    %c0_i32_0 = arith.constant 0 : i32
    %c0_i32_1 = arith.constant 0 : i32
    return %c0_i32, %c0_i32_0 : i32, i32
  }
}

</mosaic_0001>

<sc_bundles>
// kernel: kernel.6.cloned.1.call-start
scs
__scs_entry_jumppad:
0x0: {  	(pc) =	sbr.rel $0x88, $3  }
0x1: {  	(tag) =	ssettag $0x0;
	lr =	simm.s32 $0x1  }
0x2: {  	[smem:$0x3F9C] =	sst lr;
	_ =	strace $0xD0000000  }
0x3: {  	_ = 	snop  }
0x4: {  	_ = 	snop  }
0x5: {  	_ = 	snop  }
0x6: {  	_ = 	snop  }
0x7: {  	_ = 	snop  }
__scs_overlays_trampoline_lowered:
0x8: {  	[smem:$0x3FAB] =	sst s0  }
0x9: {  	[smem:$0x3FAC] =	sst s1  }
0xa: {  	[smem:$0x3FAD] =	sst s2  }
0xb: {  	[smem:$0x3FAE] =	sst s3  }
0xc: {  	[smem:$0x3FAF] =	sst s4  }
0xd: {  	[smem:$0x3FB0] =	sst s5  }
0xe: {  	[smem:$0x3FB1] =	sst s6  }
0xf: {  	[smem:$0x3FB2] =	sst s7  }
0x10: {  	[smem:$0x3FB3] =	sst s8  }
0x11: {  	[smem:$0x3FB4] =	sst s9;
	s0 =	simm.s32 @!p0 $0x0  }
0x12: {  	s1 =	sld [smem:$0x3F9A];
	s0 =	simm.s32 @p0 $0x1  }
0x13: {  	[smem:$0x3FB5] =	sst s0;
	s0 =	simm.s32 @!p1 $0x0  }
0x14: {  	s2 =	sld [smem:$0x3F99];
	s0 =	simm.s32 @p1 $0x1  }
0x15: {  	[smem:$0x3FB6] =	sst s0;
	s0 =	simm.s32 @!p2 $0x0  }
0x16: {  	s3 =	sld [smem:$0x3FDB];
	s0 =	simm.s32 @p2 $0x1  }
0x17: {  	s4 =	simm.s32 $0x1BF5;
	[smem:$0x3FB8] =	sst s0  }
0x18: {  	s0 =	sld [smem:$0x3F9B];
	_ =	swait.ge [sflag:s4], $0x0  }
0x19: {  	s7 =	sld [smem:$0x3F9C]  }
0x1a: {  	s8 =	sadd.s32 $0xFFFFE003, lr  }
0x1b: {  	s9 =	sadd.s32 $0xFFFFFEF7, lr;
	s5 =	simm.s32 $0xFFFFFFFF;
	p2 =	slt.u32 s8, $0xFFFFF086  }
0x1c: {  	p1 =	slt.u32 s9, $0xF7A;
	s5 =	simm.s32 @!p2 $0x0  }
0x1d: {  	s5 =	simm.s32 @p1 $0x1;
	p0 =	seq.s32 s7, s2  }
0x1e: {  	s7 =	smul.u32 @!p0 $0xF7A, s2;
	p2 =	seq.s32 @!p0 s5, $0x0  }
0x1f: {  	s9 =	smul.u32 $0xF7A, s1;
	s8 =	simm.s32 @!p0 $0x1BF5;
	p2 =	por !p2, p0  }
0x20: {  	[sflag:s8] =	ssyncset.s32 @!p0 $0xFFFFF086;
	s6 =	sadd.s32 @!p0 s3, s7;
	s7 =	simm.s32 @!p0 $0x108  }
0x21: {  	s3 =	sadd.s32 s3, s9;
	s6 =	sadd.s32 @!p0 $0x88, s6;
	s7 =	simm.s32 @p2 $0x1082  }
0x22: {  	[simem:s7], [sflag:s8] =	dma.local @!p0 [hbm:s6], $0xF7A  }
0x23: {  	s9 =	sor.u32 $0xD0000000, s2;
	s6 =	simm.s32 $0x108;
	_ =	swait.ge @!p0 [sflag:s8], $0x0  }
0x24: {  	s3 =	sadd.s32 $0x88, s3;
	s6 =	simm.s32 @!p1 $0x1082;
	[sflag:s4] =	ssyncset.s32 $0xFFFFF086  }
0x25: {  	[simem:s6], [sflag:s4] =	dma.local [hbm:s3], $0xF7A  }
0x26: {  	[smem:$0x3F9C] =	sst s1;
	(tag) =	ssettag s2;
	_ =	strace s9  }
0x27: {  	s1 =	sld [smem:$0x3FAC]  }
0x28: {  	s2 =	sld [smem:$0x3FAD]  }
0x29: {  	s4 =	sld [smem:$0x3FAF]  }
0x2a: {  	p0 =	seq.s32 s5, $0x0;
	s5 =	sld [smem:$0x3FB0]  }
0x2b: {  	s6 =	sld [smem:$0x3FB1]  }
0x2c: {  	s7 =	sld [smem:$0x3FB2]  }
0x2d: {  	s3 =	simm.s32 $0x108;
	s8 =	sld [smem:$0x3FB3]  }
0x2e: {  	s3 =	simm.s32 @!p0 $0x1082;
	s9 =	sld [smem:$0x3FB4]  }
0x2f: {  	lr =	sadd.s32 s0, s3;
	s0 =	sld [smem:$0x3FAB]  }
0x30: {  	s3 =	sld [smem:$0x3FAE]  }
0x31: {  	[smem:$0x3FB7] =	sst s10  }
0x32: {  	s10 =	sld [smem:$0x3FB5];
	_ =	sdelay $0x3  }
0x33: {  	p0 =	seq.s32 s10, $0x1;
	s10 =	sld [smem:$0x3FB7];
	_ =	sdelay $0x3  }
0x34: {  	[smem:$0x3FB7] =	sst s10  }
0x35: {  	s10 =	sld [smem:$0x3FB6];
	_ =	sdelay $0x3  }
0x36: {  	p1 =	seq.s32 s10, $0x1;
	s10 =	sld [smem:$0x3FB7];
	_ =	sdelay $0x3  }
0x37: {  	[smem:$0x3FB7] =	sst s10  }
0x38: {  	s10 =	sld [smem:$0x3FB8]  }
0x39: {  	_ = 	snop;
	(pc) =	sbr.ind lr, $3  }
0x3a: {  	_ = 	snop  }
0x3b: {  	_ = 	snop  }
0x3c: {  	p2 =	seq.s32 s10, $0x1;
	s10 =	sld [smem:$0x3FB7]  }
0x3d: {  	_ =	shalt  }
0x3e: {  	_ =	shalt  }
0x3f: {  	_ =	shalt  }
0x40: {  	_ =	shalt  }
0x41: {  	_ =	shalt  }
0x42: {  	_ =	shalt  }
0x43: {  	_ =	shalt  }
0x44: {  	_ =	shalt  }
0x45: {  	_ =	shalt  }
0x46: {  	_ =	shalt  }
0x47: {  	_ =	shalt  }
0x48: {  	_ =	shalt  }
0x49: {  	_ =	shalt  }
0x4a: {  	_ =	shalt  }
0x4b: {  	_ =	shalt  }
0x4c: {  	_ =	shalt  }
0x4d: {  	_ =	shalt  }
0x4e: {  	_ =	shalt  }
0x4f: {  	_ =	shalt  }
0x50: {  	_ =	shalt  }
0x51: {  	_ =	shalt  }
0x52: {  	_ =	shalt  }
0x53: {  	_ =	shalt  }
0x54: {  	_ =	shalt  }
0x55: {  	_ =	shalt  }
0x56: {  	_ =	shalt  }
0x57: {  	_ =	shalt  }
0x58: {  	_ =	shalt  }
0x59: {  	_ =	shalt  }
0x5a: {  	_ =	shalt  }
0x5b: {  	_ =	shalt  }
0x5c: {  	_ =	shalt  }
0x5d: {  	_ =	shalt  }
0x5e: {  	_ =	shalt  }
0x5f: {  	_ =	shalt  }
0x60: {  	_ =	shalt  }
0x61: {  	_ =	shalt  }
0x62: {  	_ =	shalt  }
0x63: {  	_ =	shalt  }
0x64: {  	_ =	shalt  }
0x65: {  	_ =	shalt  }
0x66: {  	_ =	shalt  }
0x67: {  	_ =	shalt  }
0x68: {  	_ =	shalt  }
0x69: {  	_ =	shalt  }
0x6a: {  	_ =	shalt  }
0x6b: {  	_ =	shalt  }
0x6c: {  	_ =	shalt  }
0x6d: {  	_ =	shalt  }
0x6e: {  	_ =	shalt  }
0x6f: {  	_ =	shalt  }
0x70: {  	_ =	shalt  }
0x71: {  	_ =	shalt  }
0x72: {  	_ =	shalt  }
0x73: {  	_ =	shalt  }
0x74: {  	_ =	shalt  }
0x75: {  	_ =	shalt  }
0x76: {  	_ =	shalt  }
0x77: {  	_ =	shalt  }
0x78: {  	_ =	shalt  }
0x79: {  	_ =	shalt  }
0x7a: {  	_ =	shalt  }
0x7b: {  	_ =	shalt  }
0x7c: {  	_ =	shalt  }
0x7d: {  	_ =	shalt  }
0x7e: {  	_ =	shalt  }
0x7f: {  	_ =	shalt  }
0x80: {  	_ =	shalt  }
0x81: {  	_ =	shalt  }
0x82: {  	_ =	shalt  }
0x83: {  	_ =	shalt  }
0x84: {  	_ =	shalt  }
0x85: {  	_ =	shalt  }
0x86: {  	_ =	shalt  }
0x87: {  	_ =	shalt  }
.Lfunc_end0:
.L_simem_size_0:
called_computation_lowered:
.L_overlay_start_0:
0x88: {  	s2 =	sld [smem:$0x3FD9]  }
0x89: {  	s3 =	sld [smem:$0x3FFE];
	_ =	sdelay $0x1  }
0x8a: {  	s1 =	srdreg.scid  }
0x8b: {  	s0 =	sand.u32 $0x1, s1  }
0x8c: {  	s16 =	sshll.u32 s0, $0xA;
	s2 =	sadd.s32 s3, s2  }
0x8d: {  	s2 =	sadd.s32 s2, s16  }
0x8e: {  	[smem:$0x3FC3] =	sst s2  }
0x8f: {  	_ = 	snop  }
0x90: {  	(tm) =	ssettm $0x1  }
0x91: {  	s17 =	sld [smem:$0x3FFB];
	_ =	sdelay $0x3  }
0x92: {  	_ =	strace s17  }
0x93: {  	s2 =	sld [smem:$0x3FFC];
	_ =	sdelay $0x3  }
0x94: {  	_ =	strace s2  }
0x95: {  	s2 =	sld [smem:$0x3FFD];
	_ =	sdelay $0x3  }
0x96: {  	_ =	strace s2  }
0x97: {  	_ =	strace $0x8FFFFFFF  }
0x98: {  	s18 =	sld [smem:$0x3FDB];
	_ =	sdelay $0x1  }
0x99: {  	s19 =	simm.s32 $_scs_section_size  }
0x9a: {  	s4 =	simm.s32 $_size__tile_overlayer_lowered;
	s5 =	simm.s32 $_tile_overlayer_lowered  }
0x9b: {  	s22 =	simm.s32 $0x1BFF;
	s21 =	sshll.u32 s5, $0x1;
	s2 =	sadd.s32 s19, s18  }
0x9c: {  	s6 =	simm.s32 $0x0;
	s20 =	sshll.u32 s4, $0x1;
	s4 =	sadd.s32 s21, s2  }
0x9d: {  	[timem:s6], [sflag:s22] =	dma.local [hbm:s4], s20  }
0x9e: {  	_ =	swait.ge [sflag:s22], s20  }
0x9f: {  	s3 =	ssub.s32 $0x0, s20;
	[sflag:s22] =	ssyncset.done $0x0  }
0xa0: {  	[sflag:s22] =	ssyncadd.s32 s3;
	_ =	sdelay $0x1  }
0xa1: {  	s23 =	simm.s32 $0x1B8B  }
0xa2: {  	_ =	swait.ge [sflag:s23], $0x1  }
0xa3: {  	[sflag:s23] =	ssyncset.done $0x0  }
0xa4: {  	s25 =	simm.s32 $0x1B8E;
	s24 =	sld [smem:$0x3FFE];
	[sflag:s23] =	ssyncadd.s32 $0xFFFFFFFF  }
0xa5: {  	s26 =	simm.s32 $execute0_lowered;
	[smem:$0x3FD2] =	sst s25  }
0xa6: {  	s4 =	sshll.u32 s26, $0x1;
	_ =	strace $0x80000046;
	[dreg:$0x1] =	wrdreg $0xFFFFFFFF  }
0xa7: {  	s28 =	simm.s32 $_size_execute0_lowered;
	s2 =	sadd.s32 s2, s4;
	[dreg:$0x0] =	wrdreg $0x0  }
0xa8: {  	s4 =	sshll.u32 s28, $0x1;
	[dreg:$0x2] =	wrdreg s2  }
0xa9: {  	[dreg:$0x3] =	wrdreg s4  }
0xaa: {  	[dreg:$0x4] =	wrdreg $0xC0  }
0xab: {  	_ =	task [dreg:s6], $0x5FFFF  }
0xac: {  	[dreg:$0x1] =	wrdreg $0xFFFFFFFF  }
0xad: {  	[dreg:$0x0] =	wrdreg $0x60  }
0xae: {  	[dreg:$0x2] =	wrdreg s24  }
0xaf: {  	[dreg:$0x3] =	wrdreg $0x9  }
0xb0: {  	_ =	task.clear_ibuf [dreg:s6], $0x4FFFF;
	_ =	strace $0x90000046  }
0xb1: {  	s29 =	simm.s32 $0x9;
	_ =	strace $0x80000048  }
0xb2: {  	_ =	swait.ge [sflag:s29], $0x1  }
0xb3: {  	[sflag:s29] =	ssyncadd.s32 $0xFFFFFFFF  }
0xb4: {  	_ =	strace $0x90000048  }
0xb5: {  	_ =	sfence  }
0xb6: {  	s30 =	sld [smem:$0x0];
	_ =	sdelay $0x2  }
0xb7: {  	s31 =	sshll.u32 s1, $0xD;
	s1 =	sshrl.u32 s1, $0x2  }
0xb8: {  	s3 =	sand.u32 $0x4000, s31;
	s1 =	sadd.s32 s1, s30  }
0xb9: {  	s0 =	sor.u32 s3, s0;
	s1 =	sshll.u32 s1, $0x11  }
0xba: {  	s0 =	sor.u32 s1, s0  }
0xbb: {  	s0 =	sadd.s32 $0x8F2B, s0  }
0xbc: {  	[sflag:s0] =	ssyncadd.remote.s32 $0x1  }
0xbd: {  	_ =	sfence.sel $0xFFFF  }
0xbe: {  	[dreg:$0x0] =	wrdreg $0xFFFFFFFF;
	(pc) =	sbr.abs _section_cstart, $3  }
0xbf: {  	[dreg:$0x1] =	wrdreg $0xFFFFFFFF  }
0xc0: {  	_ =	task.clear_ibuf [dreg:s6], $0x2FFFF;
	_ =	strace $0x9FFFFFFF  }
0xc1: {  	(tm) =	ssettm $0x7FFFFFFF  }
tec
execute0_lowered:
.L_overlay_start_1:
0x0: {  	(tag) =	ssettag $0x1  }
0x1: {  	s0 =	rddreg [dreg:$0x0];
	s1 =	simm.s32 $0x0  }
0x2: {  	s4 =	srdreg.scid;
	s10 =	stileid.u32;
	s28 =	simm.s32 $0x1  }
0x3: {  	s30 =	simm.s32 $0x3580;
	s31 =	simm.s32 $0x0;
	[smem:$0x7FF] =	sst s1  }
0x4: {  	s2 =	sadd.s32 $0x1C00, s0;
	s3 =	sadd.s32 $0x138400, s0;
	s5 =	sadd.s32 $0x45400, s0  }
0x5: {  	s4 =	sand.u32 $0x1, s4;
	s6 =	sshll.u32 s10, $0x1;
	s18 =	sadd.s32 $0x44400, s0  }
0x6: {  	s0 =	sadd.s32 $0x24400, s0;
	s16 =	sshrl.u32 s10, $0x1;
	_ =	strace $0x80000047  }
0x7: {  	s7 =	ssub.s32 $0x2, s4;
	s4 =	sor.u32 s4, s6;
	s29 =	smul.u32 $0x2280, s16  }
0x8: {  	s15 =	sshrl.u32 s7, $0x1;
	s8 =	smul.u32 $0x1140, s4;
	s9 =	sshll.u32 s4, $0x2  }
0x9: {  	s21 =	sshll.u32 s4, $0x7;
	s22 =	sshll.u32 s4, $0xC;
	s4 =	sshllo.u32 s4, $0x2  }
0xa: {  	s20 =	ssub.s32 s7, s15;
	s19 =	sor.u32 $0x1, s9;
	s11 =	sadd.s32 s5, s21  }
0xb: {  	s6 =	sadd.s32 s18, s21;
	s7 =	sadd.s32 s0, s22;
	s15 =	sor.u32 $0x2, s9  }
0xc: {  	s16 =	smul.u32 $0x450, s4;
	s25 =	sshll.u32 s4, $0x5;
	s26 =	sshll.u32 s4, $0xA  }
0xd: {  	s21 =	simm.s32 $0x2;
	s22 =	simm.s32 $0x2280;
	v0 =	vmov s29;
	s29 =	simm.s32 $0x2500  }
0xe: {  	s17 =	sadd.s32 s2, s8;
	s23 =	smul.u32 $0x450, s19;
	[dreg:$0x3] =	wrdreg s11  }
0xf: {  	[dreg:$0x4] =	wrdreg s6;
	s24 =	sshll.u32 s19, $0x5;
	s12 =	sshll.u32 s19, $0xA  }
0x10: {  	s13 =	smul.u32 $0x450, s15;
	s14 =	sshll.u32 s15, $0x5;
	s15 =	sshll.u32 s15, $0xA  }
0x11: {  	s19 =	sadd.s32 s0, s26;
	s20 =	smax.u32 s20, $0x1;
	s26 =	simm.s32 $0x2580  }
0x12: {  	[dreg:$0x2] =	wrdreg s17;
	s9 =	sadd.s32 s5, s24;
	s10 =	sadd.s32 s18, s24  }
0x13: {  	s11 =	sadd.s32 s0, s12;
	s15 =	sadd.s32 s0, s15;
	s16 =	sadd.s32 s2, s16  }
0x14: {  	s17 =	sadd.s32 s5, s25;
	s24 =	simm.s32 $0x80;
	s8 =	sadd.s32 s2, s23  }
0x15: {  	s12 =	sadd.s32 s2, s13;
	s13 =	sadd.s32 s5, s14;
	s14 =	sadd.s32 s18, s14  }
0x16: {  	v1 =	vimm.s32 $0x0;
	v2 =	vlaneseq.u32;
	s18 =	sadd.s32 s18, s25;
	s23 =	simm.s32 $0x2380;
	s25 =	simm.s32 $0x2480  }
.LBB2_1:
0x17: {  	s0 =	rddreg [dreg:$0x2]  }
0x18: {  	[tilespmem:s1], [sflag:$0x2] =	stream.linear.gather [hbm4b:s0+s1], $0x2280, $0x38;
	[tilespmem:$0x4580] =	vst v63  }
0x19: {  	_ =	swait.ge [sflag:s21], $0x2280  }
0x1a: {  	[sflag:s21] =	ssyncset.done $0x0  }
0x1b: {  	[sflag:s21] =	ssyncadd.s32 $0xFFFFDD80  }
0x1c: {  	v3 =	vld [tilespmem:s1+$0x0];
	_ =	sdelay $0x4  }
0x1d: {  	vm0 =	vge.f32 v3, $0.0e+00  }
0x1e: {  	v4 =	vsel vm0, $0x1, v1  }
0x1f: {  	(xrf0) =	vadd.scan.msk.s32 $0xffff, v4;
	_ =	sdelay $0x5  }
0x20: {  	s6 =	simm.s32 $0xFFFFFFFF;
	v4, _, _ =	vpop (xrf0)  }
0x21: {  	v5 =	vadd.s32 s6, v4;
	(v2sf) =	vpush v4, $0xF;
	_ =	sdelay $0x4  }
0x22: {  	[tilespmem:v5+s22+$0x0] =	vst.idx.msk vm0, v3;
	v3 =	vor.u32 s1, v2  }
0x23: {  	s0 =	simm.s32 $0x10;
	[tilespmem:v5+s23+$0x0] =	vst.idx.msk vm0, v3  }
0x24: {  	s4 =	simm.s32 $0x20;
	s2 =	simm.s32 $0x0;
	s5 =	simm.s32 $0x10;
	v3 =	vld [tilespmem:s0+$0x0]  }
.LBB2_2:
0x25: {  	p0 =	sne.s32 s4, $0x2270;
	_ =	sdelay $0x3  }
0x26: {  	vm0 =	vge.f32 v3, $0.0e+00  }
0x27: {  	v4 =	vsel vm0, $0x1, v1  }
0x28: {  	(xrf0) =	vadd.scan.msk.s32 $0xffff, v4  }
0x29: {  	s6 =	spop (v2sf)  }
0x2a: {  	s2 =	sadd.s32 s2, s6  }
0x2b: {  	s6 =	sadd.s32 $0xFFFFFFFF, s2;
	_ =	sdelay $0x2  }
0x2c: {  	v4, _, _ =	vpop (xrf0)  }
0x2d: {  	v5 =	vadd.s32 s6, v4;
	(v2sf) =	vpush v4, $0xF;
	_ =	sdelay $0x2  }
.Ltmp0:
0x2e: {  	(pc) =	sbr.rel @p0 .LBB2_2-.Ltmp0, $4  }
0x2f: {  	_ = 	snop  }
0x30: {  	[tilespmem:v5+s22+$0x0] =	vst.idx.msk vm0, v3;
	v3 =	vor.u32 s0, v2;
	s0 =	smov.u32 s4  }
0x31: {  	s5 =	sadd.s32 $0x10, s5;
	[tilespmem:v5+s23+$0x0] =	vst.idx.msk vm0, v3  }
0x32: {  	s4 =	sadd.s32 $0x10, s4;
	v3 =	vld [tilespmem:s5+$0x0]  }
0x33: {  	_ =	sdelay $0x3  }
0x34: {  	vm0 =	vge.f32 v3, $0.0e+00  }
0x35: {  	v4 =	vsel vm0, $0x1, v1  }
0x36: {  	(xrf0) =	vadd.scan.msk.s32 $0xffff, v4;
	_ =	sdelay $0x3  }
0x37: {  	s4 =	spop (v2sf)  }
0x38: {  	s2 =	sadd.s32 s2, s4  }
0x39: {  	s2 =	sadd.s32 $0xFFFFFFFF, s2;
	v4, _, _ =	vpop (xrf0)  }
0x3a: {  	v5 =	vadd.s32 s2, v4;
	_ =	sdelay $0x4  }
0x3b: {  	[tilespmem:v5+s22+$0x0] =	vst.idx.msk vm0, v3;
	v3 =	vor.u32 s0, v2  }
0x3c: {  	[tilespmem:v5+s23+$0x0] =	vst.idx.msk vm0, v3  }
0x3d: {  	v3 =	vld [tilespmem:$0x2380]  }
0x3e: {  	v5 =	vld [tilespmem:$0x2390]  }
0x3f: {  	v6 =	vld [tilespmem:$0x23A0]  }
0x40: {  	v7 =	vld [tilespmem:$0x23B0]  }
0x41: {  	v8 =	vld [tilespmem:$0x23C0]  }
0x42: {  	v9 =	vld [tilespmem:$0x23D0];
	v3 =	vadd.s32 v0, v3  }
0x43: {  	(v2sf) =	vpush v4, $0xF;
	v4 =	vld [tilespmem:$0x23E0];
	[tilespmem:$0x2480] =	vst v3;
	v3 =	vadd.s32 v0, v5  }
0x44: {  	v5 =	vld [tilespmem:$0x23F0];
	[tilespmem:$0x2490] =	vst v3;
	v3 =	vadd.s32 v0, v6  }
0x45: {  	v58 =	vld [tilespmem:$0x2400];
	[tilespmem:$0x24A0] =	vst v3;
	v3 =	vadd.s32 v0, v7  }
0x46: {  	v59 =	vld [tilespmem:$0x2410];
	[tilespmem:$0x24B0] =	vst v3;
	v3 =	vadd.s32 v0, v8  }
0x47: {  	v60 =	vld [tilespmem:$0x2420];
	[tilespmem:$0x24C0] =	vst v3;
	v3 =	vadd.s32 v0, v9  }
0x48: {  	[tilespmem:$0x24D0] =	vst v3;
	v3 =	vadd.s32 v0, v4;
	v4 =	vld [tilespmem:$0x2430]  }
0x49: {  	[tilespmem:$0x24E0] =	vst v3;
	v3 =	vadd.s32 v0, v5;
	v5 =	vld [tilespmem:$0x2440]  }
0x4a: {  	v61 =	vld [tilespmem:$0x2450];
	[tilespmem:$0x24F0] =	vst v3;
	v3 =	vadd.s32 v0, v58  }
0x4b: {  	v62 =	vld [tilespmem:$0x2460];
	[tilespmem:$0x2500] =	vst v3;
	v3 =	vadd.s32 v0, v59  }
0x4c: {  	v63 =	vld [tilespmem:$0x2470];
	[tilespmem:$0x2510] =	vst v3;
	v3 =	vadd.s32 v0, v60  }
0x4d: {  	[tilespmem:$0x2520] =	vst v3;
	v3 =	vadd.s32 v0, v4  }
0x4e: {  	[tilespmem:$0x2530] =	vst v3;
	v3 =	vadd.s32 v0, v5  }
0x4f: {  	[tilespmem:$0x2540] =	vst v3;
	v3 =	vadd.s32 v0, v61  }
0x50: {  	[tilespmem:$0x2550] =	vst v3;
	v3 =	vadd.s32 v0, v62  }
0x51: {  	[tilespmem:$0x2560] =	vst v3;
	v3 =	vadd.s32 v0, v63  }
0x52: {  	s2 =	spop (v2sf);
	[tilespmem:$0x2570] =	vst v3  }
0x53: {  	[tilespmem:s26], [sflag:$0x1] =	stream.indirect.gather [hbm4b:s3+s24], $0x20, s25, s24, $0xb8;
	[tilespmem:$0x4580] =	vst v63  }
0x54: {  	_ =	swait.ge [sflag:s28], $0x1000  }
0x55: {  	[sflag:s28] =	ssyncset.done $0x0  }
0x56: {  	[sflag:s28] =	ssyncadd.s32 $0xFFFFF000  }
0x57: {  	[tilespmem:s30], [sflag:$0x1] =	stream.indirect.gather [hbm4b:s3+s24], $0x20, s29, s24, $0xb8;
	[tilespmem:$0x4580] =	vst v63  }
0x58: {  	_ =	swait.ge [sflag:s28], $0x1000  }
0x59: {  	[sflag:s28] =	ssyncset.done $0x0  }
0x5a: {  	s0 =	simm.s32 $0x0;
	s4 =	rddreg [dreg:$0x3];
	[sflag:s28] =	ssyncadd.s32 $0xFFFFF000  }
0x5b: {  	[hbm4b:s4+s0] =	stream.linear.scatter [tilespmem:s22], [sflag:$0x2], $0x100, $0x38;
	[tilespmem:$0x4580] =	vst v63  }
0x5c: {  	_ =	swait.ge [sflag:s21], $0x100  }
0x5d: {  	[sflag:s21] =	ssyncset.done $0x0  }
0x5e: {  	s5 =	rddreg [dreg:$0x4];
	[sflag:s21] =	ssyncadd.s32 $0xFFFFFF00  }
0x5f: {  	[hbm4b:s5+s0] =	stream.linear.scatter [tilespmem:s23], [sflag:$0x2], $0x100, $0x38;
	[tilespmem:$0x4580] =	vst v63  }
0x60: {  	_ =	swait.ge [sflag:s21], $0x100  }
0x61: {  	[sflag:s21] =	ssyncset.done $0x0  }
0x62: {  	[sflag:s21] =	ssyncadd.s32 $0xFFFFFF00  }
0x63: {  	[hbm4b:s7+s0] =	stream.linear.scatter [tilespmem:s26], [sflag:$0x2], $0x2000, $0x38;
	[tilespmem:$0x4580] =	vst v63  }
0x64: {  	_ =	swait.ge [sflag:s21], $0x2000  }
0x65: {  	[sflag:s21] =	ssyncset.done $0x0  }
0x66: {  	[sflag:s21] =	ssyncadd.s32 $0xFFFFE000  }
0x67: {  	[tilespmem:s0], [sflag:$0x2] =	stream.linear.gather [hbm4b:s8+s0], $0x2280, $0x38;
	[tilespmem:$0x4580] =	vst v63  }
0x68: {  	_ =	swait.ge [sflag:s21], $0x2280  }
0x69: {  	[sflag:s21] =	ssyncset.done $0x0  }
0x6a: {  	[sflag:s21] =	ssyncadd.s32 $0xFFFFDD80  }
0x6b: {  	v3 =	vld [tilespmem:s0+$0x0];
	_ =	sdelay $0x4  }
0x6c: {  	vm15 =	vge.f32 v3, $0.0e+00  }
0x6d: {  	v4 =	vsel vm15, $0x1, v1  }
0x6e: {  	(xrf0) =	vadd.scan.msk.s32 $0xffff, v4;
	_ =	sdelay $0x5  }
0x6f: {  	s6 =	simm.s32 $0xFFFFFFFF;
	v4, _, _ =	vpop (xrf0)  }
0x70: {  	v5 =	vadd.s32 s6, v4;
	(v2sf) =	vpush v4, $0xF;
	_ =	sdelay $0x4  }
0x71: {  	[tilespmem:v5+s22+$0x0] =	vst.idx.msk vm15, v3;
	v3 =	vor.u32 s0, v2  }
0x72: {  	s2 =	simm.s32 $0x10;
	[tilespmem:v5+s23+$0x0] =	vst.idx.msk vm15, v3  }
0x73: {  	s4 =	simm.s32 $0x20;
	s5 =	simm.s32 $0x10;
	v3 =	vld [tilespmem:s2+$0x0]  }
.LBB2_4:
0x74: {  	p0 =	sne.s32 s4, $0x2270;
	_ =	sdelay $0x3  }
0x75: {  	vm0 =	vge.f32 v3, $0.0e+00  }
0x76: {  	v4 =	vsel vm0, $0x1, v1  }
0x77: {  	(xrf0) =	vadd.scan.msk.s32 $0xffff, v4  }
0x78: {  	s6 =	spop (v2sf)  }
0x79: {  	s0 =	sadd.s32 s0, s6  }
0x7a: {  	s6 =	sadd.s32 $0xFFFFFFFF, s0;
	_ =	sdelay $0x2  }
0x7b: {  	v4, _, _ =	vpop (xrf0)  }
0x7c: {  	v5 =	vadd.s32 s6, v4;
	(v2sf) =	vpush v4, $0xF;
	_ =	sdelay $0x2  }
.Ltmp1:
0x7d: {  	(pc) =	sbr.rel @p0 .LBB2_4-.Ltmp1, $4  }
0x7e: {  	_ = 	snop  }
0x7f: {  	[tilespmem:v5+s22+$0x0] =	vst.idx.msk vm0, v3;
	v3 =	vor.u32 s2, v2;
	s2 =	smov.u32 s4  }
0x80: {  	s5 =	sadd.s32 $0x10, s5;
	[tilespmem:v5+s23+$0x0] =	vst.idx.msk vm0, v3  }
0x81: {  	s4 =	sadd.s32 $0x10, s4;
	v3 =	vld [tilespmem:s5+$0x0]  }
0x82: {  	_ =	sdelay $0x3  }
0x83: {  	vm0 =	vge.f32 v3, $0.0e+00  }
0x84: {  	v4 =	vsel vm0, $0x1, v1  }
0x85: {  	(xrf0) =	vadd.scan.msk.s32 $0xffff, v4;
	_ =	sdelay $0x3  }
0x86: {  	s4 =	spop (v2sf)  }
0x87: {  	s0 =	sadd.s32 s0, s4  }
0x88: {  	s0 =	sadd.s32 $0xFFFFFFFF, s0;
	v4, _, _ =	vpop (xrf0)  }
0x89: {  	v5 =	vadd.s32 s0, v4;
	_ =	sdelay $0x4  }
0x8a: {  	[tilespmem:v5+s22+$0x0] =	vst.idx.msk vm0, v3;
	v3 =	vor.u32 s2, v2  }
0x8b: {  	[tilespmem:v5+s23+$0x0] =	vst.idx.msk vm0, v3  }
0x8c: {  	v3 =	vld [tilespmem:$0x2380]  }
0x8d: {  	v5 =	vld [tilespmem:$0x2390]  }
0x8e: {  	v6 =	vld [tilespmem:$0x23A0]  }
0x8f: {  	v7 =	vld [tilespmem:$0x23B0]  }
0x90: {  	v8 =	vld [tilespmem:$0x23C0]  }
0x91: {  	v9 =	vld [tilespmem:$0x23D0];
	v3 =	vadd.s32 v0, v3  }
0x92: {  	(v2sf) =	vpush v4, $0xF;
	v4 =	vld [tilespmem:$0x23E0];
	[tilespmem:$0x2480] =	vst v3;
	v3 =	vadd.s32 v0, v5  }
0x93: {  	v5 =	vld [tilespmem:$0x23F0];
	[tilespmem:$0x2490] =	vst v3;
	v3 =	vadd.s32 v0, v6  }
0x94: {  	v58 =	vld [tilespmem:$0x2400];
	[tilespmem:$0x24A0] =	vst v3;
	v3 =	vadd.s32 v0, v7  }
0x95: {  	v59 =	vld [tilespmem:$0x2410];
	[tilespmem:$0x24B0] =	vst v3;
	v3 =	vadd.s32 v0, v8  }
0x96: {  	v60 =	vld [tilespmem:$0x2420];
	[tilespmem:$0x24C0] =	vst v3;
	v3 =	vadd.s32 v0, v9  }
0x97: {  	[tilespmem:$0x24D0] =	vst v3;
	v3 =	vadd.s32 v0, v4;
	v4 =	vld [tilespmem:$0x2430]  }
0x98: {  	[tilespmem:$0x24E0] =	vst v3;
	v3 =	vadd.s32 v0, v5;
	v5 =	vld [tilespmem:$0x2440]  }
0x99: {  	v61 =	vld [tilespmem:$0x2450];
	[tilespmem:$0x24F0] =	vst v3;
	v3 =	vadd.s32 v0, v58  }
0x9a: {  	v62 =	vld [tilespmem:$0x2460];
	[tilespmem:$0x2500] =	vst v3;
	v3 =	vadd.s32 v0, v59  }
0x9b: {  	v63 =	vld [tilespmem:$0x2470];
	[tilespmem:$0x2510] =	vst v3;
	v3 =	vadd.s32 v0, v60  }
0x9c: {  	[tilespmem:$0x2520] =	vst v3;
	v3 =	vadd.s32 v0, v4  }
0x9d: {  	[tilespmem:$0x2530] =	vst v3;
	v3 =	vadd.s32 v0, v5  }
0x9e: {  	[tilespmem:$0x2540] =	vst v3;
	v3 =	vadd.s32 v0, v61  }
0x9f: {  	[tilespmem:$0x2550] =	vst v3;
	v3 =	vadd.s32 v0, v62  }
0xa0: {  	[tilespmem:$0x2560] =	vst v3;
	v3 =	vadd.s32 v0, v63  }
0xa1: {  	s5 =	spop (v2sf);
	[tilespmem:$0x2570] =	vst v3  }
0xa2: {  	[tilespmem:s26], [sflag:$0x1] =	stream.indirect.gather [hbm4b:s3+s24], $0x20, s25, s24, $0xb8;
	[tilespmem:$0x4580] =	vst v63  }
0xa3: {  	_ =	swait.ge [sflag:s28], $0x1000  }
0xa4: {  	[sflag:s28] =	ssyncset.done $0x0  }
0xa5: {  	[sflag:s28] =	ssyncadd.s32 $0xFFFFF000  }
0xa6: {  	[tilespmem:s30], [sflag:$0x1] =	stream.indirect.gather [hbm4b:s3+s24], $0x20, s29, s24, $0xb8;
	[tilespmem:$0x4580] =	vst v63  }
0xa7: {  	_ =	swait.ge [sflag:s28], $0x1000  }
0xa8: {  	[sflag:s28] =	ssyncset.done $0x0  }
0xa9: {  	s0 =	simm.s32 $0x0;
	[sflag:s28] =	ssyncadd.s32 $0xFFFFF000  }
0xaa: {  	[hbm4b:s9+s0] =	stream.linear.scatter [tilespmem:s22], [sflag:$0x2], $0x100, $0x38;
	[tilespmem:$0x4580] =	vst v63  }
0xab: {  	_ =	swait.ge [sflag:s21], $0x100  }
0xac: {  	[sflag:s21] =	ssyncset.done $0x0  }
0xad: {  	[sflag:s21] =	ssyncadd.s32 $0xFFFFFF00  }
0xae: {  	[hbm4b:s10+s0] =	stream.linear.scatter [tilespmem:s23], [sflag:$0x2], $0x100, $0x38;
	[tilespmem:$0x4580] =	vst v63  }
0xaf: {  	_ =	swait.ge [sflag:s21], $0x100  }
0xb0: {  	[sflag:s21] =	ssyncset.done $0x0  }
0xb1: {  	[sflag:s21] =	ssyncadd.s32 $0xFFFFFF00  }
0xb2: {  	[hbm4b:s11+s0] =	stream.linear.scatter [tilespmem:s26], [sflag:$0x2], $0x2000, $0x38;
	[tilespmem:$0x4580] =	vst v63  }
0xb3: {  	_ =	swait.ge [sflag:s21], $0x2000  }
0xb4: {  	[sflag:s21] =	ssyncset.done $0x0  }
0xb5: {  	[sflag:s21] =	ssyncadd.s32 $0xFFFFE000  }
0xb6: {  	[tilespmem:s0], [sflag:$0x2] =	stream.linear.gather [hbm4b:s12+s0], $0x2280, $0x38;
	[tilespmem:$0x4580] =	vst v63  }
0xb7: {  	_ =	swait.ge [sflag:s21], $0x2280  }
0xb8: {  	[sflag:s21] =	ssyncset.done $0x0  }
0xb9: {  	[sflag:s21] =	ssyncadd.s32 $0xFFFFDD80  }
0xba: {  	v3 =	vld [tilespmem:s0+$0x0];
	_ =	sdelay $0x4  }
0xbb: {  	vm15 =	vge.f32 v3, $0.0e+00  }
0xbc: {  	v4 =	vsel vm15, $0x1, v1  }
0xbd: {  	(xrf0) =	vadd.scan.msk.s32 $0xffff, v4;
	_ =	sdelay $0x5  }
0xbe: {  	s6 =	simm.s32 $0xFFFFFFFF;
	v4, _, _ =	vpop (xrf0)  }
0xbf: {  	v5 =	vadd.s32 s6, v4;
	(v2sf) =	vpush v4, $0xF;
	_ =	sdelay $0x4  }
0xc0: {  	[tilespmem:v5+s22+$0x0] =	vst.idx.msk vm15, v3;
	v3 =	vor.u32 s0, v2  }
0xc1: {  	s2 =	simm.s32 $0x10;
	[tilespmem:v5+s23+$0x0] =	vst.idx.msk vm15, v3  }
0xc2: {  	s4 =	simm.s32 $0x20;
	s5 =	simm.s32 $0x10;
	v3 =	vld [tilespmem:s2+$0x0]  }
.LBB2_6:
0xc3: {  	p0 =	sne.s32 s4, $0x2270;
	_ =	sdelay $0x3  }
0xc4: {  	vm0 =	vge.f32 v3, $0.0e+00  }
0xc5: {  	v4 =	vsel vm0, $0x1, v1  }
0xc6: {  	(xrf0) =	vadd.scan.msk.s32 $0xffff, v4  }
0xc7: {  	s6 =	spop (v2sf)  }
0xc8: {  	s0 =	sadd.s32 s0, s6  }
0xc9: {  	s6 =	sadd.s32 $0xFFFFFFFF, s0;
	_ =	sdelay $0x2  }
0xca: {  	v4, _, _ =	vpop (xrf0)  }
0xcb: {  	v5 =	vadd.s32 s6, v4;
	(v2sf) =	vpush v4, $0xF;
	_ =	sdelay $0x2  }
.Ltmp2:
0xcc: {  	(pc) =	sbr.rel @p0 .LBB2_6-.Ltmp2, $4  }
0xcd: {  	_ = 	snop  }
0xce: {  	[tilespmem:v5+s22+$0x0] =	vst.idx.msk vm0, v3;
	v3 =	vor.u32 s2, v2;
	s2 =	smov.u32 s4  }
0xcf: {  	s5 =	sadd.s32 $0x10, s5;
	[tilespmem:v5+s23+$0x0] =	vst.idx.msk vm0, v3  }
0xd0: {  	s4 =	sadd.s32 $0x10, s4;
	v3 =	vld [tilespmem:s5+$0x0]  }
0xd1: {  	_ =	sdelay $0x3  }
0xd2: {  	vm0 =	vge.f32 v3, $0.0e+00  }
0xd3: {  	v4 =	vsel vm0, $0x1, v1  }
0xd4: {  	(xrf0) =	vadd.scan.msk.s32 $0xffff, v4;
	_ =	sdelay $0x3  }
0xd5: {  	s4 =	spop (v2sf)  }
0xd6: {  	s0 =	sadd.s32 s0, s4  }
0xd7: {  	s0 =	sadd.s32 $0xFFFFFFFF, s0;
	v4, _, _ =	vpop (xrf0)  }
0xd8: {  	v5 =	vadd.s32 s0, v4;
	_ =	sdelay $0x4  }
0xd9: {  	[tilespmem:v5+s22+$0x0] =	vst.idx.msk vm0, v3;
	v3 =	vor.u32 s2, v2  }
0xda: {  	[tilespmem:v5+s23+$0x0] =	vst.idx.msk vm0, v3  }
0xdb: {  	v3 =	vld [tilespmem:$0x2380]  }
0xdc: {  	v5 =	vld [tilespmem:$0x2390]  }
0xdd: {  	v6 =	vld [tilespmem:$0x23A0]  }
0xde: {  	v7 =	vld [tilespmem:$0x23B0]  }
0xdf: {  	v8 =	vld [tilespmem:$0x23C0]  }
0xe0: {  	v9 =	vld [tilespmem:$0x23D0];
	v3 =	vadd.s32 v0, v3  }
0xe1: {  	(v2sf) =	vpush v4, $0xF;
	v4 =	vld [tilespmem:$0x23E0];
	[tilespmem:$0x2480] =	vst v3;
	v3 =	vadd.s32 v0, v5  }
0xe2: {  	v5 =	vld [tilespmem:$0x23F0];
	[tilespmem:$0x2490] =	vst v3;
	v3 =	vadd.s32 v0, v6  }
0xe3: {  	v58 =	vld [tilespmem:$0x2400];
	[tilespmem:$0x24A0] =	vst v3;
	v3 =	vadd.s32 v0, v7  }
0xe4: {  	v59 =	vld [tilespmem:$0x2410];
	[tilespmem:$0x24B0] =	vst v3;
	v3 =	vadd.s32 v0, v8  }
0xe5: {  	v60 =	vld [tilespmem:$0x2420];
	[tilespmem:$0x24C0] =	vst v3;
	v3 =	vadd.s32 v0, v9  }
0xe6: {  	[tilespmem:$0x24D0] =	vst v3;
	v3 =	vadd.s32 v0, v4;
	v4 =	vld [tilespmem:$0x2430]  }
0xe7: {  	[tilespmem:$0x24E0] =	vst v3;
	v3 =	vadd.s32 v0, v5;
	v5 =	vld [tilespmem:$0x2440]  }
0xe8: {  	v61 =	vld [tilespmem:$0x2450];
	[tilespmem:$0x24F0] =	vst v3;
	v3 =	vadd.s32 v0, v58  }
0xe9: {  	v62 =	vld [tilespmem:$0x2460];
	[tilespmem:$0x2500] =	vst v3;
	v3 =	vadd.s32 v0, v59  }
0xea: {  	v63 =	vld [tilespmem:$0x2470];
	[tilespmem:$0x2510] =	vst v3;
	v3 =	vadd.s32 v0, v60  }
0xeb: {  	[tilespmem:$0x2520] =	vst v3;
	v3 =	vadd.s32 v0, v4  }
0xec: {  	[tilespmem:$0x2530] =	vst v3;
	v3 =	vadd.s32 v0, v5  }
0xed: {  	[tilespmem:$0x2540] =	vst v3;
	v3 =	vadd.s32 v0, v61  }
0xee: {  	[tilespmem:$0x2550] =	vst v3;
	v3 =	vadd.s32 v0, v62  }
0xef: {  	[tilespmem:$0x2560] =	vst v3;
	v3 =	vadd.s32 v0, v63  }
0xf0: {  	s5 =	spop (v2sf);
	[tilespmem:$0x2570] =	vst v3  }
0xf1: {  	[tilespmem:s26], [sflag:$0x1] =	stream.indirect.gather [hbm4b:s3+s24], $0x20, s25, s24, $0xb8;
	[tilespmem:$0x4580] =	vst v63  }
0xf2: {  	_ =	swait.ge [sflag:s28], $0x1000  }
0xf3: {  	[sflag:s28] =	ssyncset.done $0x0  }
0xf4: {  	[sflag:s28] =	ssyncadd.s32 $0xFFFFF000  }
0xf5: {  	[tilespmem:s30], [sflag:$0x1] =	stream.indirect.gather [hbm4b:s3+s24], $0x20, s29, s24, $0xb8;
	[tilespmem:$0x4580] =	vst v63  }
0xf6: {  	_ =	swait.ge [sflag:s28], $0x1000  }
0xf7: {  	[sflag:s28] =	ssyncset.done $0x0  }
0xf8: {  	s0 =	simm.s32 $0x0;
	[sflag:s28] =	ssyncadd.s32 $0xFFFFF000  }
0xf9: {  	[hbm4b:s13+s0] =	stream.linear.scatter [tilespmem:s22], [sflag:$0x2], $0x100, $0x38;
	[tilespmem:$0x4580] =	vst v63  }
0xfa: {  	_ =	swait.ge [sflag:s21], $0x100  }
0xfb: {  	[sflag:s21] =	ssyncset.done $0x0  }
0xfc: {  	[sflag:s21] =	ssyncadd.s32 $0xFFFFFF00  }
0xfd: {  	[hbm4b:s14+s0] =	stream.linear.scatter [tilespmem:s23], [sflag:$0x2], $0x100, $0x38;
	[tilespmem:$0x4580] =	vst v63  }
0xfe: {  	_ =	swait.ge [sflag:s21], $0x100  }
0xff: {  	[sflag:s21] =	ssyncset.done $0x0  }
0x100: {  	[sflag:s21] =	ssyncadd.s32 $0xFFFFFF00  }
0x101: {  	[hbm4b:s15+s0] =	stream.linear.scatter [tilespmem:s26], [sflag:$0x2], $0x2000, $0x38;
	[tilespmem:$0x4580] =	vst v63  }
0x102: {  	_ =	swait.ge [sflag:s21], $0x2000  }
0x103: {  	[sflag:s21] =	ssyncset.done $0x0  }
0x104: {  	[sflag:s21] =	ssyncadd.s32 $0xFFFFE000  }
0x105: {  	[tilespmem:s0], [sflag:$0x2] =	stream.linear.gather [hbm4b:s16+s0], $0x2280, $0x38;
	[tilespmem:$0x4580] =	vst v63  }
0x106: {  	_ =	swait.ge [sflag:s21], $0x2280  }
0x107: {  	[sflag:s21] =	ssyncset.done $0x0  }
0x108: {  	[sflag:s21] =	ssyncadd.s32 $0xFFFFDD80  }
0x109: {  	v3 =	vld [tilespmem:s0+$0x0];
	_ =	sdelay $0x4  }
0x10a: {  	vm15 =	vge.f32 v3, $0.0e+00  }
0x10b: {  	v4 =	vsel vm15, $0x1, v1  }
0x10c: {  	(xrf0) =	vadd.scan.msk.s32 $0xffff, v4;
	_ =	sdelay $0x5  }
0x10d: {  	s6 =	simm.s32 $0xFFFFFFFF;
	v4, _, _ =	vpop (xrf0)  }
0x10e: {  	v5 =	vadd.s32 s6, v4;
	(v2sf) =	vpush v4, $0xF;
	_ =	sdelay $0x4  }
0x10f: {  	[tilespmem:v5+s22+$0x0] =	vst.idx.msk vm15, v3;
	v3 =	vor.u32 s0, v2  }
0x110: {  	s2 =	simm.s32 $0x10;
	[tilespmem:v5+s23+$0x0] =	vst.idx.msk vm15, v3  }
0x111: {  	s4 =	simm.s32 $0x20;
	s5 =	simm.s32 $0x10;
	v3 =	vld [tilespmem:s2+$0x0]  }
.LBB2_8:
0x112: {  	p0 =	sne.s32 s4, $0x2270;
	_ =	sdelay $0x3  }
0x113: {  	vm0 =	vge.f32 v3, $0.0e+00  }
0x114: {  	v4 =	vsel vm0, $0x1, v1  }
0x115: {  	(xrf0) =	vadd.scan.msk.s32 $0xffff, v4  }
0x116: {  	s6 =	spop (v2sf)  }
0x117: {  	s0 =	sadd.s32 s0, s6  }
0x118: {  	s6 =	sadd.s32 $0xFFFFFFFF, s0;
	_ =	sdelay $0x2  }
0x119: {  	v4, _, _ =	vpop (xrf0)  }
0x11a: {  	v5 =	vadd.s32 s6, v4;
	(v2sf) =	vpush v4, $0xF;
	_ =	sdelay $0x2  }
.Ltmp3:
0x11b: {  	(pc) =	sbr.rel @p0 .LBB2_8-.Ltmp3, $4  }
0x11c: {  	_ = 	snop  }
0x11d: {  	[tilespmem:v5+s22+$0x0] =	vst.idx.msk vm0, v3;
	v3 =	vor.u32 s2, v2;
	s2 =	smov.u32 s4  }
0x11e: {  	s5 =	sadd.s32 $0x10, s5;
	[tilespmem:v5+s23+$0x0] =	vst.idx.msk vm0, v3  }
0x11f: {  	s4 =	sadd.s32 $0x10, s4;
	v3 =	vld [tilespmem:s5+$0x0]  }
0x120: {  	_ =	sdelay $0x3  }
0x121: {  	vm0 =	vge.f32 v3, $0.0e+00  }
0x122: {  	v4 =	vsel vm0, $0x1, v1  }
0x123: {  	(xrf0) =	vadd.scan.msk.s32 $0xffff, v4;
	_ =	sdelay $0x3  }
0x124: {  	s4 =	spop (v2sf)  }
0x125: {  	s0 =	sadd.s32 s0, s4  }
0x126: {  	s0 =	sadd.s32 $0xFFFFFFFF, s0;
	v4, _, _ =	vpop (xrf0)  }
0x127: {  	v5 =	vadd.s32 s0, v4;
	_ =	sdelay $0x4  }
0x128: {  	[tilespmem:v5+s22+$0x0] =	vst.idx.msk vm0, v3;
	v3 =	vor.u32 s2, v2  }
0x129: {  	[tilespmem:v5+s23+$0x0] =	vst.idx.msk vm0, v3  }
0x12a: {  	v3 =	vld [tilespmem:$0x2380]  }
0x12b: {  	v5 =	vld [tilespmem:$0x2390]  }
0x12c: {  	v6 =	vld [tilespmem:$0x23A0]  }
0x12d: {  	v7 =	vld [tilespmem:$0x23B0]  }
0x12e: {  	v8 =	vld [tilespmem:$0x23C0]  }
0x12f: {  	v9 =	vld [tilespmem:$0x23D0];
	v3 =	vadd.s32 v0, v3  }
0x130: {  	(v2sf) =	vpush v4, $0xF;
	v54 =	vld [tilespmem:$0x23E0];
	[tilespmem:$0x2480] =	vst v3;
	v3 =	vadd.s32 v0, v5  }
0x131: {  	v55 =	vld [tilespmem:$0x23F0];
	[tilespmem:$0x2490] =	vst v3;
	v3 =	vadd.s32 v0, v6  }
0x132: {  	v56 =	vld [tilespmem:$0x2400];
	[tilespmem:$0x24A0] =	vst v3;
	v3 =	vadd.s32 v0, v7  }
0x133: {  	v57 =	vld [tilespmem:$0x2410];
	[tilespmem:$0x24B0] =	vst v3;
	v3 =	vadd.s32 v0, v8  }
0x134: {  	v58 =	vld [tilespmem:$0x2420];
	[tilespmem:$0x24C0] =	vst v3;
	v3 =	vadd.s32 v0, v9  }
0x135: {  	v59 =	vld [tilespmem:$0x2430];
	[tilespmem:$0x24D0] =	vst v3;
	v3 =	vadd.s32 v0, v54  }
0x136: {  	v60 =	vld [tilespmem:$0x2440];
	[tilespmem:$0x24E0] =	vst v3;
	v3 =	vadd.s32 v0, v55  }
0x137: {  	v61 =	vld [tilespmem:$0x2450];
	[tilespmem:$0x24F0] =	vst v3;
	v3 =	vadd.s32 v0, v56  }
0x138: {  	v62 =	vld [tilespmem:$0x2460];
	[tilespmem:$0x2500] =	vst v3;
	v3 =	vadd.s32 v0, v57  }
0x139: {  	v63 =	vld [tilespmem:$0x2470];
	[tilespmem:$0x2510] =	vst v3;
	v3 =	vadd.s32 v0, v58  }
0x13a: {  	[tilespmem:$0x2520] =	vst v3;
	v3 =	vadd.s32 v0, v59  }
0x13b: {  	[tilespmem:$0x2530] =	vst v3;
	v3 =	vadd.s32 v0, v60  }
0x13c: {  	[tilespmem:$0x2540] =	vst v3;
	v3 =	vadd.s32 v0, v61  }
0x13d: {  	[tilespmem:$0x2550] =	vst v3;
	v3 =	vadd.s32 v0, v62  }
0x13e: {  	[tilespmem:$0x2560] =	vst v3;
	v3 =	vadd.s32 v0, v63  }
0x13f: {  	s6 =	spop (v2sf);
	[tilespmem:$0x2570] =	vst v3  }
0x140: {  	[tilespmem:s26], [sflag:$0x1] =	stream.indirect.gather [hbm4b:s3+s24], $0x20, s25, s24, $0xb8;
	[tilespmem:$0x4580] =	vst v63  }
0x141: {  	_ =	swait.ge [sflag:s28], $0x1000  }
0x142: {  	[sflag:s28] =	ssyncset.done $0x0  }
0x143: {  	[sflag:s28] =	ssyncadd.s32 $0xFFFFF000  }
0x144: {  	[tilespmem:s30], [sflag:$0x1] =	stream.indirect.gather [hbm4b:s3+s24], $0x20, s29, s24, $0xb8;
	[tilespmem:$0x4580] =	vst v63  }
0x145: {  	_ =	swait.ge [sflag:s28], $0x1000  }
0x146: {  	[sflag:s28] =	ssyncset.done $0x0  }
0x147: {  	[sflag:s28] =	ssyncadd.s32 $0xFFFFF000  }
0x148: {  	[hbm4b:s17+s1] =	stream.linear.scatter [tilespmem:s22], [sflag:$0x2], $0x100, $0x38;
	[tilespmem:$0x4580] =	vst v63  }
0x149: {  	_ =	swait.ge [sflag:s21], $0x100  }
0x14a: {  	[sflag:s21] =	ssyncset.done $0x0  }
0x14b: {  	[sflag:s21] =	ssyncadd.s32 $0xFFFFFF00  }
0x14c: {  	[hbm4b:s18+s1] =	stream.linear.scatter [tilespmem:s23], [sflag:$0x2], $0x100, $0x38;
	[tilespmem:$0x4580] =	vst v63  }
0x14d: {  	s31 =	sadd.s32 $0x1, s31;
	_ =	swait.ge [sflag:s21], $0x100  }
0x14e: {  	p0 =	sne.s32 s31, s20;
	[sflag:s21] =	ssyncset.done $0x0  }
.Ltmp4:
0x14f: {  	[sflag:s21] =	ssyncadd.s32 $0xFFFFFF00;
	(pc) =	sbr.rel @p0 .LBB2_1-.Ltmp4, $4  }
0x150: {  	[hbm4b:s19+s1] =	stream.linear.scatter [tilespmem:s26], [sflag:$0x2], $0x2000, $0x38;
	[tilespmem:$0x4580] =	vst v63  }
0x151: {  	_ =	swait.ge [sflag:s21], $0x2000  }
0x152: {  	[sflag:s21] =	ssyncset.done $0x0  }
0x153: {  	[sflag:s21] =	ssyncadd.s32 $0xFFFFE000  }
0x154: {  	_ =	sfence.sel $0x180000  }
0x155: {  	[bflag:$0x0] =	sbarrier.arrive $0xFFFF  }
0x156: {  	_ =	strace $0x90000047  }
0x157: {  	s0 =	stileid.u32;
	[bflag:$0x2] =	sbarrier.arrive $0xFFFF  }
0x158: {  	p0 =	sne.s32 s0, $0x0;
	s0 =	rddreg [dreg:$0x1]  }
0x159: {  	s0 =	sadd.s32 @!p0 $0x100000, s0  }
0x15a: {  	[sflag:s0] =	ssyncadd.tile.s32 @!p0 $0x1;
	_ =	shalt  }
.Lfunc_end2:
_tile_overlayer_lowered:
.L_overlay_start_2:
0x15b: {  	(tag) =	ssettag $0x2  }
0x15c: {  	s0 =	rddreg [dreg:$0x0];
	s2 =	stileid.u32  }
0x15d: {  	s1 =	rddreg [dreg:$0x1];
	p0 =	sne.s32 s2, $0x0  }
0x15e: {  	s3 =	rddreg [dreg:$0x2];
	[bflag:$0x3] =	sbarrier.arrive $0xFFFF;
	s2 =	simm.s32 @!p0 $0x1C02  }
0x15f: {  	[timem:s3], [sflag:s2] =	dma.local @!p0 [hbm:s0], s1  }
0x160: {  	s0 =	simm.s32 @!p0 $0x2  }
0x161: {  	_ =	swait.ge @!p0 [sflag:s0], s1  }
0x162: {  	s1 =	ssub.s32 @!p0 $0x0, s1;
	[sflag:s0] =	ssyncset.done @!p0 $0x0  }
0x163: {  	[sflag:s0] =	ssyncadd.s32 @!p0 s1  }
0x164: {  	[bflag:$0x3] =	sbarrier.arrive $0xFFFF  }
0x165: {  	_ =	shalt  }

</sc_bundles>
